<compile_context>
chip_gen: v7x
topology: tpu7x:2x2x1
jax: 0.10.2.dev20260603
libtpu: 0.0.44.dev20260713+nightly
codegen_flags: <defaults>
</compile_context>

<pallas_src>
import jax
import jax.numpy as jnp
import numpy as np
from jax import lax
from jax.experimental import pallas as pl
from jax.experimental.pallas import tpu as pltpu
from jax.experimental.pallas import tpu_sc as plsc

_N = 10000
_E = 320000
_D = 128
_NC = 2
_NS = 16
_NW = _NC * _NS
_NP = 10240
_RPT = _NP // _NS
_EPT_DEG = _E // _NS
_EPT = _E // _NW
_C = 80
_NCHUNK = _EPT // _C
_R = 1024
_G = _NP // _R
_BN = float(1.0 / np.sqrt(1.0 + 1e-5))


def _dinv_body(dst_hbm, dinv_hbm, dstall, degbuf, tmp, stage_sh):
    c = lax.axis_index("c")
    s = lax.axis_index("s")
    zeros = jnp.zeros((16,), jnp.float32)
    ones = jnp.ones((16,), jnp.float32)

    @pl.when(c == 0)
    def _():
        def zero_step(i, carry):
            degbuf[pl.ds(i * 16, 16)] = zeros
            return carry

        lax.fori_loop(0, _NP // 16, zero_step, 0)

        pltpu.sync_copy(dst_hbm.at[pl.ds(s * _EPT_DEG, _EPT_DEG)], dstall)

        def scat_step(i, carry):
            idx = dstall[pl.ds(i * 16, 16)]
            plsc.addupdate_scatter(degbuf, [idx], ones)
            return carry

        lax.fori_loop(0, _EPT_DEG // 16, scat_step, 0)

        pltpu.sync_copy(degbuf, stage_sh.at[pl.ds(s * _NP, _NP)])
        plsc.subcore_barrier()

        for j in range(_NS):
            pltpu.sync_copy(stage_sh.at[pl.ds(j * _NP + s * _RPT, _RPT)],
                            tmp.at[pl.ds(j * _RPT, _RPT)])

        lane = lax.iota(jnp.int32, 16)

        def red_step(k, carry):
            acc = tmp[pl.ds(k * 16, 16)]
            for j in range(1, _NS):
                acc = acc + tmp[pl.ds(j * _RPT + k * 16, 16)]
            x = acc + 1.0
            ibits = lax.bitcast_convert_type(x, jnp.int32)
            ibits = jnp.int32(0x5F3759DF) - (ibits >> 1)
            y = lax.bitcast_convert_type(ibits, jnp.float32)
            for _ in range(3):
                y = y * (1.5 - 0.5 * x * y * y)
            node = s * _RPT + k * 16 + lane
            y = jnp.where(node < _N, y, 0.0)
            tmp[pl.ds(k * 16, 16)] = y
            return carry

        lax.fori_loop(0, _RPT // 16, red_step, 0)
        pltpu.sync_copy(tmp.at[pl.ds(0, _RPT)],
                        dinv_hbm.at[pl.ds(s * _RPT, _RPT)])


_dinv_call = pl.kernel(
    _dinv_body,
    out_type=jax.ShapeDtypeStruct((_NP,), jnp.float32),
    mesh=plsc.VectorSubcoreMesh(
        core_axis_name="c", subcore_axis_name="s", num_cores=_NC,
        num_subcores=_NS),
    scratch_types=[
        pltpu.VMEM((_EPT_DEG,), jnp.int32),
        pltpu.VMEM((_NP,), jnp.float32),
        pltpu.VMEM((_NS * _RPT,), jnp.float32),
        pltpu.VMEM_SHARED((_NS * _NP,), jnp.float32),
    ],
    compiler_params=pltpu.CompilerParams(needs_layout_passes=False),
)


def _agg_body(hp_hbm, src_hbm, dst_hbm, out_hbm,
              srcall, dstall, srcbuf0, dstbuf0, srcbuf1, dstbuf1,
              rows0, rows1, s_sh, gsem0, gsem1):
    c = lax.axis_index("c")
    s = lax.axis_index("s")
    wid = c * _NS + s
    base = wid * _EPT
    zeros = jnp.zeros((16,), jnp.float32)

    def zero_step(i, carry):
        rows0[i // 8, pl.ds((i % 8) * 16, 16)] = zeros
        return carry

    lax.fori_loop(0, _C * 8, zero_step, 0)
    for r in range(_RPT // _C):
        pltpu.sync_copy(rows0, s_sh.at[pl.ds(s * _RPT + r * _C, _C)])
    plsc.subcore_barrier()

    pltpu.sync_copy(src_hbm.at[pl.ds(base, _EPT)], srcall)
    pltpu.sync_copy(dst_hbm.at[pl.ds(base, _EPT)], dstall)

    def fill(k, sbuf, dbuf):
        for j in range(_C // 16):
            sbuf[pl.ds(j * 16, 16)] = srcall[pl.ds(k * _C + j * 16, 16)]
            dbuf[pl.ds(j * 16, 16)] = dstall[pl.ds(k * _C + j * 16, 16)]

    fill(0, srcbuf0, dstbuf0)
    pltpu.async_copy(hp_hbm.at[srcbuf0], rows0, gsem0)

    def pair_step(i, carry):
        k = 2 * i
        fill(k + 1, srcbuf1, dstbuf1)
        pltpu.async_copy(hp_hbm.at[srcbuf1], rows1, gsem1)
        pltpu.make_async_copy(hp_hbm.at[srcbuf0], rows0, gsem0).wait()
        pltpu.sync_copy(rows0, s_sh.at[dstbuf0], add=True)
        fill(k + 2, srcbuf0, dstbuf0)
        pltpu.async_copy(hp_hbm.at[srcbuf0], rows0, gsem0)
        pltpu.make_async_copy(hp_hbm.at[srcbuf1], rows1, gsem1).wait()
        pltpu.sync_copy(rows1, s_sh.at[dstbuf1], add=True)
        return carry

    lax.fori_loop(0, (_NCHUNK - 1) // 2, pair_step, 0)
    pltpu.make_async_copy(hp_hbm.at[srcbuf0], rows0, gsem0).wait()
    pltpu.sync_copy(rows0, s_sh.at[dstbuf0], add=True)
    plsc.subcore_barrier()

    for r in range(_RPT // _C):
        pltpu.sync_copy(s_sh.at[pl.ds(s * _RPT + r * _C, _C)], rows0)
        pltpu.sync_copy(rows0, out_hbm.at[c, pl.ds(s * _RPT + r * _C, _C)])


_agg_call = pl.kernel(
    _agg_body,
    out_type=jax.ShapeDtypeStruct((_NC, _NP, _D), jnp.float32),
    mesh=plsc.VectorSubcoreMesh(
        core_axis_name="c", subcore_axis_name="s", num_cores=_NC,
        num_subcores=_NS),
    scratch_types=[
        pltpu.VMEM((_EPT,), jnp.int32),
        pltpu.VMEM((_EPT,), jnp.int32),
        pltpu.VMEM((_C,), jnp.int32),
        pltpu.VMEM((_C,), jnp.int32),
        pltpu.VMEM((_C,), jnp.int32),
        pltpu.VMEM((_C,), jnp.int32),
        pltpu.VMEM((_C, _D), jnp.float32),
        pltpu.VMEM((_C, _D), jnp.float32),
        pltpu.VMEM_SHARED((_NP, _D), jnp.float32),
        pltpu.SemaphoreType.DMA,
        pltpu.SemaphoreType.DMA,
    ],
    compiler_params=pltpu.CompilerParams(needs_layout_passes=False),
)


def _pre_body(x_ref, w_ref, dv_ref, o_ref):
    h = jnp.dot(x_ref[...], w_ref[...], preferred_element_type=jnp.float32)
    o_ref[...] = dv_ref[...] * h


_pre_call = pl.pallas_call(
    _pre_body,
    grid=(_G,),
    in_specs=[
        pl.BlockSpec((_R, _D), lambda i: (i, 0)),
        pl.BlockSpec((_D, _D), lambda i: (0, 0)),
        pl.BlockSpec((_R, 1), lambda i: (i, 0)),
    ],
    out_specs=pl.BlockSpec((_R, _D), lambda i: (i, 0)),
    out_shape=jax.ShapeDtypeStruct((_NP, _D), jnp.float32),
)


def _mid_body(s_ref, hp_ref, dv_ref, b_ref, g_ref, be_ref, w_ref, o_ref):
    agg = s_ref[0] + s_ref[1] + hp_ref[...]
    a = dv_ref[...] * agg + b_ref[...]
    a = a * (g_ref[...] * _BN) + be_ref[...]
    a = jnp.maximum(a, 0.0)
    o_ref[...] = dv_ref[...] * jnp.dot(
        a, w_ref[...], preferred_element_type=jnp.float32)


_mid_call = pl.pallas_call(
    _mid_body,
    grid=(_G,),
    in_specs=[
        pl.BlockSpec((_NC, _R, _D), lambda i: (0, i, 0)),
        pl.BlockSpec((_R, _D), lambda i: (i, 0)),
        pl.BlockSpec((_R, 1), lambda i: (i, 0)),
        pl.BlockSpec((1, _D), lambda i: (0, 0)),
        pl.BlockSpec((1, _D), lambda i: (0, 0)),
        pl.BlockSpec((1, _D), lambda i: (0, 0)),
        pl.BlockSpec((_D, _D), lambda i: (0, 0)),
    ],
    out_specs=pl.BlockSpec((_R, _D), lambda i: (i, 0)),
    out_shape=jax.ShapeDtypeStruct((_NP, _D), jnp.float32),
)


def _fin_body(s_ref, hp_ref, dv_ref, b_ref, g_ref, be_ref, wp_ref, bp_ref,
              o_ref, acc_ref):
    i = pl.program_id(0)
    agg = s_ref[0] + s_ref[1] + hp_ref[...]
    a = dv_ref[...] * agg + b_ref[...]
    a = a * (g_ref[...] * _BN) + be_ref[...]
    a = jnp.maximum(a, 0.0)
    a = jnp.where(dv_ref[...] > 0.0, a, 0.0)
    part = jnp.sum(a, axis=0, keepdims=True)

    @pl.when(i == 0)
    def _():
        acc_ref[...] = part

    @pl.when(i > 0)
    def _():
        acc_ref[...] = acc_ref[...] + part

    @pl.when(i == pl.num_programs(0) - 1)
    def _():
        o_ref[...] = jnp.dot(
            acc_ref[...] * (1.0 / _N), wp_ref[...],
            preferred_element_type=jnp.float32) + bp_ref[...]


_fin_call = pl.pallas_call(
    _fin_body,
    grid=(_G,),
    in_specs=[
        pl.BlockSpec((_NC, _R, _D), lambda i: (0, i, 0)),
        pl.BlockSpec((_R, _D), lambda i: (i, 0)),
        pl.BlockSpec((_R, 1), lambda i: (i, 0)),
        pl.BlockSpec((1, _D), lambda i: (0, 0)),
        pl.BlockSpec((1, _D), lambda i: (0, 0)),
        pl.BlockSpec((1, _D), lambda i: (0, 0)),
        pl.BlockSpec((_D, _D), lambda i: (0, 0)),
        pl.BlockSpec((1, _D), lambda i: (0, 0)),
    ],
    out_specs=pl.BlockSpec((1, _D), lambda i: (0, 0)),
    out_shape=jax.ShapeDtypeStruct((1, _D), jnp.float32),
    scratch_shapes=[pltpu.VMEM((1, _D), jnp.float32)],
)


def kernel(x, edge_index, W1, b1, g1, be1, W2, b2, g2, be2, W3, b3, g3, be3,
           Wp, bp):
    src = edge_index[0]
    dst = edge_index[1]

    dinv = _dinv_call(dst).reshape(_NP, 1)
    x_pad = jnp.concatenate(
        [x, jnp.zeros((_NP - _N, _D), jnp.float32)], axis=0)

    b1r, g1r, be1r = b1.reshape(1, _D), g1.reshape(1, _D), be1.reshape(1, _D)
    b2r, g2r, be2r = b2.reshape(1, _D), g2.reshape(1, _D), be2.reshape(1, _D)
    b3r, g3r, be3r = b3.reshape(1, _D), g3.reshape(1, _D), be3.reshape(1, _D)
    bpr = bp.reshape(1, _D)

    h1p = _pre_call(x_pad, W1, dinv)
    s1 = _agg_call(h1p, src, dst)
    h2p = _mid_call(s1, h1p, dinv, b1r, g1r, be1r, W2)
    s2 = _agg_call(h2p, src, dst)
    h3p = _mid_call(s2, h2p, dinv, b2r, g2r, be2r, W3)
    s3 = _agg_call(h3p, src, dst)
    out = _fin_call(s3, h3p, dinv, b3r, g3r, be3r, Wp, bpr)
    return out

# --- scband reference (transcript-rebuilt; emitter-appended) ---
"""Pipeline reference for scband-graph-encoder-22273700397650 (READ-ONLY COPY).

The authoritative reference and input builder live on the scoring server;
editing this copy changes nothing except your own understanding.
"""

import jax, jax.numpy as jnp
import numpy as np

N = 10000
E = 320000
D_IN = 128
D_H = 128
D_OUT = 128
EPS = 1e-5


def setup_inputs(seed: int = 0) -> dict:
    key = jax.random.key(seed)
    ks = jax.random.split(key, 24)
    inp = {}
    inp["x"] = jax.random.normal(ks[0], (N, D_IN), dtype=jnp.float32)
    inp["edge_index"] = jax.random.randint(ks[1], (2, E), 0, N, dtype=jnp.int32)
    # GCN layer params (W stored as [in, out]; torch Linear math x @ W.T == x @ W_here)
    inp["W1"] = jax.random.normal(ks[2], (D_IN, D_H), dtype=jnp.float32) * (1.0 / np.sqrt(D_IN))
    inp["b1"] = jnp.zeros((D_H,), dtype=jnp.float32)
    inp["g1"] = jnp.ones((D_H,), dtype=jnp.float32)
    inp["be1"] = jnp.zeros((D_H,), dtype=jnp.float32)
    inp["W2"] = jax.random.normal(ks[3], (D_H, D_H), dtype=jnp.float32) * (1.0 / np.sqrt(D_H))
    inp["b2"] = jnp.zeros((D_H,), dtype=jnp.float32)
    inp["g2"] = jnp.ones((D_H,), dtype=jnp.float32)
    inp["be2"] = jnp.zeros((D_H,), dtype=jnp.float32)
    inp["W3"] = jax.random.normal(ks[4], (D_H, D_H), dtype=jnp.float32) * (1.0 / np.sqrt(D_H))
    inp["b3"] = jnp.zeros((D_H,), dtype=jnp.float32)
    inp["g3"] = jnp.ones((D_H,), dtype=jnp.float32)
    inp["be3"] = jnp.zeros((D_H,), dtype=jnp.float32)
    inp["Wp"] = jax.random.normal(ks[5], (D_H, D_OUT), dtype=jnp.float32) * (1.0 / np.sqrt(D_H))
    inp["bp"] = jnp.zeros((D_OUT,), dtype=jnp.float32)
    return inp


def _gcn_conv(x, edge_index, W, b):
    # GCN: D^{-1/2} (A + I) D^{-1/2} X W + b, with self-loops
    loop = jnp.arange(N, dtype=edge_index.dtype)
    src = jnp.concatenate([edge_index[0], loop])
    dst = jnp.concatenate([edge_index[1], loop])
    deg = jnp.zeros((N,), dtype=jnp.float32).at[dst].add(1.0)
    dinv = jnp.where(deg > 0, 1.0 / jnp.sqrt(deg), 0.0)
    norm = dinv[src] * dinv[dst]
    h = x @ W
    msgs = h[src] * norm[:, None]  # gather (memory-bound)
    out = jax.ops.segment_sum(msgs, dst, num_segments=N)  # scatter-add
    return out + b


def _bn_eval(x, g, be):
    # BatchNorm1d in eval mode with running_mean=0, running_var=1
    return (x - 0.0) / jnp.sqrt(1.0 + EPS) * g + be


def reference(x, edge_index, W1, b1, g1, be1, W2, b2, g2, be2, W3, b3, g3, be3, Wp, bp):
    h = x
    for (W, b, g, be) in ((W1, b1, g1, be1), (W2, b2, g2, be2), (W3, b3, g3, be3)):
        h = _gcn_conv(h, edge_index, W, b)
        h = _bn_eval(h, g, be)
        h = jax.nn.relu(h)
        # dropout p=0.0 -> identity
    # global_mean_pool with batch = zeros -> single graph mean
    pooled = jnp.mean(h, axis=0, keepdims=True)  # [1, D_H]
    out = pooled @ Wp + bp  # projection
    return out

if __name__ == "__main__":
    import jax
    _d = setup_inputs()
    print(jax.jit(kernel)(*tuple(_d.values())))

</pallas_src>

<mosaic_0001>
#map = affine_map<(d0, d1) -> (0, 0)>
#map1 = affine_map<(d0, d1) -> (0)>
#map2 = affine_map<(d0, d1) -> (0, 0, 0)>
module attributes {stable_mosaic.version = 14 : i64} {
  func.func @_agg_body(%arg0: i32, %arg1: i32, %arg2: memref<10240x128xf32, #tpu.memory_space<hbm>>, %arg3: memref<320000xi32, #tpu.memory_space<hbm>>, %arg4: memref<320000xi32, #tpu.memory_space<hbm>>, %arg5: memref<2x10240x128xf32, #tpu.memory_space<hbm>>, %arg6: memref<10000xi32, #tpu.memory_space<vmem>>, %arg7: memref<10000xi32, #tpu.memory_space<vmem>>, %arg8: memref<80xi32, #tpu.memory_space<vmem>>, %arg9: memref<80xi32, #tpu.memory_space<vmem>>, %arg10: memref<80xi32, #tpu.memory_space<vmem>>, %arg11: memref<80xi32, #tpu.memory_space<vmem>>, %arg12: memref<80x128xf32, #tpu.memory_space<vmem>>, %arg13: memref<80x128xf32, #tpu.memory_space<vmem>>, %arg14: memref<10240x128xf32, #tpu.memory_space<vmem_shared>>, %arg15: memref<!tpu.dma_semaphore, #tpu.memory_space<semaphore_mem>>, %arg16: memref<!tpu.dma_semaphore, #tpu.memory_space<semaphore_mem>>) attributes {dimension_semantics = [#tpu.dimension_semantics<core_parallel>, #tpu.dimension_semantics<subcore_parallel>], iteration_bounds = array<i64: 2, 16>, scalar_prefetch = 0 : i64, scratch_operands = 11 : i64, tpu.core_type = #tpu.core_type<sc_vector_subcore>, window_params = [{transform_indices = #map}, {transform_indices = #map1}, {transform_indices = #map1}, {transform_indices = #map2}]} {
    %mul3A = arith.constant 16 : i32
    %mul3A_0 = arith.muli %arg0, %mul3A : i32
    %add3A = arith.addi %mul3A_0, %arg1 : i32
    %mul3A_1 = arith.constant 10000 : i32
    %mul3A_2 = arith.muli %add3A, %mul3A_1 : i32
    %broadcast_in_dim3A = arith.constant 0.000000e+00 : f32
    %broadcast_in_dim3A_3 = vector.broadcast %broadcast_in_dim3A : f32 to vector<16xf32>
    %scan3A = arith.constant 0 : i32
    %scan3A_4 = arith.constant 0 : i32
    %scan3A_5 = arith.constant 640 : i32
    %scan3A_6 = arith.addi %scan3A_4, %scan3A_5 : i32
    %scan3A_7 = arith.constant 1 : i32
    scf.for %scan3A_154 = %scan3A_4 to %scan3A_6 step %scan3A_7  : i32 {
      %jit3A = arith.constant 8 : i32
      %div3A = arith.divsi %scan3A_154, %jit3A : i32
      %sign3A = arith.constant 0 : i32
      %sign3A_155 = arith.cmpi sgt, %scan3A_154, %sign3A : i32
      %sign3A_156 = arith.extui %sign3A_155 : i1 to i32
      %sign3A_157 = arith.constant 0 : i32
      %sign3A_158 = arith.cmpi slt, %scan3A_154, %sign3A_157 : i32
      %sign3A_159 = arith.extui %sign3A_158 : i1 to i32
      %sign3A_160 = arith.subi %sign3A_156, %sign3A_159 : i32
      %sign3A_161 = arith.constant 0 : i32
      %sign3A_162 = arith.cmpi sgt, %jit3A, %sign3A_161 : i32
      %sign3A_163 = arith.extui %sign3A_162 : i1 to i32
      %sign3A_164 = arith.constant 0 : i32
      %sign3A_165 = arith.cmpi slt, %jit3A, %sign3A_164 : i32
      %sign3A_166 = arith.extui %sign3A_165 : i1 to i32
      %sign3A_167 = arith.subi %sign3A_163, %sign3A_166 : i32
      %ne3A = arith.cmpi ne, %sign3A_160, %sign3A_167 : i32
      %rem3A = arith.remsi %scan3A_154, %jit3A : i32
      %ne3A_168 = arith.constant 0 : i32
      %ne3A_169 = arith.cmpi ne, %rem3A, %ne3A_168 : i32
      %and3A = arith.andi %ne3A, %ne3A_169 : i1
      %sub3A = arith.constant 1 : i32
      %sub3A_170 = arith.subi %div3A, %sub3A : i32
      %select_n3A = arith.select %and3A, %sub3A_170, %div3A : i32
      %jit3A_171 = arith.constant 8 : i32
      %eq3A = arith.constant 0 : i32
      %eq3A_172 = arith.cmpi eq, %jit3A_171, %eq3A : i32
      %jit3A_173 = arith.constant 1 : i32
      %select_n3A_174 = arith.select %eq3A_172, %jit3A_173, %jit3A_171 : i32
      %rem3A_175 = arith.remsi %scan3A_154, %select_n3A_174 : i32
      %ne3A_176 = arith.constant 0 : i32
      %ne3A_177 = arith.cmpi ne, %rem3A_175, %ne3A_176 : i32
      %lt3A = arith.constant 0 : i32
      %lt3A_178 = arith.cmpi slt, %rem3A_175, %lt3A : i32
      %lt3A_179 = arith.constant 0 : i32
      %lt3A_180 = arith.cmpi slt, %select_n3A_174, %lt3A_179 : i32
      %ne3A_181 = arith.xori %lt3A_178, %lt3A_180 : i1
      %and3A_182 = arith.andi %ne3A_181, %ne3A_177 : i1
      %add3A_183 = arith.addi %rem3A_175, %select_n3A_174 : i32
      %select_n3A_184 = arith.select %and3A_182, %add3A_183, %rem3A_175 : i32
      %mul3A_185 = arith.constant 16 : i32
      %mul3A_186 = arith.muli %select_n3A_184, %mul3A_185 : i32
      %swap3A_187 = arith.index_cast %select_n3A : i32 to index
      %swap3A_188 = arith.index_cast %mul3A_186 : i32 to index
      %swap3A_189 = tpu.vector_load %arg12[%swap3A_187, %swap3A_188] {strides = array<i32>} : memref<80x128xf32, #tpu.memory_space<vmem>>, vector<16xf32>,
      tpu.vector_store %arg12[%swap3A_187, %swap3A_188], %broadcast_in_dim3A_3 {strides = array<i32>} : memref<80x128xf32, #tpu.memory_space<vmem>>, vector<16xf32>,
    }
    %scan3A_8 = arith.constant 640 : i32
    %mul3A_9 = arith.constant 640 : i32
    %mul3A_10 = arith.muli %arg1, %mul3A_9 : i32
    %add3A_11 = arith.constant 0 : i32
    %add3A_12 = arith.addi %mul3A_10, %add3A_11 : i32
    "tpu.region"() ({
      %run_scoped3A = tpu.sem_alloc : memref<!tpu.dma_semaphore, #tpu.memory_space<semaphore_mem>>
      %dma_start3A_154 = arith.constant 0 : i32
      %dma_start3A_155 = tpu.memref_slice %arg14[%add3A_12, %dma_start3A_154] : memref<10240x128xf32, #tpu.memory_space<vmem_shared>> -> memref<80x128xf32, #tpu.memory_space<vmem_shared>>
      %dma_start3A_156 = arith.constant 0 : i32
      %dma_start3A_157 = tpu.memref_slice %arg14[%add3A_12, %dma_start3A_156] : memref<10240x128xf32, #tpu.memory_space<vmem_shared>> -> memref<80x128xf32, #tpu.memory_space<vmem_shared>>
      tpu.enqueue_dma source(%arg12 : memref<80x128xf32, #tpu.memory_space<vmem>>) target(%dma_start3A_157 : memref<80x128xf32, #tpu.memory_space<vmem_shared>>) target_semaphore(%run_scoped3A : memref<!tpu.dma_semaphore, #tpu.memory_space<semaphore_mem>>)
      %dma_wait3A_158 = arith.constant 0 : i32
      %dma_wait3A_159 = tpu.memref_slice %arg14[%add3A_12, %dma_wait3A_158] : memref<10240x128xf32, #tpu.memory_space<vmem_shared>> -> memref<80x128xf32, #tpu.memory_space<vmem_shared>>
      %dma_wait3A_160 = arith.constant 0 : i32
      %dma_wait3A_161 = tpu.memref_slice %arg14[%add3A_12, %dma_wait3A_160] : memref<10240x128xf32, #tpu.memory_space<vmem_shared>> -> memref<80x128xf32, #tpu.memory_space<vmem_shared>>
      tpu.wait_dma2 semaphore(%run_scoped3A : memref<!tpu.dma_semaphore, #tpu.memory_space<semaphore_mem>>) src(%arg12 : memref<80x128xf32, #tpu.memory_space<vmem>>) dst(%dma_wait3A_161 : memref<80x128xf32, #tpu.memory_space<vmem_shared>>)
      tpu.yield
    }) : () -> ()
    %mul3A_13 = arith.constant 640 : i32
    %mul3A_14 = arith.muli %arg1, %mul3A_13 : i32
    %add3A_15 = arith.constant 80 : i32
    %add3A_16 = arith.addi %mul3A_14, %add3A_15 : i32
    "tpu.region"() ({
      %run_scoped3A = tpu.sem_alloc : memref<!tpu.dma_semaphore, #tpu.memory_space<semaphore_mem>>
      %dma_start3A_154 = arith.constant 0 : i32
      %dma_start3A_155 = tpu.memref_slice %arg14[%add3A_16, %dma_start3A_154] : memref<10240x128xf32, #tpu.memory_space<vmem_shared>> -> memref<80x128xf32, #tpu.memory_space<vmem_shared>>
      %dma_start3A_156 = arith.constant 0 : i32
      %dma_start3A_157 = tpu.memref_slice %arg14[%add3A_16, %dma_start3A_156] : memref<10240x128xf32, #tpu.memory_space<vmem_shared>> -> memref<80x128xf32, #tpu.memory_space<vmem_shared>>
      tpu.enqueue_dma source(%arg12 : memref<80x128xf32, #tpu.memory_space<vmem>>) target(%dma_start3A_157 : memref<80x128xf32, #tpu.memory_space<vmem_shared>>) target_semaphore(%run_scoped3A : memref<!tpu.dma_semaphore, #tpu.memory_space<semaphore_mem>>)
      %dma_wait3A_158 = arith.constant 0 : i32
      %dma_wait3A_159 = tpu.memref_slice %arg14[%add3A_16, %dma_wait3A_158] : memref<10240x128xf32, #tpu.memory_space<vmem_shared>> -> memref<80x128xf32, #tpu.memory_space<vmem_shared>>
      %dma_wait3A_160 = arith.constant 0 : i32
      %dma_wait3A_161 = tpu.memref_slice %arg14[%add3A_16, %dma_wait3A_160] : memref<10240x128xf32, #tpu.memory_space<vmem_shared>> -> memref<80x128xf32, #tpu.memory_space<vmem_shared>>
      tpu.wait_dma2 semaphore(%run_scoped3A : memref<!tpu.dma_semaphore, #tpu.memory_space<semaphore_mem>>) src(%arg12 : memref<80x128xf32, #tpu.memory_space<vmem>>) dst(%dma_wait3A_161 : memref<80x128xf32, #tpu.memory_space<vmem_shared>>)
      tpu.yield
    }) : () -> ()
    %mul3A_17 = arith.constant 640 : i32
    %mul3A_18 = arith.muli %arg1, %mul3A_17 : i32
    %add3A_19 = arith.constant 160 : i32
    %add3A_20 = arith.addi %mul3A_18, %add3A_19 : i32
    "tpu.region"() ({
      %run_scoped3A = tpu.sem_alloc : memref<!tpu.dma_semaphore, #tpu.memory_space<semaphore_mem>>
      %dma_start3A_154 = arith.constant 0 : i32
      %dma_start3A_155 = tpu.memref_slice %arg14[%add3A_20, %dma_start3A_154] : memref<10240x128xf32, #tpu.memory_space<vmem_shared>> -> memref<80x128xf32, #tpu.memory_space<vmem_shared>>
      %dma_start3A_156 = arith.constant 0 : i32
      %dma_start3A_157 = tpu.memref_slice %arg14[%add3A_20, %dma_start3A_156] : memref<10240x128xf32, #tpu.memory_space<vmem_shared>> -> memref<80x128xf32, #tpu.memory_space<vmem_shared>>
      tpu.enqueue_dma source(%arg12 : memref<80x128xf32, #tpu.memory_space<vmem>>) target(%dma_start3A_157 : memref<80x128xf32, #tpu.memory_space<vmem_shared>>) target_semaphore(%run_scoped3A : memref<!tpu.dma_semaphore, #tpu.memory_space<semaphore_mem>>)
      %dma_wait3A_158 = arith.constant 0 : i32
      %dma_wait3A_159 = tpu.memref_slice %arg14[%add3A_20, %dma_wait3A_158] : memref<10240x128xf32, #tpu.memory_space<vmem_shared>> -> memref<80x128xf32, #tpu.memory_space<vmem_shared>>
      %dma_wait3A_160 = arith.constant 0 : i32
      %dma_wait3A_161 = tpu.memref_slice %arg14[%add3A_20, %dma_wait3A_160] : memref<10240x128xf32, #tpu.memory_space<vmem_shared>> -> memref<80x128xf32, #tpu.memory_space<vmem_shared>>
      tpu.wait_dma2 semaphore(%run_scoped3A : memref<!tpu.dma_semaphore, #tpu.memory_space<semaphore_mem>>) src(%arg12 : memref<80x128xf32, #tpu.memory_space<vmem>>) dst(%dma_wait3A_161 : memref<80x128xf32, #tpu.memory_space<vmem_shared>>)
      tpu.yield
    }) : () -> ()
    %mul3A_21 = arith.constant 640 : i32
    %mul3A_22 = arith.muli %arg1, %mul3A_21 : i32
    %add3A_23 = arith.constant 240 : i32
    %add3A_24 = arith.addi %mul3A_22, %add3A_23 : i32
    "tpu.region"() ({
      %run_scoped3A = tpu.sem_alloc : memref<!tpu.dma_semaphore, #tpu.memory_space<semaphore_mem>>
      %dma_start3A_154 = arith.constant 0 : i32
      %dma_start3A_155 = tpu.memref_slice %arg14[%add3A_24, %dma_start3A_154] : memref<10240x128xf32, #tpu.memory_space<vmem_shared>> -> memref<80x128xf32, #tpu.memory_space<vmem_shared>>
      %dma_start3A_156 = arith.constant 0 : i32
      %dma_start3A_157 = tpu.memref_slice %arg14[%add3A_24, %dma_start3A_156] : memref<10240x128xf32, #tpu.memory_space<vmem_shared>> -> memref<80x128xf32, #tpu.memory_space<vmem_shared>>
      tpu.enqueue_dma source(%arg12 : memref<80x128xf32, #tpu.memory_space<vmem>>) target(%dma_start3A_157 : memref<80x128xf32, #tpu.memory_space<vmem_shared>>) target_semaphore(%run_scoped3A : memref<!tpu.dma_semaphore, #tpu.memory_space<semaphore_mem>>)
      %dma_wait3A_158 = arith.constant 0 : i32
      %dma_wait3A_159 = tpu.memref_slice %arg14[%add3A_24, %dma_wait3A_158] : memref<10240x128xf32, #tpu.memory_space<vmem_shared>> -> memref<80x128xf32, #tpu.memory_space<vmem_shared>>
      %dma_wait3A_160 = arith.constant 0 : i32
      %dma_wait3A_161 = tpu.memref_slice %arg14[%add3A_24, %dma_wait3A_160] : memref<10240x128xf32, #tpu.memory_space<vmem_shared>> -> memref<80x128xf32, #tpu.memory_space<vmem_shared>>
      tpu.wait_dma2 semaphore(%run_scoped3A : memref<!tpu.dma_semaphore, #tpu.memory_space<semaphore_mem>>) src(%arg12 : memref<80x128xf32, #tpu.memory_space<vmem>>) dst(%dma_wait3A_161 : memref<80x128xf32, #tpu.memory_space<vmem_shared>>)
      tpu.yield
    }) : () -> ()
    %mul3A_25 = arith.constant 640 : i32
    %mul3A_26 = arith.muli %arg1, %mul3A_25 : i32
    %add3A_27 = arith.constant 320 : i32
    %add3A_28 = arith.addi %mul3A_26, %add3A_27 : i32
    "tpu.region"() ({
      %run_scoped3A = tpu.sem_alloc : memref<!tpu.dma_semaphore, #tpu.memory_space<semaphore_mem>>
      %dma_start3A_154 = arith.constant 0 : i32
      %dma_start3A_155 = tpu.memref_slice %arg14[%add3A_28, %dma_start3A_154] : memref<10240x128xf32, #tpu.memory_space<vmem_shared>> -> memref<80x128xf32, #tpu.memory_space<vmem_shared>>
      %dma_start3A_156 = arith.constant 0 : i32
      %dma_start3A_157 = tpu.memref_slice %arg14[%add3A_28, %dma_start3A_156] : memref<10240x128xf32, #tpu.memory_space<vmem_shared>> -> memref<80x128xf32, #tpu.memory_space<vmem_shared>>
      tpu.enqueue_dma source(%arg12 : memref<80x128xf32, #tpu.memory_space<vmem>>) target(%dma_start3A_157 : memref<80x128xf32, #tpu.memory_space<vmem_shared>>) target_semaphore(%run_scoped3A : memref<!tpu.dma_semaphore, #tpu.memory_space<semaphore_mem>>)
      %dma_wait3A_158 = arith.constant 0 : i32
      %dma_wait3A_159 = tpu.memref_slice %arg14[%add3A_28, %dma_wait3A_158] : memref<10240x128xf32, #tpu.memory_space<vmem_shared>> -> memref<80x128xf32, #tpu.memory_space<vmem_shared>>
      %dma_wait3A_160 = arith.constant 0 : i32
      %dma_wait3A_161 = tpu.memref_slice %arg14[%add3A_28, %dma_wait3A_160] : memref<10240x128xf32, #tpu.memory_space<vmem_shared>> -> memref<80x128xf32, #tpu.memory_space<vmem_shared>>
      tpu.wait_dma2 semaphore(%run_scoped3A : memref<!tpu.dma_semaphore, #tpu.memory_space<semaphore_mem>>) src(%arg12 : memref<80x128xf32, #tpu.memory_space<vmem>>) dst(%dma_wait3A_161 : memref<80x128xf32, #tpu.memory_space<vmem_shared>>)
      tpu.yield
    }) : () -> ()
    %mul3A_29 = arith.constant 640 : i32
    %mul3A_30 = arith.muli %arg1, %mul3A_29 : i32
    %add3A_31 = arith.constant 400 : i32
    %add3A_32 = arith.addi %mul3A_30, %add3A_31 : i32
    "tpu.region"() ({
      %run_scoped3A = tpu.sem_alloc : memref<!tpu.dma_semaphore, #tpu.memory_space<semaphore_mem>>
      %dma_start3A_154 = arith.constant 0 : i32
      %dma_start3A_155 = tpu.memref_slice %arg14[%add3A_32, %dma_start3A_154] : memref<10240x128xf32, #tpu.memory_space<vmem_shared>> -> memref<80x128xf32, #tpu.memory_space<vmem_shared>>
      %dma_start3A_156 = arith.constant 0 : i32
      %dma_start3A_157 = tpu.memref_slice %arg14[%add3A_32, %dma_start3A_156] : memref<10240x128xf32, #tpu.memory_space<vmem_shared>> -> memref<80x128xf32, #tpu.memory_space<vmem_shared>>
      tpu.enqueue_dma source(%arg12 : memref<80x128xf32, #tpu.memory_space<vmem>>) target(%dma_start3A_157 : memref<80x128xf32, #tpu.memory_space<vmem_shared>>) target_semaphore(%run_scoped3A : memref<!tpu.dma_semaphore, #tpu.memory_space<semaphore_mem>>)
      %dma_wait3A_158 = arith.constant 0 : i32
      %dma_wait3A_159 = tpu.memref_slice %arg14[%add3A_32, %dma_wait3A_158] : memref<10240x128xf32, #tpu.memory_space<vmem_shared>> -> memref<80x128xf32, #tpu.memory_space<vmem_shared>>
      %dma_wait3A_160 = arith.constant 0 : i32
      %dma_wait3A_161 = tpu.memref_slice %arg14[%add3A_32, %dma_wait3A_160] : memref<10240x128xf32, #tpu.memory_space<vmem_shared>> -> memref<80x128xf32, #tpu.memory_space<vmem_shared>>
      tpu.wait_dma2 semaphore(%run_scoped3A : memref<!tpu.dma_semaphore, #tpu.memory_space<semaphore_mem>>) src(%arg12 : memref<80x128xf32, #tpu.memory_space<vmem>>) dst(%dma_wait3A_161 : memref<80x128xf32, #tpu.memory_space<vmem_shared>>)
      tpu.yield
    }) : () -> ()
    %mul3A_33 = arith.constant 640 : i32
    %mul3A_34 = arith.muli %arg1, %mul3A_33 : i32
    %add3A_35 = arith.constant 480 : i32
    %add3A_36 = arith.addi %mul3A_34, %add3A_35 : i32
    "tpu.region"() ({
      %run_scoped3A = tpu.sem_alloc : memref<!tpu.dma_semaphore, #tpu.memory_space<semaphore_mem>>
      %dma_start3A_154 = arith.constant 0 : i32
      %dma_start3A_155 = tpu.memref_slice %arg14[%add3A_36, %dma_start3A_154] : memref<10240x128xf32, #tpu.memory_space<vmem_shared>> -> memref<80x128xf32, #tpu.memory_space<vmem_shared>>
      %dma_start3A_156 = arith.constant 0 : i32
      %dma_start3A_157 = tpu.memref_slice %arg14[%add3A_36, %dma_start3A_156] : memref<10240x128xf32, #tpu.memory_space<vmem_shared>> -> memref<80x128xf32, #tpu.memory_space<vmem_shared>>
      tpu.enqueue_dma source(%arg12 : memref<80x128xf32, #tpu.memory_space<vmem>>) target(%dma_start3A_157 : memref<80x128xf32, #tpu.memory_space<vmem_shared>>) target_semaphore(%run_scoped3A : memref<!tpu.dma_semaphore, #tpu.memory_space<semaphore_mem>>)
      %dma_wait3A_158 = arith.constant 0 : i32
      %dma_wait3A_159 = tpu.memref_slice %arg14[%add3A_36, %dma_wait3A_158] : memref<10240x128xf32, #tpu.memory_space<vmem_shared>> -> memref<80x128xf32, #tpu.memory_space<vmem_shared>>
      %dma_wait3A_160 = arith.constant 0 : i32
      %dma_wait3A_161 = tpu.memref_slice %arg14[%add3A_36, %dma_wait3A_160] : memref<10240x128xf32, #tpu.memory_space<vmem_shared>> -> memref<80x128xf32, #tpu.memory_space<vmem_shared>>
      tpu.wait_dma2 semaphore(%run_scoped3A : memref<!tpu.dma_semaphore, #tpu.memory_space<semaphore_mem>>) src(%arg12 : memref<80x128xf32, #tpu.memory_space<vmem>>) dst(%dma_wait3A_161 : memref<80x128xf32, #tpu.memory_space<vmem_shared>>)
      tpu.yield
    }) : () -> ()
    %mul3A_37 = arith.constant 640 : i32
    %mul3A_38 = arith.muli %arg1, %mul3A_37 : i32
    %add3A_39 = arith.constant 560 : i32
    %add3A_40 = arith.addi %mul3A_38, %add3A_39 : i32
    "tpu.region"() ({
      %run_scoped3A = tpu.sem_alloc : memref<!tpu.dma_semaphore, #tpu.memory_space<semaphore_mem>>
      %dma_start3A_154 = arith.constant 0 : i32
      %dma_start3A_155 = tpu.memref_slice %arg14[%add3A_40, %dma_start3A_154] : memref<10240x128xf32, #tpu.memory_space<vmem_shared>> -> memref<80x128xf32, #tpu.memory_space<vmem_shared>>
      %dma_start3A_156 = arith.constant 0 : i32
      %dma_start3A_157 = tpu.memref_slice %arg14[%add3A_40, %dma_start3A_156] : memref<10240x128xf32, #tpu.memory_space<vmem_shared>> -> memref<80x128xf32, #tpu.memory_space<vmem_shared>>
      tpu.enqueue_dma source(%arg12 : memref<80x128xf32, #tpu.memory_space<vmem>>) target(%dma_start3A_157 : memref<80x128xf32, #tpu.memory_space<vmem_shared>>) target_semaphore(%run_scoped3A : memref<!tpu.dma_semaphore, #tpu.memory_space<semaphore_mem>>)
      %dma_wait3A_158 = arith.constant 0 : i32
      %dma_wait3A_159 = tpu.memref_slice %arg14[%add3A_40, %dma_wait3A_158] : memref<10240x128xf32, #tpu.memory_space<vmem_shared>> -> memref<80x128xf32, #tpu.memory_space<vmem_shared>>
      %dma_wait3A_160 = arith.constant 0 : i32
      %dma_wait3A_161 = tpu.memref_slice %arg14[%add3A_40, %dma_wait3A_160] : memref<10240x128xf32, #tpu.memory_space<vmem_shared>> -> memref<80x128xf32, #tpu.memory_space<vmem_shared>>
      tpu.wait_dma2 semaphore(%run_scoped3A : memref<!tpu.dma_semaphore, #tpu.memory_space<semaphore_mem>>) src(%arg12 : memref<80x128xf32, #tpu.memory_space<vmem>>) dst(%dma_wait3A_161 : memref<80x128xf32, #tpu.memory_space<vmem_shared>>)
      tpu.yield
    }) : () -> ()
    %barrier3A = arith.constant 0 : index
    tpu.barrier barrier_id(%barrier3A)
    "tpu.region"() ({
      %run_scoped3A = tpu.sem_alloc : memref<!tpu.dma_semaphore, #tpu.memory_space<semaphore_mem>>
      %dma_start3A_154 = tpu.memref_slice %arg3[%mul3A_2] : memref<320000xi32, #tpu.memory_space<hbm>> -> memref<10000xi32, #tpu.memory_space<hbm>>
      %dma_start3A_155 = tpu.memref_slice %arg3[%mul3A_2] : memref<320000xi32, #tpu.memory_space<hbm>> -> memref<10000xi32, #tpu.memory_space<hbm>>
      tpu.enqueue_dma source(%dma_start3A_155 : memref<10000xi32, #tpu.memory_space<hbm>>) target(%arg6 : memref<10000xi32, #tpu.memory_space<vmem>>) target_semaphore(%run_scoped3A : memref<!tpu.dma_semaphore, #tpu.memory_space<semaphore_mem>>)
      %dma_wait3A_156 = tpu.memref_slice %arg3[%mul3A_2] : memref<320000xi32, #tpu.memory_space<hbm>> -> memref<10000xi32, #tpu.memory_space<hbm>>
      %dma_wait3A_157 = tpu.memref_slice %arg3[%mul3A_2] : memref<320000xi32, #tpu.memory_space<hbm>> -> memref<10000xi32, #tpu.memory_space<hbm>>
      tpu.wait_dma2 semaphore(%run_scoped3A : memref<!tpu.dma_semaphore, #tpu.memory_space<semaphore_mem>>) src(%dma_wait3A_157 : memref<10000xi32, #tpu.memory_space<hbm>>) dst(%arg6 : memref<10000xi32, #tpu.memory_space<vmem>>)
      tpu.yield
    }) : () -> ()
    "tpu.region"() ({
      %run_scoped3A = tpu.sem_alloc : memref<!tpu.dma_semaphore, #tpu.memory_space<semaphore_mem>>
      %dma_start3A_154 = tpu.memref_slice %arg4[%mul3A_2] : memref<320000xi32, #tpu.memory_space<hbm>> -> memref<10000xi32, #tpu.memory_space<hbm>>
      %dma_start3A_155 = tpu.memref_slice %arg4[%mul3A_2] : memref<320000xi32, #tpu.memory_space<hbm>> -> memref<10000xi32, #tpu.memory_space<hbm>>
      tpu.enqueue_dma source(%dma_start3A_155 : memref<10000xi32, #tpu.memory_space<hbm>>) target(%arg7 : memref<10000xi32, #tpu.memory_space<vmem>>) target_semaphore(%run_scoped3A : memref<!tpu.dma_semaphore, #tpu.memory_space<semaphore_mem>>)
      %dma_wait3A_156 = tpu.memref_slice %arg4[%mul3A_2] : memref<320000xi32, #tpu.memory_space<hbm>> -> memref<10000xi32, #tpu.memory_space<hbm>>
      %dma_wait3A_157 = tpu.memref_slice %arg4[%mul3A_2] : memref<320000xi32, #tpu.memory_space<hbm>> -> memref<10000xi32, #tpu.memory_space<hbm>>
      tpu.wait_dma2 semaphore(%run_scoped3A : memref<!tpu.dma_semaphore, #tpu.memory_space<semaphore_mem>>) src(%dma_wait3A_157 : memref<10000xi32, #tpu.memory_space<hbm>>) dst(%arg7 : memref<10000xi32, #tpu.memory_space<vmem>>)
      tpu.yield
    }) : () -> ()
    %get3A = arith.constant 0 : index
    %get3A_41 = tpu.vector_load %arg6[%get3A] {strides = array<i32>} : memref<10000xi32, #tpu.memory_space<vmem>>, vector<16xi32>,
    %swap3A = arith.constant 0 : index
    %swap3A_42 = tpu.vector_load %arg8[%swap3A] {strides = array<i32>} : memref<80xi32, #tpu.memory_space<vmem>>, vector<16xi32>,
    tpu.vector_store %arg8[%swap3A], %get3A_41 {strides = array<i32>} : memref<80xi32, #tpu.memory_space<vmem>>, vector<16xi32>,
    %get3A_43 = arith.constant 0 : index
    %get3A_44 = tpu.vector_load %arg7[%get3A_43] {strides = array<i32>} : memref<10000xi32, #tpu.memory_space<vmem>>, vector<16xi32>,
    %swap3A_45 = arith.constant 0 : index
    %swap3A_46 = tpu.vector_load %arg9[%swap3A_45] {strides = array<i32>} : memref<80xi32, #tpu.memory_space<vmem>>, vector<16xi32>,
    tpu.vector_store %arg9[%swap3A_45], %get3A_44 {strides = array<i32>} : memref<80xi32, #tpu.memory_space<vmem>>, vector<16xi32>,
    %get3A_47 = arith.constant 16 : index
    %get3A_48 = tpu.vector_load %arg6[%get3A_47] {strides = array<i32>} : memref<10000xi32, #tpu.memory_space<vmem>>, vector<16xi32>,
    %swap3A_49 = arith.constant 16 : index
    %swap3A_50 = tpu.vector_load %arg8[%swap3A_49] {strides = array<i32>} : memref<80xi32, #tpu.memory_space<vmem>>, vector<16xi32>,
    tpu.vector_store %arg8[%swap3A_49], %get3A_48 {strides = array<i32>} : memref<80xi32, #tpu.memory_space<vmem>>, vector<16xi32>,
    %get3A_51 = arith.constant 16 : index
    %get3A_52 = tpu.vector_load %arg7[%get3A_51] {strides = array<i32>} : memref<10000xi32, #tpu.memory_space<vmem>>, vector<16xi32>,
    %swap3A_53 = arith.constant 16 : index
    %swap3A_54 = tpu.vector_load %arg9[%swap3A_53] {strides = array<i32>} : memref<80xi32, #tpu.memory_space<vmem>>, vector<16xi32>,
    tpu.vector_store %arg9[%swap3A_53], %get3A_52 {strides = array<i32>} : memref<80xi32, #tpu.memory_space<vmem>>, vector<16xi32>,
    %get3A_55 = arith.constant 32 : index
    %get3A_56 = tpu.vector_load %arg6[%get3A_55] {strides = array<i32>} : memref<10000xi32, #tpu.memory_space<vmem>>, vector<16xi32>,
    %swap3A_57 = arith.constant 32 : index
    %swap3A_58 = tpu.vector_load %arg8[%swap3A_57] {strides = array<i32>} : memref<80xi32, #tpu.memory_space<vmem>>, vector<16xi32>,
    tpu.vector_store %arg8[%swap3A_57], %get3A_56 {strides = array<i32>} : memref<80xi32, #tpu.memory_space<vmem>>, vector<16xi32>,
    %get3A_59 = arith.constant 32 : index
    %get3A_60 = tpu.vector_load %arg7[%get3A_59] {strides = array<i32>} : memref<10000xi32, #tpu.memory_space<vmem>>, vector<16xi32>,
    %swap3A_61 = arith.constant 32 : index
    %swap3A_62 = tpu.vector_load %arg9[%swap3A_61] {strides = array<i32>} : memref<80xi32, #tpu.memory_space<vmem>>, vector<16xi32>,
    tpu.vector_store %arg9[%swap3A_61], %get3A_60 {strides = array<i32>} : memref<80xi32, #tpu.memory_space<vmem>>, vector<16xi32>,
    %get3A_63 = arith.constant 48 : index
    %get3A_64 = tpu.vector_load %arg6[%get3A_63] {strides = array<i32>} : memref<10000xi32, #tpu.memory_space<vmem>>, vector<16xi32>,
    %swap3A_65 = arith.constant 48 : index
    %swap3A_66 = tpu.vector_load %arg8[%swap3A_65] {strides = array<i32>} : memref<80xi32, #tpu.memory_space<vmem>>, vector<16xi32>,
    tpu.vector_store %arg8[%swap3A_65], %get3A_64 {strides = array<i32>} : memref<80xi32, #tpu.memory_space<vmem>>, vector<16xi32>,
    %get3A_67 = arith.constant 48 : index
    %get3A_68 = tpu.vector_load %arg7[%get3A_67] {strides = array<i32>} : memref<10000xi32, #tpu.memory_space<vmem>>, vector<16xi32>,
    %swap3A_69 = arith.constant 48 : index
    %swap3A_70 = tpu.vector_load %arg9[%swap3A_69] {strides = array<i32>} : memref<80xi32, #tpu.memory_space<vmem>>, vector<16xi32>,
    tpu.vector_store %arg9[%swap3A_69], %get3A_68 {strides = array<i32>} : memref<80xi32, #tpu.memory_space<vmem>>, vector<16xi32>,
    %get3A_71 = arith.constant 64 : index
    %get3A_72 = tpu.vector_load %arg6[%get3A_71] {strides = array<i32>} : memref<10000xi32, #tpu.memory_space<vmem>>, vector<16xi32>,
    %swap3A_73 = arith.constant 64 : index
    %swap3A_74 = tpu.vector_load %arg8[%swap3A_73] {strides = array<i32>} : memref<80xi32, #tpu.memory_space<vmem>>, vector<16xi32>,
    tpu.vector_store %arg8[%swap3A_73], %get3A_72 {strides = array<i32>} : memref<80xi32, #tpu.memory_space<vmem>>, vector<16xi32>,
    %get3A_75 = arith.constant 64 : index
    %get3A_76 = tpu.vector_load %arg7[%get3A_75] {strides = array<i32>} : memref<10000xi32, #tpu.memory_space<vmem>>, vector<16xi32>,
    %swap3A_77 = arith.constant 64 : index
    %swap3A_78 = tpu.vector_load %arg9[%swap3A_77] {strides = array<i32>} : memref<80xi32, #tpu.memory_space<vmem>>, vector<16xi32>,
    tpu.vector_store %arg9[%swap3A_77], %get3A_76 {strides = array<i32>} : memref<80xi32, #tpu.memory_space<vmem>>, vector<16xi32>,
    %dma_start3A = arith.constant 0 : i32
    %dma_start3A_79 = arith.constant 0 : i32
    %dma_start3A_80 = tpu.memref_slice %arg2[%dma_start3A, %dma_start3A_79] : memref<10240x128xf32, #tpu.memory_space<hbm>> -> memref<10240x128xf32, #tpu.memory_space<hbm>>
    tpu.enqueue_indirect_dma source(%dma_start3A_80 : memref<10240x128xf32, #tpu.memory_space<hbm>>) target(%arg12 : memref<80x128xf32, #tpu.memory_space<vmem>>) offsets(%arg8 : memref<80xi32, #tpu.memory_space<vmem>>) semaphore(%arg15 : memref<!tpu.dma_semaphore, #tpu.memory_space<semaphore_mem>>)
    %scan3A_81 = arith.constant 0 : i32
    %scan3A_82 = arith.constant 0 : i32
    %scan3A_83 = arith.constant 62 : i32
    %scan3A_84 = arith.addi %scan3A_82, %scan3A_83 : i32
    %scan3A_85 = arith.constant 1 : i32
    scf.for %scan3A_154 = %scan3A_82 to %scan3A_84 step %scan3A_85  : i32 {
      %mul3A_155 = arith.constant 2 : i32
      %mul3A_156 = arith.muli %mul3A_155, %scan3A_154 : i32
      %add3A_157 = arith.constant 1 : i32
      %add3A_158 = arith.addi %mul3A_156, %add3A_157 : i32
      %mul3A_159 = arith.constant 80 : i32
      %mul3A_160 = arith.muli %add3A_158, %mul3A_159 : i32
      %add3A_161 = arith.constant 0 : i32
      %add3A_162 = arith.addi %mul3A_160, %add3A_161 : i32
      %get3A_163 = arith.index_cast %add3A_162 : i32 to index
      %get3A_164 = tpu.vector_load %arg6[%get3A_163] {strides = array<i32>} : memref<10000xi32, #tpu.memory_space<vmem>>, vector<16xi32>,
      %swap3A_165 = arith.constant 0 : index
      %swap3A_166 = tpu.vector_load %arg10[%swap3A_165] {strides = array<i32>} : memref<80xi32, #tpu.memory_space<vmem>>, vector<16xi32>,
      tpu.vector_store %arg10[%swap3A_165], %get3A_164 {strides = array<i32>} : memref<80xi32, #tpu.memory_space<vmem>>, vector<16xi32>,
      %mul3A_167 = arith.constant 80 : i32
      %mul3A_168 = arith.muli %add3A_158, %mul3A_167 : i32
      %add3A_169 = arith.constant 0 : i32
      %add3A_170 = arith.addi %mul3A_168, %add3A_169 : i32
      %get3A_171 = arith.index_cast %add3A_170 : i32 to index
      %get3A_172 = tpu.vector_load %arg7[%get3A_171] {strides = array<i32>} : memref<10000xi32, #tpu.memory_space<vmem>>, vector<16xi32>,
      %swap3A_173 = arith.constant 0 : index
      %swap3A_174 = tpu.vector_load %arg11[%swap3A_173] {strides = array<i32>} : memref<80xi32, #tpu.memory_space<vmem>>, vector<16xi32>,
      tpu.vector_store %arg11[%swap3A_173], %get3A_172 {strides = array<i32>} : memref<80xi32, #tpu.memory_space<vmem>>, vector<16xi32>,
      %mul3A_175 = arith.constant 80 : i32
      %mul3A_176 = arith.muli %add3A_158, %mul3A_175 : i32
      %add3A_177 = arith.constant 16 : i32
      %add3A_178 = arith.addi %mul3A_176, %add3A_177 : i32
      %get3A_179 = arith.index_cast %add3A_178 : i32 to index
      %get3A_180 = tpu.vector_load %arg6[%get3A_179] {strides = array<i32>} : memref<10000xi32, #tpu.memory_space<vmem>>, vector<16xi32>,
      %swap3A_181 = arith.constant 16 : index
      %swap3A_182 = tpu.vector_load %arg10[%swap3A_181] {strides = array<i32>} : memref<80xi32, #tpu.memory_space<vmem>>, vector<16xi32>,
      tpu.vector_store %arg10[%swap3A_181], %get3A_180 {strides = array<i32>} : memref<80xi32, #tpu.memory_space<vmem>>, vector<16xi32>,
      %mul3A_183 = arith.constant 80 : i32
      %mul3A_184 = arith.muli %add3A_158, %mul3A_183 : i32
      %add3A_185 = arith.constant 16 : i32
      %add3A_186 = arith.addi %mul3A_184, %add3A_185 : i32
      %get3A_187 = arith.index_cast %add3A_186 : i32 to index
      %get3A_188 = tpu.vector_load %arg7[%get3A_187] {strides = array<i32>} : memref<10000xi32, #tpu.memory_space<vmem>>, vector<16xi32>,
      %swap3A_189 = arith.constant 16 : index
      %swap3A_190 = tpu.vector_load %arg11[%swap3A_189] {strides = array<i32>} : memref<80xi32, #tpu.memory_space<vmem>>, vector<16xi32>,
      tpu.vector_store %arg11[%swap3A_189], %get3A_188 {strides = array<i32>} : memref<80xi32, #tpu.memory_space<vmem>>, vector<16xi32>,
      %mul3A_191 = arith.constant 80 : i32
      %mul3A_192 = arith.muli %add3A_158, %mul3A_191 : i32
      %add3A_193 = arith.constant 32 : i32
      %add3A_194 = arith.addi %mul3A_192, %add3A_193 : i32
      %get3A_195 = arith.index_cast %add3A_194 : i32 to index
      %get3A_196 = tpu.vector_load %arg6[%get3A_195] {strides = array<i32>} : memref<10000xi32, #tpu.memory_space<vmem>>, vector<16xi32>,
      %swap3A_197 = arith.constant 32 : index
      %swap3A_198 = tpu.vector_load %arg10[%swap3A_197] {strides = array<i32>} : memref<80xi32, #tpu.memory_space<vmem>>, vector<16xi32>,
      tpu.vector_store %arg10[%swap3A_197], %get3A_196 {strides = array<i32>} : memref<80xi32, #tpu.memory_space<vmem>>, vector<16xi32>,
      %mul3A_199 = arith.constant 80 : i32
      %mul3A_200 = arith.muli %add3A_158, %mul3A_199 : i32
      %add3A_201 = arith.constant 32 : i32
      %add3A_202 = arith.addi %mul3A_200, %add3A_201 : i32
      %get3A_203 = arith.index_cast %add3A_202 : i32 to index
      %get3A_204 = tpu.vector_load %arg7[%get3A_203] {strides = array<i32>} : memref<10000xi32, #tpu.memory_space<vmem>>, vector<16xi32>,
      %swap3A_205 = arith.constant 32 : index
      %swap3A_206 = tpu.vector_load %arg11[%swap3A_205] {strides = array<i32>} : memref<80xi32, #tpu.memory_space<vmem>>, vector<16xi32>,
      tpu.vector_store %arg11[%swap3A_205], %get3A_204 {strides = array<i32>} : memref<80xi32, #tpu.memory_space<vmem>>, vector<16xi32>,
      %mul3A_207 = arith.constant 80 : i32
      %mul3A_208 = arith.muli %add3A_158, %mul3A_207 : i32
      %add3A_209 = arith.constant 48 : i32
      %add3A_210 = arith.addi %mul3A_208, %add3A_209 : i32
      %get3A_211 = arith.index_cast %add3A_210 : i32 to index
      %get3A_212 = tpu.vector_load %arg6[%get3A_211] {strides = array<i32>} : memref<10000xi32, #tpu.memory_space<vmem>>, vector<16xi32>,
      %swap3A_213 = arith.constant 48 : index
      %swap3A_214 = tpu.vector_load %arg10[%swap3A_213] {strides = array<i32>} : memref<80xi32, #tpu.memory_space<vmem>>, vector<16xi32>,
      tpu.vector_store %arg10[%swap3A_213], %get3A_212 {strides = array<i32>} : memref<80xi32, #tpu.memory_space<vmem>>, vector<16xi32>,
      %mul3A_215 = arith.constant 80 : i32
      %mul3A_216 = arith.muli %add3A_158, %mul3A_215 : i32
      %add3A_217 = arith.constant 48 : i32
      %add3A_218 = arith.addi %mul3A_216, %add3A_217 : i32
      %get3A_219 = arith.index_cast %add3A_218 : i32 to index
      %get3A_220 = tpu.vector_load %arg7[%get3A_219] {strides = array<i32>} : memref<10000xi32, #tpu.memory_space<vmem>>, vector<16xi32>,
      %swap3A_221 = arith.constant 48 : index
      %swap3A_222 = tpu.vector_load %arg11[%swap3A_221] {strides = array<i32>} : memref<80xi32, #tpu.memory_space<vmem>>, vector<16xi32>,
      tpu.vector_store %arg11[%swap3A_221], %get3A_220 {strides = array<i32>} : memref<80xi32, #tpu.memory_space<vmem>>, vector<16xi32>,
      %mul3A_223 = arith.constant 80 : i32
      %mul3A_224 = arith.muli %add3A_158, %mul3A_223 : i32
      %add3A_225 = arith.constant 64 : i32
      %add3A_226 = arith.addi %mul3A_224, %add3A_225 : i32
      %get3A_227 = arith.index_cast %add3A_226 : i32 to index
      %get3A_228 = tpu.vector_load %arg6[%get3A_227] {strides = array<i32>} : memref<10000xi32, #tpu.memory_space<vmem>>, vector<16xi32>,
      %swap3A_229 = arith.constant 64 : index
      %swap3A_230 = tpu.vector_load %arg10[%swap3A_229] {strides = array<i32>} : memref<80xi32, #tpu.memory_space<vmem>>, vector<16xi32>,
      tpu.vector_store %arg10[%swap3A_229], %get3A_228 {strides = array<i32>} : memref<80xi32, #tpu.memory_space<vmem>>, vector<16xi32>,
      %mul3A_231 = arith.constant 80 : i32
      %mul3A_232 = arith.muli %add3A_158, %mul3A_231 : i32
      %add3A_233 = arith.constant 64 : i32
      %add3A_234 = arith.addi %mul3A_232, %add3A_233 : i32
      %get3A_235 = arith.index_cast %add3A_234 : i32 to index
      %get3A_236 = tpu.vector_load %arg7[%get3A_235] {strides = array<i32>} : memref<10000xi32, #tpu.memory_space<vmem>>, vector<16xi32>,
      %swap3A_237 = arith.constant 64 : index
      %swap3A_238 = tpu.vector_load %arg11[%swap3A_237] {strides = array<i32>} : memref<80xi32, #tpu.memory_space<vmem>>, vector<16xi32>,
      tpu.vector_store %arg11[%swap3A_237], %get3A_236 {strides = array<i32>} : memref<80xi32, #tpu.memory_space<vmem>>, vector<16xi32>,
      %dma_start3A_239 = arith.constant 0 : i32
      %dma_start3A_240 = arith.constant 0 : i32
      %dma_start3A_241 = tpu.memref_slice %arg2[%dma_start3A_239, %dma_start3A_240] : memref<10240x128xf32, #tpu.memory_space<hbm>> -> memref<10240x128xf32, #tpu.memory_space<hbm>>
      tpu.enqueue_indirect_dma source(%dma_start3A_241 : memref<10240x128xf32, #tpu.memory_space<hbm>>) target(%arg13 : memref<80x128xf32, #tpu.memory_space<vmem>>) offsets(%arg10 : memref<80xi32, #tpu.memory_space<vmem>>) semaphore(%arg16 : memref<!tpu.dma_semaphore, #tpu.memory_space<semaphore_mem>>)
      %dma_wait3A_242 = arith.constant 0 : i32
      %dma_wait3A_243 = arith.constant 0 : i32
      %dma_wait3A_244 = tpu.memref_slice %arg2[%dma_wait3A_242, %dma_wait3A_243] : memref<10240x128xf32, #tpu.memory_space<hbm>> -> memref<10240x128xf32, #tpu.memory_space<hbm>>
      tpu.wait_indirect_dma semaphore(%arg15 : memref<!tpu.dma_semaphore, #tpu.memory_space<semaphore_mem>>) src(%dma_wait3A_244 : memref<10240x128xf32, #tpu.memory_space<hbm>>) dst(%arg12 : memref<80x128xf32, #tpu.memory_space<vmem>>)
      "tpu.region"() ({
        %run_scoped3A = tpu.sem_alloc : memref<!tpu.dma_semaphore, #tpu.memory_space<semaphore_mem>>
        %dma_start3A_333 = arith.constant 0 : i32
        %dma_start3A_334 = arith.constant 0 : i32
        %dma_start3A_335 = tpu.memref_slice %arg14[%dma_start3A_333, %dma_start3A_334] : memref<10240x128xf32, #tpu.memory_space<vmem_shared>> -> memref<10240x128xf32, #tpu.memory_space<vmem_shared>>
        tpu.enqueue_indirect_dma source(%arg12 : memref<80x128xf32, #tpu.memory_space<vmem>>) target(%dma_start3A_335 : memref<10240x128xf32, #tpu.memory_space<vmem_shared>>) offsets(%arg9 : memref<80xi32, #tpu.memory_space<vmem>>) semaphore(%run_scoped3A : memref<!tpu.dma_semaphore, #tpu.memory_space<semaphore_mem>>) {add = true}
        %dma_wait3A_336 = arith.constant 0 : i32
        %dma_wait3A_337 = arith.constant 0 : i32
        %dma_wait3A_338 = tpu.memref_slice %arg14[%dma_wait3A_336, %dma_wait3A_337] : memref<10240x128xf32, #tpu.memory_space<vmem_shared>> -> memref<10240x128xf32, #tpu.memory_space<vmem_shared>>
        tpu.wait_indirect_dma semaphore(%run_scoped3A : memref<!tpu.dma_semaphore, #tpu.memory_space<semaphore_mem>>) src(%arg12 : memref<80x128xf32, #tpu.memory_space<vmem>>) dst(%dma_wait3A_338 : memref<10240x128xf32, #tpu.memory_space<vmem_shared>>)
        tpu.yield
      }) : () -> ()
      %add3A_245 = arith.constant 2 : i32
      %add3A_246 = arith.addi %mul3A_156, %add3A_245 : i32
      %mul3A_247 = arith.constant 80 : i32
      %mul3A_248 = arith.muli %add3A_246, %mul3A_247 : i32
      %add3A_249 = arith.constant 0 : i32
      %add3A_250 = arith.addi %mul3A_248, %add3A_249 : i32
      %get3A_251 = arith.index_cast %add3A_250 : i32 to index
      %get3A_252 = tpu.vector_load %arg6[%get3A_251] {strides = array<i32>} : memref<10000xi32, #tpu.memory_space<vmem>>, vector<16xi32>,
      %swap3A_253 = arith.constant 0 : index
      %swap3A_254 = tpu.vector_load %arg8[%swap3A_253] {strides = array<i32>} : memref<80xi32, #tpu.memory_space<vmem>>, vector<16xi32>,
      tpu.vector_store %arg8[%swap3A_253], %get3A_252 {strides = array<i32>} : memref<80xi32, #tpu.memory_space<vmem>>, vector<16xi32>,
      %mul3A_255 = arith.constant 80 : i32
      %mul3A_256 = arith.muli %add3A_246, %mul3A_255 : i32
      %add3A_257 = arith.constant 0 : i32
      %add3A_258 = arith.addi %mul3A_256, %add3A_257 : i32
      %get3A_259 = arith.index_cast %add3A_258 : i32 to index
      %get3A_260 = tpu.vector_load %arg7[%get3A_259] {strides = array<i32>} : memref<10000xi32, #tpu.memory_space<vmem>>, vector<16xi32>,
      %swap3A_261 = arith.constant 0 : index
      %swap3A_262 = tpu.vector_load %arg9[%swap3A_261] {strides = array<i32>} : memref<80xi32, #tpu.memory_space<vmem>>, vector<16xi32>,
      tpu.vector_store %arg9[%swap3A_261], %get3A_260 {strides = array<i32>} : memref<80xi32, #tpu.memory_space<vmem>>, vector<16xi32>,
      %mul3A_263 = arith.constant 80 : i32
      %mul3A_264 = arith.muli %add3A_246, %mul3A_263 : i32
      %add3A_265 = arith.constant 16 : i32
      %add3A_266 = arith.addi %mul3A_264, %add3A_265 : i32
      %get3A_267 = arith.index_cast %add3A_266 : i32 to index
      %get3A_268 = tpu.vector_load %arg6[%get3A_267] {strides = array<i32>} : memref<10000xi32, #tpu.memory_space<vmem>>, vector<16xi32>,
      %swap3A_269 = arith.constant 16 : index
      %swap3A_270 = tpu.vector_load %arg8[%swap3A_269] {strides = array<i32>} : memref<80xi32, #tpu.memory_space<vmem>>, vector<16xi32>,
      tpu.vector_store %arg8[%swap3A_269], %get3A_268 {strides = array<i32>} : memref<80xi32, #tpu.memory_space<vmem>>, vector<16xi32>,
      %mul3A_271 = arith.constant 80 : i32
      %mul3A_272 = arith.muli %add3A_246, %mul3A_271 : i32
      %add3A_273 = arith.constant 16 : i32
      %add3A_274 = arith.addi %mul3A_272, %add3A_273 : i32
      %get3A_275 = arith.index_cast %add3A_274 : i32 to index
      %get3A_276 = tpu.vector_load %arg7[%get3A_275] {strides = array<i32>} : memref<10000xi32, #tpu.memory_space<vmem>>, vector<16xi32>,
      %swap3A_277 = arith.constant 16 : index
      %swap3A_278 = tpu.vector_load %arg9[%swap3A_277] {strides = array<i32>} : memref<80xi32, #tpu.memory_space<vmem>>, vector<16xi32>,
      tpu.vector_store %arg9[%swap3A_277], %get3A_276 {strides = array<i32>} : memref<80xi32, #tpu.memory_space<vmem>>, vector<16xi32>,
      %mul3A_279 = arith.constant 80 : i32
      %mul3A_280 = arith.muli %add3A_246, %mul3A_279 : i32
      %add3A_281 = arith.constant 32 : i32
      %add3A_282 = arith.addi %mul3A_280, %add3A_281 : i32
      %get3A_283 = arith.index_cast %add3A_282 : i32 to index
      %get3A_284 = tpu.vector_load %arg6[%get3A_283] {strides = array<i32>} : memref<10000xi32, #tpu.memory_space<vmem>>, vector<16xi32>,
      %swap3A_285 = arith.constant 32 : index
      %swap3A_286 = tpu.vector_load %arg8[%swap3A_285] {strides = array<i32>} : memref<80xi32, #tpu.memory_space<vmem>>, vector<16xi32>,
      tpu.vector_store %arg8[%swap3A_285], %get3A_284 {strides = array<i32>} : memref<80xi32, #tpu.memory_space<vmem>>, vector<16xi32>,
      %mul3A_287 = arith.constant 80 : i32
      %mul3A_288 = arith.muli %add3A_246, %mul3A_287 : i32
      %add3A_289 = arith.constant 32 : i32
      %add3A_290 = arith.addi %mul3A_288, %add3A_289 : i32
      %get3A_291 = arith.index_cast %add3A_290 : i32 to index
      %get3A_292 = tpu.vector_load %arg7[%get3A_291] {strides = array<i32>} : memref<10000xi32, #tpu.memory_space<vmem>>, vector<16xi32>,
      %swap3A_293 = arith.constant 32 : index
      %swap3A_294 = tpu.vector_load %arg9[%swap3A_293] {strides = array<i32>} : memref<80xi32, #tpu.memory_space<vmem>>, vector<16xi32>,
      tpu.vector_store %arg9[%swap3A_293], %get3A_292 {strides = array<i32>} : memref<80xi32, #tpu.memory_space<vmem>>, vector<16xi32>,
      %mul3A_295 = arith.constant 80 : i32
      %mul3A_296 = arith.muli %add3A_246, %mul3A_295 : i32
      %add3A_297 = arith.constant 48 : i32
      %add3A_298 = arith.addi %mul3A_296, %add3A_297 : i32
      %get3A_299 = arith.index_cast %add3A_298 : i32 to index
      %get3A_300 = tpu.vector_load %arg6[%get3A_299] {strides = array<i32>} : memref<10000xi32, #tpu.memory_space<vmem>>, vector<16xi32>,
      %swap3A_301 = arith.constant 48 : index
      %swap3A_302 = tpu.vector_load %arg8[%swap3A_301] {strides = array<i32>} : memref<80xi32, #tpu.memory_space<vmem>>, vector<16xi32>,
      tpu.vector_store %arg8[%swap3A_301], %get3A_300 {strides = array<i32>} : memref<80xi32, #tpu.memory_space<vmem>>, vector<16xi32>,
      %mul3A_303 = arith.constant 80 : i32
      %mul3A_304 = arith.muli %add3A_246, %mul3A_303 : i32
      %add3A_305 = arith.constant 48 : i32
      %add3A_306 = arith.addi %mul3A_304, %add3A_305 : i32
      %get3A_307 = arith.index_cast %add3A_306 : i32 to index
      %get3A_308 = tpu.vector_load %arg7[%get3A_307] {strides = array<i32>} : memref<10000xi32, #tpu.memory_space<vmem>>, vector<16xi32>,
      %swap3A_309 = arith.constant 48 : index
      %swap3A_310 = tpu.vector_load %arg9[%swap3A_309] {strides = array<i32>} : memref<80xi32, #tpu.memory_space<vmem>>, vector<16xi32>,
      tpu.vector_store %arg9[%swap3A_309], %get3A_308 {strides = array<i32>} : memref<80xi32, #tpu.memory_space<vmem>>, vector<16xi32>,
      %mul3A_311 = arith.constant 80 : i32
      %mul3A_312 = arith.muli %add3A_246, %mul3A_311 : i32
      %add3A_313 = arith.constant 64 : i32
      %add3A_314 = arith.addi %mul3A_312, %add3A_313 : i32
      %get3A_315 = arith.index_cast %add3A_314 : i32 to index
      %get3A_316 = tpu.vector_load %arg6[%get3A_315] {strides = array<i32>} : memref<10000xi32, #tpu.memory_space<vmem>>, vector<16xi32>,
      %swap3A_317 = arith.constant 64 : index
      %swap3A_318 = tpu.vector_load %arg8[%swap3A_317] {strides = array<i32>} : memref<80xi32, #tpu.memory_space<vmem>>, vector<16xi32>,
      tpu.vector_store %arg8[%swap3A_317], %get3A_316 {strides = array<i32>} : memref<80xi32, #tpu.memory_space<vmem>>, vector<16xi32>,
      %mul3A_319 = arith.constant 80 : i32
      %mul3A_320 = arith.muli %add3A_246, %mul3A_319 : i32
      %add3A_321 = arith.constant 64 : i32
      %add3A_322 = arith.addi %mul3A_320, %add3A_321 : i32
      %get3A_323 = arith.index_cast %add3A_322 : i32 to index
      %get3A_324 = tpu.vector_load %arg7[%get3A_323] {strides = array<i32>} : memref<10000xi32, #tpu.memory_space<vmem>>, vector<16xi32>,
      %swap3A_325 = arith.constant 64 : index
      %swap3A_326 = tpu.vector_load %arg9[%swap3A_325] {strides = array<i32>} : memref<80xi32, #tpu.memory_space<vmem>>, vector<16xi32>,
      tpu.vector_store %arg9[%swap3A_325], %get3A_324 {strides = array<i32>} : memref<80xi32, #tpu.memory_space<vmem>>, vector<16xi32>,
      %dma_start3A_327 = arith.constant 0 : i32
      %dma_start3A_328 = arith.constant 0 : i32
      %dma_start3A_329 = tpu.memref_slice %arg2[%dma_start3A_327, %dma_start3A_328] : memref<10240x128xf32, #tpu.memory_space<hbm>> -> memref<10240x128xf32, #tpu.memory_space<hbm>>
      tpu.enqueue_indirect_dma source(%dma_start3A_329 : memref<10240x128xf32, #tpu.memory_space<hbm>>) target(%arg12 : memref<80x128xf32, #tpu.memory_space<vmem>>) offsets(%arg8 : memref<80xi32, #tpu.memory_space<vmem>>) semaphore(%arg15 : memref<!tpu.dma_semaphore, #tpu.memory_space<semaphore_mem>>)
      %dma_wait3A_330 = arith.constant 0 : i32
      %dma_wait3A_331 = arith.constant 0 : i32
      %dma_wait3A_332 = tpu.memref_slice %arg2[%dma_wait3A_330, %dma_wait3A_331] : memref<10240x128xf32, #tpu.memory_space<hbm>> -> memref<10240x128xf32, #tpu.memory_space<hbm>>
      tpu.wait_indirect_dma semaphore(%arg16 : memref<!tpu.dma_semaphore, #tpu.memory_space<semaphore_mem>>) src(%dma_wait3A_332 : memref<10240x128xf32, #tpu.memory_space<hbm>>) dst(%arg13 : memref<80x128xf32, #tpu.memory_space<vmem>>)
      "tpu.region"() ({
        %run_scoped3A = tpu.sem_alloc : memref<!tpu.dma_semaphore, #tpu.memory_space<semaphore_mem>>
        %dma_start3A_333 = arith.constant 0 : i32
        %dma_start3A_334 = arith.constant 0 : i32
        %dma_start3A_335 = tpu.memref_slice %arg14[%dma_start3A_333, %dma_start3A_334] : memref<10240x128xf32, #tpu.memory_space<vmem_shared>> -> memref<10240x128xf32, #tpu.memory_space<vmem_shared>>
        tpu.enqueue_indirect_dma source(%arg13 : memref<80x128xf32, #tpu.memory_space<vmem>>) target(%dma_start3A_335 : memref<10240x128xf32, #tpu.memory_space<vmem_shared>>) offsets(%arg11 : memref<80xi32, #tpu.memory_space<vmem>>) semaphore(%run_scoped3A : memref<!tpu.dma_semaphore, #tpu.memory_space<semaphore_mem>>) {add = true}
        %dma_wait3A_336 = arith.constant 0 : i32
        %dma_wait3A_337 = arith.constant 0 : i32
        %dma_wait3A_338 = tpu.memref_slice %arg14[%dma_wait3A_336, %dma_wait3A_337] : memref<10240x128xf32, #tpu.memory_space<vmem_shared>> -> memref<10240x128xf32, #tpu.memory_space<vmem_shared>>
        tpu.wait_indirect_dma semaphore(%run_scoped3A : memref<!tpu.dma_semaphore, #tpu.memory_space<semaphore_mem>>) src(%arg13 : memref<80x128xf32, #tpu.memory_space<vmem>>) dst(%dma_wait3A_338 : memref<10240x128xf32, #tpu.memory_space<vmem_shared>>)
        tpu.yield
      }) : () -> ()
    }
    %scan3A_86 = arith.constant 62 : i32
    %dma_wait3A = arith.constant 0 : i32
    %dma_wait3A_87 = arith.constant 0 : i32
    %dma_wait3A_88 = tpu.memref_slice %arg2[%dma_wait3A, %dma_wait3A_87] : memref<10240x128xf32, #tpu.memory_space<hbm>> -> memref<10240x128xf32, #tpu.memory_space<hbm>>
    tpu.wait_indirect_dma semaphore(%arg15 : memref<!tpu.dma_semaphore, #tpu.memory_space<semaphore_mem>>) src(%dma_wait3A_88 : memref<10240x128xf32, #tpu.memory_space<hbm>>) dst(%arg12 : memref<80x128xf32, #tpu.memory_space<vmem>>)
    "tpu.region"() ({
      %run_scoped3A = tpu.sem_alloc : memref<!tpu.dma_semaphore, #tpu.memory_space<semaphore_mem>>
      %dma_start3A_154 = arith.constant 0 : i32
      %dma_start3A_155 = arith.constant 0 : i32
      %dma_start3A_156 = tpu.memref_slice %arg14[%dma_start3A_154, %dma_start3A_155] : memref<10240x128xf32, #tpu.memory_space<vmem_shared>> -> memref<10240x128xf32, #tpu.memory_space<vmem_shared>>
      tpu.enqueue_indirect_dma source(%arg12 : memref<80x128xf32, #tpu.memory_space<vmem>>) target(%dma_start3A_156 : memref<10240x128xf32, #tpu.memory_space<vmem_shared>>) offsets(%arg9 : memref<80xi32, #tpu.memory_space<vmem>>) semaphore(%run_scoped3A : memref<!tpu.dma_semaphore, #tpu.memory_space<semaphore_mem>>) {add = true}
      %dma_wait3A_157 = arith.constant 0 : i32
      %dma_wait3A_158 = arith.constant 0 : i32
      %dma_wait3A_159 = tpu.memref_slice %arg14[%dma_wait3A_157, %dma_wait3A_158] : memref<10240x128xf32, #tpu.memory_space<vmem_shared>> -> memref<10240x128xf32, #tpu.memory_space<vmem_shared>>
      tpu.wait_indirect_dma semaphore(%run_scoped3A : memref<!tpu.dma_semaphore, #tpu.memory_space<semaphore_mem>>) src(%arg12 : memref<80x128xf32, #tpu.memory_space<vmem>>) dst(%dma_wait3A_159 : memref<10240x128xf32, #tpu.memory_space<vmem_shared>>)
      tpu.yield
    }) : () -> ()
    %barrier3A_89 = arith.constant 0 : index
    tpu.barrier barrier_id(%barrier3A_89)
    %mul3A_90 = arith.constant 640 : i32
    %mul3A_91 = arith.muli %arg1, %mul3A_90 : i32
    %add3A_92 = arith.constant 0 : i32
    %add3A_93 = arith.addi %mul3A_91, %add3A_92 : i32
    "tpu.region"() ({
      %run_scoped3A = tpu.sem_alloc : memref<!tpu.dma_semaphore, #tpu.memory_space<semaphore_mem>>
      %dma_start3A_154 = arith.constant 0 : i32
      %dma_start3A_155 = tpu.memref_slice %arg14[%add3A_93, %dma_start3A_154] : memref<10240x128xf32, #tpu.memory_space<vmem_shared>> -> memref<80x128xf32, #tpu.memory_space<vmem_shared>>
      %dma_start3A_156 = arith.constant 0 : i32
      %dma_start3A_157 = tpu.memref_slice %arg14[%add3A_93, %dma_start3A_156] : memref<10240x128xf32, #tpu.memory_space<vmem_shared>> -> memref<80x128xf32, #tpu.memory_space<vmem_shared>>
      tpu.enqueue_dma source(%dma_start3A_157 : memref<80x128xf32, #tpu.memory_space<vmem_shared>>) target(%arg12 : memref<80x128xf32, #tpu.memory_space<vmem>>) target_semaphore(%run_scoped3A : memref<!tpu.dma_semaphore, #tpu.memory_space<semaphore_mem>>)
      %dma_wait3A_158 = arith.constant 0 : i32
      %dma_wait3A_159 = tpu.memref_slice %arg14[%add3A_93, %dma_wait3A_158] : memref<10240x128xf32, #tpu.memory_space<vmem_shared>> -> memref<80x128xf32, #tpu.memory_space<vmem_shared>>
      %dma_wait3A_160 = arith.constant 0 : i32
      %dma_wait3A_161 = tpu.memref_slice %arg14[%add3A_93, %dma_wait3A_160] : memref<10240x128xf32, #tpu.memory_space<vmem_shared>> -> memref<80x128xf32, #tpu.memory_space<vmem_shared>>
      tpu.wait_dma2 semaphore(%run_scoped3A : memref<!tpu.dma_semaphore, #tpu.memory_space<semaphore_mem>>) src(%dma_wait3A_161 : memref<80x128xf32, #tpu.memory_space<vmem_shared>>) dst(%arg12 : memref<80x128xf32, #tpu.memory_space<vmem>>)
      tpu.yield
    }) : () -> ()
    %mul3A_94 = arith.constant 640 : i32
    %mul3A_95 = arith.muli %arg1, %mul3A_94 : i32
    %add3A_96 = arith.constant 0 : i32
    %add3A_97 = arith.addi %mul3A_95, %add3A_96 : i32
    "tpu.region"() ({
      %run_scoped3A = tpu.sem_alloc : memref<!tpu.dma_semaphore, #tpu.memory_space<semaphore_mem>>
      %dma_start3A_154 = arith.constant 0 : i32
      %dma_start3A_155 = tpu.memref_slice %arg5[%arg0, %add3A_97, %dma_start3A_154] : memref<2x10240x128xf32, #tpu.memory_space<hbm>> -> memref<1x80x128xf32, #tpu.memory_space<hbm>>
      %dma_start3A_156 = tpu.memref_squeeze %dma_start3A_155 : memref<1x80x128xf32, #tpu.memory_space<hbm>> -> memref<80x128xf32, #tpu.memory_space<hbm>>
      %dma_start3A_157 = arith.constant 0 : i32
      %dma_start3A_158 = tpu.memref_slice %arg5[%arg0, %add3A_97, %dma_start3A_157] : memref<2x10240x128xf32, #tpu.memory_space<hbm>> -> memref<1x80x128xf32, #tpu.memory_space<hbm>>
      %dma_start3A_159 = tpu.memref_squeeze %dma_start3A_158 : memref<1x80x128xf32, #tpu.memory_space<hbm>> -> memref<80x128xf32, #tpu.memory_space<hbm>>
      tpu.enqueue_dma source(%arg12 : memref<80x128xf32, #tpu.memory_space<vmem>>) target(%dma_start3A_159 : memref<80x128xf32, #tpu.memory_space<hbm>>) target_semaphore(%run_scoped3A : memref<!tpu.dma_semaphore, #tpu.memory_space<semaphore_mem>>)
      %dma_wait3A_160 = arith.constant 0 : i32
      %dma_wait3A_161 = tpu.memref_slice %arg5[%arg0, %add3A_97, %dma_wait3A_160] : memref<2x10240x128xf32, #tpu.memory_space<hbm>> -> memref<1x80x128xf32, #tpu.memory_space<hbm>>
      %dma_wait3A_162 = tpu.memref_squeeze %dma_wait3A_161 : memref<1x80x128xf32, #tpu.memory_space<hbm>> -> memref<80x128xf32, #tpu.memory_space<hbm>>
      %dma_wait3A_163 = arith.constant 0 : i32
      %dma_wait3A_164 = tpu.memref_slice %arg5[%arg0, %add3A_97, %dma_wait3A_163] : memref<2x10240x128xf32, #tpu.memory_space<hbm>> -> memref<1x80x128xf32, #tpu.memory_space<hbm>>
      %dma_wait3A_165 = tpu.memref_squeeze %dma_wait3A_164 : memref<1x80x128xf32, #tpu.memory_space<hbm>> -> memref<80x128xf32, #tpu.memory_space<hbm>>
      tpu.wait_dma2 semaphore(%run_scoped3A : memref<!tpu.dma_semaphore, #tpu.memory_space<semaphore_mem>>) src(%arg12 : memref<80x128xf32, #tpu.memory_space<vmem>>) dst(%dma_wait3A_165 : memref<80x128xf32, #tpu.memory_space<hbm>>)
      tpu.yield
    }) : () -> ()
    %mul3A_98 = arith.constant 640 : i32
    %mul3A_99 = arith.muli %arg1, %mul3A_98 : i32
    %add3A_100 = arith.constant 80 : i32
    %add3A_101 = arith.addi %mul3A_99, %add3A_100 : i32
    "tpu.region"() ({
      %run_scoped3A = tpu.sem_alloc : memref<!tpu.dma_semaphore, #tpu.memory_space<semaphore_mem>>
      %dma_start3A_154 = arith.constant 0 : i32
      %dma_start3A_155 = tpu.memref_slice %arg14[%add3A_101, %dma_start3A_154] : memref<10240x128xf32, #tpu.memory_space<vmem_shared>> -> memref<80x128xf32, #tpu.memory_space<vmem_shared>>
      %dma_start3A_156 = arith.constant 0 : i32
      %dma_start3A_157 = tpu.memref_slice %arg14[%add3A_101, %dma_start3A_156] : memref<10240x128xf32, #tpu.memory_space<vmem_shared>> -> memref<80x128xf32, #tpu.memory_space<vmem_shared>>
      tpu.enqueue_dma source(%dma_start3A_157 : memref<80x128xf32, #tpu.memory_space<vmem_shared>>) target(%arg12 : memref<80x128xf32, #tpu.memory_space<vmem>>) target_semaphore(%run_scoped3A : memref<!tpu.dma_semaphore, #tpu.memory_space<semaphore_mem>>)
      %dma_wait3A_158 = arith.constant 0 : i32
      %dma_wait3A_159 = tpu.memref_slice %arg14[%add3A_101, %dma_wait3A_158] : memref<10240x128xf32, #tpu.memory_space<vmem_shared>> -> memref<80x128xf32, #tpu.memory_space<vmem_shared>>
      %dma_wait3A_160 = arith.constant 0 : i32
      %dma_wait3A_161 = tpu.memref_slice %arg14[%add3A_101, %dma_wait3A_160] : memref<10240x128xf32, #tpu.memory_space<vmem_shared>> -> memref<80x128xf32, #tpu.memory_space<vmem_shared>>
      tpu.wait_dma2 semaphore(%run_scoped3A : memref<!tpu.dma_semaphore, #tpu.memory_space<semaphore_mem>>) src(%dma_wait3A_161 : memref<80x128xf32, #tpu.memory_space<vmem_shared>>) dst(%arg12 : memref<80x128xf32, #tpu.memory_space<vmem>>)
      tpu.yield
    }) : () -> ()
    %mul3A_102 = arith.constant 640 : i32
    %mul3A_103 = arith.muli %arg1, %mul3A_102 : i32
    %add3A_104 = arith.constant 80 : i32
    %add3A_105 = arith.addi %mul3A_103, %add3A_104 : i32
    "tpu.region"() ({
      %run_scoped3A = tpu.sem_alloc : memref<!tpu.dma_semaphore, #tpu.memory_space<semaphore_mem>>
      %dma_start3A_154 = arith.constant 0 : i32
      %dma_start3A_155 = tpu.memref_slice %arg5[%arg0, %add3A_105, %dma_start3A_154] : memref<2x10240x128xf32, #tpu.memory_space<hbm>> -> memref<1x80x128xf32, #tpu.memory_space<hbm>>
      %dma_start3A_156 = tpu.memref_squeeze %dma_start3A_155 : memref<1x80x128xf32, #tpu.memory_space<hbm>> -> memref<80x128xf32, #tpu.memory_space<hbm>>
      %dma_start3A_157 = arith.constant 0 : i32
      %dma_start3A_158 = tpu.memref_slice %arg5[%arg0, %add3A_105, %dma_start3A_157] : memref<2x10240x128xf32, #tpu.memory_space<hbm>> -> memref<1x80x128xf32, #tpu.memory_space<hbm>>
      %dma_start3A_159 = tpu.memref_squeeze %dma_start3A_158 : memref<1x80x128xf32, #tpu.memory_space<hbm>> -> memref<80x128xf32, #tpu.memory_space<hbm>>
      tpu.enqueue_dma source(%arg12 : memref<80x128xf32, #tpu.memory_space<vmem>>) target(%dma_start3A_159 : memref<80x128xf32, #tpu.memory_space<hbm>>) target_semaphore(%run_scoped3A : memref<!tpu.dma_semaphore, #tpu.memory_space<semaphore_mem>>)
      %dma_wait3A_160 = arith.constant 0 : i32
      %dma_wait3A_161 = tpu.memref_slice %arg5[%arg0, %add3A_105, %dma_wait3A_160] : memref<2x10240x128xf32, #tpu.memory_space<hbm>> -> memref<1x80x128xf32, #tpu.memory_space<hbm>>
      %dma_wait3A_162 = tpu.memref_squeeze %dma_wait3A_161 : memref<1x80x128xf32, #tpu.memory_space<hbm>> -> memref<80x128xf32, #tpu.memory_space<hbm>>
      %dma_wait3A_163 = arith.constant 0 : i32
      %dma_wait3A_164 = tpu.memref_slice %arg5[%arg0, %add3A_105, %dma_wait3A_163] : memref<2x10240x128xf32, #tpu.memory_space<hbm>> -> memref<1x80x128xf32, #tpu.memory_space<hbm>>
      %dma_wait3A_165 = tpu.memref_squeeze %dma_wait3A_164 : memref<1x80x128xf32, #tpu.memory_space<hbm>> -> memref<80x128xf32, #tpu.memory_space<hbm>>
      tpu.wait_dma2 semaphore(%run_scoped3A : memref<!tpu.dma_semaphore, #tpu.memory_space<semaphore_mem>>) src(%arg12 : memref<80x128xf32, #tpu.memory_space<vmem>>) dst(%dma_wait3A_165 : memref<80x128xf32, #tpu.memory_space<hbm>>)
      tpu.yield
    }) : () -> ()
    %mul3A_106 = arith.constant 640 : i32
    %mul3A_107 = arith.muli %arg1, %mul3A_106 : i32
    %add3A_108 = arith.constant 160 : i32
    %add3A_109 = arith.addi %mul3A_107, %add3A_108 : i32
    "tpu.region"() ({
      %run_scoped3A = tpu.sem_alloc : memref<!tpu.dma_semaphore, #tpu.memory_space<semaphore_mem>>
      %dma_start3A_154 = arith.constant 0 : i32
      %dma_start3A_155 = tpu.memref_slice %arg14[%add3A_109, %dma_start3A_154] : memref<10240x128xf32, #tpu.memory_space<vmem_shared>> -> memref<80x128xf32, #tpu.memory_space<vmem_shared>>
      %dma_start3A_156 = arith.constant 0 : i32
      %dma_start3A_157 = tpu.memref_slice %arg14[%add3A_109, %dma_start3A_156] : memref<10240x128xf32, #tpu.memory_space<vmem_shared>> -> memref<80x128xf32, #tpu.memory_space<vmem_shared>>
      tpu.enqueue_dma source(%dma_start3A_157 : memref<80x128xf32, #tpu.memory_space<vmem_shared>>) target(%arg12 : memref<80x128xf32, #tpu.memory_space<vmem>>) target_semaphore(%run_scoped3A : memref<!tpu.dma_semaphore, #tpu.memory_space<semaphore_mem>>)
      %dma_wait3A_158 = arith.constant 0 : i32
      %dma_wait3A_159 = tpu.memref_slice %arg14[%add3A_109, %dma_wait3A_158] : memref<10240x128xf32, #tpu.memory_space<vmem_shared>> -> memref<80x128xf32, #tpu.memory_space<vmem_shared>>
      %dma_wait3A_160 = arith.constant 0 : i32
      %dma_wait3A_161 = tpu.memref_slice %arg14[%add3A_109, %dma_wait3A_160] : memref<10240x128xf32, #tpu.memory_space<vmem_shared>> -> memref<80x128xf32, #tpu.memory_space<vmem_shared>>
      tpu.wait_dma2 semaphore(%run_scoped3A : memref<!tpu.dma_semaphore, #tpu.memory_space<semaphore_mem>>) src(%dma_wait3A_161 : memref<80x128xf32, #tpu.memory_space<vmem_shared>>) dst(%arg12 : memref<80x128xf32, #tpu.memory_space<vmem>>)
      tpu.yield
    }) : () -> ()
    %mul3A_110 = arith.constant 640 : i32
    %mul3A_111 = arith.muli %arg1, %mul3A_110 : i32
    %add3A_112 = arith.constant 160 : i32
    %add3A_113 = arith.addi %mul3A_111, %add3A_112 : i32
    "tpu.region"() ({
      %run_scoped3A = tpu.sem_alloc : memref<!tpu.dma_semaphore, #tpu.memory_space<semaphore_mem>>
      %dma_start3A_154 = arith.constant 0 : i32
      %dma_start3A_155 = tpu.memref_slice %arg5[%arg0, %add3A_113, %dma_start3A_154] : memref<2x10240x128xf32, #tpu.memory_space<hbm>> -> memref<1x80x128xf32, #tpu.memory_space<hbm>>
      %dma_start3A_156 = tpu.memref_squeeze %dma_start3A_155 : memref<1x80x128xf32, #tpu.memory_space<hbm>> -> memref<80x128xf32, #tpu.memory_space<hbm>>
      %dma_start3A_157 = arith.constant 0 : i32
      %dma_start3A_158 = tpu.memref_slice %arg5[%arg0, %add3A_113, %dma_start3A_157] : memref<2x10240x128xf32, #tpu.memory_space<hbm>> -> memref<1x80x128xf32, #tpu.memory_space<hbm>>
      %dma_start3A_159 = tpu.memref_squeeze %dma_start3A_158 : memref<1x80x128xf32, #tpu.memory_space<hbm>> -> memref<80x128xf32, #tpu.memory_space<hbm>>
      tpu.enqueue_dma source(%arg12 : memref<80x128xf32, #tpu.memory_space<vmem>>) target(%dma_start3A_159 : memref<80x128xf32, #tpu.memory_space<hbm>>) target_semaphore(%run_scoped3A : memref<!tpu.dma_semaphore, #tpu.memory_space<semaphore_mem>>)
      %dma_wait3A_160 = arith.constant 0 : i32
      %dma_wait3A_161 = tpu.memref_slice %arg5[%arg0, %add3A_113, %dma_wait3A_160] : memref<2x10240x128xf32, #tpu.memory_space<hbm>> -> memref<1x80x128xf32, #tpu.memory_space<hbm>>
      %dma_wait3A_162 = tpu.memref_squeeze %dma_wait3A_161 : memref<1x80x128xf32, #tpu.memory_space<hbm>> -> memref<80x128xf32, #tpu.memory_space<hbm>>
      %dma_wait3A_163 = arith.constant 0 : i32
      %dma_wait3A_164 = tpu.memref_slice %arg5[%arg0, %add3A_113, %dma_wait3A_163] : memref<2x10240x128xf32, #tpu.memory_space<hbm>> -> memref<1x80x128xf32, #tpu.memory_space<hbm>>
      %dma_wait3A_165 = tpu.memref_squeeze %dma_wait3A_164 : memref<1x80x128xf32, #tpu.memory_space<hbm>> -> memref<80x128xf32, #tpu.memory_space<hbm>>
      tpu.wait_dma2 semaphore(%run_scoped3A : memref<!tpu.dma_semaphore, #tpu.memory_space<semaphore_mem>>) src(%arg12 : memref<80x128xf32, #tpu.memory_space<vmem>>) dst(%dma_wait3A_165 : memref<80x128xf32, #tpu.memory_space<hbm>>)
      tpu.yield
    }) : () -> ()
    %mul3A_114 = arith.constant 640 : i32
    %mul3A_115 = arith.muli %arg1, %mul3A_114 : i32
    %add3A_116 = arith.constant 240 : i32
    %add3A_117 = arith.addi %mul3A_115, %add3A_116 : i32
    "tpu.region"() ({
      %run_scoped3A = tpu.sem_alloc : memref<!tpu.dma_semaphore, #tpu.memory_space<semaphore_mem>>
      %dma_start3A_154 = arith.constant 0 : i32
      %dma_start3A_155 = tpu.memref_slice %arg14[%add3A_117, %dma_start3A_154] : memref<10240x128xf32, #tpu.memory_space<vmem_shared>> -> memref<80x128xf32, #tpu.memory_space<vmem_shared>>
      %dma_start3A_156 = arith.constant 0 : i32
      %dma_start3A_157 = tpu.memref_slice %arg14[%add3A_117, %dma_start3A_156] : memref<10240x128xf32, #tpu.memory_space<vmem_shared>> -> memref<80x128xf32, #tpu.memory_space<vmem_shared>>
      tpu.enqueue_dma source(%dma_start3A_157 : memref<80x128xf32, #tpu.memory_space<vmem_shared>>) target(%arg12 : memref<80x128xf32, #tpu.memory_space<vmem>>) target_semaphore(%run_scoped3A : memref<!tpu.dma_semaphore, #tpu.memory_space<semaphore_mem>>)
      %dma_wait3A_158 = arith.constant 0 : i32
      %dma_wait3A_159 = tpu.memref_slice %arg14[%add3A_117, %dma_wait3A_158] : memref<10240x128xf32, #tpu.memory_space<vmem_shared>> -> memref<80x128xf32, #tpu.memory_space<vmem_shared>>
      %dma_wait3A_160 = arith.constant 0 : i32
      %dma_wait3A_161 = tpu.memref_slice %arg14[%add3A_117, %dma_wait3A_160] : memref<10240x128xf32, #tpu.memory_space<vmem_shared>> -> memref<80x128xf32, #tpu.memory_space<vmem_shared>>
      tpu.wait_dma2 semaphore(%run_scoped3A : memref<!tpu.dma_semaphore, #tpu.memory_space<semaphore_mem>>) src(%dma_wait3A_161 : memref<80x128xf32, #tpu.memory_space<vmem_shared>>) dst(%arg12 : memref<80x128xf32, #tpu.memory_space<vmem>>)
      tpu.yield
    }) : () -> ()
    %mul3A_118 = arith.constant 640 : i32
    %mul3A_119 = arith.muli %arg1, %mul3A_118 : i32
    %add3A_120 = arith.constant 240 : i32
    %add3A_121 = arith.addi %mul3A_119, %add3A_120 : i32
    "tpu.region"() ({
      %run_scoped3A = tpu.sem_alloc : memref<!tpu.dma_semaphore, #tpu.memory_space<semaphore_mem>>
      %dma_start3A_154 = arith.constant 0 : i32
      %dma_start3A_155 = tpu.memref_slice %arg5[%arg0, %add3A_121, %dma_start3A_154] : memref<2x10240x128xf32, #tpu.memory_space<hbm>> -> memref<1x80x128xf32, #tpu.memory_space<hbm>>
      %dma_start3A_156 = tpu.memref_squeeze %dma_start3A_155 : memref<1x80x128xf32, #tpu.memory_space<hbm>> -> memref<80x128xf32, #tpu.memory_space<hbm>>
      %dma_start3A_157 = arith.constant 0 : i32
      %dma_start3A_158 = tpu.memref_slice %arg5[%arg0, %add3A_121, %dma_start3A_157] : memref<2x10240x128xf32, #tpu.memory_space<hbm>> -> memref<1x80x128xf32, #tpu.memory_space<hbm>>
      %dma_start3A_159 = tpu.memref_squeeze %dma_start3A_158 : memref<1x80x128xf32, #tpu.memory_space<hbm>> -> memref<80x128xf32, #tpu.memory_space<hbm>>
      tpu.enqueue_dma source(%arg12 : memref<80x128xf32, #tpu.memory_space<vmem>>) target(%dma_start3A_159 : memref<80x128xf32, #tpu.memory_space<hbm>>) target_semaphore(%run_scoped3A : memref<!tpu.dma_semaphore, #tpu.memory_space<semaphore_mem>>)
      %dma_wait3A_160 = arith.constant 0 : i32
      %dma_wait3A_161 = tpu.memref_slice %arg5[%arg0, %add3A_121, %dma_wait3A_160] : memref<2x10240x128xf32, #tpu.memory_space<hbm>> -> memref<1x80x128xf32, #tpu.memory_space<hbm>>
      %dma_wait3A_162 = tpu.memref_squeeze %dma_wait3A_161 : memref<1x80x128xf32, #tpu.memory_space<hbm>> -> memref<80x128xf32, #tpu.memory_space<hbm>>
      %dma_wait3A_163 = arith.constant 0 : i32
      %dma_wait3A_164 = tpu.memref_slice %arg5[%arg0, %add3A_121, %dma_wait3A_163] : memref<2x10240x128xf32, #tpu.memory_space<hbm>> -> memref<1x80x128xf32, #tpu.memory_space<hbm>>
      %dma_wait3A_165 = tpu.memref_squeeze %dma_wait3A_164 : memref<1x80x128xf32, #tpu.memory_space<hbm>> -> memref<80x128xf32, #tpu.memory_space<hbm>>
      tpu.wait_dma2 semaphore(%run_scoped3A : memref<!tpu.dma_semaphore, #tpu.memory_space<semaphore_mem>>) src(%arg12 : memref<80x128xf32, #tpu.memory_space<vmem>>) dst(%dma_wait3A_165 : memref<80x128xf32, #tpu.memory_space<hbm>>)
      tpu.yield
    }) : () -> ()
    %mul3A_122 = arith.constant 640 : i32
    %mul3A_123 = arith.muli %arg1, %mul3A_122 : i32
    %add3A_124 = arith.constant 320 : i32
    %add3A_125 = arith.addi %mul3A_123, %add3A_124 : i32
    "tpu.region"() ({
      %run_scoped3A = tpu.sem_alloc : memref<!tpu.dma_semaphore, #tpu.memory_space<semaphore_mem>>
      %dma_start3A_154 = arith.constant 0 : i32
      %dma_start3A_155 = tpu.memref_slice %arg14[%add3A_125, %dma_start3A_154] : memref<10240x128xf32, #tpu.memory_space<vmem_shared>> -> memref<80x128xf32, #tpu.memory_space<vmem_shared>>
      %dma_start3A_156 = arith.constant 0 : i32
      %dma_start3A_157 = tpu.memref_slice %arg14[%add3A_125, %dma_start3A_156] : memref<10240x128xf32, #tpu.memory_space<vmem_shared>> -> memref<80x128xf32, #tpu.memory_space<vmem_shared>>
      tpu.enqueue_dma source(%dma_start3A_157 : memref<80x128xf32, #tpu.memory_space<vmem_shared>>) target(%arg12 : memref<80x128xf32, #tpu.memory_space<vmem>>) target_semaphore(%run_scoped3A : memref<!tpu.dma_semaphore, #tpu.memory_space<semaphore_mem>>)
      %dma_wait3A_158 = arith.constant 0 : i32
      %dma_wait3A_159 = tpu.memref_slice %arg14[%add3A_125, %dma_wait3A_158] : memref<10240x128xf32, #tpu.memory_space<vmem_shared>> -> memref<80x128xf32, #tpu.memory_space<vmem_shared>>
      %dma_wait3A_160 = arith.constant 0 : i32
      %dma_wait3A_161 = tpu.memref_slice %arg14[%add3A_125, %dma_wait3A_160] : memref<10240x128xf32, #tpu.memory_space<vmem_shared>> -> memref<80x128xf32, #tpu.memory_space<vmem_shared>>
      tpu.wait_dma2 semaphore(%run_scoped3A : memref<!tpu.dma_semaphore, #tpu.memory_space<semaphore_mem>>) src(%dma_wait3A_161 : memref<80x128xf32, #tpu.memory_space<vmem_shared>>) dst(%arg12 : memref<80x128xf32, #tpu.memory_space<vmem>>)
      tpu.yield
    }) : () -> ()
    %mul3A_126 = arith.constant 640 : i32
    %mul3A_127 = arith.muli %arg1, %mul3A_126 : i32
    %add3A_128 = arith.constant 320 : i32
    %add3A_129 = arith.addi %mul3A_127, %add3A_128 : i32
    "tpu.region"() ({
      %run_scoped3A = tpu.sem_alloc : memref<!tpu.dma_semaphore, #tpu.memory_space<semaphore_mem>>
      %dma_start3A_154 = arith.constant 0 : i32
      %dma_start3A_155 = tpu.memref_slice %arg5[%arg0, %add3A_129, %dma_start3A_154] : memref<2x10240x128xf32, #tpu.memory_space<hbm>> -> memref<1x80x128xf32, #tpu.memory_space<hbm>>
      %dma_start3A_156 = tpu.memref_squeeze %dma_start3A_155 : memref<1x80x128xf32, #tpu.memory_space<hbm>> -> memref<80x128xf32, #tpu.memory_space<hbm>>
      %dma_start3A_157 = arith.constant 0 : i32
      %dma_start3A_158 = tpu.memref_slice %arg5[%arg0, %add3A_129, %dma_start3A_157] : memref<2x10240x128xf32, #tpu.memory_space<hbm>> -> memref<1x80x128xf32, #tpu.memory_space<hbm>>
      %dma_start3A_159 = tpu.memref_squeeze %dma_start3A_158 : memref<1x80x128xf32, #tpu.memory_space<hbm>> -> memref<80x128xf32, #tpu.memory_space<hbm>>
      tpu.enqueue_dma source(%arg12 : memref<80x128xf32, #tpu.memory_space<vmem>>) target(%dma_start3A_159 : memref<80x128xf32, #tpu.memory_space<hbm>>) target_semaphore(%run_scoped3A : memref<!tpu.dma_semaphore, #tpu.memory_space<semaphore_mem>>)
      %dma_wait3A_160 = arith.constant 0 : i32
      %dma_wait3A_161 = tpu.memref_slice %arg5[%arg0, %add3A_129, %dma_wait3A_160] : memref<2x10240x128xf32, #tpu.memory_space<hbm>> -> memref<1x80x128xf32, #tpu.memory_space<hbm>>
      %dma_wait3A_162 = tpu.memref_squeeze %dma_wait3A_161 : memref<1x80x128xf32, #tpu.memory_space<hbm>> -> memref<80x128xf32, #tpu.memory_space<hbm>>
      %dma_wait3A_163 = arith.constant 0 : i32
      %dma_wait3A_164 = tpu.memref_slice %arg5[%arg0, %add3A_129, %dma_wait3A_163] : memref<2x10240x128xf32, #tpu.memory_space<hbm>> -> memref<1x80x128xf32, #tpu.memory_space<hbm>>
      %dma_wait3A_165 = tpu.memref_squeeze %dma_wait3A_164 : memref<1x80x128xf32, #tpu.memory_space<hbm>> -> memref<80x128xf32, #tpu.memory_space<hbm>>
      tpu.wait_dma2 semaphore(%run_scoped3A : memref<!tpu.dma_semaphore, #tpu.memory_space<semaphore_mem>>) src(%arg12 : memref<80x128xf32, #tpu.memory_space<vmem>>) dst(%dma_wait3A_165 : memref<80x128xf32, #tpu.memory_space<hbm>>)
      tpu.yield
    }) : () -> ()
    %mul3A_130 = arith.constant 640 : i32
    %mul3A_131 = arith.muli %arg1, %mul3A_130 : i32
    %add3A_132 = arith.constant 400 : i32
    %add3A_133 = arith.addi %mul3A_131, %add3A_132 : i32
    "tpu.region"() ({
      %run_scoped3A = tpu.sem_alloc : memref<!tpu.dma_semaphore, #tpu.memory_space<semaphore_mem>>
      %dma_start3A_154 = arith.constant 0 : i32
      %dma_start3A_155 = tpu.memref_slice %arg14[%add3A_133, %dma_start3A_154] : memref<10240x128xf32, #tpu.memory_space<vmem_shared>> -> memref<80x128xf32, #tpu.memory_space<vmem_shared>>
      %dma_start3A_156 = arith.constant 0 : i32
      %dma_start3A_157 = tpu.memref_slice %arg14[%add3A_133, %dma_start3A_156] : memref<10240x128xf32, #tpu.memory_space<vmem_shared>> -> memref<80x128xf32, #tpu.memory_space<vmem_shared>>
      tpu.enqueue_dma source(%dma_start3A_157 : memref<80x128xf32, #tpu.memory_space<vmem_shared>>) target(%arg12 : memref<80x128xf32, #tpu.memory_space<vmem>>) target_semaphore(%run_scoped3A : memref<!tpu.dma_semaphore, #tpu.memory_space<semaphore_mem>>)
      %dma_wait3A_158 = arith.constant 0 : i32
      %dma_wait3A_159 = tpu.memref_slice %arg14[%add3A_133, %dma_wait3A_158] : memref<10240x128xf32, #tpu.memory_space<vmem_shared>> -> memref<80x128xf32, #tpu.memory_space<vmem_shared>>
      %dma_wait3A_160 = arith.constant 0 : i32
      %dma_wait3A_161 = tpu.memref_slice %arg14[%add3A_133, %dma_wait3A_160] : memref<10240x128xf32, #tpu.memory_space<vmem_shared>> -> memref<80x128xf32, #tpu.memory_space<vmem_shared>>
      tpu.wait_dma2 semaphore(%run_scoped3A : memref<!tpu.dma_semaphore, #tpu.memory_space<semaphore_mem>>) src(%dma_wait3A_161 : memref<80x128xf32, #tpu.memory_space<vmem_shared>>) dst(%arg12 : memref<80x128xf32, #tpu.memory_space<vmem>>)
      tpu.yield
    }) : () -> ()
    %mul3A_134 = arith.constant 640 : i32
    %mul3A_135 = arith.muli %arg1, %mul3A_134 : i32
    %add3A_136 = arith.constant 400 : i32
    %add3A_137 = arith.addi %mul3A_135, %add3A_136 : i32
    "tpu.region"() ({
      %run_scoped3A = tpu.sem_alloc : memref<!tpu.dma_semaphore, #tpu.memory_space<semaphore_mem>>
      %dma_start3A_154 = arith.constant 0 : i32
      %dma_start3A_155 = tpu.memref_slice %arg5[%arg0, %add3A_137, %dma_start3A_154] : memref<2x10240x128xf32, #tpu.memory_space<hbm>> -> memref<1x80x128xf32, #tpu.memory_space<hbm>>
      %dma_start3A_156 = tpu.memref_squeeze %dma_start3A_155 : memref<1x80x128xf32, #tpu.memory_space<hbm>> -> memref<80x128xf32, #tpu.memory_space<hbm>>
      %dma_start3A_157 = arith.constant 0 : i32
      %dma_start3A_158 = tpu.memref_slice %arg5[%arg0, %add3A_137, %dma_start3A_157] : memref<2x10240x128xf32, #tpu.memory_space<hbm>> -> memref<1x80x128xf32, #tpu.memory_space<hbm>>
      %dma_start3A_159 = tpu.memref_squeeze %dma_start3A_158 : memref<1x80x128xf32, #tpu.memory_space<hbm>> -> memref<80x128xf32, #tpu.memory_space<hbm>>
      tpu.enqueue_dma source(%arg12 : memref<80x128xf32, #tpu.memory_space<vmem>>) target(%dma_start3A_159 : memref<80x128xf32, #tpu.memory_space<hbm>>) target_semaphore(%run_scoped3A : memref<!tpu.dma_semaphore, #tpu.memory_space<semaphore_mem>>)
      %dma_wait3A_160 = arith.constant 0 : i32
      %dma_wait3A_161 = tpu.memref_slice %arg5[%arg0, %add3A_137, %dma_wait3A_160] : memref<2x10240x128xf32, #tpu.memory_space<hbm>> -> memref<1x80x128xf32, #tpu.memory_space<hbm>>
      %dma_wait3A_162 = tpu.memref_squeeze %dma_wait3A_161 : memref<1x80x128xf32, #tpu.memory_space<hbm>> -> memref<80x128xf32, #tpu.memory_space<hbm>>
      %dma_wait3A_163 = arith.constant 0 : i32
      %dma_wait3A_164 = tpu.memref_slice %arg5[%arg0, %add3A_137, %dma_wait3A_163] : memref<2x10240x128xf32, #tpu.memory_space<hbm>> -> memref<1x80x128xf32, #tpu.memory_space<hbm>>
      %dma_wait3A_165 = tpu.memref_squeeze %dma_wait3A_164 : memref<1x80x128xf32, #tpu.memory_space<hbm>> -> memref<80x128xf32, #tpu.memory_space<hbm>>
      tpu.wait_dma2 semaphore(%run_scoped3A : memref<!tpu.dma_semaphore, #tpu.memory_space<semaphore_mem>>) src(%arg12 : memref<80x128xf32, #tpu.memory_space<vmem>>) dst(%dma_wait3A_165 : memref<80x128xf32, #tpu.memory_space<hbm>>)
      tpu.yield
    }) : () -> ()
    %mul3A_138 = arith.constant 640 : i32
    %mul3A_139 = arith.muli %arg1, %mul3A_138 : i32
    %add3A_140 = arith.constant 480 : i32
    %add3A_141 = arith.addi %mul3A_139, %add3A_140 : i32
    "tpu.region"() ({
      %run_scoped3A = tpu.sem_alloc : memref<!tpu.dma_semaphore, #tpu.memory_space<semaphore_mem>>
      %dma_start3A_154 = arith.constant 0 : i32
      %dma_start3A_155 = tpu.memref_slice %arg14[%add3A_141, %dma_start3A_154] : memref<10240x128xf32, #tpu.memory_space<vmem_shared>> -> memref<80x128xf32, #tpu.memory_space<vmem_shared>>
      %dma_start3A_156 = arith.constant 0 : i32
      %dma_start3A_157 = tpu.memref_slice %arg14[%add3A_141, %dma_start3A_156] : memref<10240x128xf32, #tpu.memory_space<vmem_shared>> -> memref<80x128xf32, #tpu.memory_space<vmem_shared>>
      tpu.enqueue_dma source(%dma_start3A_157 : memref<80x128xf32, #tpu.memory_space<vmem_shared>>) target(%arg12 : memref<80x128xf32, #tpu.memory_space<vmem>>) target_semaphore(%run_scoped3A : memref<!tpu.dma_semaphore, #tpu.memory_space<semaphore_mem>>)
      %dma_wait3A_158 = arith.constant 0 : i32
      %dma_wait3A_159 = tpu.memref_slice %arg14[%add3A_141, %dma_wait3A_158] : memref<10240x128xf32, #tpu.memory_space<vmem_shared>> -> memref<80x128xf32, #tpu.memory_space<vmem_shared>>
      %dma_wait3A_160 = arith.constant 0 : i32
      %dma_wait3A_161 = tpu.memref_slice %arg14[%add3A_141, %dma_wait3A_160] : memref<10240x128xf32, #tpu.memory_space<vmem_shared>> -> memref<80x128xf32, #tpu.memory_space<vmem_shared>>
      tpu.wait_dma2 semaphore(%run_scoped3A : memref<!tpu.dma_semaphore, #tpu.memory_space<semaphore_mem>>) src(%dma_wait3A_161 : memref<80x128xf32, #tpu.memory_space<vmem_shared>>) dst(%arg12 : memref<80x128xf32, #tpu.memory_space<vmem>>)
      tpu.yield
    }) : () -> ()
    %mul3A_142 = arith.constant 640 : i32
    %mul3A_143 = arith.muli %arg1, %mul3A_142 : i32
    %add3A_144 = arith.constant 480 : i32
    %add3A_145 = arith.addi %mul3A_143, %add3A_144 : i32
    "tpu.region"() ({
      %run_scoped3A = tpu.sem_alloc : memref<!tpu.dma_semaphore, #tpu.memory_space<semaphore_mem>>
      %dma_start3A_154 = arith.constant 0 : i32
      %dma_start3A_155 = tpu.memref_slice %arg5[%arg0, %add3A_145, %dma_start3A_154] : memref<2x10240x128xf32, #tpu.memory_space<hbm>> -> memref<1x80x128xf32, #tpu.memory_space<hbm>>
      %dma_start3A_156 = tpu.memref_squeeze %dma_start3A_155 : memref<1x80x128xf32, #tpu.memory_space<hbm>> -> memref<80x128xf32, #tpu.memory_space<hbm>>
      %dma_start3A_157 = arith.constant 0 : i32
      %dma_start3A_158 = tpu.memref_slice %arg5[%arg0, %add3A_145, %dma_start3A_157] : memref<2x10240x128xf32, #tpu.memory_space<hbm>> -> memref<1x80x128xf32, #tpu.memory_space<hbm>>
      %dma_start3A_159 = tpu.memref_squeeze %dma_start3A_158 : memref<1x80x128xf32, #tpu.memory_space<hbm>> -> memref<80x128xf32, #tpu.memory_space<hbm>>
      tpu.enqueue_dma source(%arg12 : memref<80x128xf32, #tpu.memory_space<vmem>>) target(%dma_start3A_159 : memref<80x128xf32, #tpu.memory_space<hbm>>) target_semaphore(%run_scoped3A : memref<!tpu.dma_semaphore, #tpu.memory_space<semaphore_mem>>)
      %dma_wait3A_160 = arith.constant 0 : i32
      %dma_wait3A_161 = tpu.memref_slice %arg5[%arg0, %add3A_145, %dma_wait3A_160] : memref<2x10240x128xf32, #tpu.memory_space<hbm>> -> memref<1x80x128xf32, #tpu.memory_space<hbm>>
      %dma_wait3A_162 = tpu.memref_squeeze %dma_wait3A_161 : memref<1x80x128xf32, #tpu.memory_space<hbm>> -> memref<80x128xf32, #tpu.memory_space<hbm>>
      %dma_wait3A_163 = arith.constant 0 : i32
      %dma_wait3A_164 = tpu.memref_slice %arg5[%arg0, %add3A_145, %dma_wait3A_163] : memref<2x10240x128xf32, #tpu.memory_space<hbm>> -> memref<1x80x128xf32, #tpu.memory_space<hbm>>
      %dma_wait3A_165 = tpu.memref_squeeze %dma_wait3A_164 : memref<1x80x128xf32, #tpu.memory_space<hbm>> -> memref<80x128xf32, #tpu.memory_space<hbm>>
      tpu.wait_dma2 semaphore(%run_scoped3A : memref<!tpu.dma_semaphore, #tpu.memory_space<semaphore_mem>>) src(%arg12 : memref<80x128xf32, #tpu.memory_space<vmem>>) dst(%dma_wait3A_165 : memref<80x128xf32, #tpu.memory_space<hbm>>)
      tpu.yield
    }) : () -> ()
    %mul3A_146 = arith.constant 640 : i32
    %mul3A_147 = arith.muli %arg1, %mul3A_146 : i32
    %add3A_148 = arith.constant 560 : i32
    %add3A_149 = arith.addi %mul3A_147, %add3A_148 : i32
    "tpu.region"() ({
      %run_scoped3A = tpu.sem_alloc : memref<!tpu.dma_semaphore, #tpu.memory_space<semaphore_mem>>
      %dma_start3A_154 = arith.constant 0 : i32
      %dma_start3A_155 = tpu.memref_slice %arg14[%add3A_149, %dma_start3A_154] : memref<10240x128xf32, #tpu.memory_space<vmem_shared>> -> memref<80x128xf32, #tpu.memory_space<vmem_shared>>
      %dma_start3A_156 = arith.constant 0 : i32
      %dma_start3A_157 = tpu.memref_slice %arg14[%add3A_149, %dma_start3A_156] : memref<10240x128xf32, #tpu.memory_space<vmem_shared>> -> memref<80x128xf32, #tpu.memory_space<vmem_shared>>
      tpu.enqueue_dma source(%dma_start3A_157 : memref<80x128xf32, #tpu.memory_space<vmem_shared>>) target(%arg12 : memref<80x128xf32, #tpu.memory_space<vmem>>) target_semaphore(%run_scoped3A : memref<!tpu.dma_semaphore, #tpu.memory_space<semaphore_mem>>)
      %dma_wait3A_158 = arith.constant 0 : i32
      %dma_wait3A_159 = tpu.memref_slice %arg14[%add3A_149, %dma_wait3A_158] : memref<10240x128xf32, #tpu.memory_space<vmem_shared>> -> memref<80x128xf32, #tpu.memory_space<vmem_shared>>
      %dma_wait3A_160 = arith.constant 0 : i32
      %dma_wait3A_161 = tpu.memref_slice %arg14[%add3A_149, %dma_wait3A_160] : memref<10240x128xf32, #tpu.memory_space<vmem_shared>> -> memref<80x128xf32, #tpu.memory_space<vmem_shared>>
      tpu.wait_dma2 semaphore(%run_scoped3A : memref<!tpu.dma_semaphore, #tpu.memory_space<semaphore_mem>>) src(%dma_wait3A_161 : memref<80x128xf32, #tpu.memory_space<vmem_shared>>) dst(%arg12 : memref<80x128xf32, #tpu.memory_space<vmem>>)
      tpu.yield
    }) : () -> ()
    %mul3A_150 = arith.constant 640 : i32
    %mul3A_151 = arith.muli %arg1, %mul3A_150 : i32
    %add3A_152 = arith.constant 560 : i32
    %add3A_153 = arith.addi %mul3A_151, %add3A_152 : i32
    "tpu.region"() ({
      %run_scoped3A = tpu.sem_alloc : memref<!tpu.dma_semaphore, #tpu.memory_space<semaphore_mem>>
      %dma_start3A_154 = arith.constant 0 : i32
      %dma_start3A_155 = tpu.memref_slice %arg5[%arg0, %add3A_153, %dma_start3A_154] : memref<2x10240x128xf32, #tpu.memory_space<hbm>> -> memref<1x80x128xf32, #tpu.memory_space<hbm>>
      %dma_start3A_156 = tpu.memref_squeeze %dma_start3A_155 : memref<1x80x128xf32, #tpu.memory_space<hbm>> -> memref<80x128xf32, #tpu.memory_space<hbm>>
      %dma_start3A_157 = arith.constant 0 : i32
      %dma_start3A_158 = tpu.memref_slice %arg5[%arg0, %add3A_153, %dma_start3A_157] : memref<2x10240x128xf32, #tpu.memory_space<hbm>> -> memref<1x80x128xf32, #tpu.memory_space<hbm>>
      %dma_start3A_159 = tpu.memref_squeeze %dma_start3A_158 : memref<1x80x128xf32, #tpu.memory_space<hbm>> -> memref<80x128xf32, #tpu.memory_space<hbm>>
      tpu.enqueue_dma source(%arg12 : memref<80x128xf32, #tpu.memory_space<vmem>>) target(%dma_start3A_159 : memref<80x128xf32, #tpu.memory_space<hbm>>) target_semaphore(%run_scoped3A : memref<!tpu.dma_semaphore, #tpu.memory_space<semaphore_mem>>)
      %dma_wait3A_160 = arith.constant 0 : i32
      %dma_wait3A_161 = tpu.memref_slice %arg5[%arg0, %add3A_153, %dma_wait3A_160] : memref<2x10240x128xf32, #tpu.memory_space<hbm>> -> memref<1x80x128xf32, #tpu.memory_space<hbm>>
      %dma_wait3A_162 = tpu.memref_squeeze %dma_wait3A_161 : memref<1x80x128xf32, #tpu.memory_space<hbm>> -> memref<80x128xf32, #tpu.memory_space<hbm>>
      %dma_wait3A_163 = arith.constant 0 : i32
      %dma_wait3A_164 = tpu.memref_slice %arg5[%arg0, %add3A_153, %dma_wait3A_163] : memref<2x10240x128xf32, #tpu.memory_space<hbm>> -> memref<1x80x128xf32, #tpu.memory_space<hbm>>
      %dma_wait3A_165 = tpu.memref_squeeze %dma_wait3A_164 : memref<1x80x128xf32, #tpu.memory_space<hbm>> -> memref<80x128xf32, #tpu.memory_space<hbm>>
      tpu.wait_dma2 semaphore(%run_scoped3A : memref<!tpu.dma_semaphore, #tpu.memory_space<semaphore_mem>>) src(%arg12 : memref<80x128xf32, #tpu.memory_space<vmem>>) dst(%dma_wait3A_165 : memref<80x128xf32, #tpu.memory_space<hbm>>)
      tpu.yield
    }) : () -> ()
    return
  }
}

#map = affine_map<(d0, d1) -> (0, 0)>
#map1 = affine_map<(d0, d1) -> (0)>
#map2 = affine_map<(d0, d1) -> (0, 0, 0)>
module attributes {stable_mosaic.version = 14 : i64} {
  func.func @_agg_body(%arg0: i32, %arg1: i32, %arg2: memref<10240x128xf32, #tpu.memory_space<hbm>>, %arg3: memref<320000xi32, #tpu.memory_space<hbm>>, %arg4: memref<320000xi32, #tpu.memory_space<hbm>>, %arg5: memref<2x10240x128xf32, #tpu.memory_space<hbm>>, %arg6: memref<10000xi32, #tpu.memory_space<vmem>>, %arg7: memref<10000xi32, #tpu.memory_space<vmem>>, %arg8: memref<80xi32, #tpu.memory_space<vmem>>, %arg9: memref<80xi32, #tpu.memory_space<vmem>>, %arg10: memref<80xi32, #tpu.memory_space<vmem>>, %arg11: memref<80xi32, #tpu.memory_space<vmem>>, %arg12: memref<80x128xf32, #tpu.memory_space<vmem>>, %arg13: memref<80x128xf32, #tpu.memory_space<vmem>>, %arg14: memref<10240x128xf32, #tpu.memory_space<vmem_shared>>, %arg15: memref<!tpu.dma_semaphore, #tpu.memory_space<semaphore_mem>>, %arg16: memref<!tpu.dma_semaphore, #tpu.memory_space<semaphore_mem>>) attributes {dimension_semantics = [#tpu.dimension_semantics<core_parallel>, #tpu.dimension_semantics<subcore_parallel>], iteration_bounds = array<i64: 2, 16>, scalar_prefetch = 0 : i64, scratch_operands = 11 : i64, tpu.core_type = #tpu.core_type<sc_vector_subcore>, window_params = [{transform_indices = #map}, {transform_indices = #map1}, {transform_indices = #map1}, {transform_indices = #map2}]} {
    %mul3A = arith.constant 16 : i32
    %mul3A_0 = arith.muli %arg0, %mul3A : i32
    %add3A = arith.addi %mul3A_0, %arg1 : i32
    %mul3A_1 = arith.constant 10000 : i32
    %mul3A_2 = arith.muli %add3A, %mul3A_1 : i32
    %broadcast_in_dim3A = arith.constant 0.000000e+00 : f32
    %broadcast_in_dim3A_3 = vector.broadcast %broadcast_in_dim3A : f32 to vector<16xf32>
    %scan3A = arith.constant 0 : i32
    %scan3A_4 = arith.constant 0 : i32
    %scan3A_5 = arith.constant 640 : i32
    %scan3A_6 = arith.addi %scan3A_4, %scan3A_5 : i32
    %scan3A_7 = arith.constant 1 : i32
    scf.for %scan3A_154 = %scan3A_4 to %scan3A_6 step %scan3A_7  : i32 {
      %jit3A = arith.constant 8 : i32
      %div3A = arith.divsi %scan3A_154, %jit3A : i32
      %sign3A = arith.constant 0 : i32
      %sign3A_155 = arith.cmpi sgt, %scan3A_154, %sign3A : i32
      %sign3A_156 = arith.extui %sign3A_155 : i1 to i32
      %sign3A_157 = arith.constant 0 : i32
      %sign3A_158 = arith.cmpi slt, %scan3A_154, %sign3A_157 : i32
      %sign3A_159 = arith.extui %sign3A_158 : i1 to i32
      %sign3A_160 = arith.subi %sign3A_156, %sign3A_159 : i32
      %sign3A_161 = arith.constant 0 : i32
      %sign3A_162 = arith.cmpi sgt, %jit3A, %sign3A_161 : i32
      %sign3A_163 = arith.extui %sign3A_162 : i1 to i32
      %sign3A_164 = arith.constant 0 : i32
      %sign3A_165 = arith.cmpi slt, %jit3A, %sign3A_164 : i32
      %sign3A_166 = arith.extui %sign3A_165 : i1 to i32
      %sign3A_167 = arith.subi %sign3A_163, %sign3A_166 : i32
      %ne3A = arith.cmpi ne, %sign3A_160, %sign3A_167 : i32
      %rem3A = arith.remsi %scan3A_154, %jit3A : i32
      %ne3A_168 = arith.constant 0 : i32
      %ne3A_169 = arith.cmpi ne, %rem3A, %ne3A_168 : i32
      %and3A = arith.andi %ne3A, %ne3A_169 : i1
      %sub3A = arith.constant 1 : i32
      %sub3A_170 = arith.subi %div3A, %sub3A : i32
      %select_n3A = arith.select %and3A, %sub3A_170, %div3A : i32
      %jit3A_171 = arith.constant 8 : i32
      %eq3A = arith.constant 0 : i32
      %eq3A_172 = arith.cmpi eq, %jit3A_171, %eq3A : i32
      %jit3A_173 = arith.constant 1 : i32
      %select_n3A_174 = arith.select %eq3A_172, %jit3A_173, %jit3A_171 : i32
      %rem3A_175 = arith.remsi %scan3A_154, %select_n3A_174 : i32
      %ne3A_176 = arith.constant 0 : i32
      %ne3A_177 = arith.cmpi ne, %rem3A_175, %ne3A_176 : i32
      %lt3A = arith.constant 0 : i32
      %lt3A_178 = arith.cmpi slt, %rem3A_175, %lt3A : i32
      %lt3A_179 = arith.constant 0 : i32
      %lt3A_180 = arith.cmpi slt, %select_n3A_174, %lt3A_179 : i32
      %ne3A_181 = arith.xori %lt3A_178, %lt3A_180 : i1
      %and3A_182 = arith.andi %ne3A_181, %ne3A_177 : i1
      %add3A_183 = arith.addi %rem3A_175, %select_n3A_174 : i32
      %select_n3A_184 = arith.select %and3A_182, %add3A_183, %rem3A_175 : i32
      %mul3A_185 = arith.constant 16 : i32
      %mul3A_186 = arith.muli %select_n3A_184, %mul3A_185 : i32
      %swap3A_187 = arith.index_cast %select_n3A : i32 to index
      %swap3A_188 = arith.index_cast %mul3A_186 : i32 to index
      %swap3A_189 = tpu.vector_load %arg12[%swap3A_187, %swap3A_188] {strides = array<i32>} : memref<80x128xf32, #tpu.memory_space<vmem>>, vector<16xf32>,
      tpu.vector_store %arg12[%swap3A_187, %swap3A_188], %broadcast_in_dim3A_3 {strides = array<i32>} : memref<80x128xf32, #tpu.memory_space<vmem>>, vector<16xf32>,
    }
    %scan3A_8 = arith.constant 640 : i32
    %mul3A_9 = arith.constant 640 : i32
    %mul3A_10 = arith.muli %arg1, %mul3A_9 : i32
    %add3A_11 = arith.constant 0 : i32
    %add3A_12 = arith.addi %mul3A_10, %add3A_11 : i32
    "tpu.region"() ({
      %run_scoped3A = tpu.sem_alloc : memref<!tpu.dma_semaphore, #tpu.memory_space<semaphore_mem>>
      %dma_start3A_154 = arith.constant 0 : i32
      %dma_start3A_155 = tpu.memref_slice %arg14[%add3A_12, %dma_start3A_154] : memref<10240x128xf32, #tpu.memory_space<vmem_shared>> -> memref<80x128xf32, #tpu.memory_space<vmem_shared>>
      %dma_start3A_156 = arith.constant 0 : i32
      %dma_start3A_157 = tpu.memref_slice %arg14[%add3A_12, %dma_start3A_156] : memref<10240x128xf32, #tpu.memory_space<vmem_shared>> -> memref<80x128xf32, #tpu.memory_space<vmem_shared>>
      tpu.enqueue_dma source(%arg12 : memref<80x128xf32, #tpu.memory_space<vmem>>) target(%dma_start3A_157 : memref<80x128xf32, #tpu.memory_space<vmem_shared>>) target_semaphore(%run_scoped3A : memref<!tpu.dma_semaphore, #tpu.memory_space<semaphore_mem>>)
      %dma_wait3A_158 = arith.constant 0 : i32
      %dma_wait3A_159 = tpu.memref_slice %arg14[%add3A_12, %dma_wait3A_158] : memref<10240x128xf32, #tpu.memory_space<vmem_shared>> -> memref<80x128xf32, #tpu.memory_space<vmem_shared>>
      %dma_wait3A_160 = arith.constant 0 : i32
      %dma_wait3A_161 = tpu.memref_slice %arg14[%add3A_12, %dma_wait3A_160] : memref<10240x128xf32, #tpu.memory_space<vmem_shared>> -> memref<80x128xf32, #tpu.memory_space<vmem_shared>>
      tpu.wait_dma2 semaphore(%run_scoped3A : memref<!tpu.dma_semaphore, #tpu.memory_space<semaphore_mem>>) src(%arg12 : memref<80x128xf32, #tpu.memory_space<vmem>>) dst(%dma_wait3A_161 : memref<80x128xf32, #tpu.memory_space<vmem_shared>>)
      tpu.yield
    }) : () -> ()
    %mul3A_13 = arith.constant 640 : i32
    %mul3A_14 = arith.muli %arg1, %mul3A_13 : i32
    %add3A_15 = arith.constant 80 : i32
    %add3A_16 = arith.addi %mul3A_14, %add3A_15 : i32
    "tpu.region"() ({
      %run_scoped3A = tpu.sem_alloc : memref<!tpu.dma_semaphore, #tpu.memory_space<semaphore_mem>>
      %dma_start3A_154 = arith.constant 0 : i32
      %dma_start3A_155 = tpu.memref_slice %arg14[%add3A_16, %dma_start3A_154] : memref<10240x128xf32, #tpu.memory_space<vmem_shared>> -> memref<80x128xf32, #tpu.memory_space<vmem_shared>>
      %dma_start3A_156 = arith.constant 0 : i32
      %dma_start3A_157 = tpu.memref_slice %arg14[%add3A_16, %dma_start3A_156] : memref<10240x128xf32, #tpu.memory_space<vmem_shared>> -> memref<80x128xf32, #tpu.memory_space<vmem_shared>>
      tpu.enqueue_dma source(%arg12 : memref<80x128xf32, #tpu.memory_space<vmem>>) target(%dma_start3A_157 : memref<80x128xf32, #tpu.memory_space<vmem_shared>>) target_semaphore(%run_scoped3A : memref<!tpu.dma_semaphore, #tpu.memory_space<semaphore_mem>>)
      %dma_wait3A_158 = arith.constant 0 : i32
      %dma_wait3A_159 = tpu.memref_slice %arg14[%add3A_16, %dma_wait3A_158] : memref<10240x128xf32, #tpu.memory_space<vmem_shared>> -> memref<80x128xf32, #tpu.memory_space<vmem_shared>>
      %dma_wait3A_160 = arith.constant 0 : i32
      %dma_wait3A_161 = tpu.memref_slice %arg14[%add3A_16, %dma_wait3A_160] : memref<10240x128xf32, #tpu.memory_space<vmem_shared>> -> memref<80x128xf32, #tpu.memory_space<vmem_shared>>
      tpu.wait_dma2 semaphore(%run_scoped3A : memref<!tpu.dma_semaphore, #tpu.memory_space<semaphore_mem>>) src(%arg12 : memref<80x128xf32, #tpu.memory_space<vmem>>) dst(%dma_wait3A_161 : memref<80x128xf32, #tpu.memory_space<vmem_shared>>)
      tpu.yield
    }) : () -> ()
    %mul3A_17 = arith.constant 640 : i32
    %mul3A_18 = arith.muli %arg1, %mul3A_17 : i32
    %add3A_19 = arith.constant 160 : i32
    %add3A_20 = arith.addi %mul3A_18, %add3A_19 : i32
    "tpu.region"() ({
      %run_scoped3A = tpu.sem_alloc : memref<!tpu.dma_semaphore, #tpu.memory_space<semaphore_mem>>
      %dma_start3A_154 = arith.constant 0 : i32
      %dma_start3A_155 = tpu.memref_slice %arg14[%add3A_20, %dma_start3A_154] : memref<10240x128xf32, #tpu.memory_space<vmem_shared>> -> memref<80x128xf32, #tpu.memory_space<vmem_shared>>
      %dma_start3A_156 = arith.constant 0 : i32
      %dma_start3A_157 = tpu.memref_slice %arg14[%add3A_20, %dma_start3A_156] : memref<10240x128xf32, #tpu.memory_space<vmem_shared>> -> memref<80x128xf32, #tpu.memory_space<vmem_shared>>
      tpu.enqueue_dma source(%arg12 : memref<80x128xf32, #tpu.memory_space<vmem>>) target(%dma_start3A_157 : memref<80x128xf32, #tpu.memory_space<vmem_shared>>) target_semaphore(%run_scoped3A : memref<!tpu.dma_semaphore, #tpu.memory_space<semaphore_mem>>)
      %dma_wait3A_158 = arith.constant 0 : i32
      %dma_wait3A_159 = tpu.memref_slice %arg14[%add3A_20, %dma_wait3A_158] : memref<10240x128xf32, #tpu.memory_space<vmem_shared>> -> memref<80x128xf32, #tpu.memory_space<vmem_shared>>
      %dma_wait3A_160 = arith.constant 0 : i32
      %dma_wait3A_161 = tpu.memref_slice %arg14[%add3A_20, %dma_wait3A_160] : memref<10240x128xf32, #tpu.memory_space<vmem_shared>> -> memref<80x128xf32, #tpu.memory_space<vmem_shared>>
      tpu.wait_dma2 semaphore(%run_scoped3A : memref<!tpu.dma_semaphore, #tpu.memory_space<semaphore_mem>>) src(%arg12 : memref<80x128xf32, #tpu.memory_space<vmem>>) dst(%dma_wait3A_161 : memref<80x128xf32, #tpu.memory_space<vmem_shared>>)
      tpu.yield
    }) : () -> ()
    %mul3A_21 = arith.constant 640 : i32
    %mul3A_22 = arith.muli %arg1, %mul3A_21 : i32
    %add3A_23 = arith.constant 240 : i32
    %add3A_24 = arith.addi %mul3A_22, %add3A_23 : i32
    "tpu.region"() ({
      %run_scoped3A = tpu.sem_alloc : memref<!tpu.dma_semaphore, #tpu.memory_space<semaphore_mem>>
      %dma_start3A_154 = arith.constant 0 : i32
      %dma_start3A_155 = tpu.memref_slice %arg14[%add3A_24, %dma_start3A_154] : memref<10240x128xf32, #tpu.memory_space<vmem_shared>> -> memref<80x128xf32, #tpu.memory_space<vmem_shared>>
      %dma_start3A_156 = arith.constant 0 : i32
      %dma_start3A_157 = tpu.memref_slice %arg14[%add3A_24, %dma_start3A_156] : memref<10240x128xf32, #tpu.memory_space<vmem_shared>> -> memref<80x128xf32, #tpu.memory_space<vmem_shared>>
      tpu.enqueue_dma source(%arg12 : memref<80x128xf32, #tpu.memory_space<vmem>>) target(%dma_start3A_157 : memref<80x128xf32, #tpu.memory_space<vmem_shared>>) target_semaphore(%run_scoped3A : memref<!tpu.dma_semaphore, #tpu.memory_space<semaphore_mem>>)
      %dma_wait3A_158 = arith.constant 0 : i32
      %dma_wait3A_159 = tpu.memref_slice %arg14[%add3A_24, %dma_wait3A_158] : memref<10240x128xf32, #tpu.memory_space<vmem_shared>> -> memref<80x128xf32, #tpu.memory_space<vmem_shared>>
      %dma_wait3A_160 = arith.constant 0 : i32
      %dma_wait3A_161 = tpu.memref_slice %arg14[%add3A_24, %dma_wait3A_160] : memref<10240x128xf32, #tpu.memory_space<vmem_shared>> -> memref<80x128xf32, #tpu.memory_space<vmem_shared>>
      tpu.wait_dma2 semaphore(%run_scoped3A : memref<!tpu.dma_semaphore, #tpu.memory_space<semaphore_mem>>) src(%arg12 : memref<80x128xf32, #tpu.memory_space<vmem>>) dst(%dma_wait3A_161 : memref<80x128xf32, #tpu.memory_space<vmem_shared>>)
      tpu.yield
    }) : () -> ()
    %mul3A_25 = arith.constant 640 : i32
    %mul3A_26 = arith.muli %arg1, %mul3A_25 : i32
    %add3A_27 = arith.constant 320 : i32
    %add3A_28 = arith.addi %mul3A_26, %add3A_27 : i32
    "tpu.region"() ({
      %run_scoped3A = tpu.sem_alloc : memref<!tpu.dma_semaphore, #tpu.memory_space<semaphore_mem>>
      %dma_start3A_154 = arith.constant 0 : i32
      %dma_start3A_155 = tpu.memref_slice %arg14[%add3A_28, %dma_start3A_154] : memref<10240x128xf32, #tpu.memory_space<vmem_shared>> -> memref<80x128xf32, #tpu.memory_space<vmem_shared>>
      %dma_start3A_156 = arith.constant 0 : i32
      %dma_start3A_157 = tpu.memref_slice %arg14[%add3A_28, %dma_start3A_156] : memref<10240x128xf32, #tpu.memory_space<vmem_shared>> -> memref<80x128xf32, #tpu.memory_space<vmem_shared>>
      tpu.enqueue_dma source(%arg12 : memref<80x128xf32, #tpu.memory_space<vmem>>) target(%dma_start3A_157 : memref<80x128xf32, #tpu.memory_space<vmem_shared>>) target_semaphore(%run_scoped3A : memref<!tpu.dma_semaphore, #tpu.memory_space<semaphore_mem>>)
      %dma_wait3A_158 = arith.constant 0 : i32
      %dma_wait3A_159 = tpu.memref_slice %arg14[%add3A_28, %dma_wait3A_158] : memref<10240x128xf32, #tpu.memory_space<vmem_shared>> -> memref<80x128xf32, #tpu.memory_space<vmem_shared>>
      %dma_wait3A_160 = arith.constant 0 : i32
      %dma_wait3A_161 = tpu.memref_slice %arg14[%add3A_28, %dma_wait3A_160] : memref<10240x128xf32, #tpu.memory_space<vmem_shared>> -> memref<80x128xf32, #tpu.memory_space<vmem_shared>>
      tpu.wait_dma2 semaphore(%run_scoped3A : memref<!tpu.dma_semaphore, #tpu.memory_space<semaphore_mem>>) src(%arg12 : memref<80x128xf32, #tpu.memory_space<vmem>>) dst(%dma_wait3A_161 : memref<80x128xf32, #tpu.memory_space<vmem_shared>>)
      tpu.yield
    }) : () -> ()
    %mul3A_29 = arith.constant 640 : i32
    %mul3A_30 = arith.muli %arg1, %mul3A_29 : i32
    %add3A_31 = arith.constant 400 : i32
    %add3A_32 = arith.addi %mul3A_30, %add3A_31 : i32
    "tpu.region"() ({
      %run_scoped3A = tpu.sem_alloc : memref<!tpu.dma_semaphore, #tpu.memory_space<semaphore_mem>>
      %dma_start3A_154 = arith.constant 0 : i32
      %dma_start3A_155 = tpu.memref_slice %arg14[%add3A_32, %dma_start3A_154] : memref<10240x128xf32, #tpu.memory_space<vmem_shared>> -> memref<80x128xf32, #tpu.memory_space<vmem_shared>>
      %dma_start3A_156 = arith.constant 0 : i32
      %dma_start3A_157 = tpu.memref_slice %arg14[%add3A_32, %dma_start3A_156] : memref<10240x128xf32, #tpu.memory_space<vmem_shared>> -> memref<80x128xf32, #tpu.memory_space<vmem_shared>>
      tpu.enqueue_dma source(%arg12 : memref<80x128xf32, #tpu.memory_space<vmem>>) target(%dma_start3A_157 : memref<80x128xf32, #tpu.memory_space<vmem_shared>>) target_semaphore(%run_scoped3A : memref<!tpu.dma_semaphore, #tpu.memory_space<semaphore_mem>>)
      %dma_wait3A_158 = arith.constant 0 : i32
      %dma_wait3A_159 = tpu.memref_slice %arg14[%add3A_32, %dma_wait3A_158] : memref<10240x128xf32, #tpu.memory_space<vmem_shared>> -> memref<80x128xf32, #tpu.memory_space<vmem_shared>>
      %dma_wait3A_160 = arith.constant 0 : i32
      %dma_wait3A_161 = tpu.memref_slice %arg14[%add3A_32, %dma_wait3A_160] : memref<10240x128xf32, #tpu.memory_space<vmem_shared>> -> memref<80x128xf32, #tpu.memory_space<vmem_shared>>
      tpu.wait_dma2 semaphore(%run_scoped3A : memref<!tpu.dma_semaphore, #tpu.memory_space<semaphore_mem>>) src(%arg12 : memref<80x128xf32, #tpu.memory_space<vmem>>) dst(%dma_wait3A_161 : memref<80x128xf32, #tpu.memory_space<vmem_shared>>)
      tpu.yield
    }) : () -> ()
    %mul3A_33 = arith.constant 640 : i32
    %mul3A_34 = arith.muli %arg1, %mul3A_33 : i32
    %add3A_35 = arith.constant 480 : i32
    %add3A_36 = arith.addi %mul3A_34, %add3A_35 : i32
    "tpu.region"() ({
      %run_scoped3A = tpu.sem_alloc : memref<!tpu.dma_semaphore, #tpu.memory_space<semaphore_mem>>
      %dma_start3A_154 = arith.constant 0 : i32
      %dma_start3A_155 = tpu.memref_slice %arg14[%add3A_36, %dma_start3A_154] : memref<10240x128xf32, #tpu.memory_space<vmem_shared>> -> memref<80x128xf32, #tpu.memory_space<vmem_shared>>
      %dma_start3A_156 = arith.constant 0 : i32
      %dma_start3A_157 = tpu.memref_slice %arg14[%add3A_36, %dma_start3A_156] : memref<10240x128xf32, #tpu.memory_space<vmem_shared>> -> memref<80x128xf32, #tpu.memory_space<vmem_shared>>
      tpu.enqueue_dma source(%arg12 : memref<80x128xf32, #tpu.memory_space<vmem>>) target(%dma_start3A_157 : memref<80x128xf32, #tpu.memory_space<vmem_shared>>) target_semaphore(%run_scoped3A : memref<!tpu.dma_semaphore, #tpu.memory_space<semaphore_mem>>)
      %dma_wait3A_158 = arith.constant 0 : i32
      %dma_wait3A_159 = tpu.memref_slice %arg14[%add3A_36, %dma_wait3A_158] : memref<10240x128xf32, #tpu.memory_space<vmem_shared>> -> memref<80x128xf32, #tpu.memory_space<vmem_shared>>
      %dma_wait3A_160 = arith.constant 0 : i32
      %dma_wait3A_161 = tpu.memref_slice %arg14[%add3A_36, %dma_wait3A_160] : memref<10240x128xf32, #tpu.memory_space<vmem_shared>> -> memref<80x128xf32, #tpu.memory_space<vmem_shared>>
      tpu.wait_dma2 semaphore(%run_scoped3A : memref<!tpu.dma_semaphore, #tpu.memory_space<semaphore_mem>>) src(%arg12 : memref<80x128xf32, #tpu.memory_space<vmem>>) dst(%dma_wait3A_161 : memref<80x128xf32, #tpu.memory_space<vmem_shared>>)
      tpu.yield
    }) : () -> ()
    %mul3A_37 = arith.constant 640 : i32
    %mul3A_38 = arith.muli %arg1, %mul3A_37 : i32
    %add3A_39 = arith.constant 560 : i32
    %add3A_40 = arith.addi %mul3A_38, %add3A_39 : i32
    "tpu.region"() ({
      %run_scoped3A = tpu.sem_alloc : memref<!tpu.dma_semaphore, #tpu.memory_space<semaphore_mem>>
      %dma_start3A_154 = arith.constant 0 : i32
      %dma_start3A_155 = tpu.memref_slice %arg14[%add3A_40, %dma_start3A_154] : memref<10240x128xf32, #tpu.memory_space<vmem_shared>> -> memref<80x128xf32, #tpu.memory_space<vmem_shared>>
      %dma_start3A_156 = arith.constant 0 : i32
      %dma_start3A_157 = tpu.memref_slice %arg14[%add3A_40, %dma_start3A_156] : memref<10240x128xf32, #tpu.memory_space<vmem_shared>> -> memref<80x128xf32, #tpu.memory_space<vmem_shared>>
      tpu.enqueue_dma source(%arg12 : memref<80x128xf32, #tpu.memory_space<vmem>>) target(%dma_start3A_157 : memref<80x128xf32, #tpu.memory_space<vmem_shared>>) target_semaphore(%run_scoped3A : memref<!tpu.dma_semaphore, #tpu.memory_space<semaphore_mem>>)
      %dma_wait3A_158 = arith.constant 0 : i32
      %dma_wait3A_159 = tpu.memref_slice %arg14[%add3A_40, %dma_wait3A_158] : memref<10240x128xf32, #tpu.memory_space<vmem_shared>> -> memref<80x128xf32, #tpu.memory_space<vmem_shared>>
      %dma_wait3A_160 = arith.constant 0 : i32
      %dma_wait3A_161 = tpu.memref_slice %arg14[%add3A_40, %dma_wait3A_160] : memref<10240x128xf32, #tpu.memory_space<vmem_shared>> -> memref<80x128xf32, #tpu.memory_space<vmem_shared>>
      tpu.wait_dma2 semaphore(%run_scoped3A : memref<!tpu.dma_semaphore, #tpu.memory_space<semaphore_mem>>) src(%arg12 : memref<80x128xf32, #tpu.memory_space<vmem>>) dst(%dma_wait3A_161 : memref<80x128xf32, #tpu.memory_space<vmem_shared>>)
      tpu.yield
    }) : () -> ()
    %barrier3A = arith.constant 0 : index
    tpu.barrier barrier_id(%barrier3A)
    "tpu.region"() ({
      %run_scoped3A = tpu.sem_alloc : memref<!tpu.dma_semaphore, #tpu.memory_space<semaphore_mem>>
      %dma_start3A_154 = tpu.memref_slice %arg3[%mul3A_2] : memref<320000xi32, #tpu.memory_space<hbm>> -> memref<10000xi32, #tpu.memory_space<hbm>>
      %dma_start3A_155 = tpu.memref_slice %arg3[%mul3A_2] : memref<320000xi32, #tpu.memory_space<hbm>> -> memref<10000xi32, #tpu.memory_space<hbm>>
      tpu.enqueue_dma source(%dma_start3A_155 : memref<10000xi32, #tpu.memory_space<hbm>>) target(%arg6 : memref<10000xi32, #tpu.memory_space<vmem>>) target_semaphore(%run_scoped3A : memref<!tpu.dma_semaphore, #tpu.memory_space<semaphore_mem>>)
      %dma_wait3A_156 = tpu.memref_slice %arg3[%mul3A_2] : memref<320000xi32, #tpu.memory_space<hbm>> -> memref<10000xi32, #tpu.memory_space<hbm>>
      %dma_wait3A_157 = tpu.memref_slice %arg3[%mul3A_2] : memref<320000xi32, #tpu.memory_space<hbm>> -> memref<10000xi32, #tpu.memory_space<hbm>>
      tpu.wait_dma2 semaphore(%run_scoped3A : memref<!tpu.dma_semaphore, #tpu.memory_space<semaphore_mem>>) src(%dma_wait3A_157 : memref<10000xi32, #tpu.memory_space<hbm>>) dst(%arg6 : memref<10000xi32, #tpu.memory_space<vmem>>)
      tpu.yield
    }) : () -> ()
    "tpu.region"() ({
      %run_scoped3A = tpu.sem_alloc : memref<!tpu.dma_semaphore, #tpu.memory_space<semaphore_mem>>
      %dma_start3A_154 = tpu.memref_slice %arg4[%mul3A_2] : memref<320000xi32, #tpu.memory_space<hbm>> -> memref<10000xi32, #tpu.memory_space<hbm>>
      %dma_start3A_155 = tpu.memref_slice %arg4[%mul3A_2] : memref<320000xi32, #tpu.memory_space<hbm>> -> memref<10000xi32, #tpu.memory_space<hbm>>
      tpu.enqueue_dma source(%dma_start3A_155 : memref<10000xi32, #tpu.memory_space<hbm>>) target(%arg7 : memref<10000xi32, #tpu.memory_space<vmem>>) target_semaphore(%run_scoped3A : memref<!tpu.dma_semaphore, #tpu.memory_space<semaphore_mem>>)
      %dma_wait3A_156 = tpu.memref_slice %arg4[%mul3A_2] : memref<320000xi32, #tpu.memory_space<hbm>> -> memref<10000xi32, #tpu.memory_space<hbm>>
      %dma_wait3A_157 = tpu.memref_slice %arg4[%mul3A_2] : memref<320000xi32, #tpu.memory_space<hbm>> -> memref<10000xi32, #tpu.memory_space<hbm>>
      tpu.wait_dma2 semaphore(%run_scoped3A : memref<!tpu.dma_semaphore, #tpu.memory_space<semaphore_mem>>) src(%dma_wait3A_157 : memref<10000xi32, #tpu.memory_space<hbm>>) dst(%arg7 : memref<10000xi32, #tpu.memory_space<vmem>>)
      tpu.yield
    }) : () -> ()
    %get3A = arith.constant 0 : index
    %get3A_41 = tpu.vector_load %arg6[%get3A] {strides = array<i32>} : memref<10000xi32, #tpu.memory_space<vmem>>, vector<16xi32>,
    %swap3A = arith.constant 0 : index
    %swap3A_42 = tpu.vector_load %arg8[%swap3A] {strides = array<i32>} : memref<80xi32, #tpu.memory_space<vmem>>, vector<16xi32>,
    tpu.vector_store %arg8[%swap3A], %get3A_41 {strides = array<i32>} : memref<80xi32, #tpu.memory_space<vmem>>, vector<16xi32>,
    %get3A_43 = arith.constant 0 : index
    %get3A_44 = tpu.vector_load %arg7[%get3A_43] {strides = array<i32>} : memref<10000xi32, #tpu.memory_space<vmem>>, vector<16xi32>,
    %swap3A_45 = arith.constant 0 : index
    %swap3A_46 = tpu.vector_load %arg9[%swap3A_45] {strides = array<i32>} : memref<80xi32, #tpu.memory_space<vmem>>, vector<16xi32>,
    tpu.vector_store %arg9[%swap3A_45], %get3A_44 {strides = array<i32>} : memref<80xi32, #tpu.memory_space<vmem>>, vector<16xi32>,
    %get3A_47 = arith.constant 16 : index
    %get3A_48 = tpu.vector_load %arg6[%get3A_47] {strides = array<i32>} : memref<10000xi32, #tpu.memory_space<vmem>>, vector<16xi32>,
    %swap3A_49 = arith.constant 16 : index
    %swap3A_50 = tpu.vector_load %arg8[%swap3A_49] {strides = array<i32>} : memref<80xi32, #tpu.memory_space<vmem>>, vector<16xi32>,
    tpu.vector_store %arg8[%swap3A_49], %get3A_48 {strides = array<i32>} : memref<80xi32, #tpu.memory_space<vmem>>, vector<16xi32>,
    %get3A_51 = arith.constant 16 : index
    %get3A_52 = tpu.vector_load %arg7[%get3A_51] {strides = array<i32>} : memref<10000xi32, #tpu.memory_space<vmem>>, vector<16xi32>,
    %swap3A_53 = arith.constant 16 : index
    %swap3A_54 = tpu.vector_load %arg9[%swap3A_53] {strides = array<i32>} : memref<80xi32, #tpu.memory_space<vmem>>, vector<16xi32>,
    tpu.vector_store %arg9[%swap3A_53], %get3A_52 {strides = array<i32>} : memref<80xi32, #tpu.memory_space<vmem>>, vector<16xi32>,
    %get3A_55 = arith.constant 32 : index
    %get3A_56 = tpu.vector_load %arg6[%get3A_55] {strides = array<i32>} : memref<10000xi32, #tpu.memory_space<vmem>>, vector<16xi32>,
    %swap3A_57 = arith.constant 32 : index
    %swap3A_58 = tpu.vector_load %arg8[%swap3A_57] {strides = array<i32>} : memref<80xi32, #tpu.memory_space<vmem>>, vector<16xi32>,
    tpu.vector_store %arg8[%swap3A_57], %get3A_56 {strides = array<i32>} : memref<80xi32, #tpu.memory_space<vmem>>, vector<16xi32>,
    %get3A_59 = arith.constant 32 : index
    %get3A_60 = tpu.vector_load %arg7[%get3A_59] {strides = array<i32>} : memref<10000xi32, #tpu.memory_space<vmem>>, vector<16xi32>,
    %swap3A_61 = arith.constant 32 : index
    %swap3A_62 = tpu.vector_load %arg9[%swap3A_61] {strides = array<i32>} : memref<80xi32, #tpu.memory_space<vmem>>, vector<16xi32>,
    tpu.vector_store %arg9[%swap3A_61], %get3A_60 {strides = array<i32>} : memref<80xi32, #tpu.memory_space<vmem>>, vector<16xi32>,
    %get3A_63 = arith.constant 48 : index
    %get3A_64 = tpu.vector_load %arg6[%get3A_63] {strides = array<i32>} : memref<10000xi32, #tpu.memory_space<vmem>>, vector<16xi32>,
    %swap3A_65 = arith.constant 48 : index
    %swap3A_66 = tpu.vector_load %arg8[%swap3A_65] {strides = array<i32>} : memref<80xi32, #tpu.memory_space<vmem>>, vector<16xi32>,
    tpu.vector_store %arg8[%swap3A_65], %get3A_64 {strides = array<i32>} : memref<80xi32, #tpu.memory_space<vmem>>, vector<16xi32>,
    %get3A_67 = arith.constant 48 : index
    %get3A_68 = tpu.vector_load %arg7[%get3A_67] {strides = array<i32>} : memref<10000xi32, #tpu.memory_space<vmem>>, vector<16xi32>,
    %swap3A_69 = arith.constant 48 : index
    %swap3A_70 = tpu.vector_load %arg9[%swap3A_69] {strides = array<i32>} : memref<80xi32, #tpu.memory_space<vmem>>, vector<16xi32>,
    tpu.vector_store %arg9[%swap3A_69], %get3A_68 {strides = array<i32>} : memref<80xi32, #tpu.memory_space<vmem>>, vector<16xi32>,
    %get3A_71 = arith.constant 64 : index
    %get3A_72 = tpu.vector_load %arg6[%get3A_71] {strides = array<i32>} : memref<10000xi32, #tpu.memory_space<vmem>>, vector<16xi32>,
    %swap3A_73 = arith.constant 64 : index
    %swap3A_74 = tpu.vector_load %arg8[%swap3A_73] {strides = array<i32>} : memref<80xi32, #tpu.memory_space<vmem>>, vector<16xi32>,
    tpu.vector_store %arg8[%swap3A_73], %get3A_72 {strides = array<i32>} : memref<80xi32, #tpu.memory_space<vmem>>, vector<16xi32>,
    %get3A_75 = arith.constant 64 : index
    %get3A_76 = tpu.vector_load %arg7[%get3A_75] {strides = array<i32>} : memref<10000xi32, #tpu.memory_space<vmem>>, vector<16xi32>,
    %swap3A_77 = arith.constant 64 : index
    %swap3A_78 = tpu.vector_load %arg9[%swap3A_77] {strides = array<i32>} : memref<80xi32, #tpu.memory_space<vmem>>, vector<16xi32>,
    tpu.vector_store %arg9[%swap3A_77], %get3A_76 {strides = array<i32>} : memref<80xi32, #tpu.memory_space<vmem>>, vector<16xi32>,
    %dma_start3A = arith.constant 0 : i32
    %dma_start3A_79 = arith.constant 0 : i32
    %dma_start3A_80 = tpu.memref_slice %arg2[%dma_start3A, %dma_start3A_79] : memref<10240x128xf32, #tpu.memory_space<hbm>> -> memref<10240x128xf32, #tpu.memory_space<hbm>>
    tpu.enqueue_indirect_dma source(%dma_start3A_80 : memref<10240x128xf32, #tpu.memory_space<hbm>>) target(%arg12 : memref<80x128xf32, #tpu.memory_space<vmem>>) offsets(%arg8 : memref<80xi32, #tpu.memory_space<vmem>>) semaphore(%arg15 : memref<!tpu.dma_semaphore, #tpu.memory_space<semaphore_mem>>)
    %scan3A_81 = arith.constant 0 : i32
    %scan3A_82 = arith.constant 0 : i32
    %scan3A_83 = arith.constant 62 : i32
    %scan3A_84 = arith.addi %scan3A_82, %scan3A_83 : i32
    %scan3A_85 = arith.constant 1 : i32
    scf.for %scan3A_154 = %scan3A_82 to %scan3A_84 step %scan3A_85  : i32 {
      %mul3A_155 = arith.constant 2 : i32
      %mul3A_156 = arith.muli %mul3A_155, %scan3A_154 : i32
      %add3A_157 = arith.constant 1 : i32
      %add3A_158 = arith.addi %mul3A_156, %add3A_157 : i32
      %mul3A_159 = arith.constant 80 : i32
      %mul3A_160 = arith.muli %add3A_158, %mul3A_159 : i32
      %add3A_161 = arith.constant 0 : i32
      %add3A_162 = arith.addi %mul3A_160, %add3A_161 : i32
      %get3A_163 = arith.index_cast %add3A_162 : i32 to index
      %get3A_164 = tpu.vector_load %arg6[%get3A_163] {strides = array<i32>} : memref<10000xi32, #tpu.memory_space<vmem>>, vector<16xi32>,
      %swap3A_165 = arith.constant 0 : index
      %swap3A_166 = tpu.vector_load %arg10[%swap3A_165] {strides = array<i32>} : memref<80xi32, #tpu.memory_space<vmem>>, vector<16xi32>,
      tpu.vector_store %arg10[%swap3A_165], %get3A_164 {strides = array<i32>} : memref<80xi32, #tpu.memory_space<vmem>>, vector<16xi32>,
      %mul3A_167 = arith.constant 80 : i32
      %mul3A_168 = arith.muli %add3A_158, %mul3A_167 : i32
      %add3A_169 = arith.constant 0 : i32
      %add3A_170 = arith.addi %mul3A_168, %add3A_169 : i32
      %get3A_171 = arith.index_cast %add3A_170 : i32 to index
      %get3A_172 = tpu.vector_load %arg7[%get3A_171] {strides = array<i32>} : memref<10000xi32, #tpu.memory_space<vmem>>, vector<16xi32>,
      %swap3A_173 = arith.constant 0 : index
      %swap3A_174 = tpu.vector_load %arg11[%swap3A_173] {strides = array<i32>} : memref<80xi32, #tpu.memory_space<vmem>>, vector<16xi32>,
      tpu.vector_store %arg11[%swap3A_173], %get3A_172 {strides = array<i32>} : memref<80xi32, #tpu.memory_space<vmem>>, vector<16xi32>,
      %mul3A_175 = arith.constant 80 : i32
      %mul3A_176 = arith.muli %add3A_158, %mul3A_175 : i32
      %add3A_177 = arith.constant 16 : i32
      %add3A_178 = arith.addi %mul3A_176, %add3A_177 : i32
      %get3A_179 = arith.index_cast %add3A_178 : i32 to index
      %get3A_180 = tpu.vector_load %arg6[%get3A_179] {strides = array<i32>} : memref<10000xi32, #tpu.memory_space<vmem>>, vector<16xi32>,
      %swap3A_181 = arith.constant 16 : index
      %swap3A_182 = tpu.vector_load %arg10[%swap3A_181] {strides = array<i32>} : memref<80xi32, #tpu.memory_space<vmem>>, vector<16xi32>,
      tpu.vector_store %arg10[%swap3A_181], %get3A_180 {strides = array<i32>} : memref<80xi32, #tpu.memory_space<vmem>>, vector<16xi32>,
      %mul3A_183 = arith.constant 80 : i32
      %mul3A_184 = arith.muli %add3A_158, %mul3A_183 : i32
      %add3A_185 = arith.constant 16 : i32
      %add3A_186 = arith.addi %mul3A_184, %add3A_185 : i32
      %get3A_187 = arith.index_cast %add3A_186 : i32 to index
      %get3A_188 = tpu.vector_load %arg7[%get3A_187] {strides = array<i32>} : memref<10000xi32, #tpu.memory_space<vmem>>, vector<16xi32>,
      %swap3A_189 = arith.constant 16 : index
      %swap3A_190 = tpu.vector_load %arg11[%swap3A_189] {strides = array<i32>} : memref<80xi32, #tpu.memory_space<vmem>>, vector<16xi32>,
      tpu.vector_store %arg11[%swap3A_189], %get3A_188 {strides = array<i32>} : memref<80xi32, #tpu.memory_space<vmem>>, vector<16xi32>,
      %mul3A_191 = arith.constant 80 : i32
      %mul3A_192 = arith.muli %add3A_158, %mul3A_191 : i32
      %add3A_193 = arith.constant 32 : i32
      %add3A_194 = arith.addi %mul3A_192, %add3A_193 : i32
      %get3A_195 = arith.index_cast %add3A_194 : i32 to index
      %get3A_196 = tpu.vector_load %arg6[%get3A_195] {strides = array<i32>} : memref<10000xi32, #tpu.memory_space<vmem>>, vector<16xi32>,
      %swap3A_197 = arith.constant 32 : index
      %swap3A_198 = tpu.vector_load %arg10[%swap3A_197] {strides = array<i32>} : memref<80xi32, #tpu.memory_space<vmem>>, vector<16xi32>,
      tpu.vector_store %arg10[%swap3A_197], %get3A_196 {strides = array<i32>} : memref<80xi32, #tpu.memory_space<vmem>>, vector<16xi32>,
      %mul3A_199 = arith.constant 80 : i32
      %mul3A_200 = arith.muli %add3A_158, %mul3A_199 : i32
      %add3A_201 = arith.constant 32 : i32
      %add3A_202 = arith.addi %mul3A_200, %add3A_201 : i32
      %get3A_203 = arith.index_cast %add3A_202 : i32 to index
      %get3A_204 = tpu.vector_load %arg7[%get3A_203] {strides = array<i32>} : memref<10000xi32, #tpu.memory_space<vmem>>, vector<16xi32>,
      %swap3A_205 = arith.constant 32 : index
      %swap3A_206 = tpu.vector_load %arg11[%swap3A_205] {strides = array<i32>} : memref<80xi32, #tpu.memory_space<vmem>>, vector<16xi32>,
      tpu.vector_store %arg11[%swap3A_205], %get3A_204 {strides = array<i32>} : memref<80xi32, #tpu.memory_space<vmem>>, vector<16xi32>,
      %mul3A_207 = arith.constant 80 : i32
      %mul3A_208 = arith.muli %add3A_158, %mul3A_207 : i32
      %add3A_209 = arith.constant 48 : i32
      %add3A_210 = arith.addi %mul3A_208, %add3A_209 : i32
      %get3A_211 = arith.index_cast %add3A_210 : i32 to index
      %get3A_212 = tpu.vector_load %arg6[%get3A_211] {strides = array<i32>} : memref<10000xi32, #tpu.memory_space<vmem>>, vector<16xi32>,
      %swap3A_213 = arith.constant 48 : index
      %swap3A_214 = tpu.vector_load %arg10[%swap3A_213] {strides = array<i32>} : memref<80xi32, #tpu.memory_space<vmem>>, vector<16xi32>,
      tpu.vector_store %arg10[%swap3A_213], %get3A_212 {strides = array<i32>} : memref<80xi32, #tpu.memory_space<vmem>>, vector<16xi32>,
      %mul3A_215 = arith.constant 80 : i32
      %mul3A_216 = arith.muli %add3A_158, %mul3A_215 : i32
      %add3A_217 = arith.constant 48 : i32
      %add3A_218 = arith.addi %mul3A_216, %add3A_217 : i32
      %get3A_219 = arith.index_cast %add3A_218 : i32 to index
      %get3A_220 = tpu.vector_load %arg7[%get3A_219] {strides = array<i32>} : memref<10000xi32, #tpu.memory_space<vmem>>, vector<16xi32>,
      %swap3A_221 = arith.constant 48 : index
      %swap3A_222 = tpu.vector_load %arg11[%swap3A_221] {strides = array<i32>} : memref<80xi32, #tpu.memory_space<vmem>>, vector<16xi32>,
      tpu.vector_store %arg11[%swap3A_221], %get3A_220 {strides = array<i32>} : memref<80xi32, #tpu.memory_space<vmem>>, vector<16xi32>,
      %mul3A_223 = arith.constant 80 : i32
      %mul3A_224 = arith.muli %add3A_158, %mul3A_223 : i32
      %add3A_225 = arith.constant 64 : i32
      %add3A_226 = arith.addi %mul3A_224, %add3A_225 : i32
      %get3A_227 = arith.index_cast %add3A_226 : i32 to index
      %get3A_228 = tpu.vector_load %arg6[%get3A_227] {strides = array<i32>} : memref<10000xi32, #tpu.memory_space<vmem>>, vector<16xi32>,
      %swap3A_229 = arith.constant 64 : index
      %swap3A_230 = tpu.vector_load %arg10[%swap3A_229] {strides = array<i32>} : memref<80xi32, #tpu.memory_space<vmem>>, vector<16xi32>,
      tpu.vector_store %arg10[%swap3A_229], %get3A_228 {strides = array<i32>} : memref<80xi32, #tpu.memory_space<vmem>>, vector<16xi32>,
      %mul3A_231 = arith.constant 80 : i32
      %mul3A_232 = arith.muli %add3A_158, %mul3A_231 : i32
      %add3A_233 = arith.constant 64 : i32
      %add3A_234 = arith.addi %mul3A_232, %add3A_233 : i32
      %get3A_235 = arith.index_cast %add3A_234 : i32 to index
      %get3A_236 = tpu.vector_load %arg7[%get3A_235] {strides = array<i32>} : memref<10000xi32, #tpu.memory_space<vmem>>, vector<16xi32>,
      %swap3A_237 = arith.constant 64 : index
      %swap3A_238 = tpu.vector_load %arg11[%swap3A_237] {strides = array<i32>} : memref<80xi32, #tpu.memory_space<vmem>>, vector<16xi32>,
      tpu.vector_store %arg11[%swap3A_237], %get3A_236 {strides = array<i32>} : memref<80xi32, #tpu.memory_space<vmem>>, vector<16xi32>,
      %dma_start3A_239 = arith.constant 0 : i32
      %dma_start3A_240 = arith.constant 0 : i32
      %dma_start3A_241 = tpu.memref_slice %arg2[%dma_start3A_239, %dma_start3A_240] : memref<10240x128xf32, #tpu.memory_space<hbm>> -> memref<10240x128xf32, #tpu.memory_space<hbm>>
      tpu.enqueue_indirect_dma source(%dma_start3A_241 : memref<10240x128xf32, #tpu.memory_space<hbm>>) target(%arg13 : memref<80x128xf32, #tpu.memory_space<vmem>>) offsets(%arg10 : memref<80xi32, #tpu.memory_space<vmem>>) semaphore(%arg16 : memref<!tpu.dma_semaphore, #tpu.memory_space<semaphore_mem>>)
      %dma_wait3A_242 = arith.constant 0 : i32
      %dma_wait3A_243 = arith.constant 0 : i32
      %dma_wait3A_244 = tpu.memref_slice %arg2[%dma_wait3A_242, %dma_wait3A_243] : memref<10240x128xf32, #tpu.memory_space<hbm>> -> memref<10240x128xf32, #tpu.memory_space<hbm>>
      tpu.wait_indirect_dma semaphore(%arg15 : memref<!tpu.dma_semaphore, #tpu.memory_space<semaphore_mem>>) src(%dma_wait3A_244 : memref<10240x128xf32, #tpu.memory_space<hbm>>) dst(%arg12 : memref<80x128xf32, #tpu.memory_space<vmem>>)
      "tpu.region"() ({
        %run_scoped3A = tpu.sem_alloc : memref<!tpu.dma_semaphore, #tpu.memory_space<semaphore_mem>>
        %dma_start3A_333 = arith.constant 0 : i32
        %dma_start3A_334 = arith.constant 0 : i32
        %dma_start3A_335 = tpu.memref_slice %arg14[%dma_start3A_333, %dma_start3A_334] : memref<10240x128xf32, #tpu.memory_space<vmem_shared>> -> memref<10240x128xf32, #tpu.memory_space<vmem_shared>>
        tpu.enqueue_indirect_dma source(%arg12 : memref<80x128xf32, #tpu.memory_space<vmem>>) target(%dma_start3A_335 : memref<10240x128xf32, #tpu.memory_space<vmem_shared>>) offsets(%arg9 : memref<80xi32, #tpu.memory_space<vmem>>) semaphore(%run_scoped3A : memref<!tpu.dma_semaphore, #tpu.memory_space<semaphore_mem>>) {add = true}
        %dma_wait3A_336 = arith.constant 0 : i32
        %dma_wait3A_337 = arith.constant 0 : i32
        %dma_wait3A_338 = tpu.memref_slice %arg14[%dma_wait3A_336, %dma_wait3A_337] : memref<10240x128xf32, #tpu.memory_space<vmem_shared>> -> memref<10240x128xf32, #tpu.memory_space<vmem_shared>>
        tpu.wait_indirect_dma semaphore(%run_scoped3A : memref<!tpu.dma_semaphore, #tpu.memory_space<semaphore_mem>>) src(%arg12 : memref<80x128xf32, #tpu.memory_space<vmem>>) dst(%dma_wait3A_338 : memref<10240x128xf32, #tpu.memory_space<vmem_shared>>)
        tpu.yield
      }) : () -> ()
      %add3A_245 = arith.constant 2 : i32
      %add3A_246 = arith.addi %mul3A_156, %add3A_245 : i32
      %mul3A_247 = arith.constant 80 : i32
      %mul3A_248 = arith.muli %add3A_246, %mul3A_247 : i32
      %add3A_249 = arith.constant 0 : i32
      %add3A_250 = arith.addi %mul3A_248, %add3A_249 : i32
      %get3A_251 = arith.index_cast %add3A_250 : i32 to index
      %get3A_252 = tpu.vector_load %arg6[%get3A_251] {strides = array<i32>} : memref<10000xi32, #tpu.memory_space<vmem>>, vector<16xi32>,
      %swap3A_253 = arith.constant 0 : index
      %swap3A_254 = tpu.vector_load %arg8[%swap3A_253] {strides = array<i32>} : memref<80xi32, #tpu.memory_space<vmem>>, vector<16xi32>,
      tpu.vector_store %arg8[%swap3A_253], %get3A_252 {strides = array<i32>} : memref<80xi32, #tpu.memory_space<vmem>>, vector<16xi32>,
      %mul3A_255 = arith.constant 80 : i32
      %mul3A_256 = arith.muli %add3A_246, %mul3A_255 : i32
      %add3A_257 = arith.constant 0 : i32
      %add3A_258 = arith.addi %mul3A_256, %add3A_257 : i32
      %get3A_259 = arith.index_cast %add3A_258 : i32 to index
      %get3A_260 = tpu.vector_load %arg7[%get3A_259] {strides = array<i32>} : memref<10000xi32, #tpu.memory_space<vmem>>, vector<16xi32>,
      %swap3A_261 = arith.constant 0 : index
      %swap3A_262 = tpu.vector_load %arg9[%swap3A_261] {strides = array<i32>} : memref<80xi32, #tpu.memory_space<vmem>>, vector<16xi32>,
      tpu.vector_store %arg9[%swap3A_261], %get3A_260 {strides = array<i32>} : memref<80xi32, #tpu.memory_space<vmem>>, vector<16xi32>,
      %mul3A_263 = arith.constant 80 : i32
      %mul3A_264 = arith.muli %add3A_246, %mul3A_263 : i32
      %add3A_265 = arith.constant 16 : i32
      %add3A_266 = arith.addi %mul3A_264, %add3A_265 : i32
      %get3A_267 = arith.index_cast %add3A_266 : i32 to index
      %get3A_268 = tpu.vector_load %arg6[%get3A_267] {strides = array<i32>} : memref<10000xi32, #tpu.memory_space<vmem>>, vector<16xi32>,
      %swap3A_269 = arith.constant 16 : index
      %swap3A_270 = tpu.vector_load %arg8[%swap3A_269] {strides = array<i32>} : memref<80xi32, #tpu.memory_space<vmem>>, vector<16xi32>,
      tpu.vector_store %arg8[%swap3A_269], %get3A_268 {strides = array<i32>} : memref<80xi32, #tpu.memory_space<vmem>>, vector<16xi32>,
      %mul3A_271 = arith.constant 80 : i32
      %mul3A_272 = arith.muli %add3A_246, %mul3A_271 : i32
      %add3A_273 = arith.constant 16 : i32
      %add3A_274 = arith.addi %mul3A_272, %add3A_273 : i32
      %get3A_275 = arith.index_cast %add3A_274 : i32 to index
      %get3A_276 = tpu.vector_load %arg7[%get3A_275] {strides = array<i32>} : memref<10000xi32, #tpu.memory_space<vmem>>, vector<16xi32>,
      %swap3A_277 = arith.constant 16 : index
      %swap3A_278 = tpu.vector_load %arg9[%swap3A_277] {strides = array<i32>} : memref<80xi32, #tpu.memory_space<vmem>>, vector<16xi32>,
      tpu.vector_store %arg9[%swap3A_277], %get3A_276 {strides = array<i32>} : memref<80xi32, #tpu.memory_space<vmem>>, vector<16xi32>,
      %mul3A_279 = arith.constant 80 : i32
      %mul3A_280 = arith.muli %add3A_246, %mul3A_279 : i32
      %add3A_281 = arith.constant 32 : i32
      %add3A_282 = arith.addi %mul3A_280, %add3A_281 : i32
      %get3A_283 = arith.index_cast %add3A_282 : i32 to index
      %get3A_284 = tpu.vector_load %arg6[%get3A_283] {strides = array<i32>} : memref<10000xi32, #tpu.memory_space<vmem>>, vector<16xi32>,
      %swap3A_285 = arith.constant 32 : index
      %swap3A_286 = tpu.vector_load %arg8[%swap3A_285] {strides = array<i32>} : memref<80xi32, #tpu.memory_space<vmem>>, vector<16xi32>,
      tpu.vector_store %arg8[%swap3A_285], %get3A_284 {strides = array<i32>} : memref<80xi32, #tpu.memory_space<vmem>>, vector<16xi32>,
      %mul3A_287 = arith.constant 80 : i32
      %mul3A_288 = arith.muli %add3A_246, %mul3A_287 : i32
      %add3A_289 = arith.constant 32 : i32
      %add3A_290 = arith.addi %mul3A_288, %add3A_289 : i32
      %get3A_291 = arith.index_cast %add3A_290 : i32 to index
      %get3A_292 = tpu.vector_load %arg7[%get3A_291] {strides = array<i32>} : memref<10000xi32, #tpu.memory_space<vmem>>, vector<16xi32>,
      %swap3A_293 = arith.constant 32 : index
      %swap3A_294 = tpu.vector_load %arg9[%swap3A_293] {strides = array<i32>} : memref<80xi32, #tpu.memory_space<vmem>>, vector<16xi32>,
      tpu.vector_store %arg9[%swap3A_293], %get3A_292 {strides = array<i32>} : memref<80xi32, #tpu.memory_space<vmem>>, vector<16xi32>,
      %mul3A_295 = arith.constant 80 : i32
      %mul3A_296 = arith.muli %add3A_246, %mul3A_295 : i32
      %add3A_297 = arith.constant 48 : i32
      %add3A_298 = arith.addi %mul3A_296, %add3A_297 : i32
      %get3A_299 = arith.index_cast %add3A_298 : i32 to index
      %get3A_300 = tpu.vector_load %arg6[%get3A_299] {strides = array<i32>} : memref<10000xi32, #tpu.memory_space<vmem>>, vector<16xi32>,
      %swap3A_301 = arith.constant 48 : index
      %swap3A_302 = tpu.vector_load %arg8[%swap3A_301] {strides = array<i32>} : memref<80xi32, #tpu.memory_space<vmem>>, vector<16xi32>,
      tpu.vector_store %arg8[%swap3A_301], %get3A_300 {strides = array<i32>} : memref<80xi32, #tpu.memory_space<vmem>>, vector<16xi32>,
      %mul3A_303 = arith.constant 80 : i32
      %mul3A_304 = arith.muli %add3A_246, %mul3A_303 : i32
      %add3A_305 = arith.constant 48 : i32
      %add3A_306 = arith.addi %mul3A_304, %add3A_305 : i32
      %get3A_307 = arith.index_cast %add3A_306 : i32 to index
      %get3A_308 = tpu.vector_load %arg7[%get3A_307] {strides = array<i32>} : memref<10000xi32, #tpu.memory_space<vmem>>, vector<16xi32>,
      %swap3A_309 = arith.constant 48 : index
      %swap3A_310 = tpu.vector_load %arg9[%swap3A_309] {strides = array<i32>} : memref<80xi32, #tpu.memory_space<vmem>>, vector<16xi32>,
      tpu.vector_store %arg9[%swap3A_309], %get3A_308 {strides = array<i32>} : memref<80xi32, #tpu.memory_space<vmem>>, vector<16xi32>,
      %mul3A_311 = arith.constant 80 : i32
      %mul3A_312 = arith.muli %add3A_246, %mul3A_311 : i32
      %add3A_313 = arith.constant 64 : i32
      %add3A_314 = arith.addi %mul3A_312, %add3A_313 : i32
      %get3A_315 = arith.index_cast %add3A_314 : i32 to index
      %get3A_316 = tpu.vector_load %arg6[%get3A_315] {strides = array<i32>} : memref<10000xi32, #tpu.memory_space<vmem>>, vector<16xi32>,
      %swap3A_317 = arith.constant 64 : index
      %swap3A_318 = tpu.vector_load %arg8[%swap3A_317] {strides = array<i32>} : memref<80xi32, #tpu.memory_space<vmem>>, vector<16xi32>,
      tpu.vector_store %arg8[%swap3A_317], %get3A_316 {strides = array<i32>} : memref<80xi32, #tpu.memory_space<vmem>>, vector<16xi32>,
      %mul3A_319 = arith.constant 80 : i32
      %mul3A_320 = arith.muli %add3A_246, %mul3A_319 : i32
      %add3A_321 = arith.constant 64 : i32
      %add3A_322 = arith.addi %mul3A_320, %add3A_321 : i32
      %get3A_323 = arith.index_cast %add3A_322 : i32 to index
      %get3A_324 = tpu.vector_load %arg7[%get3A_323] {strides = array<i32>} : memref<10000xi32, #tpu.memory_space<vmem>>, vector<16xi32>,
      %swap3A_325 = arith.constant 64 : index
      %swap3A_326 = tpu.vector_load %arg9[%swap3A_325] {strides = array<i32>} : memref<80xi32, #tpu.memory_space<vmem>>, vector<16xi32>,
      tpu.vector_store %arg9[%swap3A_325], %get3A_324 {strides = array<i32>} : memref<80xi32, #tpu.memory_space<vmem>>, vector<16xi32>,
      %dma_start3A_327 = arith.constant 0 : i32
      %dma_start3A_328 = arith.constant 0 : i32
      %dma_start3A_329 = tpu.memref_slice %arg2[%dma_start3A_327, %dma_start3A_328] : memref<10240x128xf32, #tpu.memory_space<hbm>> -> memref<10240x128xf32, #tpu.memory_space<hbm>>
      tpu.enqueue_indirect_dma source(%dma_start3A_329 : memref<10240x128xf32, #tpu.memory_space<hbm>>) target(%arg12 : memref<80x128xf32, #tpu.memory_space<vmem>>) offsets(%arg8 : memref<80xi32, #tpu.memory_space<vmem>>) semaphore(%arg15 : memref<!tpu.dma_semaphore, #tpu.memory_space<semaphore_mem>>)
      %dma_wait3A_330 = arith.constant 0 : i32
      %dma_wait3A_331 = arith.constant 0 : i32
      %dma_wait3A_332 = tpu.memref_slice %arg2[%dma_wait3A_330, %dma_wait3A_331] : memref<10240x128xf32, #tpu.memory_space<hbm>> -> memref<10240x128xf32, #tpu.memory_space<hbm>>
      tpu.wait_indirect_dma semaphore(%arg16 : memref<!tpu.dma_semaphore, #tpu.memory_space<semaphore_mem>>) src(%dma_wait3A_332 : memref<10240x128xf32, #tpu.memory_space<hbm>>) dst(%arg13 : memref<80x128xf32, #tpu.memory_space<vmem>>)
      "tpu.region"() ({
        %run_scoped3A = tpu.sem_alloc : memref<!tpu.dma_semaphore, #tpu.memory_space<semaphore_mem>>
        %dma_start3A_333 = arith.constant 0 : i32
        %dma_start3A_334 = arith.constant 0 : i32
        %dma_start3A_335 = tpu.memref_slice %arg14[%dma_start3A_333, %dma_start3A_334] : memref<10240x128xf32, #tpu.memory_space<vmem_shared>> -> memref<10240x128xf32, #tpu.memory_space<vmem_shared>>
        tpu.enqueue_indirect_dma source(%arg13 : memref<80x128xf32, #tpu.memory_space<vmem>>) target(%dma_start3A_335 : memref<10240x128xf32, #tpu.memory_space<vmem_shared>>) offsets(%arg11 : memref<80xi32, #tpu.memory_space<vmem>>) semaphore(%run_scoped3A : memref<!tpu.dma_semaphore, #tpu.memory_space<semaphore_mem>>) {add = true}
        %dma_wait3A_336 = arith.constant 0 : i32
        %dma_wait3A_337 = arith.constant 0 : i32
        %dma_wait3A_338 = tpu.memref_slice %arg14[%dma_wait3A_336, %dma_wait3A_337] : memref<10240x128xf32, #tpu.memory_space<vmem_shared>> -> memref<10240x128xf32, #tpu.memory_space<vmem_shared>>
        tpu.wait_indirect_dma semaphore(%run_scoped3A : memref<!tpu.dma_semaphore, #tpu.memory_space<semaphore_mem>>) src(%arg13 : memref<80x128xf32, #tpu.memory_space<vmem>>) dst(%dma_wait3A_338 : memref<10240x128xf32, #tpu.memory_space<vmem_shared>>)
        tpu.yield
      }) : () -> ()
    }
    %scan3A_86 = arith.constant 62 : i32
    %dma_wait3A = arith.constant 0 : i32
    %dma_wait3A_87 = arith.constant 0 : i32
    %dma_wait3A_88 = tpu.memref_slice %arg2[%dma_wait3A, %dma_wait3A_87] : memref<10240x128xf32, #tpu.memory_space<hbm>> -> memref<10240x128xf32, #tpu.memory_space<hbm>>
    tpu.wait_indirect_dma semaphore(%arg15 : memref<!tpu.dma_semaphore, #tpu.memory_space<semaphore_mem>>) src(%dma_wait3A_88 : memref<10240x128xf32, #tpu.memory_space<hbm>>) dst(%arg12 : memref<80x128xf32, #tpu.memory_space<vmem>>)
    "tpu.region"() ({
      %run_scoped3A = tpu.sem_alloc : memref<!tpu.dma_semaphore, #tpu.memory_space<semaphore_mem>>
      %dma_start3A_154 = arith.constant 0 : i32
      %dma_start3A_155 = arith.constant 0 : i32
      %dma_start3A_156 = tpu.memref_slice %arg14[%dma_start3A_154, %dma_start3A_155] : memref<10240x128xf32, #tpu.memory_space<vmem_shared>> -> memref<10240x128xf32, #tpu.memory_space<vmem_shared>>
      tpu.enqueue_indirect_dma source(%arg12 : memref<80x128xf32, #tpu.memory_space<vmem>>) target(%dma_start3A_156 : memref<10240x128xf32, #tpu.memory_space<vmem_shared>>) offsets(%arg9 : memref<80xi32, #tpu.memory_space<vmem>>) semaphore(%run_scoped3A : memref<!tpu.dma_semaphore, #tpu.memory_space<semaphore_mem>>) {add = true}
      %dma_wait3A_157 = arith.constant 0 : i32
      %dma_wait3A_158 = arith.constant 0 : i32
      %dma_wait3A_159 = tpu.memref_slice %arg14[%dma_wait3A_157, %dma_wait3A_158] : memref<10240x128xf32, #tpu.memory_space<vmem_shared>> -> memref<10240x128xf32, #tpu.memory_space<vmem_shared>>
      tpu.wait_indirect_dma semaphore(%run_scoped3A : memref<!tpu.dma_semaphore, #tpu.memory_space<semaphore_mem>>) src(%arg12 : memref<80x128xf32, #tpu.memory_space<vmem>>) dst(%dma_wait3A_159 : memref<10240x128xf32, #tpu.memory_space<vmem_shared>>)
      tpu.yield
    }) : () -> ()
    %barrier3A_89 = arith.constant 0 : index
    tpu.barrier barrier_id(%barrier3A_89)
    %mul3A_90 = arith.constant 640 : i32
    %mul3A_91 = arith.muli %arg1, %mul3A_90 : i32
    %add3A_92 = arith.constant 0 : i32
    %add3A_93 = arith.addi %mul3A_91, %add3A_92 : i32
    "tpu.region"() ({
      %run_scoped3A = tpu.sem_alloc : memref<!tpu.dma_semaphore, #tpu.memory_space<semaphore_mem>>
      %dma_start3A_154 = arith.constant 0 : i32
      %dma_start3A_155 = tpu.memref_slice %arg14[%add3A_93, %dma_start3A_154] : memref<10240x128xf32, #tpu.memory_space<vmem_shared>> -> memref<80x128xf32, #tpu.memory_space<vmem_shared>>
      %dma_start3A_156 = arith.constant 0 : i32
      %dma_start3A_157 = tpu.memref_slice %arg14[%add3A_93, %dma_start3A_156] : memref<10240x128xf32, #tpu.memory_space<vmem_shared>> -> memref<80x128xf32, #tpu.memory_space<vmem_shared>>
      tpu.enqueue_dma source(%dma_start3A_157 : memref<80x128xf32, #tpu.memory_space<vmem_shared>>) target(%arg12 : memref<80x128xf32, #tpu.memory_space<vmem>>) target_semaphore(%run_scoped3A : memref<!tpu.dma_semaphore, #tpu.memory_space<semaphore_mem>>)
      %dma_wait3A_158 = arith.constant 0 : i32
      %dma_wait3A_159 = tpu.memref_slice %arg14[%add3A_93, %dma_wait3A_158] : memref<10240x128xf32, #tpu.memory_space<vmem_shared>> -> memref<80x128xf32, #tpu.memory_space<vmem_shared>>
      %dma_wait3A_160 = arith.constant 0 : i32
      %dma_wait3A_161 = tpu.memref_slice %arg14[%add3A_93, %dma_wait3A_160] : memref<10240x128xf32, #tpu.memory_space<vmem_shared>> -> memref<80x128xf32, #tpu.memory_space<vmem_shared>>
      tpu.wait_dma2 semaphore(%run_scoped3A : memref<!tpu.dma_semaphore, #tpu.memory_space<semaphore_mem>>) src(%dma_wait3A_161 : memref<80x128xf32, #tpu.memory_space<vmem_shared>>) dst(%arg12 : memref<80x128xf32, #tpu.memory_space<vmem>>)
      tpu.yield
    }) : () -> ()
    %mul3A_94 = arith.constant 640 : i32
    %mul3A_95 = arith.muli %arg1, %mul3A_94 : i32
    %add3A_96 = arith.constant 0 : i32
    %add3A_97 = arith.addi %mul3A_95, %add3A_96 : i32
    "tpu.region"() ({
      %run_scoped3A = tpu.sem_alloc : memref<!tpu.dma_semaphore, #tpu.memory_space<semaphore_mem>>
      %dma_start3A_154 = arith.constant 0 : i32
      %dma_start3A_155 = tpu.memref_slice %arg5[%arg0, %add3A_97, %dma_start3A_154] : memref<2x10240x128xf32, #tpu.memory_space<hbm>> -> memref<1x80x128xf32, #tpu.memory_space<hbm>>
      %dma_start3A_156 = tpu.memref_squeeze %dma_start3A_155 : memref<1x80x128xf32, #tpu.memory_space<hbm>> -> memref<80x128xf32, #tpu.memory_space<hbm>>
      %dma_start3A_157 = arith.constant 0 : i32
      %dma_start3A_158 = tpu.memref_slice %arg5[%arg0, %add3A_97, %dma_start3A_157] : memref<2x10240x128xf32, #tpu.memory_space<hbm>> -> memref<1x80x128xf32, #tpu.memory_space<hbm>>
      %dma_start3A_159 = tpu.memref_squeeze %dma_start3A_158 : memref<1x80x128xf32, #tpu.memory_space<hbm>> -> memref<80x128xf32, #tpu.memory_space<hbm>>
      tpu.enqueue_dma source(%arg12 : memref<80x128xf32, #tpu.memory_space<vmem>>) target(%dma_start3A_159 : memref<80x128xf32, #tpu.memory_space<hbm>>) target_semaphore(%run_scoped3A : memref<!tpu.dma_semaphore, #tpu.memory_space<semaphore_mem>>)
      %dma_wait3A_160 = arith.constant 0 : i32
      %dma_wait3A_161 = tpu.memref_slice %arg5[%arg0, %add3A_97, %dma_wait3A_160] : memref<2x10240x128xf32, #tpu.memory_space<hbm>> -> memref<1x80x128xf32, #tpu.memory_space<hbm>>
      %dma_wait3A_162 = tpu.memref_squeeze %dma_wait3A_161 : memref<1x80x128xf32, #tpu.memory_space<hbm>> -> memref<80x128xf32, #tpu.memory_space<hbm>>
      %dma_wait3A_163 = arith.constant 0 : i32
      %dma_wait3A_164 = tpu.memref_slice %arg5[%arg0, %add3A_97, %dma_wait3A_163] : memref<2x10240x128xf32, #tpu.memory_space<hbm>> -> memref<1x80x128xf32, #tpu.memory_space<hbm>>
      %dma_wait3A_165 = tpu.memref_squeeze %dma_wait3A_164 : memref<1x80x128xf32, #tpu.memory_space<hbm>> -> memref<80x128xf32, #tpu.memory_space<hbm>>
      tpu.wait_dma2 semaphore(%run_scoped3A : memref<!tpu.dma_semaphore, #tpu.memory_space<semaphore_mem>>) src(%arg12 : memref<80x128xf32, #tpu.memory_space<vmem>>) dst(%dma_wait3A_165 : memref<80x128xf32, #tpu.memory_space<hbm>>)
      tpu.yield
    }) : () -> ()
    %mul3A_98 = arith.constant 640 : i32
    %mul3A_99 = arith.muli %arg1, %mul3A_98 : i32
    %add3A_100 = arith.constant 80 : i32
    %add3A_101 = arith.addi %mul3A_99, %add3A_100 : i32
    "tpu.region"() ({
      %run_scoped3A = tpu.sem_alloc : memref<!tpu.dma_semaphore, #tpu.memory_space<semaphore_mem>>
      %dma_start3A_154 = arith.constant 0 : i32
      %dma_start3A_155 = tpu.memref_slice %arg14[%add3A_101, %dma_start3A_154] : memref<10240x128xf32, #tpu.memory_space<vmem_shared>> -> memref<80x128xf32, #tpu.memory_space<vmem_shared>>
      %dma_start3A_156 = arith.constant 0 : i32
      %dma_start3A_157 = tpu.memref_slice %arg14[%add3A_101, %dma_start3A_156] : memref<10240x128xf32, #tpu.memory_space<vmem_shared>> -> memref<80x128xf32, #tpu.memory_space<vmem_shared>>
      tpu.enqueue_dma source(%dma_start3A_157 : memref<80x128xf32, #tpu.memory_space<vmem_shared>>) target(%arg12 : memref<80x128xf32, #tpu.memory_space<vmem>>) target_semaphore(%run_scoped3A : memref<!tpu.dma_semaphore, #tpu.memory_space<semaphore_mem>>)
      %dma_wait3A_158 = arith.constant 0 : i32
      %dma_wait3A_159 = tpu.memref_slice %arg14[%add3A_101, %dma_wait3A_158] : memref<10240x128xf32, #tpu.memory_space<vmem_shared>> -> memref<80x128xf32, #tpu.memory_space<vmem_shared>>
      %dma_wait3A_160 = arith.constant 0 : i32
      %dma_wait3A_161 = tpu.memref_slice %arg14[%add3A_101, %dma_wait3A_160] : memref<10240x128xf32, #tpu.memory_space<vmem_shared>> -> memref<80x128xf32, #tpu.memory_space<vmem_shared>>
      tpu.wait_dma2 semaphore(%run_scoped3A : memref<!tpu.dma_semaphore, #tpu.memory_space<semaphore_mem>>) src(%dma_wait3A_161 : memref<80x128xf32, #tpu.memory_space<vmem_shared>>) dst(%arg12 : memref<80x128xf32, #tpu.memory_space<vmem>>)
      tpu.yield
    }) : () -> ()
    %mul3A_102 = arith.constant 640 : i32
    %mul3A_103 = arith.muli %arg1, %mul3A_102 : i32
    %add3A_104 = arith.constant 80 : i32
    %add3A_105 = arith.addi %mul3A_103, %add3A_104 : i32
    "tpu.region"() ({
      %run_scoped3A = tpu.sem_alloc : memref<!tpu.dma_semaphore, #tpu.memory_space<semaphore_mem>>
      %dma_start3A_154 = arith.constant 0 : i32
      %dma_start3A_155 = tpu.memref_slice %arg5[%arg0, %add3A_105, %dma_start3A_154] : memref<2x10240x128xf32, #tpu.memory_space<hbm>> -> memref<1x80x128xf32, #tpu.memory_space<hbm>>
      %dma_start3A_156 = tpu.memref_squeeze %dma_start3A_155 : memref<1x80x128xf32, #tpu.memory_space<hbm>> -> memref<80x128xf32, #tpu.memory_space<hbm>>
      %dma_start3A_157 = arith.constant 0 : i32
      %dma_start3A_158 = tpu.memref_slice %arg5[%arg0, %add3A_105, %dma_start3A_157] : memref<2x10240x128xf32, #tpu.memory_space<hbm>> -> memref<1x80x128xf32, #tpu.memory_space<hbm>>
      %dma_start3A_159 = tpu.memref_squeeze %dma_start3A_158 : memref<1x80x128xf32, #tpu.memory_space<hbm>> -> memref<80x128xf32, #tpu.memory_space<hbm>>
      tpu.enqueue_dma source(%arg12 : memref<80x128xf32, #tpu.memory_space<vmem>>) target(%dma_start3A_159 : memref<80x128xf32, #tpu.memory_space<hbm>>) target_semaphore(%run_scoped3A : memref<!tpu.dma_semaphore, #tpu.memory_space<semaphore_mem>>)
      %dma_wait3A_160 = arith.constant 0 : i32
      %dma_wait3A_161 = tpu.memref_slice %arg5[%arg0, %add3A_105, %dma_wait3A_160] : memref<2x10240x128xf32, #tpu.memory_space<hbm>> -> memref<1x80x128xf32, #tpu.memory_space<hbm>>
      %dma_wait3A_162 = tpu.memref_squeeze %dma_wait3A_161 : memref<1x80x128xf32, #tpu.memory_space<hbm>> -> memref<80x128xf32, #tpu.memory_space<hbm>>
      %dma_wait3A_163 = arith.constant 0 : i32
      %dma_wait3A_164 = tpu.memref_slice %arg5[%arg0, %add3A_105, %dma_wait3A_163] : memref<2x10240x128xf32, #tpu.memory_space<hbm>> -> memref<1x80x128xf32, #tpu.memory_space<hbm>>
      %dma_wait3A_165 = tpu.memref_squeeze %dma_wait3A_164 : memref<1x80x128xf32, #tpu.memory_space<hbm>> -> memref<80x128xf32, #tpu.memory_space<hbm>>
      tpu.wait_dma2 semaphore(%run_scoped3A : memref<!tpu.dma_semaphore, #tpu.memory_space<semaphore_mem>>) src(%arg12 : memref<80x128xf32, #tpu.memory_space<vmem>>) dst(%dma_wait3A_165 : memref<80x128xf32, #tpu.memory_space<hbm>>)
      tpu.yield
    }) : () -> ()
    %mul3A_106 = arith.constant 640 : i32
    %mul3A_107 = arith.muli %arg1, %mul3A_106 : i32
    %add3A_108 = arith.constant 160 : i32
    %add3A_109 = arith.addi %mul3A_107, %add3A_108 : i32
    "tpu.region"() ({
      %run_scoped3A = tpu.sem_alloc : memref<!tpu.dma_semaphore, #tpu.memory_space<semaphore_mem>>
      %dma_start3A_154 = arith.constant 0 : i32
      %dma_start3A_155 = tpu.memref_slice %arg14[%add3A_109, %dma_start3A_154] : memref<10240x128xf32, #tpu.memory_space<vmem_shared>> -> memref<80x128xf32, #tpu.memory_space<vmem_shared>>
      %dma_start3A_156 = arith.constant 0 : i32
      %dma_start3A_157 = tpu.memref_slice %arg14[%add3A_109, %dma_start3A_156] : memref<10240x128xf32, #tpu.memory_space<vmem_shared>> -> memref<80x128xf32, #tpu.memory_space<vmem_shared>>
      tpu.enqueue_dma source(%dma_start3A_157 : memref<80x128xf32, #tpu.memory_space<vmem_shared>>) target(%arg12 : memref<80x128xf32, #tpu.memory_space<vmem>>) target_semaphore(%run_scoped3A : memref<!tpu.dma_semaphore, #tpu.memory_space<semaphore_mem>>)
      %dma_wait3A_158 = arith.constant 0 : i32
      %dma_wait3A_159 = tpu.memref_slice %arg14[%add3A_109, %dma_wait3A_158] : memref<10240x128xf32, #tpu.memory_space<vmem_shared>> -> memref<80x128xf32, #tpu.memory_space<vmem_shared>>
      %dma_wait3A_160 = arith.constant 0 : i32
      %dma_wait3A_161 = tpu.memref_slice %arg14[%add3A_109, %dma_wait3A_160] : memref<10240x128xf32, #tpu.memory_space<vmem_shared>> -> memref<80x128xf32, #tpu.memory_space<vmem_shared>>
      tpu.wait_dma2 semaphore(%run_scoped3A : memref<!tpu.dma_semaphore, #tpu.memory_space<semaphore_mem>>) src(%dma_wait3A_161 : memref<80x128xf32, #tpu.memory_space<vmem_shared>>) dst(%arg12 : memref<80x128xf32, #tpu.memory_space<vmem>>)
      tpu.yield
    }) : () -> ()
    %mul3A_110 = arith.constant 640 : i32
    %mul3A_111 = arith.muli %arg1, %mul3A_110 : i32
    %add3A_112 = arith.constant 160 : i32
    %add3A_113 = arith.addi %mul3A_111, %add3A_112 : i32
    "tpu.region"() ({
      %run_scoped3A = tpu.sem_alloc : memref<!tpu.dma_semaphore, #tpu.memory_space<semaphore_mem>>
      %dma_start3A_154 = arith.constant 0 : i32
      %dma_start3A_155 = tpu.memref_slice %arg5[%arg0, %add3A_113, %dma_start3A_154] : memref<2x10240x128xf32, #tpu.memory_space<hbm>> -> memref<1x80x128xf32, #tpu.memory_space<hbm>>
      %dma_start3A_156 = tpu.memref_squeeze %dma_start3A_155 : memref<1x80x128xf32, #tpu.memory_space<hbm>> -> memref<80x128xf32, #tpu.memory_space<hbm>>
      %dma_start3A_157 = arith.constant 0 : i32
      %dma_start3A_158 = tpu.memref_slice %arg5[%arg0, %add3A_113, %dma_start3A_157] : memref<2x10240x128xf32, #tpu.memory_space<hbm>> -> memref<1x80x128xf32, #tpu.memory_space<hbm>>
      %dma_start3A_159 = tpu.memref_squeeze %dma_start3A_158 : memref<1x80x128xf32, #tpu.memory_space<hbm>> -> memref<80x128xf32, #tpu.memory_space<hbm>>
      tpu.enqueue_dma source(%arg12 : memref<80x128xf32, #tpu.memory_space<vmem>>) target(%dma_start3A_159 : memref<80x128xf32, #tpu.memory_space<hbm>>) target_semaphore(%run_scoped3A : memref<!tpu.dma_semaphore, #tpu.memory_space<semaphore_mem>>)
      %dma_wait3A_160 = arith.constant 0 : i32
      %dma_wait3A_161 = tpu.memref_slice %arg5[%arg0, %add3A_113, %dma_wait3A_160] : memref<2x10240x128xf32, #tpu.memory_space<hbm>> -> memref<1x80x128xf32, #tpu.memory_space<hbm>>
      %dma_wait3A_162 = tpu.memref_squeeze %dma_wait3A_161 : memref<1x80x128xf32, #tpu.memory_space<hbm>> -> memref<80x128xf32, #tpu.memory_space<hbm>>
      %dma_wait3A_163 = arith.constant 0 : i32
      %dma_wait3A_164 = tpu.memref_slice %arg5[%arg0, %add3A_113, %dma_wait3A_163] : memref<2x10240x128xf32, #tpu.memory_space<hbm>> -> memref<1x80x128xf32, #tpu.memory_space<hbm>>
      %dma_wait3A_165 = tpu.memref_squeeze %dma_wait3A_164 : memref<1x80x128xf32, #tpu.memory_space<hbm>> -> memref<80x128xf32, #tpu.memory_space<hbm>>
      tpu.wait_dma2 semaphore(%run_scoped3A : memref<!tpu.dma_semaphore, #tpu.memory_space<semaphore_mem>>) src(%arg12 : memref<80x128xf32, #tpu.memory_space<vmem>>) dst(%dma_wait3A_165 : memref<80x128xf32, #tpu.memory_space<hbm>>)
      tpu.yield
    }) : () -> ()
    %mul3A_114 = arith.constant 640 : i32
    %mul3A_115 = arith.muli %arg1, %mul3A_114 : i32
    %add3A_116 = arith.constant 240 : i32
    %add3A_117 = arith.addi %mul3A_115, %add3A_116 : i32
    "tpu.region"() ({
      %run_scoped3A = tpu.sem_alloc : memref<!tpu.dma_semaphore, #tpu.memory_space<semaphore_mem>>
      %dma_start3A_154 = arith.constant 0 : i32
      %dma_start3A_155 = tpu.memref_slice %arg14[%add3A_117, %dma_start3A_154] : memref<10240x128xf32, #tpu.memory_space<vmem_shared>> -> memref<80x128xf32, #tpu.memory_space<vmem_shared>>
      %dma_start3A_156 = arith.constant 0 : i32
      %dma_start3A_157 = tpu.memref_slice %arg14[%add3A_117, %dma_start3A_156] : memref<10240x128xf32, #tpu.memory_space<vmem_shared>> -> memref<80x128xf32, #tpu.memory_space<vmem_shared>>
      tpu.enqueue_dma source(%dma_start3A_157 : memref<80x128xf32, #tpu.memory_space<vmem_shared>>) target(%arg12 : memref<80x128xf32, #tpu.memory_space<vmem>>) target_semaphore(%run_scoped3A : memref<!tpu.dma_semaphore, #tpu.memory_space<semaphore_mem>>)
      %dma_wait3A_158 = arith.constant 0 : i32
      %dma_wait3A_159 = tpu.memref_slice %arg14[%add3A_117, %dma_wait3A_158] : memref<10240x128xf32, #tpu.memory_space<vmem_shared>> -> memref<80x128xf32, #tpu.memory_space<vmem_shared>>
      %dma_wait3A_160 = arith.constant 0 : i32
      %dma_wait3A_161 = tpu.memref_slice %arg14[%add3A_117, %dma_wait3A_160] : memref<10240x128xf32, #tpu.memory_space<vmem_shared>> -> memref<80x128xf32, #tpu.memory_space<vmem_shared>>
      tpu.wait_dma2 semaphore(%run_scoped3A : memref<!tpu.dma_semaphore, #tpu.memory_space<semaphore_mem>>) src(%dma_wait3A_161 : memref<80x128xf32, #tpu.memory_space<vmem_shared>>) dst(%arg12 : memref<80x128xf32, #tpu.memory_space<vmem>>)
      tpu.yield
    }) : () -> ()
    %mul3A_118 = arith.constant 640 : i32
    %mul3A_119 = arith.muli %arg1, %mul3A_118 : i32
    %add3A_120 = arith.constant 240 : i32
    %add3A_121 = arith.addi %mul3A_119, %add3A_120 : i32
    "tpu.region"() ({
      %run_scoped3A = tpu.sem_alloc : memref<!tpu.dma_semaphore, #tpu.memory_space<semaphore_mem>>
      %dma_start3A_154 = arith.constant 0 : i32
      %dma_start3A_155 = tpu.memref_slice %arg5[%arg0, %add3A_121, %dma_start3A_154] : memref<2x10240x128xf32, #tpu.memory_space<hbm>> -> memref<1x80x128xf32, #tpu.memory_space<hbm>>
      %dma_start3A_156 = tpu.memref_squeeze %dma_start3A_155 : memref<1x80x128xf32, #tpu.memory_space<hbm>> -> memref<80x128xf32, #tpu.memory_space<hbm>>
      %dma_start3A_157 = arith.constant 0 : i32
      %dma_start3A_158 = tpu.memref_slice %arg5[%arg0, %add3A_121, %dma_start3A_157] : memref<2x10240x128xf32, #tpu.memory_space<hbm>> -> memref<1x80x128xf32, #tpu.memory_space<hbm>>
      %dma_start3A_159 = tpu.memref_squeeze %dma_start3A_158 : memref<1x80x128xf32, #tpu.memory_space<hbm>> -> memref<80x128xf32, #tpu.memory_space<hbm>>
      tpu.enqueue_dma source(%arg12 : memref<80x128xf32, #tpu.memory_space<vmem>>) target(%dma_start3A_159 : memref<80x128xf32, #tpu.memory_space<hbm>>) target_semaphore(%run_scoped3A : memref<!tpu.dma_semaphore, #tpu.memory_space<semaphore_mem>>)
      %dma_wait3A_160 = arith.constant 0 : i32
      %dma_wait3A_161 = tpu.memref_slice %arg5[%arg0, %add3A_121, %dma_wait3A_160] : memref<2x10240x128xf32, #tpu.memory_space<hbm>> -> memref<1x80x128xf32, #tpu.memory_space<hbm>>
      %dma_wait3A_162 = tpu.memref_squeeze %dma_wait3A_161 : memref<1x80x128xf32, #tpu.memory_space<hbm>> -> memref<80x128xf32, #tpu.memory_space<hbm>>
      %dma_wait3A_163 = arith.constant 0 : i32
      %dma_wait3A_164 = tpu.memref_slice %arg5[%arg0, %add3A_121, %dma_wait3A_163] : memref<2x10240x128xf32, #tpu.memory_space<hbm>> -> memref<1x80x128xf32, #tpu.memory_space<hbm>>
      %dma_wait3A_165 = tpu.memref_squeeze %dma_wait3A_164 : memref<1x80x128xf32, #tpu.memory_space<hbm>> -> memref<80x128xf32, #tpu.memory_space<hbm>>
      tpu.wait_dma2 semaphore(%run_scoped3A : memref<!tpu.dma_semaphore, #tpu.memory_space<semaphore_mem>>) src(%arg12 : memref<80x128xf32, #tpu.memory_space<vmem>>) dst(%dma_wait3A_165 : memref<80x128xf32, #tpu.memory_space<hbm>>)
      tpu.yield
    }) : () -> ()
    %mul3A_122 = arith.constant 640 : i32
    %mul3A_123 = arith.muli %arg1, %mul3A_122 : i32
    %add3A_124 = arith.constant 320 : i32
    %add3A_125 = arith.addi %mul3A_123, %add3A_124 : i32
    "tpu.region"() ({
      %run_scoped3A = tpu.sem_alloc : memref<!tpu.dma_semaphore, #tpu.memory_space<semaphore_mem>>
      %dma_start3A_154 = arith.constant 0 : i32
      %dma_start3A_155 = tpu.memref_slice %arg14[%add3A_125, %dma_start3A_154] : memref<10240x128xf32, #tpu.memory_space<vmem_shared>> -> memref<80x128xf32, #tpu.memory_space<vmem_shared>>
      %dma_start3A_156 = arith.constant 0 : i32
      %dma_start3A_157 = tpu.memref_slice %arg14[%add3A_125, %dma_start3A_156] : memref<10240x128xf32, #tpu.memory_space<vmem_shared>> -> memref<80x128xf32, #tpu.memory_space<vmem_shared>>
      tpu.enqueue_dma source(%dma_start3A_157 : memref<80x128xf32, #tpu.memory_space<vmem_shared>>) target(%arg12 : memref<80x128xf32, #tpu.memory_space<vmem>>) target_semaphore(%run_scoped3A : memref<!tpu.dma_semaphore, #tpu.memory_space<semaphore_mem>>)
      %dma_wait3A_158 = arith.constant 0 : i32
      %dma_wait3A_159 = tpu.memref_slice %arg14[%add3A_125, %dma_wait3A_158] : memref<10240x128xf32, #tpu.memory_space<vmem_shared>> -> memref<80x128xf32, #tpu.memory_space<vmem_shared>>
      %dma_wait3A_160 = arith.constant 0 : i32
      %dma_wait3A_161 = tpu.memref_slice %arg14[%add3A_125, %dma_wait3A_160] : memref<10240x128xf32, #tpu.memory_space<vmem_shared>> -> memref<80x128xf32, #tpu.memory_space<vmem_shared>>
      tpu.wait_dma2 semaphore(%run_scoped3A : memref<!tpu.dma_semaphore, #tpu.memory_space<semaphore_mem>>) src(%dma_wait3A_161 : memref<80x128xf32, #tpu.memory_space<vmem_shared>>) dst(%arg12 : memref<80x128xf32, #tpu.memory_space<vmem>>)
      tpu.yield
    }) : () -> ()
    %mul3A_126 = arith.constant 640 : i32
    %mul3A_127 = arith.muli %arg1, %mul3A_126 : i32
    %add3A_128 = arith.constant 320 : i32
    %add3A_129 = arith.addi %mul3A_127, %add3A_128 : i32
    "tpu.region"() ({
      %run_scoped3A = tpu.sem_alloc : memref<!tpu.dma_semaphore, #tpu.memory_space<semaphore_mem>>
      %dma_start3A_154 = arith.constant 0 : i32
      %dma_start3A_155 = tpu.memref_slice %arg5[%arg0, %add3A_129, %dma_start3A_154] : memref<2x10240x128xf32, #tpu.memory_space<hbm>> -> memref<1x80x128xf32, #tpu.memory_space<hbm>>
      %dma_start3A_156 = tpu.memref_squeeze %dma_start3A_155 : memref<1x80x128xf32, #tpu.memory_space<hbm>> -> memref<80x128xf32, #tpu.memory_space<hbm>>
      %dma_start3A_157 = arith.constant 0 : i32
      %dma_start3A_158 = tpu.memref_slice %arg5[%arg0, %add3A_129, %dma_start3A_157] : memref<2x10240x128xf32, #tpu.memory_space<hbm>> -> memref<1x80x128xf32, #tpu.memory_space<hbm>>
      %dma_start3A_159 = tpu.memref_squeeze %dma_start3A_158 : memref<1x80x128xf32, #tpu.memory_space<hbm>> -> memref<80x128xf32, #tpu.memory_space<hbm>>
      tpu.enqueue_dma source(%arg12 : memref<80x128xf32, #tpu.memory_space<vmem>>) target(%dma_start3A_159 : memref<80x128xf32, #tpu.memory_space<hbm>>) target_semaphore(%run_scoped3A : memref<!tpu.dma_semaphore, #tpu.memory_space<semaphore_mem>>)
      %dma_wait3A_160 = arith.constant 0 : i32
      %dma_wait3A_161 = tpu.memref_slice %arg5[%arg0, %add3A_129, %dma_wait3A_160] : memref<2x10240x128xf32, #tpu.memory_space<hbm>> -> memref<1x80x128xf32, #tpu.memory_space<hbm>>
      %dma_wait3A_162 = tpu.memref_squeeze %dma_wait3A_161 : memref<1x80x128xf32, #tpu.memory_space<hbm>> -> memref<80x128xf32, #tpu.memory_space<hbm>>
      %dma_wait3A_163 = arith.constant 0 : i32
      %dma_wait3A_164 = tpu.memref_slice %arg5[%arg0, %add3A_129, %dma_wait3A_163] : memref<2x10240x128xf32, #tpu.memory_space<hbm>> -> memref<1x80x128xf32, #tpu.memory_space<hbm>>
      %dma_wait3A_165 = tpu.memref_squeeze %dma_wait3A_164 : memref<1x80x128xf32, #tpu.memory_space<hbm>> -> memref<80x128xf32, #tpu.memory_space<hbm>>
      tpu.wait_dma2 semaphore(%run_scoped3A : memref<!tpu.dma_semaphore, #tpu.memory_space<semaphore_mem>>) src(%arg12 : memref<80x128xf32, #tpu.memory_space<vmem>>) dst(%dma_wait3A_165 : memref<80x128xf32, #tpu.memory_space<hbm>>)
      tpu.yield
    }) : () -> ()
    %mul3A_130 = arith.constant 640 : i32
    %mul3A_131 = arith.muli %arg1, %mul3A_130 : i32
    %add3A_132 = arith.constant 400 : i32
    %add3A_133 = arith.addi %mul3A_131, %add3A_132 : i32
    "tpu.region"() ({
      %run_scoped3A = tpu.sem_alloc : memref<!tpu.dma_semaphore, #tpu.memory_space<semaphore_mem>>
      %dma_start3A_154 = arith.constant 0 : i32
      %dma_start3A_155 = tpu.memref_slice %arg14[%add3A_133, %dma_start3A_154] : memref<10240x128xf32, #tpu.memory_space<vmem_shared>> -> memref<80x128xf32, #tpu.memory_space<vmem_shared>>
      %dma_start3A_156 = arith.constant 0 : i32
      %dma_start3A_157 = tpu.memref_slice %arg14[%add3A_133, %dma_start3A_156] : memref<10240x128xf32, #tpu.memory_space<vmem_shared>> -> memref<80x128xf32, #tpu.memory_space<vmem_shared>>
      tpu.enqueue_dma source(%dma_start3A_157 : memref<80x128xf32, #tpu.memory_space<vmem_shared>>) target(%arg12 : memref<80x128xf32, #tpu.memory_space<vmem>>) target_semaphore(%run_scoped3A : memref<!tpu.dma_semaphore, #tpu.memory_space<semaphore_mem>>)
      %dma_wait3A_158 = arith.constant 0 : i32
      %dma_wait3A_159 = tpu.memref_slice %arg14[%add3A_133, %dma_wait3A_158] : memref<10240x128xf32, #tpu.memory_space<vmem_shared>> -> memref<80x128xf32, #tpu.memory_space<vmem_shared>>
      %dma_wait3A_160 = arith.constant 0 : i32
      %dma_wait3A_161 = tpu.memref_slice %arg14[%add3A_133, %dma_wait3A_160] : memref<10240x128xf32, #tpu.memory_space<vmem_shared>> -> memref<80x128xf32, #tpu.memory_space<vmem_shared>>
      tpu.wait_dma2 semaphore(%run_scoped3A : memref<!tpu.dma_semaphore, #tpu.memory_space<semaphore_mem>>) src(%dma_wait3A_161 : memref<80x128xf32, #tpu.memory_space<vmem_shared>>) dst(%arg12 : memref<80x128xf32, #tpu.memory_space<vmem>>)
      tpu.yield
    }) : () -> ()
    %mul3A_134 = arith.constant 640 : i32
    %mul3A_135 = arith.muli %arg1, %mul3A_134 : i32
    %add3A_136 = arith.constant 400 : i32
    %add3A_137 = arith.addi %mul3A_135, %add3A_136 : i32
    "tpu.region"() ({
      %run_scoped3A = tpu.sem_alloc : memref<!tpu.dma_semaphore, #tpu.memory_space<semaphore_mem>>
      %dma_start3A_154 = arith.constant 0 : i32
      %dma_start3A_155 = tpu.memref_slice %arg5[%arg0, %add3A_137, %dma_start3A_154] : memref<2x10240x128xf32, #tpu.memory_space<hbm>> -> memref<1x80x128xf32, #tpu.memory_space<hbm>>
      %dma_start3A_156 = tpu.memref_squeeze %dma_start3A_155 : memref<1x80x128xf32, #tpu.memory_space<hbm>> -> memref<80x128xf32, #tpu.memory_space<hbm>>
      %dma_start3A_157 = arith.constant 0 : i32
      %dma_start3A_158 = tpu.memref_slice %arg5[%arg0, %add3A_137, %dma_start3A_157] : memref<2x10240x128xf32, #tpu.memory_space<hbm>> -> memref<1x80x128xf32, #tpu.memory_space<hbm>>
      %dma_start3A_159 = tpu.memref_squeeze %dma_start3A_158 : memref<1x80x128xf32, #tpu.memory_space<hbm>> -> memref<80x128xf32, #tpu.memory_space<hbm>>
      tpu.enqueue_dma source(%arg12 : memref<80x128xf32, #tpu.memory_space<vmem>>) target(%dma_start3A_159 : memref<80x128xf32, #tpu.memory_space<hbm>>) target_semaphore(%run_scoped3A : memref<!tpu.dma_semaphore, #tpu.memory_space<semaphore_mem>>)
      %dma_wait3A_160 = arith.constant 0 : i32
      %dma_wait3A_161 = tpu.memref_slice %arg5[%arg0, %add3A_137, %dma_wait3A_160] : memref<2x10240x128xf32, #tpu.memory_space<hbm>> -> memref<1x80x128xf32, #tpu.memory_space<hbm>>
      %dma_wait3A_162 = tpu.memref_squeeze %dma_wait3A_161 : memref<1x80x128xf32, #tpu.memory_space<hbm>> -> memref<80x128xf32, #tpu.memory_space<hbm>>
      %dma_wait3A_163 = arith.constant 0 : i32
      %dma_wait3A_164 = tpu.memref_slice %arg5[%arg0, %add3A_137, %dma_wait3A_163] : memref<2x10240x128xf32, #tpu.memory_space<hbm>> -> memref<1x80x128xf32, #tpu.memory_space<hbm>>
      %dma_wait3A_165 = tpu.memref_squeeze %dma_wait3A_164 : memref<1x80x128xf32, #tpu.memory_space<hbm>> -> memref<80x128xf32, #tpu.memory_space<hbm>>
      tpu.wait_dma2 semaphore(%run_scoped3A : memref<!tpu.dma_semaphore, #tpu.memory_space<semaphore_mem>>) src(%arg12 : memref<80x128xf32, #tpu.memory_space<vmem>>) dst(%dma_wait3A_165 : memref<80x128xf32, #tpu.memory_space<hbm>>)
      tpu.yield
    }) : () -> ()
    %mul3A_138 = arith.constant 640 : i32
    %mul3A_139 = arith.muli %arg1, %mul3A_138 : i32
    %add3A_140 = arith.constant 480 : i32
    %add3A_141 = arith.addi %mul3A_139, %add3A_140 : i32
    "tpu.region"() ({
      %run_scoped3A = tpu.sem_alloc : memref<!tpu.dma_semaphore, #tpu.memory_space<semaphore_mem>>
      %dma_start3A_154 = arith.constant 0 : i32
      %dma_start3A_155 = tpu.memref_slice %arg14[%add3A_141, %dma_start3A_154] : memref<10240x128xf32, #tpu.memory_space<vmem_shared>> -> memref<80x128xf32, #tpu.memory_space<vmem_shared>>
      %dma_start3A_156 = arith.constant 0 : i32
      %dma_start3A_157 = tpu.memref_slice %arg14[%add3A_141, %dma_start3A_156] : memref<10240x128xf32, #tpu.memory_space<vmem_shared>> -> memref<80x128xf32, #tpu.memory_space<vmem_shared>>
      tpu.enqueue_dma source(%dma_start3A_157 : memref<80x128xf32, #tpu.memory_space<vmem_shared>>) target(%arg12 : memref<80x128xf32, #tpu.memory_space<vmem>>) target_semaphore(%run_scoped3A : memref<!tpu.dma_semaphore, #tpu.memory_space<semaphore_mem>>)
      %dma_wait3A_158 = arith.constant 0 : i32
      %dma_wait3A_159 = tpu.memref_slice %arg14[%add3A_141, %dma_wait3A_158] : memref<10240x128xf32, #tpu.memory_space<vmem_shared>> -> memref<80x128xf32, #tpu.memory_space<vmem_shared>>
      %dma_wait3A_160 = arith.constant 0 : i32
      %dma_wait3A_161 = tpu.memref_slice %arg14[%add3A_141, %dma_wait3A_160] : memref<10240x128xf32, #tpu.memory_space<vmem_shared>> -> memref<80x128xf32, #tpu.memory_space<vmem_shared>>
      tpu.wait_dma2 semaphore(%run_scoped3A : memref<!tpu.dma_semaphore, #tpu.memory_space<semaphore_mem>>) src(%dma_wait3A_161 : memref<80x128xf32, #tpu.memory_space<vmem_shared>>) dst(%arg12 : memref<80x128xf32, #tpu.memory_space<vmem>>)
      tpu.yield
    }) : () -> ()
    %mul3A_142 = arith.constant 640 : i32
    %mul3A_143 = arith.muli %arg1, %mul3A_142 : i32
    %add3A_144 = arith.constant 480 : i32
    %add3A_145 = arith.addi %mul3A_143, %add3A_144 : i32
    "tpu.region"() ({
      %run_scoped3A = tpu.sem_alloc : memref<!tpu.dma_semaphore, #tpu.memory_space<semaphore_mem>>
      %dma_start3A_154 = arith.constant 0 : i32
      %dma_start3A_155 = tpu.memref_slice %arg5[%arg0, %add3A_145, %dma_start3A_154] : memref<2x10240x128xf32, #tpu.memory_space<hbm>> -> memref<1x80x128xf32, #tpu.memory_space<hbm>>
      %dma_start3A_156 = tpu.memref_squeeze %dma_start3A_155 : memref<1x80x128xf32, #tpu.memory_space<hbm>> -> memref<80x128xf32, #tpu.memory_space<hbm>>
      %dma_start3A_157 = arith.constant 0 : i32
      %dma_start3A_158 = tpu.memref_slice %arg5[%arg0, %add3A_145, %dma_start3A_157] : memref<2x10240x128xf32, #tpu.memory_space<hbm>> -> memref<1x80x128xf32, #tpu.memory_space<hbm>>
      %dma_start3A_159 = tpu.memref_squeeze %dma_start3A_158 : memref<1x80x128xf32, #tpu.memory_space<hbm>> -> memref<80x128xf32, #tpu.memory_space<hbm>>
      tpu.enqueue_dma source(%arg12 : memref<80x128xf32, #tpu.memory_space<vmem>>) target(%dma_start3A_159 : memref<80x128xf32, #tpu.memory_space<hbm>>) target_semaphore(%run_scoped3A : memref<!tpu.dma_semaphore, #tpu.memory_space<semaphore_mem>>)
      %dma_wait3A_160 = arith.constant 0 : i32
      %dma_wait3A_161 = tpu.memref_slice %arg5[%arg0, %add3A_145, %dma_wait3A_160] : memref<2x10240x128xf32, #tpu.memory_space<hbm>> -> memref<1x80x128xf32, #tpu.memory_space<hbm>>
      %dma_wait3A_162 = tpu.memref_squeeze %dma_wait3A_161 : memref<1x80x128xf32, #tpu.memory_space<hbm>> -> memref<80x128xf32, #tpu.memory_space<hbm>>
      %dma_wait3A_163 = arith.constant 0 : i32
      %dma_wait3A_164 = tpu.memref_slice %arg5[%arg0, %add3A_145, %dma_wait3A_163] : memref<2x10240x128xf32, #tpu.memory_space<hbm>> -> memref<1x80x128xf32, #tpu.memory_space<hbm>>
      %dma_wait3A_165 = tpu.memref_squeeze %dma_wait3A_164 : memref<1x80x128xf32, #tpu.memory_space<hbm>> -> memref<80x128xf32, #tpu.memory_space<hbm>>
      tpu.wait_dma2 semaphore(%run_scoped3A : memref<!tpu.dma_semaphore, #tpu.memory_space<semaphore_mem>>) src(%arg12 : memref<80x128xf32, #tpu.memory_space<vmem>>) dst(%dma_wait3A_165 : memref<80x128xf32, #tpu.memory_space<hbm>>)
      tpu.yield
    }) : () -> ()
    %mul3A_146 = arith.constant 640 : i32
    %mul3A_147 = arith.muli %arg1, %mul3A_146 : i32
    %add3A_148 = arith.constant 560 : i32
    %add3A_149 = arith.addi %mul3A_147, %add3A_148 : i32
    "tpu.region"() ({
      %run_scoped3A = tpu.sem_alloc : memref<!tpu.dma_semaphore, #tpu.memory_space<semaphore_mem>>
      %dma_start3A_154 = arith.constant 0 : i32
      %dma_start3A_155 = tpu.memref_slice %arg14[%add3A_149, %dma_start3A_154] : memref<10240x128xf32, #tpu.memory_space<vmem_shared>> -> memref<80x128xf32, #tpu.memory_space<vmem_shared>>
      %dma_start3A_156 = arith.constant 0 : i32
      %dma_start3A_157 = tpu.memref_slice %arg14[%add3A_149, %dma_start3A_156] : memref<10240x128xf32, #tpu.memory_space<vmem_shared>> -> memref<80x128xf32, #tpu.memory_space<vmem_shared>>
      tpu.enqueue_dma source(%dma_start3A_157 : memref<80x128xf32, #tpu.memory_space<vmem_shared>>) target(%arg12 : memref<80x128xf32, #tpu.memory_space<vmem>>) target_semaphore(%run_scoped3A : memref<!tpu.dma_semaphore, #tpu.memory_space<semaphore_mem>>)
      %dma_wait3A_158 = arith.constant 0 : i32
      %dma_wait3A_159 = tpu.memref_slice %arg14[%add3A_149, %dma_wait3A_158] : memref<10240x128xf32, #tpu.memory_space<vmem_shared>> -> memref<80x128xf32, #tpu.memory_space<vmem_shared>>
      %dma_wait3A_160 = arith.constant 0 : i32
      %dma_wait3A_161 = tpu.memref_slice %arg14[%add3A_149, %dma_wait3A_160] : memref<10240x128xf32, #tpu.memory_space<vmem_shared>> -> memref<80x128xf32, #tpu.memory_space<vmem_shared>>
      tpu.wait_dma2 semaphore(%run_scoped3A : memref<!tpu.dma_semaphore, #tpu.memory_space<semaphore_mem>>) src(%dma_wait3A_161 : memref<80x128xf32, #tpu.memory_space<vmem_shared>>) dst(%arg12 : memref<80x128xf32, #tpu.memory_space<vmem>>)
      tpu.yield
    }) : () -> ()
    %mul3A_150 = arith.constant 640 : i32
    %mul3A_151 = arith.muli %arg1, %mul3A_150 : i32
    %add3A_152 = arith.constant 560 : i32
    %add3A_153 = arith.addi %mul3A_151, %add3A_152 : i32
    "tpu.region"() ({
      %run_scoped3A = tpu.sem_alloc : memref<!tpu.dma_semaphore, #tpu.memory_space<semaphore_mem>>
      %dma_start3A_154 = arith.constant 0 : i32
      %dma_start3A_155 = tpu.memref_slice %arg5[%arg0, %add3A_153, %dma_start3A_154] : memref<2x10240x128xf32, #tpu.memory_space<hbm>> -> memref<1x80x128xf32, #tpu.memory_space<hbm>>
      %dma_start3A_156 = tpu.memref_squeeze %dma_start3A_155 : memref<1x80x128xf32, #tpu.memory_space<hbm>> -> memref<80x128xf32, #tpu.memory_space<hbm>>
      %dma_start3A_157 = arith.constant 0 : i32
      %dma_start3A_158 = tpu.memref_slice %arg5[%arg0, %add3A_153, %dma_start3A_157] : memref<2x10240x128xf32, #tpu.memory_space<hbm>> -> memref<1x80x128xf32, #tpu.memory_space<hbm>>
      %dma_start3A_159 = tpu.memref_squeeze %dma_start3A_158 : memref<1x80x128xf32, #tpu.memory_space<hbm>> -> memref<80x128xf32, #tpu.memory_space<hbm>>
      tpu.enqueue_dma source(%arg12 : memref<80x128xf32, #tpu.memory_space<vmem>>) target(%dma_start3A_159 : memref<80x128xf32, #tpu.memory_space<hbm>>) target_semaphore(%run_scoped3A : memref<!tpu.dma_semaphore, #tpu.memory_space<semaphore_mem>>)
      %dma_wait3A_160 = arith.constant 0 : i32
      %dma_wait3A_161 = tpu.memref_slice %arg5[%arg0, %add3A_153, %dma_wait3A_160] : memref<2x10240x128xf32, #tpu.memory_space<hbm>> -> memref<1x80x128xf32, #tpu.memory_space<hbm>>
      %dma_wait3A_162 = tpu.memref_squeeze %dma_wait3A_161 : memref<1x80x128xf32, #tpu.memory_space<hbm>> -> memref<80x128xf32, #tpu.memory_space<hbm>>
      %dma_wait3A_163 = arith.constant 0 : i32
      %dma_wait3A_164 = tpu.memref_slice %arg5[%arg0, %add3A_153, %dma_wait3A_163] : memref<2x10240x128xf32, #tpu.memory_space<hbm>> -> memref<1x80x128xf32, #tpu.memory_space<hbm>>
      %dma_wait3A_165 = tpu.memref_squeeze %dma_wait3A_164 : memref<1x80x128xf32, #tpu.memory_space<hbm>> -> memref<80x128xf32, #tpu.memory_space<hbm>>
      tpu.wait_dma2 semaphore(%run_scoped3A : memref<!tpu.dma_semaphore, #tpu.memory_space<semaphore_mem>>) src(%arg12 : memref<80x128xf32, #tpu.memory_space<vmem>>) dst(%dma_wait3A_165 : memref<80x128xf32, #tpu.memory_space<hbm>>)
      tpu.yield
    }) : () -> ()
    return
  }
}

#map = affine_map<(d0, d1) -> (0)>
module attributes {stable_mosaic.version = 14 : i64} {
  func.func @_dinv_body(%arg0: i32, %arg1: i32, %arg2: memref<320000xi32, #tpu.memory_space<hbm>>, %arg3: memref<10240xf32, #tpu.memory_space<hbm>>, %arg4: memref<20000xi32, #tpu.memory_space<vmem>>, %arg5: memref<10240xf32, #tpu.memory_space<vmem>>, %arg6: memref<10240xf32, #tpu.memory_space<vmem>>, %arg7: memref<163840xf32, #tpu.memory_space<vmem_shared>>) attributes {dimension_semantics = [#tpu.dimension_semantics<core_parallel>, #tpu.dimension_semantics<subcore_parallel>], iteration_bounds = array<i64: 2, 16>, scalar_prefetch = 0 : i64, scratch_operands = 4 : i64, tpu.core_type = #tpu.core_type<sc_vector_subcore>, window_params = [{transform_indices = #map}, {transform_indices = #map}]} {
    %broadcast_in_dim3A = arith.constant 0.000000e+00 : f32
    %broadcast_in_dim3A_0 = vector.broadcast %broadcast_in_dim3A : f32 to vector<16xf32>
    %broadcast_in_dim3A_1 = arith.constant 1.000000e+00 : f32
    %broadcast_in_dim3A_2 = vector.broadcast %broadcast_in_dim3A_1 : f32 to vector<16xf32>
    %eq3A = arith.constant 0 : i32
    %eq3A_3 = arith.cmpi eq, %arg0, %eq3A : i32
    %convert_element_type3A = arith.extui %eq3A_3 : i1 to i32
    %cond3A = arith.constant 0 : i32
    %cond3A_4 = arith.cmpi ne, %convert_element_type3A, %cond3A : i32
    scf.if %cond3A_4 {
      %scan3A = arith.constant 0 : i32
      %scan3A_5 = arith.constant 0 : i32
      %scan3A_6 = arith.constant 640 : i32
      %scan3A_7 = arith.addi %scan3A_5, %scan3A_6 : i32
      %scan3A_8 = arith.constant 1 : i32
      scf.for %scan3A_90 = %scan3A_5 to %scan3A_7 step %scan3A_8  : i32 {
        %mul3A_91 = arith.constant 16 : i32
        %mul3A_92 = arith.muli %scan3A_90, %mul3A_91 : i32
        %swap3A = arith.index_cast %mul3A_92 : i32 to index
        %swap3A_93 = tpu.vector_load %arg5[%swap3A] {strides = array<i32>} : memref<10240xf32, #tpu.memory_space<vmem>>, vector<16xf32>,
        tpu.vector_store %arg5[%swap3A], %broadcast_in_dim3A_0 {strides = array<i32>} : memref<10240xf32, #tpu.memory_space<vmem>>, vector<16xf32>,
      }
      %scan3A_9 = arith.constant 640 : i32
      %mul3A = arith.constant 20000 : i32
      %mul3A_10 = arith.muli %arg1, %mul3A : i32
      "tpu.region"() ({
        %run_scoped3A = tpu.sem_alloc : memref<!tpu.dma_semaphore, #tpu.memory_space<semaphore_mem>>
        %dma_start3A = tpu.memref_slice %arg2[%mul3A_10] : memref<320000xi32, #tpu.memory_space<hbm>> -> memref<20000xi32, #tpu.memory_space<hbm>>
        %dma_start3A_90 = tpu.memref_slice %arg2[%mul3A_10] : memref<320000xi32, #tpu.memory_space<hbm>> -> memref<20000xi32, #tpu.memory_space<hbm>>
        tpu.enqueue_dma source(%dma_start3A_90 : memref<20000xi32, #tpu.memory_space<hbm>>) target(%arg4 : memref<20000xi32, #tpu.memory_space<vmem>>) target_semaphore(%run_scoped3A : memref<!tpu.dma_semaphore, #tpu.memory_space<semaphore_mem>>)
        %dma_wait3A = tpu.memref_slice %arg2[%mul3A_10] : memref<320000xi32, #tpu.memory_space<hbm>> -> memref<20000xi32, #tpu.memory_space<hbm>>
        %dma_wait3A_91 = tpu.memref_slice %arg2[%mul3A_10] : memref<320000xi32, #tpu.memory_space<hbm>> -> memref<20000xi32, #tpu.memory_space<hbm>>
        tpu.wait_dma2 semaphore(%run_scoped3A : memref<!tpu.dma_semaphore, #tpu.memory_space<semaphore_mem>>) src(%dma_wait3A_91 : memref<20000xi32, #tpu.memory_space<hbm>>) dst(%arg4 : memref<20000xi32, #tpu.memory_space<vmem>>)
        tpu.yield
      }) : () -> ()
      %scan3A_11 = arith.constant 0 : i32
      %scan3A_12 = arith.constant 0 : i32
      %scan3A_13 = arith.constant 1250 : i32
      %scan3A_14 = arith.addi %scan3A_12, %scan3A_13 : i32
      %scan3A_15 = arith.constant 1 : i32
      scf.for %scan3A_90 = %scan3A_12 to %scan3A_14 step %scan3A_15  : i32 {
        %mul3A_91 = arith.constant 16 : i32
        %mul3A_92 = arith.muli %scan3A_90, %mul3A_91 : i32
        %get3A = arith.index_cast %mul3A_92 : i32 to index
        %get3A_93 = tpu.vector_load %arg4[%get3A] {strides = array<i32>} : memref<20000xi32, #tpu.memory_space<vmem>>, vector<16xi32>,
        tpu.vector_store_idx %arg5[%get3A_93], %broadcast_in_dim3A_2 {add = true} : memref<10240xf32, #tpu.memory_space<vmem>>[vector<16xi32>], vector<16xf32>,
      }
      %scan3A_16 = arith.constant 1250 : i32
      %mul3A_17 = arith.constant 10240 : i32
      %mul3A_18 = arith.muli %arg1, %mul3A_17 : i32
      "tpu.region"() ({
        %run_scoped3A = tpu.sem_alloc : memref<!tpu.dma_semaphore, #tpu.memory_space<semaphore_mem>>
        %dma_start3A = tpu.memref_slice %arg7[%mul3A_18] : memref<163840xf32, #tpu.memory_space<vmem_shared>> -> memref<10240xf32, #tpu.memory_space<vmem_shared>>
        %dma_start3A_90 = tpu.memref_slice %arg7[%mul3A_18] : memref<163840xf32, #tpu.memory_space<vmem_shared>> -> memref<10240xf32, #tpu.memory_space<vmem_shared>>
        tpu.enqueue_dma source(%arg5 : memref<10240xf32, #tpu.memory_space<vmem>>) target(%dma_start3A_90 : memref<10240xf32, #tpu.memory_space<vmem_shared>>) target_semaphore(%run_scoped3A : memref<!tpu.dma_semaphore, #tpu.memory_space<semaphore_mem>>)
        %dma_wait3A = tpu.memref_slice %arg7[%mul3A_18] : memref<163840xf32, #tpu.memory_space<vmem_shared>> -> memref<10240xf32, #tpu.memory_space<vmem_shared>>
        %dma_wait3A_91 = tpu.memref_slice %arg7[%mul3A_18] : memref<163840xf32, #tpu.memory_space<vmem_shared>> -> memref<10240xf32, #tpu.memory_space<vmem_shared>>
        tpu.wait_dma2 semaphore(%run_scoped3A : memref<!tpu.dma_semaphore, #tpu.memory_space<semaphore_mem>>) src(%arg5 : memref<10240xf32, #tpu.memory_space<vmem>>) dst(%dma_wait3A_91 : memref<10240xf32, #tpu.memory_space<vmem_shared>>)
        tpu.yield
      }) : () -> ()
      %barrier3A = arith.constant 0 : index
      tpu.barrier barrier_id(%barrier3A)
      %mul3A_19 = arith.constant 640 : i32
      %mul3A_20 = arith.muli %arg1, %mul3A_19 : i32
      %add3A = arith.constant 0 : i32
      %add3A_21 = arith.addi %add3A, %mul3A_20 : i32
      "tpu.region"() ({
        %run_scoped3A = tpu.sem_alloc : memref<!tpu.dma_semaphore, #tpu.memory_space<semaphore_mem>>
        %dma_start3A = arith.constant 0 : i32
        %dma_start3A_90 = tpu.memref_slice %arg6[%dma_start3A] : memref<10240xf32, #tpu.memory_space<vmem>> -> memref<640xf32, #tpu.memory_space<vmem>>
        %dma_start3A_91 = tpu.memref_slice %arg7[%add3A_21] : memref<163840xf32, #tpu.memory_space<vmem_shared>> -> memref<640xf32, #tpu.memory_space<vmem_shared>>
        %dma_start3A_92 = arith.constant 0 : i32
        %dma_start3A_93 = tpu.memref_slice %arg6[%dma_start3A_92] : memref<10240xf32, #tpu.memory_space<vmem>> -> memref<640xf32, #tpu.memory_space<vmem>>
        %dma_start3A_94 = tpu.memref_slice %arg7[%add3A_21] : memref<163840xf32, #tpu.memory_space<vmem_shared>> -> memref<640xf32, #tpu.memory_space<vmem_shared>>
        tpu.enqueue_dma source(%dma_start3A_94 : memref<640xf32, #tpu.memory_space<vmem_shared>>) target(%dma_start3A_93 : memref<640xf32, #tpu.memory_space<vmem>>) target_semaphore(%run_scoped3A : memref<!tpu.dma_semaphore, #tpu.memory_space<semaphore_mem>>)
        %dma_wait3A = arith.constant 0 : i32
        %dma_wait3A_95 = tpu.memref_slice %arg6[%dma_wait3A] : memref<10240xf32, #tpu.memory_space<vmem>> -> memref<640xf32, #tpu.memory_space<vmem>>
        %dma_wait3A_96 = tpu.memref_slice %arg7[%add3A_21] : memref<163840xf32, #tpu.memory_space<vmem_shared>> -> memref<640xf32, #tpu.memory_space<vmem_shared>>
        %dma_wait3A_97 = arith.constant 0 : i32
        %dma_wait3A_98 = tpu.memref_slice %arg6[%dma_wait3A_97] : memref<10240xf32, #tpu.memory_space<vmem>> -> memref<640xf32, #tpu.memory_space<vmem>>
        %dma_wait3A_99 = tpu.memref_slice %arg7[%add3A_21] : memref<163840xf32, #tpu.memory_space<vmem_shared>> -> memref<640xf32, #tpu.memory_space<vmem_shared>>
        tpu.wait_dma2 semaphore(%run_scoped3A : memref<!tpu.dma_semaphore, #tpu.memory_space<semaphore_mem>>) src(%dma_wait3A_99 : memref<640xf32, #tpu.memory_space<vmem_shared>>) dst(%dma_wait3A_98 : memref<640xf32, #tpu.memory_space<vmem>>)
        tpu.yield
      }) : () -> ()
      %mul3A_22 = arith.constant 640 : i32
      %mul3A_23 = arith.muli %arg1, %mul3A_22 : i32
      %add3A_24 = arith.constant 10240 : i32
      %add3A_25 = arith.addi %add3A_24, %mul3A_23 : i32
      "tpu.region"() ({
        %run_scoped3A = tpu.sem_alloc : memref<!tpu.dma_semaphore, #tpu.memory_space<semaphore_mem>>
        %dma_start3A = arith.constant 640 : i32
        %dma_start3A_90 = tpu.memref_slice %arg6[%dma_start3A] : memref<10240xf32, #tpu.memory_space<vmem>> -> memref<640xf32, #tpu.memory_space<vmem>>
        %dma_start3A_91 = tpu.memref_slice %arg7[%add3A_25] : memref<163840xf32, #tpu.memory_space<vmem_shared>> -> memref<640xf32, #tpu.memory_space<vmem_shared>>
        %dma_start3A_92 = arith.constant 640 : i32
        %dma_start3A_93 = tpu.memref_slice %arg6[%dma_start3A_92] : memref<10240xf32, #tpu.memory_space<vmem>> -> memref<640xf32, #tpu.memory_space<vmem>>
        %dma_start3A_94 = tpu.memref_slice %arg7[%add3A_25] : memref<163840xf32, #tpu.memory_space<vmem_shared>> -> memref<640xf32, #tpu.memory_space<vmem_shared>>
        tpu.enqueue_dma source(%dma_start3A_94 : memref<640xf32, #tpu.memory_space<vmem_shared>>) target(%dma_start3A_93 : memref<640xf32, #tpu.memory_space<vmem>>) target_semaphore(%run_scoped3A : memref<!tpu.dma_semaphore, #tpu.memory_space<semaphore_mem>>)
        %dma_wait3A = arith.constant 640 : i32
        %dma_wait3A_95 = tpu.memref_slice %arg6[%dma_wait3A] : memref<10240xf32, #tpu.memory_space<vmem>> -> memref<640xf32, #tpu.memory_space<vmem>>
        %dma_wait3A_96 = tpu.memref_slice %arg7[%add3A_25] : memref<163840xf32, #tpu.memory_space<vmem_shared>> -> memref<640xf32, #tpu.memory_space<vmem_shared>>
        %dma_wait3A_97 = arith.constant 640 : i32
        %dma_wait3A_98 = tpu.memref_slice %arg6[%dma_wait3A_97] : memref<10240xf32, #tpu.memory_space<vmem>> -> memref<640xf32, #tpu.memory_space<vmem>>
        %dma_wait3A_99 = tpu.memref_slice %arg7[%add3A_25] : memref<163840xf32, #tpu.memory_space<vmem_shared>> -> memref<640xf32, #tpu.memory_space<vmem_shared>>
        tpu.wait_dma2 semaphore(%run_scoped3A : memref<!tpu.dma_semaphore, #tpu.memory_space<semaphore_mem>>) src(%dma_wait3A_99 : memref<640xf32, #tpu.memory_space<vmem_shared>>) dst(%dma_wait3A_98 : memref<640xf32, #tpu.memory_space<vmem>>)
        tpu.yield
      }) : () -> ()
      %mul3A_26 = arith.constant 640 : i32
      %mul3A_27 = arith.muli %arg1, %mul3A_26 : i32
      %add3A_28 = arith.constant 20480 : i32
      %add3A_29 = arith.addi %add3A_28, %mul3A_27 : i32
      "tpu.region"() ({
        %run_scoped3A = tpu.sem_alloc : memref<!tpu.dma_semaphore, #tpu.memory_space<semaphore_mem>>
        %dma_start3A = arith.constant 1280 : i32
        %dma_start3A_90 = tpu.memref_slice %arg6[%dma_start3A] : memref<10240xf32, #tpu.memory_space<vmem>> -> memref<640xf32, #tpu.memory_space<vmem>>
        %dma_start3A_91 = tpu.memref_slice %arg7[%add3A_29] : memref<163840xf32, #tpu.memory_space<vmem_shared>> -> memref<640xf32, #tpu.memory_space<vmem_shared>>
        %dma_start3A_92 = arith.constant 1280 : i32
        %dma_start3A_93 = tpu.memref_slice %arg6[%dma_start3A_92] : memref<10240xf32, #tpu.memory_space<vmem>> -> memref<640xf32, #tpu.memory_space<vmem>>
        %dma_start3A_94 = tpu.memref_slice %arg7[%add3A_29] : memref<163840xf32, #tpu.memory_space<vmem_shared>> -> memref<640xf32, #tpu.memory_space<vmem_shared>>
        tpu.enqueue_dma source(%dma_start3A_94 : memref<640xf32, #tpu.memory_space<vmem_shared>>) target(%dma_start3A_93 : memref<640xf32, #tpu.memory_space<vmem>>) target_semaphore(%run_scoped3A : memref<!tpu.dma_semaphore, #tpu.memory_space<semaphore_mem>>)
        %dma_wait3A = arith.constant 1280 : i32
        %dma_wait3A_95 = tpu.memref_slice %arg6[%dma_wait3A] : memref<10240xf32, #tpu.memory_space<vmem>> -> memref<640xf32, #tpu.memory_space<vmem>>
        %dma_wait3A_96 = tpu.memref_slice %arg7[%add3A_29] : memref<163840xf32, #tpu.memory_space<vmem_shared>> -> memref<640xf32, #tpu.memory_space<vmem_shared>>
        %dma_wait3A_97 = arith.constant 1280 : i32
        %dma_wait3A_98 = tpu.memref_slice %arg6[%dma_wait3A_97] : memref<10240xf32, #tpu.memory_space<vmem>> -> memref<640xf32, #tpu.memory_space<vmem>>
        %dma_wait3A_99 = tpu.memref_slice %arg7[%add3A_29] : memref<163840xf32, #tpu.memory_space<vmem_shared>> -> memref<640xf32, #tpu.memory_space<vmem_shared>>
        tpu.wait_dma2 semaphore(%run_scoped3A : memref<!tpu.dma_semaphore, #tpu.memory_space<semaphore_mem>>) src(%dma_wait3A_99 : memref<640xf32, #tpu.memory_space<vmem_shared>>) dst(%dma_wait3A_98 : memref<640xf32, #tpu.memory_space<vmem>>)
        tpu.yield
      }) : () -> ()
      %mul3A_30 = arith.constant 640 : i32
      %mul3A_31 = arith.muli %arg1, %mul3A_30 : i32
      %add3A_32 = arith.constant 30720 : i32
      %add3A_33 = arith.addi %add3A_32, %mul3A_31 : i32
      "tpu.region"() ({
        %run_scoped3A = tpu.sem_alloc : memref<!tpu.dma_semaphore, #tpu.memory_space<semaphore_mem>>
        %dma_start3A = arith.constant 1920 : i32
        %dma_start3A_90 = tpu.memref_slice %arg6[%dma_start3A] : memref<10240xf32, #tpu.memory_space<vmem>> -> memref<640xf32, #tpu.memory_space<vmem>>
        %dma_start3A_91 = tpu.memref_slice %arg7[%add3A_33] : memref<163840xf32, #tpu.memory_space<vmem_shared>> -> memref<640xf32, #tpu.memory_space<vmem_shared>>
        %dma_start3A_92 = arith.constant 1920 : i32
        %dma_start3A_93 = tpu.memref_slice %arg6[%dma_start3A_92] : memref<10240xf32, #tpu.memory_space<vmem>> -> memref<640xf32, #tpu.memory_space<vmem>>
        %dma_start3A_94 = tpu.memref_slice %arg7[%add3A_33] : memref<163840xf32, #tpu.memory_space<vmem_shared>> -> memref<640xf32, #tpu.memory_space<vmem_shared>>
        tpu.enqueue_dma source(%dma_start3A_94 : memref<640xf32, #tpu.memory_space<vmem_shared>>) target(%dma_start3A_93 : memref<640xf32, #tpu.memory_space<vmem>>) target_semaphore(%run_scoped3A : memref<!tpu.dma_semaphore, #tpu.memory_space<semaphore_mem>>)
        %dma_wait3A = arith.constant 1920 : i32
        %dma_wait3A_95 = tpu.memref_slice %arg6[%dma_wait3A] : memref<10240xf32, #tpu.memory_space<vmem>> -> memref<640xf32, #tpu.memory_space<vmem>>
        %dma_wait3A_96 = tpu.memref_slice %arg7[%add3A_33] : memref<163840xf32, #tpu.memory_space<vmem_shared>> -> memref<640xf32, #tpu.memory_space<vmem_shared>>
        %dma_wait3A_97 = arith.constant 1920 : i32
        %dma_wait3A_98 = tpu.memref_slice %arg6[%dma_wait3A_97] : memref<10240xf32, #tpu.memory_space<vmem>> -> memref<640xf32, #tpu.memory_space<vmem>>
        %dma_wait3A_99 = tpu.memref_slice %arg7[%add3A_33] : memref<163840xf32, #tpu.memory_space<vmem_shared>> -> memref<640xf32, #tpu.memory_space<vmem_shared>>
        tpu.wait_dma2 semaphore(%run_scoped3A : memref<!tpu.dma_semaphore, #tpu.memory_space<semaphore_mem>>) src(%dma_wait3A_99 : memref<640xf32, #tpu.memory_space<vmem_shared>>) dst(%dma_wait3A_98 : memref<640xf32, #tpu.memory_space<vmem>>)
        tpu.yield
      }) : () -> ()
      %mul3A_34 = arith.constant 640 : i32
      %mul3A_35 = arith.muli %arg1, %mul3A_34 : i32
      %add3A_36 = arith.constant 40960 : i32
      %add3A_37 = arith.addi %add3A_36, %mul3A_35 : i32
      "tpu.region"() ({
        %run_scoped3A = tpu.sem_alloc : memref<!tpu.dma_semaphore, #tpu.memory_space<semaphore_mem>>
        %dma_start3A = arith.constant 2560 : i32
        %dma_start3A_90 = tpu.memref_slice %arg6[%dma_start3A] : memref<10240xf32, #tpu.memory_space<vmem>> -> memref<640xf32, #tpu.memory_space<vmem>>
        %dma_start3A_91 = tpu.memref_slice %arg7[%add3A_37] : memref<163840xf32, #tpu.memory_space<vmem_shared>> -> memref<640xf32, #tpu.memory_space<vmem_shared>>
        %dma_start3A_92 = arith.constant 2560 : i32
        %dma_start3A_93 = tpu.memref_slice %arg6[%dma_start3A_92] : memref<10240xf32, #tpu.memory_space<vmem>> -> memref<640xf32, #tpu.memory_space<vmem>>
        %dma_start3A_94 = tpu.memref_slice %arg7[%add3A_37] : memref<163840xf32, #tpu.memory_space<vmem_shared>> -> memref<640xf32, #tpu.memory_space<vmem_shared>>
        tpu.enqueue_dma source(%dma_start3A_94 : memref<640xf32, #tpu.memory_space<vmem_shared>>) target(%dma_start3A_93 : memref<640xf32, #tpu.memory_space<vmem>>) target_semaphore(%run_scoped3A : memref<!tpu.dma_semaphore, #tpu.memory_space<semaphore_mem>>)
        %dma_wait3A = arith.constant 2560 : i32
        %dma_wait3A_95 = tpu.memref_slice %arg6[%dma_wait3A] : memref<10240xf32, #tpu.memory_space<vmem>> -> memref<640xf32, #tpu.memory_space<vmem>>
        %dma_wait3A_96 = tpu.memref_slice %arg7[%add3A_37] : memref<163840xf32, #tpu.memory_space<vmem_shared>> -> memref<640xf32, #tpu.memory_space<vmem_shared>>
        %dma_wait3A_97 = arith.constant 2560 : i32
        %dma_wait3A_98 = tpu.memref_slice %arg6[%dma_wait3A_97] : memref<10240xf32, #tpu.memory_space<vmem>> -> memref<640xf32, #tpu.memory_space<vmem>>
        %dma_wait3A_99 = tpu.memref_slice %arg7[%add3A_37] : memref<163840xf32, #tpu.memory_space<vmem_shared>> -> memref<640xf32, #tpu.memory_space<vmem_shared>>
        tpu.wait_dma2 semaphore(%run_scoped3A : memref<!tpu.dma_semaphore, #tpu.memory_space<semaphore_mem>>) src(%dma_wait3A_99 : memref<640xf32, #tpu.memory_space<vmem_shared>>) dst(%dma_wait3A_98 : memref<640xf32, #tpu.memory_space<vmem>>)
        tpu.yield
      }) : () -> ()
      %mul3A_38 = arith.constant 640 : i32
      %mul3A_39 = arith.muli %arg1, %mul3A_38 : i32
      %add3A_40 = arith.constant 51200 : i32
      %add3A_41 = arith.addi %add3A_40, %mul3A_39 : i32
      "tpu.region"() ({
        %run_scoped3A = tpu.sem_alloc : memref<!tpu.dma_semaphore, #tpu.memory_space<semaphore_mem>>
        %dma_start3A = arith.constant 3200 : i32
        %dma_start3A_90 = tpu.memref_slice %arg6[%dma_start3A] : memref<10240xf32, #tpu.memory_space<vmem>> -> memref<640xf32, #tpu.memory_space<vmem>>
        %dma_start3A_91 = tpu.memref_slice %arg7[%add3A_41] : memref<163840xf32, #tpu.memory_space<vmem_shared>> -> memref<640xf32, #tpu.memory_space<vmem_shared>>
        %dma_start3A_92 = arith.constant 3200 : i32
        %dma_start3A_93 = tpu.memref_slice %arg6[%dma_start3A_92] : memref<10240xf32, #tpu.memory_space<vmem>> -> memref<640xf32, #tpu.memory_space<vmem>>
        %dma_start3A_94 = tpu.memref_slice %arg7[%add3A_41] : memref<163840xf32, #tpu.memory_space<vmem_shared>> -> memref<640xf32, #tpu.memory_space<vmem_shared>>
        tpu.enqueue_dma source(%dma_start3A_94 : memref<640xf32, #tpu.memory_space<vmem_shared>>) target(%dma_start3A_93 : memref<640xf32, #tpu.memory_space<vmem>>) target_semaphore(%run_scoped3A : memref<!tpu.dma_semaphore, #tpu.memory_space<semaphore_mem>>)
        %dma_wait3A = arith.constant 3200 : i32
        %dma_wait3A_95 = tpu.memref_slice %arg6[%dma_wait3A] : memref<10240xf32, #tpu.memory_space<vmem>> -> memref<640xf32, #tpu.memory_space<vmem>>
        %dma_wait3A_96 = tpu.memref_slice %arg7[%add3A_41] : memref<163840xf32, #tpu.memory_space<vmem_shared>> -> memref<640xf32, #tpu.memory_space<vmem_shared>>
        %dma_wait3A_97 = arith.constant 3200 : i32
        %dma_wait3A_98 = tpu.memref_slice %arg6[%dma_wait3A_97] : memref<10240xf32, #tpu.memory_space<vmem>> -> memref<640xf32, #tpu.memory_space<vmem>>
        %dma_wait3A_99 = tpu.memref_slice %arg7[%add3A_41] : memref<163840xf32, #tpu.memory_space<vmem_shared>> -> memref<640xf32, #tpu.memory_space<vmem_shared>>
        tpu.wait_dma2 semaphore(%run_scoped3A : memref<!tpu.dma_semaphore, #tpu.memory_space<semaphore_mem>>) src(%dma_wait3A_99 : memref<640xf32, #tpu.memory_space<vmem_shared>>) dst(%dma_wait3A_98 : memref<640xf32, #tpu.memory_space<vmem>>)
        tpu.yield
      }) : () -> ()
      %mul3A_42 = arith.constant 640 : i32
      %mul3A_43 = arith.muli %arg1, %mul3A_42 : i32
      %add3A_44 = arith.constant 61440 : i32
      %add3A_45 = arith.addi %add3A_44, %mul3A_43 : i32
      "tpu.region"() ({
        %run_scoped3A = tpu.sem_alloc : memref<!tpu.dma_semaphore, #tpu.memory_space<semaphore_mem>>
        %dma_start3A = arith.constant 3840 : i32
        %dma_start3A_90 = tpu.memref_slice %arg6[%dma_start3A] : memref<10240xf32, #tpu.memory_space<vmem>> -> memref<640xf32, #tpu.memory_space<vmem>>
        %dma_start3A_91 = tpu.memref_slice %arg7[%add3A_45] : memref<163840xf32, #tpu.memory_space<vmem_shared>> -> memref<640xf32, #tpu.memory_space<vmem_shared>>
        %dma_start3A_92 = arith.constant 3840 : i32
        %dma_start3A_93 = tpu.memref_slice %arg6[%dma_start3A_92] : memref<10240xf32, #tpu.memory_space<vmem>> -> memref<640xf32, #tpu.memory_space<vmem>>
        %dma_start3A_94 = tpu.memref_slice %arg7[%add3A_45] : memref<163840xf32, #tpu.memory_space<vmem_shared>> -> memref<640xf32, #tpu.memory_space<vmem_shared>>
        tpu.enqueue_dma source(%dma_start3A_94 : memref<640xf32, #tpu.memory_space<vmem_shared>>) target(%dma_start3A_93 : memref<640xf32, #tpu.memory_space<vmem>>) target_semaphore(%run_scoped3A : memref<!tpu.dma_semaphore, #tpu.memory_space<semaphore_mem>>)
        %dma_wait3A = arith.constant 3840 : i32
        %dma_wait3A_95 = tpu.memref_slice %arg6[%dma_wait3A] : memref<10240xf32, #tpu.memory_space<vmem>> -> memref<640xf32, #tpu.memory_space<vmem>>
        %dma_wait3A_96 = tpu.memref_slice %arg7[%add3A_45] : memref<163840xf32, #tpu.memory_space<vmem_shared>> -> memref<640xf32, #tpu.memory_space<vmem_shared>>
        %dma_wait3A_97 = arith.constant 3840 : i32
        %dma_wait3A_98 = tpu.memref_slice %arg6[%dma_wait3A_97] : memref<10240xf32, #tpu.memory_space<vmem>> -> memref<640xf32, #tpu.memory_space<vmem>>
        %dma_wait3A_99 = tpu.memref_slice %arg7[%add3A_45] : memref<163840xf32, #tpu.memory_space<vmem_shared>> -> memref<640xf32, #tpu.memory_space<vmem_shared>>
        tpu.wait_dma2 semaphore(%run_scoped3A : memref<!tpu.dma_semaphore, #tpu.memory_space<semaphore_mem>>) src(%dma_wait3A_99 : memref<640xf32, #tpu.memory_space<vmem_shared>>) dst(%dma_wait3A_98 : memref<640xf32, #tpu.memory_space<vmem>>)
        tpu.yield
      }) : () -> ()
      %mul3A_46 = arith.constant 640 : i32
      %mul3A_47 = arith.muli %arg1, %mul3A_46 : i32
      %add3A_48 = arith.constant 71680 : i32
      %add3A_49 = arith.addi %add3A_48, %mul3A_47 : i32
      "tpu.region"() ({
        %run_scoped3A = tpu.sem_alloc : memref<!tpu.dma_semaphore, #tpu.memory_space<semaphore_mem>>
        %dma_start3A = arith.constant 4480 : i32
        %dma_start3A_90 = tpu.memref_slice %arg6[%dma_start3A] : memref<10240xf32, #tpu.memory_space<vmem>> -> memref<640xf32, #tpu.memory_space<vmem>>
        %dma_start3A_91 = tpu.memref_slice %arg7[%add3A_49] : memref<163840xf32, #tpu.memory_space<vmem_shared>> -> memref<640xf32, #tpu.memory_space<vmem_shared>>
        %dma_start3A_92 = arith.constant 4480 : i32
        %dma_start3A_93 = tpu.memref_slice %arg6[%dma_start3A_92] : memref<10240xf32, #tpu.memory_space<vmem>> -> memref<640xf32, #tpu.memory_space<vmem>>
        %dma_start3A_94 = tpu.memref_slice %arg7[%add3A_49] : memref<163840xf32, #tpu.memory_space<vmem_shared>> -> memref<640xf32, #tpu.memory_space<vmem_shared>>
        tpu.enqueue_dma source(%dma_start3A_94 : memref<640xf32, #tpu.memory_space<vmem_shared>>) target(%dma_start3A_93 : memref<640xf32, #tpu.memory_space<vmem>>) target_semaphore(%run_scoped3A : memref<!tpu.dma_semaphore, #tpu.memory_space<semaphore_mem>>)
        %dma_wait3A = arith.constant 4480 : i32
        %dma_wait3A_95 = tpu.memref_slice %arg6[%dma_wait3A] : memref<10240xf32, #tpu.memory_space<vmem>> -> memref<640xf32, #tpu.memory_space<vmem>>
        %dma_wait3A_96 = tpu.memref_slice %arg7[%add3A_49] : memref<163840xf32, #tpu.memory_space<vmem_shared>> -> memref<640xf32, #tpu.memory_space<vmem_shared>>
        %dma_wait3A_97 = arith.constant 4480 : i32
        %dma_wait3A_98 = tpu.memref_slice %arg6[%dma_wait3A_97] : memref<10240xf32, #tpu.memory_space<vmem>> -> memref<640xf32, #tpu.memory_space<vmem>>
        %dma_wait3A_99 = tpu.memref_slice %arg7[%add3A_49] : memref<163840xf32, #tpu.memory_space<vmem_shared>> -> memref<640xf32, #tpu.memory_space<vmem_shared>>
        tpu.wait_dma2 semaphore(%run_scoped3A : memref<!tpu.dma_semaphore, #tpu.memory_space<semaphore_mem>>) src(%dma_wait3A_99 : memref<640xf32, #tpu.memory_space<vmem_shared>>) dst(%dma_wait3A_98 : memref<640xf32, #tpu.memory_space<vmem>>)
        tpu.yield
      }) : () -> ()
      %mul3A_50 = arith.constant 640 : i32
      %mul3A_51 = arith.muli %arg1, %mul3A_50 : i32
      %add3A_52 = arith.constant 81920 : i32
      %add3A_53 = arith.addi %add3A_52, %mul3A_51 : i32
      "tpu.region"() ({
        %run_scoped3A = tpu.sem_alloc : memref<!tpu.dma_semaphore, #tpu.memory_space<semaphore_mem>>
        %dma_start3A = arith.constant 5120 : i32
        %dma_start3A_90 = tpu.memref_slice %arg6[%dma_start3A] : memref<10240xf32, #tpu.memory_space<vmem>> -> memref<640xf32, #tpu.memory_space<vmem>>
        %dma_start3A_91 = tpu.memref_slice %arg7[%add3A_53] : memref<163840xf32, #tpu.memory_space<vmem_shared>> -> memref<640xf32, #tpu.memory_space<vmem_shared>>
        %dma_start3A_92 = arith.constant 5120 : i32
        %dma_start3A_93 = tpu.memref_slice %arg6[%dma_start3A_92] : memref<10240xf32, #tpu.memory_space<vmem>> -> memref<640xf32, #tpu.memory_space<vmem>>
        %dma_start3A_94 = tpu.memref_slice %arg7[%add3A_53] : memref<163840xf32, #tpu.memory_space<vmem_shared>> -> memref<640xf32, #tpu.memory_space<vmem_shared>>
        tpu.enqueue_dma source(%dma_start3A_94 : memref<640xf32, #tpu.memory_space<vmem_shared>>) target(%dma_start3A_93 : memref<640xf32, #tpu.memory_space<vmem>>) target_semaphore(%run_scoped3A : memref<!tpu.dma_semaphore, #tpu.memory_space<semaphore_mem>>)
        %dma_wait3A = arith.constant 5120 : i32
        %dma_wait3A_95 = tpu.memref_slice %arg6[%dma_wait3A] : memref<10240xf32, #tpu.memory_space<vmem>> -> memref<640xf32, #tpu.memory_space<vmem>>
        %dma_wait3A_96 = tpu.memref_slice %arg7[%add3A_53] : memref<163840xf32, #tpu.memory_space<vmem_shared>> -> memref<640xf32, #tpu.memory_space<vmem_shared>>
        %dma_wait3A_97 = arith.constant 5120 : i32
        %dma_wait3A_98 = tpu.memref_slice %arg6[%dma_wait3A_97] : memref<10240xf32, #tpu.memory_space<vmem>> -> memref<640xf32, #tpu.memory_space<vmem>>
        %dma_wait3A_99 = tpu.memref_slice %arg7[%add3A_53] : memref<163840xf32, #tpu.memory_space<vmem_shared>> -> memref<640xf32, #tpu.memory_space<vmem_shared>>
        tpu.wait_dma2 semaphore(%run_scoped3A : memref<!tpu.dma_semaphore, #tpu.memory_space<semaphore_mem>>) src(%dma_wait3A_99 : memref<640xf32, #tpu.memory_space<vmem_shared>>) dst(%dma_wait3A_98 : memref<640xf32, #tpu.memory_space<vmem>>)
        tpu.yield
      }) : () -> ()
      %mul3A_54 = arith.constant 640 : i32
      %mul3A_55 = arith.muli %arg1, %mul3A_54 : i32
      %add3A_56 = arith.constant 92160 : i32
      %add3A_57 = arith.addi %add3A_56, %mul3A_55 : i32
      "tpu.region"() ({
        %run_scoped3A = tpu.sem_alloc : memref<!tpu.dma_semaphore, #tpu.memory_space<semaphore_mem>>
        %dma_start3A = arith.constant 5760 : i32
        %dma_start3A_90 = tpu.memref_slice %arg6[%dma_start3A] : memref<10240xf32, #tpu.memory_space<vmem>> -> memref<640xf32, #tpu.memory_space<vmem>>
        %dma_start3A_91 = tpu.memref_slice %arg7[%add3A_57] : memref<163840xf32, #tpu.memory_space<vmem_shared>> -> memref<640xf32, #tpu.memory_space<vmem_shared>>
        %dma_start3A_92 = arith.constant 5760 : i32
        %dma_start3A_93 = tpu.memref_slice %arg6[%dma_start3A_92] : memref<10240xf32, #tpu.memory_space<vmem>> -> memref<640xf32, #tpu.memory_space<vmem>>
        %dma_start3A_94 = tpu.memref_slice %arg7[%add3A_57] : memref<163840xf32, #tpu.memory_space<vmem_shared>> -> memref<640xf32, #tpu.memory_space<vmem_shared>>
        tpu.enqueue_dma source(%dma_start3A_94 : memref<640xf32, #tpu.memory_space<vmem_shared>>) target(%dma_start3A_93 : memref<640xf32, #tpu.memory_space<vmem>>) target_semaphore(%run_scoped3A : memref<!tpu.dma_semaphore, #tpu.memory_space<semaphore_mem>>)
        %dma_wait3A = arith.constant 5760 : i32
        %dma_wait3A_95 = tpu.memref_slice %arg6[%dma_wait3A] : memref<10240xf32, #tpu.memory_space<vmem>> -> memref<640xf32, #tpu.memory_space<vmem>>
        %dma_wait3A_96 = tpu.memref_slice %arg7[%add3A_57] : memref<163840xf32, #tpu.memory_space<vmem_shared>> -> memref<640xf32, #tpu.memory_space<vmem_shared>>
        %dma_wait3A_97 = arith.constant 5760 : i32
        %dma_wait3A_98 = tpu.memref_slice %arg6[%dma_wait3A_97] : memref<10240xf32, #tpu.memory_space<vmem>> -> memref<640xf32, #tpu.memory_space<vmem>>
        %dma_wait3A_99 = tpu.memref_slice %arg7[%add3A_57] : memref<163840xf32, #tpu.memory_space<vmem_shared>> -> memref<640xf32, #tpu.memory_space<vmem_shared>>
        tpu.wait_dma2 semaphore(%run_scoped3A : memref<!tpu.dma_semaphore, #tpu.memory_space<semaphore_mem>>) src(%dma_wait3A_99 : memref<640xf32, #tpu.memory_space<vmem_shared>>) dst(%dma_wait3A_98 : memref<640xf32, #tpu.memory_space<vmem>>)
        tpu.yield
      }) : () -> ()
      %mul3A_58 = arith.constant 640 : i32
      %mul3A_59 = arith.muli %arg1, %mul3A_58 : i32
      %add3A_60 = arith.constant 102400 : i32
      %add3A_61 = arith.addi %add3A_60, %mul3A_59 : i32
      "tpu.region"() ({
        %run_scoped3A = tpu.sem_alloc : memref<!tpu.dma_semaphore, #tpu.memory_space<semaphore_mem>>
        %dma_start3A = arith.constant 6400 : i32
        %dma_start3A_90 = tpu.memref_slice %arg6[%dma_start3A] : memref<10240xf32, #tpu.memory_space<vmem>> -> memref<640xf32, #tpu.memory_space<vmem>>
        %dma_start3A_91 = tpu.memref_slice %arg7[%add3A_61] : memref<163840xf32, #tpu.memory_space<vmem_shared>> -> memref<640xf32, #tpu.memory_space<vmem_shared>>
        %dma_start3A_92 = arith.constant 6400 : i32
        %dma_start3A_93 = tpu.memref_slice %arg6[%dma_start3A_92] : memref<10240xf32, #tpu.memory_space<vmem>> -> memref<640xf32, #tpu.memory_space<vmem>>
        %dma_start3A_94 = tpu.memref_slice %arg7[%add3A_61] : memref<163840xf32, #tpu.memory_space<vmem_shared>> -> memref<640xf32, #tpu.memory_space<vmem_shared>>
        tpu.enqueue_dma source(%dma_start3A_94 : memref<640xf32, #tpu.memory_space<vmem_shared>>) target(%dma_start3A_93 : memref<640xf32, #tpu.memory_space<vmem>>) target_semaphore(%run_scoped3A : memref<!tpu.dma_semaphore, #tpu.memory_space<semaphore_mem>>)
        %dma_wait3A = arith.constant 6400 : i32
        %dma_wait3A_95 = tpu.memref_slice %arg6[%dma_wait3A] : memref<10240xf32, #tpu.memory_space<vmem>> -> memref<640xf32, #tpu.memory_space<vmem>>
        %dma_wait3A_96 = tpu.memref_slice %arg7[%add3A_61] : memref<163840xf32, #tpu.memory_space<vmem_shared>> -> memref<640xf32, #tpu.memory_space<vmem_shared>>
        %dma_wait3A_97 = arith.constant 6400 : i32
        %dma_wait3A_98 = tpu.memref_slice %arg6[%dma_wait3A_97] : memref<10240xf32, #tpu.memory_space<vmem>> -> memref<640xf32, #tpu.memory_space<vmem>>
        %dma_wait3A_99 = tpu.memref_slice %arg7[%add3A_61] : memref<163840xf32, #tpu.memory_space<vmem_shared>> -> memref<640xf32, #tpu.memory_space<vmem_shared>>
        tpu.wait_dma2 semaphore(%run_scoped3A : memref<!tpu.dma_semaphore, #tpu.memory_space<semaphore_mem>>) src(%dma_wait3A_99 : memref<640xf32, #tpu.memory_space<vmem_shared>>) dst(%dma_wait3A_98 : memref<640xf32, #tpu.memory_space<vmem>>)
        tpu.yield
      }) : () -> ()
      %mul3A_62 = arith.constant 640 : i32
      %mul3A_63 = arith.muli %arg1, %mul3A_62 : i32
      %add3A_64 = arith.constant 112640 : i32
      %add3A_65 = arith.addi %add3A_64, %mul3A_63 : i32
      "tpu.region"() ({
        %run_scoped3A = tpu.sem_alloc : memref<!tpu.dma_semaphore, #tpu.memory_space<semaphore_mem>>
        %dma_start3A = arith.constant 7040 : i32
        %dma_start3A_90 = tpu.memref_slice %arg6[%dma_start3A] : memref<10240xf32, #tpu.memory_space<vmem>> -> memref<640xf32, #tpu.memory_space<vmem>>
        %dma_start3A_91 = tpu.memref_slice %arg7[%add3A_65] : memref<163840xf32, #tpu.memory_space<vmem_shared>> -> memref<640xf32, #tpu.memory_space<vmem_shared>>
        %dma_start3A_92 = arith.constant 7040 : i32
        %dma_start3A_93 = tpu.memref_slice %arg6[%dma_start3A_92] : memref<10240xf32, #tpu.memory_space<vmem>> -> memref<640xf32, #tpu.memory_space<vmem>>
        %dma_start3A_94 = tpu.memref_slice %arg7[%add3A_65] : memref<163840xf32, #tpu.memory_space<vmem_shared>> -> memref<640xf32, #tpu.memory_space<vmem_shared>>
        tpu.enqueue_dma source(%dma_start3A_94 : memref<640xf32, #tpu.memory_space<vmem_shared>>) target(%dma_start3A_93 : memref<640xf32, #tpu.memory_space<vmem>>) target_semaphore(%run_scoped3A : memref<!tpu.dma_semaphore, #tpu.memory_space<semaphore_mem>>)
        %dma_wait3A = arith.constant 7040 : i32
        %dma_wait3A_95 = tpu.memref_slice %arg6[%dma_wait3A] : memref<10240xf32, #tpu.memory_space<vmem>> -> memref<640xf32, #tpu.memory_space<vmem>>
        %dma_wait3A_96 = tpu.memref_slice %arg7[%add3A_65] : memref<163840xf32, #tpu.memory_space<vmem_shared>> -> memref<640xf32, #tpu.memory_space<vmem_shared>>
        %dma_wait3A_97 = arith.constant 7040 : i32
        %dma_wait3A_98 = tpu.memref_slice %arg6[%dma_wait3A_97] : memref<10240xf32, #tpu.memory_space<vmem>> -> memref<640xf32, #tpu.memory_space<vmem>>
        %dma_wait3A_99 = tpu.memref_slice %arg7[%add3A_65] : memref<163840xf32, #tpu.memory_space<vmem_shared>> -> memref<640xf32, #tpu.memory_space<vmem_shared>>
        tpu.wait_dma2 semaphore(%run_scoped3A : memref<!tpu.dma_semaphore, #tpu.memory_space<semaphore_mem>>) src(%dma_wait3A_99 : memref<640xf32, #tpu.memory_space<vmem_shared>>) dst(%dma_wait3A_98 : memref<640xf32, #tpu.memory_space<vmem>>)
        tpu.yield
      }) : () -> ()
      %mul3A_66 = arith.constant 640 : i32
      %mul3A_67 = arith.muli %arg1, %mul3A_66 : i32
      %add3A_68 = arith.constant 122880 : i32
      %add3A_69 = arith.addi %add3A_68, %mul3A_67 : i32
      "tpu.region"() ({
        %run_scoped3A = tpu.sem_alloc : memref<!tpu.dma_semaphore, #tpu.memory_space<semaphore_mem>>
        %dma_start3A = arith.constant 7680 : i32
        %dma_start3A_90 = tpu.memref_slice %arg6[%dma_start3A] : memref<10240xf32, #tpu.memory_space<vmem>> -> memref<640xf32, #tpu.memory_space<vmem>>
        %dma_start3A_91 = tpu.memref_slice %arg7[%add3A_69] : memref<163840xf32, #tpu.memory_space<vmem_shared>> -> memref<640xf32, #tpu.memory_space<vmem_shared>>
        %dma_start3A_92 = arith.constant 7680 : i32
        %dma_start3A_93 = tpu.memref_slice %arg6[%dma_start3A_92] : memref<10240xf32, #tpu.memory_space<vmem>> -> memref<640xf32, #tpu.memory_space<vmem>>
        %dma_start3A_94 = tpu.memref_slice %arg7[%add3A_69] : memref<163840xf32, #tpu.memory_space<vmem_shared>> -> memref<640xf32, #tpu.memory_space<vmem_shared>>
        tpu.enqueue_dma source(%dma_start3A_94 : memref<640xf32, #tpu.memory_space<vmem_shared>>) target(%dma_start3A_93 : memref<640xf32, #tpu.memory_space<vmem>>) target_semaphore(%run_scoped3A : memref<!tpu.dma_semaphore, #tpu.memory_space<semaphore_mem>>)
        %dma_wait3A = arith.constant 7680 : i32
        %dma_wait3A_95 = tpu.memref_slice %arg6[%dma_wait3A] : memref<10240xf32, #tpu.memory_space<vmem>> -> memref<640xf32, #tpu.memory_space<vmem>>
        %dma_wait3A_96 = tpu.memref_slice %arg7[%add3A_69] : memref<163840xf32, #tpu.memory_space<vmem_shared>> -> memref<640xf32, #tpu.memory_space<vmem_shared>>
        %dma_wait3A_97 = arith.constant 7680 : i32
        %dma_wait3A_98 = tpu.memref_slice %arg6[%dma_wait3A_97] : memref<10240xf32, #tpu.memory_space<vmem>> -> memref<640xf32, #tpu.memory_space<vmem>>
        %dma_wait3A_99 = tpu.memref_slice %arg7[%add3A_69] : memref<163840xf32, #tpu.memory_space<vmem_shared>> -> memref<640xf32, #tpu.memory_space<vmem_shared>>
        tpu.wait_dma2 semaphore(%run_scoped3A : memref<!tpu.dma_semaphore, #tpu.memory_space<semaphore_mem>>) src(%dma_wait3A_99 : memref<640xf32, #tpu.memory_space<vmem_shared>>) dst(%dma_wait3A_98 : memref<640xf32, #tpu.memory_space<vmem>>)
        tpu.yield
      }) : () -> ()
      %mul3A_70 = arith.constant 640 : i32
      %mul3A_71 = arith.muli %arg1, %mul3A_70 : i32
      %add3A_72 = arith.constant 133120 : i32
      %add3A_73 = arith.addi %add3A_72, %mul3A_71 : i32
      "tpu.region"() ({
        %run_scoped3A = tpu.sem_alloc : memref<!tpu.dma_semaphore, #tpu.memory_space<semaphore_mem>>
        %dma_start3A = arith.constant 8320 : i32
        %dma_start3A_90 = tpu.memref_slice %arg6[%dma_start3A] : memref<10240xf32, #tpu.memory_space<vmem>> -> memref<640xf32, #tpu.memory_space<vmem>>
        %dma_start3A_91 = tpu.memref_slice %arg7[%add3A_73] : memref<163840xf32, #tpu.memory_space<vmem_shared>> -> memref<640xf32, #tpu.memory_space<vmem_shared>>
        %dma_start3A_92 = arith.constant 8320 : i32
        %dma_start3A_93 = tpu.memref_slice %arg6[%dma_start3A_92] : memref<10240xf32, #tpu.memory_space<vmem>> -> memref<640xf32, #tpu.memory_space<vmem>>
        %dma_start3A_94 = tpu.memref_slice %arg7[%add3A_73] : memref<163840xf32, #tpu.memory_space<vmem_shared>> -> memref<640xf32, #tpu.memory_space<vmem_shared>>
        tpu.enqueue_dma source(%dma_start3A_94 : memref<640xf32, #tpu.memory_space<vmem_shared>>) target(%dma_start3A_93 : memref<640xf32, #tpu.memory_space<vmem>>) target_semaphore(%run_scoped3A : memref<!tpu.dma_semaphore, #tpu.memory_space<semaphore_mem>>)
        %dma_wait3A = arith.constant 8320 : i32
        %dma_wait3A_95 = tpu.memref_slice %arg6[%dma_wait3A] : memref<10240xf32, #tpu.memory_space<vmem>> -> memref<640xf32, #tpu.memory_space<vmem>>
        %dma_wait3A_96 = tpu.memref_slice %arg7[%add3A_73] : memref<163840xf32, #tpu.memory_space<vmem_shared>> -> memref<640xf32, #tpu.memory_space<vmem_shared>>
        %dma_wait3A_97 = arith.constant 8320 : i32
        %dma_wait3A_98 = tpu.memref_slice %arg6[%dma_wait3A_97] : memref<10240xf32, #tpu.memory_space<vmem>> -> memref<640xf32, #tpu.memory_space<vmem>>
        %dma_wait3A_99 = tpu.memref_slice %arg7[%add3A_73] : memref<163840xf32, #tpu.memory_space<vmem_shared>> -> memref<640xf32, #tpu.memory_space<vmem_shared>>
        tpu.wait_dma2 semaphore(%run_scoped3A : memref<!tpu.dma_semaphore, #tpu.memory_space<semaphore_mem>>) src(%dma_wait3A_99 : memref<640xf32, #tpu.memory_space<vmem_shared>>) dst(%dma_wait3A_98 : memref<640xf32, #tpu.memory_space<vmem>>)
        tpu.yield
      }) : () -> ()
      %mul3A_74 = arith.constant 640 : i32
      %mul3A_75 = arith.muli %arg1, %mul3A_74 : i32
      %add3A_76 = arith.constant 143360 : i32
      %add3A_77 = arith.addi %add3A_76, %mul3A_75 : i32
      "tpu.region"() ({
        %run_scoped3A = tpu.sem_alloc : memref<!tpu.dma_semaphore, #tpu.memory_space<semaphore_mem>>
        %dma_start3A = arith.constant 8960 : i32
        %dma_start3A_90 = tpu.memref_slice %arg6[%dma_start3A] : memref<10240xf32, #tpu.memory_space<vmem>> -> memref<640xf32, #tpu.memory_space<vmem>>
        %dma_start3A_91 = tpu.memref_slice %arg7[%add3A_77] : memref<163840xf32, #tpu.memory_space<vmem_shared>> -> memref<640xf32, #tpu.memory_space<vmem_shared>>
        %dma_start3A_92 = arith.constant 8960 : i32
        %dma_start3A_93 = tpu.memref_slice %arg6[%dma_start3A_92] : memref<10240xf32, #tpu.memory_space<vmem>> -> memref<640xf32, #tpu.memory_space<vmem>>
        %dma_start3A_94 = tpu.memref_slice %arg7[%add3A_77] : memref<163840xf32, #tpu.memory_space<vmem_shared>> -> memref<640xf32, #tpu.memory_space<vmem_shared>>
        tpu.enqueue_dma source(%dma_start3A_94 : memref<640xf32, #tpu.memory_space<vmem_shared>>) target(%dma_start3A_93 : memref<640xf32, #tpu.memory_space<vmem>>) target_semaphore(%run_scoped3A : memref<!tpu.dma_semaphore, #tpu.memory_space<semaphore_mem>>)
        %dma_wait3A = arith.constant 8960 : i32
        %dma_wait3A_95 = tpu.memref_slice %arg6[%dma_wait3A] : memref<10240xf32, #tpu.memory_space<vmem>> -> memref<640xf32, #tpu.memory_space<vmem>>
        %dma_wait3A_96 = tpu.memref_slice %arg7[%add3A_77] : memref<163840xf32, #tpu.memory_space<vmem_shared>> -> memref<640xf32, #tpu.memory_space<vmem_shared>>
        %dma_wait3A_97 = arith.constant 8960 : i32
        %dma_wait3A_98 = tpu.memref_slice %arg6[%dma_wait3A_97] : memref<10240xf32, #tpu.memory_space<vmem>> -> memref<640xf32, #tpu.memory_space<vmem>>
        %dma_wait3A_99 = tpu.memref_slice %arg7[%add3A_77] : memref<163840xf32, #tpu.memory_space<vmem_shared>> -> memref<640xf32, #tpu.memory_space<vmem_shared>>
        tpu.wait_dma2 semaphore(%run_scoped3A : memref<!tpu.dma_semaphore, #tpu.memory_space<semaphore_mem>>) src(%dma_wait3A_99 : memref<640xf32, #tpu.memory_space<vmem_shared>>) dst(%dma_wait3A_98 : memref<640xf32, #tpu.memory_space<vmem>>)
        tpu.yield
      }) : () -> ()
      %mul3A_78 = arith.constant 640 : i32
      %mul3A_79 = arith.muli %arg1, %mul3A_78 : i32
      %add3A_80 = arith.constant 153600 : i32
      %add3A_81 = arith.addi %add3A_80, %mul3A_79 : i32
      "tpu.region"() ({
        %run_scoped3A = tpu.sem_alloc : memref<!tpu.dma_semaphore, #tpu.memory_space<semaphore_mem>>
        %dma_start3A = arith.constant 9600 : i32
        %dma_start3A_90 = tpu.memref_slice %arg6[%dma_start3A] : memref<10240xf32, #tpu.memory_space<vmem>> -> memref<640xf32, #tpu.memory_space<vmem>>
        %dma_start3A_91 = tpu.memref_slice %arg7[%add3A_81] : memref<163840xf32, #tpu.memory_space<vmem_shared>> -> memref<640xf32, #tpu.memory_space<vmem_shared>>
        %dma_start3A_92 = arith.constant 9600 : i32
        %dma_start3A_93 = tpu.memref_slice %arg6[%dma_start3A_92] : memref<10240xf32, #tpu.memory_space<vmem>> -> memref<640xf32, #tpu.memory_space<vmem>>
        %dma_start3A_94 = tpu.memref_slice %arg7[%add3A_81] : memref<163840xf32, #tpu.memory_space<vmem_shared>> -> memref<640xf32, #tpu.memory_space<vmem_shared>>
        tpu.enqueue_dma source(%dma_start3A_94 : memref<640xf32, #tpu.memory_space<vmem_shared>>) target(%dma_start3A_93 : memref<640xf32, #tpu.memory_space<vmem>>) target_semaphore(%run_scoped3A : memref<!tpu.dma_semaphore, #tpu.memory_space<semaphore_mem>>)
        %dma_wait3A = arith.constant 9600 : i32
        %dma_wait3A_95 = tpu.memref_slice %arg6[%dma_wait3A] : memref<10240xf32, #tpu.memory_space<vmem>> -> memref<640xf32, #tpu.memory_space<vmem>>
        %dma_wait3A_96 = tpu.memref_slice %arg7[%add3A_81] : memref<163840xf32, #tpu.memory_space<vmem_shared>> -> memref<640xf32, #tpu.memory_space<vmem_shared>>
        %dma_wait3A_97 = arith.constant 9600 : i32
        %dma_wait3A_98 = tpu.memref_slice %arg6[%dma_wait3A_97] : memref<10240xf32, #tpu.memory_space<vmem>> -> memref<640xf32, #tpu.memory_space<vmem>>
        %dma_wait3A_99 = tpu.memref_slice %arg7[%add3A_81] : memref<163840xf32, #tpu.memory_space<vmem_shared>> -> memref<640xf32, #tpu.memory_space<vmem_shared>>
        tpu.wait_dma2 semaphore(%run_scoped3A : memref<!tpu.dma_semaphore, #tpu.memory_space<semaphore_mem>>) src(%dma_wait3A_99 : memref<640xf32, #tpu.memory_space<vmem_shared>>) dst(%dma_wait3A_98 : memref<640xf32, #tpu.memory_space<vmem>>)
        tpu.yield
      }) : () -> ()
      %iota3A = tpu.iota {dimensions = array<i32: 0>} : vector<16xi32>
      %scan3A_82 = arith.constant 0 : i32
      %scan3A_83 = arith.constant 0 : i32
      %scan3A_84 = arith.constant 40 : i32
      %scan3A_85 = arith.addi %scan3A_83, %scan3A_84 : i32
      %scan3A_86 = arith.constant 1 : i32
      scf.for %scan3A_90 = %scan3A_83 to %scan3A_85 step %scan3A_86  : i32 {
        %mul3A_91 = arith.constant 16 : i32
        %mul3A_92 = arith.muli %scan3A_90, %mul3A_91 : i32
        %get3A = arith.index_cast %mul3A_92 : i32 to index
        %get3A_93 = tpu.vector_load %arg6[%get3A] {strides = array<i32>} : memref<10240xf32, #tpu.memory_space<vmem>>, vector<16xf32>,
        %mul3A_94 = arith.constant 16 : i32
        %mul3A_95 = arith.muli %scan3A_90, %mul3A_94 : i32
        %add3A_96 = arith.constant 640 : i32
        %add3A_97 = arith.addi %add3A_96, %mul3A_95 : i32
        %get3A_98 = arith.index_cast %add3A_97 : i32 to index
        %get3A_99 = tpu.vector_load %arg6[%get3A_98] {strides = array<i32>} : memref<10240xf32, #tpu.memory_space<vmem>>, vector<16xf32>,
        %add3A_100 = arith.addf %get3A_93, %get3A_99 : vector<16xf32>
        %mul3A_101 = arith.constant 16 : i32
        %mul3A_102 = arith.muli %scan3A_90, %mul3A_101 : i32
        %add3A_103 = arith.constant 1280 : i32
        %add3A_104 = arith.addi %add3A_103, %mul3A_102 : i32
        %get3A_105 = arith.index_cast %add3A_104 : i32 to index
        %get3A_106 = tpu.vector_load %arg6[%get3A_105] {strides = array<i32>} : memref<10240xf32, #tpu.memory_space<vmem>>, vector<16xf32>,
        %add3A_107 = arith.addf %add3A_100, %get3A_106 : vector<16xf32>
        %mul3A_108 = arith.constant 16 : i32
        %mul3A_109 = arith.muli %scan3A_90, %mul3A_108 : i32
        %add3A_110 = arith.constant 1920 : i32
        %add3A_111 = arith.addi %add3A_110, %mul3A_109 : i32
        %get3A_112 = arith.index_cast %add3A_111 : i32 to index
        %get3A_113 = tpu.vector_load %arg6[%get3A_112] {strides = array<i32>} : memref<10240xf32, #tpu.memory_space<vmem>>, vector<16xf32>,
        %add3A_114 = arith.addf %add3A_107, %get3A_113 : vector<16xf32>
        %mul3A_115 = arith.constant 16 : i32
        %mul3A_116 = arith.muli %scan3A_90, %mul3A_115 : i32
        %add3A_117 = arith.constant 2560 : i32
        %add3A_118 = arith.addi %add3A_117, %mul3A_116 : i32
        %get3A_119 = arith.index_cast %add3A_118 : i32 to index
        %get3A_120 = tpu.vector_load %arg6[%get3A_119] {strides = array<i32>} : memref<10240xf32, #tpu.memory_space<vmem>>, vector<16xf32>,
        %add3A_121 = arith.addf %add3A_114, %get3A_120 : vector<16xf32>
        %mul3A_122 = arith.constant 16 : i32
        %mul3A_123 = arith.muli %scan3A_90, %mul3A_122 : i32
        %add3A_124 = arith.constant 3200 : i32
        %add3A_125 = arith.addi %add3A_124, %mul3A_123 : i32
        %get3A_126 = arith.index_cast %add3A_125 : i32 to index
        %get3A_127 = tpu.vector_load %arg6[%get3A_126] {strides = array<i32>} : memref<10240xf32, #tpu.memory_space<vmem>>, vector<16xf32>,
        %add3A_128 = arith.addf %add3A_121, %get3A_127 : vector<16xf32>
        %mul3A_129 = arith.constant 16 : i32
        %mul3A_130 = arith.muli %scan3A_90, %mul3A_129 : i32
        %add3A_131 = arith.constant 3840 : i32
        %add3A_132 = arith.addi %add3A_131, %mul3A_130 : i32
        %get3A_133 = arith.index_cast %add3A_132 : i32 to index
        %get3A_134 = tpu.vector_load %arg6[%get3A_133] {strides = array<i32>} : memref<10240xf32, #tpu.memory_space<vmem>>, vector<16xf32>,
        %add3A_135 = arith.addf %add3A_128, %get3A_134 : vector<16xf32>
        %mul3A_136 = arith.constant 16 : i32
        %mul3A_137 = arith.muli %scan3A_90, %mul3A_136 : i32
        %add3A_138 = arith.constant 4480 : i32
        %add3A_139 = arith.addi %add3A_138, %mul3A_137 : i32
        %get3A_140 = arith.index_cast %add3A_139 : i32 to index
        %get3A_141 = tpu.vector_load %arg6[%get3A_140] {strides = array<i32>} : memref<10240xf32, #tpu.memory_space<vmem>>, vector<16xf32>,
        %add3A_142 = arith.addf %add3A_135, %get3A_141 : vector<16xf32>
        %mul3A_143 = arith.constant 16 : i32
        %mul3A_144 = arith.muli %scan3A_90, %mul3A_143 : i32
        %add3A_145 = arith.constant 5120 : i32
        %add3A_146 = arith.addi %add3A_145, %mul3A_144 : i32
        %get3A_147 = arith.index_cast %add3A_146 : i32 to index
        %get3A_148 = tpu.vector_load %arg6[%get3A_147] {strides = array<i32>} : memref<10240xf32, #tpu.memory_space<vmem>>, vector<16xf32>,
        %add3A_149 = arith.addf %add3A_142, %get3A_148 : vector<16xf32>
        %mul3A_150 = arith.constant 16 : i32
        %mul3A_151 = arith.muli %scan3A_90, %mul3A_150 : i32
        %add3A_152 = arith.constant 5760 : i32
        %add3A_153 = arith.addi %add3A_152, %mul3A_151 : i32
        %get3A_154 = arith.index_cast %add3A_153 : i32 to index
        %get3A_155 = tpu.vector_load %arg6[%get3A_154] {strides = array<i32>} : memref<10240xf32, #tpu.memory_space<vmem>>, vector<16xf32>,
        %add3A_156 = arith.addf %add3A_149, %get3A_155 : vector<16xf32>
        %mul3A_157 = arith.constant 16 : i32
        %mul3A_158 = arith.muli %scan3A_90, %mul3A_157 : i32
        %add3A_159 = arith.constant 6400 : i32
        %add3A_160 = arith.addi %add3A_159, %mul3A_158 : i32
        %get3A_161 = arith.index_cast %add3A_160 : i32 to index
        %get3A_162 = tpu.vector_load %arg6[%get3A_161] {strides = array<i32>} : memref<10240xf32, #tpu.memory_space<vmem>>, vector<16xf32>,
        %add3A_163 = arith.addf %add3A_156, %get3A_162 : vector<16xf32>
        %mul3A_164 = arith.constant 16 : i32
        %mul3A_165 = arith.muli %scan3A_90, %mul3A_164 : i32
        %add3A_166 = arith.constant 7040 : i32
        %add3A_167 = arith.addi %add3A_166, %mul3A_165 : i32
        %get3A_168 = arith.index_cast %add3A_167 : i32 to index
        %get3A_169 = tpu.vector_load %arg6[%get3A_168] {strides = array<i32>} : memref<10240xf32, #tpu.memory_space<vmem>>, vector<16xf32>,
        %add3A_170 = arith.addf %add3A_163, %get3A_169 : vector<16xf32>
        %mul3A_171 = arith.constant 16 : i32
        %mul3A_172 = arith.muli %scan3A_90, %mul3A_171 : i32
        %add3A_173 = arith.constant 7680 : i32
        %add3A_174 = arith.addi %add3A_173, %mul3A_172 : i32
        %get3A_175 = arith.index_cast %add3A_174 : i32 to index
        %get3A_176 = tpu.vector_load %arg6[%get3A_175] {strides = array<i32>} : memref<10240xf32, #tpu.memory_space<vmem>>, vector<16xf32>,
        %add3A_177 = arith.addf %add3A_170, %get3A_176 : vector<16xf32>
        %mul3A_178 = arith.constant 16 : i32
        %mul3A_179 = arith.muli %scan3A_90, %mul3A_178 : i32
        %add3A_180 = arith.constant 8320 : i32
        %add3A_181 = arith.addi %add3A_180, %mul3A_179 : i32
        %get3A_182 = arith.index_cast %add3A_181 : i32 to index
        %get3A_183 = tpu.vector_load %arg6[%get3A_182] {strides = array<i32>} : memref<10240xf32, #tpu.memory_space<vmem>>, vector<16xf32>,
        %add3A_184 = arith.addf %add3A_177, %get3A_183 : vector<16xf32>
        %mul3A_185 = arith.constant 16 : i32
        %mul3A_186 = arith.muli %scan3A_90, %mul3A_185 : i32
        %add3A_187 = arith.constant 8960 : i32
        %add3A_188 = arith.addi %add3A_187, %mul3A_186 : i32
        %get3A_189 = arith.index_cast %add3A_188 : i32 to index
        %get3A_190 = tpu.vector_load %arg6[%get3A_189] {strides = array<i32>} : memref<10240xf32, #tpu.memory_space<vmem>>, vector<16xf32>,
        %add3A_191 = arith.addf %add3A_184, %get3A_190 : vector<16xf32>
        %mul3A_192 = arith.constant 16 : i32
        %mul3A_193 = arith.muli %scan3A_90, %mul3A_192 : i32
        %add3A_194 = arith.constant 9600 : i32
        %add3A_195 = arith.addi %add3A_194, %mul3A_193 : i32
        %get3A_196 = arith.index_cast %add3A_195 : i32 to index
        %get3A_197 = tpu.vector_load %arg6[%get3A_196] {strides = array<i32>} : memref<10240xf32, #tpu.memory_space<vmem>>, vector<16xf32>,
        %add3A_198 = arith.addf %add3A_191, %get3A_197 : vector<16xf32>
        %add3A_199 = arith.constant 1.000000e+00 : f32
        %add3A_200 = vector.broadcast %add3A_199 : f32 to vector<16xf32>
        %add3A_201 = arith.addf %add3A_198, %add3A_200 : vector<16xf32>
        %bitcast_convert_type3A = tpu.bitcast %add3A_201 : vector<16xf32> -> vector<16xi32>
        %shift_right_arithmetic3A = arith.constant 1 : i32
        %shift_right_arithmetic3A_202 = vector.broadcast %shift_right_arithmetic3A : i32 to vector<16xi32>
        %shift_right_arithmetic3A_203 = arith.shrsi %bitcast_convert_type3A, %shift_right_arithmetic3A_202 : vector<16xi32>
        %sub3A = arith.constant 1597463007 : i32
        %sub3A_204 = vector.broadcast %sub3A : i32 to vector<16xi32>
        %sub3A_205 = arith.subi %sub3A_204, %shift_right_arithmetic3A_203 : vector<16xi32>
        %bitcast_convert_type3A_206 = tpu.bitcast %sub3A_205 : vector<16xi32> -> vector<16xf32>
        %mul3A_207 = arith.constant 5.000000e-01 : f32
        %mul3A_208 = vector.broadcast %mul3A_207 : f32 to vector<16xf32>
        %mul3A_209 = arith.mulf %mul3A_208, %add3A_201 : vector<16xf32>
        %mul3A_210 = arith.mulf %mul3A_209, %bitcast_convert_type3A_206 : vector<16xf32>
        %mul3A_211 = arith.mulf %mul3A_210, %bitcast_convert_type3A_206 : vector<16xf32>
        %sub3A_212 = arith.constant 1.500000e+00 : f32
        %sub3A_213 = vector.broadcast %sub3A_212 : f32 to vector<16xf32>
        %sub3A_214 = arith.subf %sub3A_213, %mul3A_211 : vector<16xf32>
        %mul3A_215 = arith.mulf %bitcast_convert_type3A_206, %sub3A_214 : vector<16xf32>
        %mul3A_216 = arith.constant 5.000000e-01 : f32
        %mul3A_217 = vector.broadcast %mul3A_216 : f32 to vector<16xf32>
        %mul3A_218 = arith.mulf %mul3A_217, %add3A_201 : vector<16xf32>
        %mul3A_219 = arith.mulf %mul3A_218, %mul3A_215 : vector<16xf32>
        %mul3A_220 = arith.mulf %mul3A_219, %mul3A_215 : vector<16xf32>
        %sub3A_221 = arith.constant 1.500000e+00 : f32
        %sub3A_222 = vector.broadcast %sub3A_221 : f32 to vector<16xf32>
        %sub3A_223 = arith.subf %sub3A_222, %mul3A_220 : vector<16xf32>
        %mul3A_224 = arith.mulf %mul3A_215, %sub3A_223 : vector<16xf32>
        %mul3A_225 = arith.constant 5.000000e-01 : f32
        %mul3A_226 = vector.broadcast %mul3A_225 : f32 to vector<16xf32>
        %mul3A_227 = arith.mulf %mul3A_226, %add3A_201 : vector<16xf32>
        %mul3A_228 = arith.mulf %mul3A_227, %mul3A_224 : vector<16xf32>
        %mul3A_229 = arith.mulf %mul3A_228, %mul3A_224 : vector<16xf32>
        %sub3A_230 = arith.constant 1.500000e+00 : f32
        %sub3A_231 = vector.broadcast %sub3A_230 : f32 to vector<16xf32>
        %sub3A_232 = arith.subf %sub3A_231, %mul3A_229 : vector<16xf32>
        %mul3A_233 = arith.mulf %mul3A_224, %sub3A_232 : vector<16xf32>
        %mul3A_234 = arith.constant 640 : i32
        %mul3A_235 = arith.muli %arg1, %mul3A_234 : i32
        %mul3A_236 = arith.constant 16 : i32
        %mul3A_237 = arith.muli %scan3A_90, %mul3A_236 : i32
        %add3A_238 = arith.addi %mul3A_235, %mul3A_237 : i32
        %add3A_239 = vector.broadcast %add3A_238 : i32 to vector<16xi32>
        %add3A_240 = arith.addi %add3A_239, %iota3A : vector<16xi32>
        %lt3A = arith.constant 10000 : i32
        %lt3A_241 = vector.broadcast %lt3A : i32 to vector<16xi32>
        %lt3A_242 = arith.cmpi slt, %add3A_240, %lt3A_241 : vector<16xi32>
        %jit3A = arith.constant 0.000000e+00 : f32
        %broadcast_in_dim3A_243 = vector.broadcast %jit3A : f32 to vector<16xf32>
        %select_n3A = arith.select %lt3A_242, %mul3A_233, %broadcast_in_dim3A_243 : vector<16xi1>, vector<16xf32>
        %mul3A_244 = arith.constant 16 : i32
        %mul3A_245 = arith.muli %scan3A_90, %mul3A_244 : i32
        %swap3A = arith.index_cast %mul3A_245 : i32 to index
        %swap3A_246 = tpu.vector_load %arg6[%swap3A] {strides = array<i32>} : memref<10240xf32, #tpu.memory_space<vmem>>, vector<16xf32>,
        tpu.vector_store %arg6[%swap3A], %select_n3A {strides = array<i32>} : memref<10240xf32, #tpu.memory_space<vmem>>, vector<16xf32>,
      }
      %scan3A_87 = arith.constant 40 : i32
      %mul3A_88 = arith.constant 640 : i32
      %mul3A_89 = arith.muli %arg1, %mul3A_88 : i32
      "tpu.region"() ({
        %run_scoped3A = tpu.sem_alloc : memref<!tpu.dma_semaphore, #tpu.memory_space<semaphore_mem>>
        %dma_start3A = arith.constant 0 : i32
        %dma_start3A_90 = tpu.memref_slice %arg6[%dma_start3A] : memref<10240xf32, #tpu.memory_space<vmem>> -> memref<640xf32, #tpu.memory_space<vmem>>
        %dma_start3A_91 = tpu.memref_slice %arg3[%mul3A_89] : memref<10240xf32, #tpu.memory_space<hbm>> -> memref<640xf32, #tpu.memory_space<hbm>>
        %dma_start3A_92 = tpu.memref_slice %arg3[%mul3A_89] : memref<10240xf32, #tpu.memory_space<hbm>> -> memref<640xf32, #tpu.memory_space<hbm>>
        %dma_start3A_93 = arith.constant 0 : i32
        %dma_start3A_94 = tpu.memref_slice %arg6[%dma_start3A_93] : memref<10240xf32, #tpu.memory_space<vmem>> -> memref<640xf32, #tpu.memory_space<vmem>>
        tpu.enqueue_dma source(%dma_start3A_94 : memref<640xf32, #tpu.memory_space<vmem>>) target(%dma_start3A_92 : memref<640xf32, #tpu.memory_space<hbm>>) target_semaphore(%run_scoped3A : memref<!tpu.dma_semaphore, #tpu.memory_space<semaphore_mem>>)
        %dma_wait3A = arith.constant 0 : i32
        %dma_wait3A_95 = tpu.memref_slice %arg6[%dma_wait3A] : memref<10240xf32, #tpu.memory_space<vmem>> -> memref<640xf32, #tpu.memory_space<vmem>>
        %dma_wait3A_96 = tpu.memref_slice %arg3[%mul3A_89] : memref<10240xf32, #tpu.memory_space<hbm>> -> memref<640xf32, #tpu.memory_space<hbm>>
        %dma_wait3A_97 = tpu.memref_slice %arg3[%mul3A_89] : memref<10240xf32, #tpu.memory_space<hbm>> -> memref<640xf32, #tpu.memory_space<hbm>>
        %dma_wait3A_98 = arith.constant 0 : i32
        %dma_wait3A_99 = tpu.memref_slice %arg6[%dma_wait3A_98] : memref<10240xf32, #tpu.memory_space<vmem>> -> memref<640xf32, #tpu.memory_space<vmem>>
        tpu.wait_dma2 semaphore(%run_scoped3A : memref<!tpu.dma_semaphore, #tpu.memory_space<semaphore_mem>>) src(%dma_wait3A_99 : memref<640xf32, #tpu.memory_space<vmem>>) dst(%dma_wait3A_97 : memref<640xf32, #tpu.memory_space<hbm>>)
        tpu.yield
      }) : () -> ()
    } else {
    }
    return
  }
}

#map = affine_map<(d0, d1) -> (0, 0)>
#map1 = affine_map<(d0, d1) -> (0)>
#map2 = affine_map<(d0, d1) -> (0, 0, 0)>
module attributes {stable_mosaic.version = 14 : i64} {
  func.func @_agg_body(%arg0: i32, %arg1: i32, %arg2: memref<10240x128xf32, #tpu.memory_space<hbm>>, %arg3: memref<320000xi32, #tpu.memory_space<hbm>>, %arg4: memref<320000xi32, #tpu.memory_space<hbm>>, %arg5: memref<2x10240x128xf32, #tpu.memory_space<hbm>>, %arg6: memref<10000xi32, #tpu.memory_space<vmem>>, %arg7: memref<10000xi32, #tpu.memory_space<vmem>>, %arg8: memref<80xi32, #tpu.memory_space<vmem>>, %arg9: memref<80xi32, #tpu.memory_space<vmem>>, %arg10: memref<80xi32, #tpu.memory_space<vmem>>, %arg11: memref<80xi32, #tpu.memory_space<vmem>>, %arg12: memref<80x128xf32, #tpu.memory_space<vmem>>, %arg13: memref<80x128xf32, #tpu.memory_space<vmem>>, %arg14: memref<10240x128xf32, #tpu.memory_space<vmem_shared>>, %arg15: memref<!tpu.dma_semaphore, #tpu.memory_space<semaphore_mem>>, %arg16: memref<!tpu.dma_semaphore, #tpu.memory_space<semaphore_mem>>) attributes {dimension_semantics = [#tpu.dimension_semantics<core_parallel>, #tpu.dimension_semantics<subcore_parallel>], iteration_bounds = array<i64: 2, 16>, scalar_prefetch = 0 : i64, scratch_operands = 11 : i64, tpu.core_type = #tpu.core_type<sc_vector_subcore>, window_params = [{transform_indices = #map}, {transform_indices = #map1}, {transform_indices = #map1}, {transform_indices = #map2}]} {
    %mul3A = arith.constant 16 : i32
    %mul3A_0 = arith.muli %arg0, %mul3A : i32
    %add3A = arith.addi %mul3A_0, %arg1 : i32
    %mul3A_1 = arith.constant 10000 : i32
    %mul3A_2 = arith.muli %add3A, %mul3A_1 : i32
    %broadcast_in_dim3A = arith.constant 0.000000e+00 : f32
    %broadcast_in_dim3A_3 = vector.broadcast %broadcast_in_dim3A : f32 to vector<16xf32>
    %scan3A = arith.constant 0 : i32
    %scan3A_4 = arith.constant 0 : i32
    %scan3A_5 = arith.constant 640 : i32
    %scan3A_6 = arith.addi %scan3A_4, %scan3A_5 : i32
    %scan3A_7 = arith.constant 1 : i32
    scf.for %scan3A_154 = %scan3A_4 to %scan3A_6 step %scan3A_7  : i32 {
      %jit3A = arith.constant 8 : i32
      %div3A = arith.divsi %scan3A_154, %jit3A : i32
      %sign3A = arith.constant 0 : i32
      %sign3A_155 = arith.cmpi sgt, %scan3A_154, %sign3A : i32
      %sign3A_156 = arith.extui %sign3A_155 : i1 to i32
      %sign3A_157 = arith.constant 0 : i32
      %sign3A_158 = arith.cmpi slt, %scan3A_154, %sign3A_157 : i32
      %sign3A_159 = arith.extui %sign3A_158 : i1 to i32
      %sign3A_160 = arith.subi %sign3A_156, %sign3A_159 : i32
      %sign3A_161 = arith.constant 0 : i32
      %sign3A_162 = arith.cmpi sgt, %jit3A, %sign3A_161 : i32
      %sign3A_163 = arith.extui %sign3A_162 : i1 to i32
      %sign3A_164 = arith.constant 0 : i32
      %sign3A_165 = arith.cmpi slt, %jit3A, %sign3A_164 : i32
      %sign3A_166 = arith.extui %sign3A_165 : i1 to i32
      %sign3A_167 = arith.subi %sign3A_163, %sign3A_166 : i32
      %ne3A = arith.cmpi ne, %sign3A_160, %sign3A_167 : i32
      %rem3A = arith.remsi %scan3A_154, %jit3A : i32
      %ne3A_168 = arith.constant 0 : i32
      %ne3A_169 = arith.cmpi ne, %rem3A, %ne3A_168 : i32
      %and3A = arith.andi %ne3A, %ne3A_169 : i1
      %sub3A = arith.constant 1 : i32
      %sub3A_170 = arith.subi %div3A, %sub3A : i32
      %select_n3A = arith.select %and3A, %sub3A_170, %div3A : i32
      %jit3A_171 = arith.constant 8 : i32
      %eq3A = arith.constant 0 : i32
      %eq3A_172 = arith.cmpi eq, %jit3A_171, %eq3A : i32
      %jit3A_173 = arith.constant 1 : i32
      %select_n3A_174 = arith.select %eq3A_172, %jit3A_173, %jit3A_171 : i32
      %rem3A_175 = arith.remsi %scan3A_154, %select_n3A_174 : i32
      %ne3A_176 = arith.constant 0 : i32
      %ne3A_177 = arith.cmpi ne, %rem3A_175, %ne3A_176 : i32
      %lt3A = arith.constant 0 : i32
      %lt3A_178 = arith.cmpi slt, %rem3A_175, %lt3A : i32
      %lt3A_179 = arith.constant 0 : i32
      %lt3A_180 = arith.cmpi slt, %select_n3A_174, %lt3A_179 : i32
      %ne3A_181 = arith.xori %lt3A_178, %lt3A_180 : i1
      %and3A_182 = arith.andi %ne3A_181, %ne3A_177 : i1
      %add3A_183 = arith.addi %rem3A_175, %select_n3A_174 : i32
      %select_n3A_184 = arith.select %and3A_182, %add3A_183, %rem3A_175 : i32
      %mul3A_185 = arith.constant 16 : i32
      %mul3A_186 = arith.muli %select_n3A_184, %mul3A_185 : i32
      %swap3A_187 = arith.index_cast %select_n3A : i32 to index
      %swap3A_188 = arith.index_cast %mul3A_186 : i32 to index
      %swap3A_189 = tpu.vector_load %arg12[%swap3A_187, %swap3A_188] {strides = array<i32>} : memref<80x128xf32, #tpu.memory_space<vmem>>, vector<16xf32>,
      tpu.vector_store %arg12[%swap3A_187, %swap3A_188], %broadcast_in_dim3A_3 {strides = array<i32>} : memref<80x128xf32, #tpu.memory_space<vmem>>, vector<16xf32>,
    }
    %scan3A_8 = arith.constant 640 : i32
    %mul3A_9 = arith.constant 640 : i32
    %mul3A_10 = arith.muli %arg1, %mul3A_9 : i32
    %add3A_11 = arith.constant 0 : i32
    %add3A_12 = arith.addi %mul3A_10, %add3A_11 : i32
    "tpu.region"() ({
      %run_scoped3A = tpu.sem_alloc : memref<!tpu.dma_semaphore, #tpu.memory_space<semaphore_mem>>
      %dma_start3A_154 = arith.constant 0 : i32
      %dma_start3A_155 = tpu.memref_slice %arg14[%add3A_12, %dma_start3A_154] : memref<10240x128xf32, #tpu.memory_space<vmem_shared>> -> memref<80x128xf32, #tpu.memory_space<vmem_shared>>
      %dma_start3A_156 = arith.constant 0 : i32
      %dma_start3A_157 = tpu.memref_slice %arg14[%add3A_12, %dma_start3A_156] : memref<10240x128xf32, #tpu.memory_space<vmem_shared>> -> memref<80x128xf32, #tpu.memory_space<vmem_shared>>
      tpu.enqueue_dma source(%arg12 : memref<80x128xf32, #tpu.memory_space<vmem>>) target(%dma_start3A_157 : memref<80x128xf32, #tpu.memory_space<vmem_shared>>) target_semaphore(%run_scoped3A : memref<!tpu.dma_semaphore, #tpu.memory_space<semaphore_mem>>)
      %dma_wait3A_158 = arith.constant 0 : i32
      %dma_wait3A_159 = tpu.memref_slice %arg14[%add3A_12, %dma_wait3A_158] : memref<10240x128xf32, #tpu.memory_space<vmem_shared>> -> memref<80x128xf32, #tpu.memory_space<vmem_shared>>
      %dma_wait3A_160 = arith.constant 0 : i32
      %dma_wait3A_161 = tpu.memref_slice %arg14[%add3A_12, %dma_wait3A_160] : memref<10240x128xf32, #tpu.memory_space<vmem_shared>> -> memref<80x128xf32, #tpu.memory_space<vmem_shared>>
      tpu.wait_dma2 semaphore(%run_scoped3A : memref<!tpu.dma_semaphore, #tpu.memory_space<semaphore_mem>>) src(%arg12 : memref<80x128xf32, #tpu.memory_space<vmem>>) dst(%dma_wait3A_161 : memref<80x128xf32, #tpu.memory_space<vmem_shared>>)
      tpu.yield
    }) : () -> ()
    %mul3A_13 = arith.constant 640 : i32
    %mul3A_14 = arith.muli %arg1, %mul3A_13 : i32
    %add3A_15 = arith.constant 80 : i32
    %add3A_16 = arith.addi %mul3A_14, %add3A_15 : i32
    "tpu.region"() ({
      %run_scoped3A = tpu.sem_alloc : memref<!tpu.dma_semaphore, #tpu.memory_space<semaphore_mem>>
      %dma_start3A_154 = arith.constant 0 : i32
      %dma_start3A_155 = tpu.memref_slice %arg14[%add3A_16, %dma_start3A_154] : memref<10240x128xf32, #tpu.memory_space<vmem_shared>> -> memref<80x128xf32, #tpu.memory_space<vmem_shared>>
      %dma_start3A_156 = arith.constant 0 : i32
      %dma_start3A_157 = tpu.memref_slice %arg14[%add3A_16, %dma_start3A_156] : memref<10240x128xf32, #tpu.memory_space<vmem_shared>> -> memref<80x128xf32, #tpu.memory_space<vmem_shared>>
      tpu.enqueue_dma source(%arg12 : memref<80x128xf32, #tpu.memory_space<vmem>>) target(%dma_start3A_157 : memref<80x128xf32, #tpu.memory_space<vmem_shared>>) target_semaphore(%run_scoped3A : memref<!tpu.dma_semaphore, #tpu.memory_space<semaphore_mem>>)
      %dma_wait3A_158 = arith.constant 0 : i32
      %dma_wait3A_159 = tpu.memref_slice %arg14[%add3A_16, %dma_wait3A_158] : memref<10240x128xf32, #tpu.memory_space<vmem_shared>> -> memref<80x128xf32, #tpu.memory_space<vmem_shared>>
      %dma_wait3A_160 = arith.constant 0 : i32
      %dma_wait3A_161 = tpu.memref_slice %arg14[%add3A_16, %dma_wait3A_160] : memref<10240x128xf32, #tpu.memory_space<vmem_shared>> -> memref<80x128xf32, #tpu.memory_space<vmem_shared>>
      tpu.wait_dma2 semaphore(%run_scoped3A : memref<!tpu.dma_semaphore, #tpu.memory_space<semaphore_mem>>) src(%arg12 : memref<80x128xf32, #tpu.memory_space<vmem>>) dst(%dma_wait3A_161 : memref<80x128xf32, #tpu.memory_space<vmem_shared>>)
      tpu.yield
    }) : () -> ()
    %mul3A_17 = arith.constant 640 : i32
    %mul3A_18 = arith.muli %arg1, %mul3A_17 : i32
    %add3A_19 = arith.constant 160 : i32
    %add3A_20 = arith.addi %mul3A_18, %add3A_19 : i32
    "tpu.region"() ({
      %run_scoped3A = tpu.sem_alloc : memref<!tpu.dma_semaphore, #tpu.memory_space<semaphore_mem>>
      %dma_start3A_154 = arith.constant 0 : i32
      %dma_start3A_155 = tpu.memref_slice %arg14[%add3A_20, %dma_start3A_154] : memref<10240x128xf32, #tpu.memory_space<vmem_shared>> -> memref<80x128xf32, #tpu.memory_space<vmem_shared>>
      %dma_start3A_156 = arith.constant 0 : i32
      %dma_start3A_157 = tpu.memref_slice %arg14[%add3A_20, %dma_start3A_156] : memref<10240x128xf32, #tpu.memory_space<vmem_shared>> -> memref<80x128xf32, #tpu.memory_space<vmem_shared>>
      tpu.enqueue_dma source(%arg12 : memref<80x128xf32, #tpu.memory_space<vmem>>) target(%dma_start3A_157 : memref<80x128xf32, #tpu.memory_space<vmem_shared>>) target_semaphore(%run_scoped3A : memref<!tpu.dma_semaphore, #tpu.memory_space<semaphore_mem>>)
      %dma_wait3A_158 = arith.constant 0 : i32
      %dma_wait3A_159 = tpu.memref_slice %arg14[%add3A_20, %dma_wait3A_158] : memref<10240x128xf32, #tpu.memory_space<vmem_shared>> -> memref<80x128xf32, #tpu.memory_space<vmem_shared>>
      %dma_wait3A_160 = arith.constant 0 : i32
      %dma_wait3A_161 = tpu.memref_slice %arg14[%add3A_20, %dma_wait3A_160] : memref<10240x128xf32, #tpu.memory_space<vmem_shared>> -> memref<80x128xf32, #tpu.memory_space<vmem_shared>>
      tpu.wait_dma2 semaphore(%run_scoped3A : memref<!tpu.dma_semaphore, #tpu.memory_space<semaphore_mem>>) src(%arg12 : memref<80x128xf32, #tpu.memory_space<vmem>>) dst(%dma_wait3A_161 : memref<80x128xf32, #tpu.memory_space<vmem_shared>>)
      tpu.yield
    }) : () -> ()
    %mul3A_21 = arith.constant 640 : i32
    %mul3A_22 = arith.muli %arg1, %mul3A_21 : i32
    %add3A_23 = arith.constant 240 : i32
    %add3A_24 = arith.addi %mul3A_22, %add3A_23 : i32
    "tpu.region"() ({
      %run_scoped3A = tpu.sem_alloc : memref<!tpu.dma_semaphore, #tpu.memory_space<semaphore_mem>>
      %dma_start3A_154 = arith.constant 0 : i32
      %dma_start3A_155 = tpu.memref_slice %arg14[%add3A_24, %dma_start3A_154] : memref<10240x128xf32, #tpu.memory_space<vmem_shared>> -> memref<80x128xf32, #tpu.memory_space<vmem_shared>>
      %dma_start3A_156 = arith.constant 0 : i32
      %dma_start3A_157 = tpu.memref_slice %arg14[%add3A_24, %dma_start3A_156] : memref<10240x128xf32, #tpu.memory_space<vmem_shared>> -> memref<80x128xf32, #tpu.memory_space<vmem_shared>>
      tpu.enqueue_dma source(%arg12 : memref<80x128xf32, #tpu.memory_space<vmem>>) target(%dma_start3A_157 : memref<80x128xf32, #tpu.memory_space<vmem_shared>>) target_semaphore(%run_scoped3A : memref<!tpu.dma_semaphore, #tpu.memory_space<semaphore_mem>>)
      %dma_wait3A_158 = arith.constant 0 : i32
      %dma_wait3A_159 = tpu.memref_slice %arg14[%add3A_24, %dma_wait3A_158] : memref<10240x128xf32, #tpu.memory_space<vmem_shared>> -> memref<80x128xf32, #tpu.memory_space<vmem_shared>>
      %dma_wait3A_160 = arith.constant 0 : i32
      %dma_wait3A_161 = tpu.memref_slice %arg14[%add3A_24, %dma_wait3A_160] : memref<10240x128xf32, #tpu.memory_space<vmem_shared>> -> memref<80x128xf32, #tpu.memory_space<vmem_shared>>
      tpu.wait_dma2 semaphore(%run_scoped3A : memref<!tpu.dma_semaphore, #tpu.memory_space<semaphore_mem>>) src(%arg12 : memref<80x128xf32, #tpu.memory_space<vmem>>) dst(%dma_wait3A_161 : memref<80x128xf32, #tpu.memory_space<vmem_shared>>)
      tpu.yield
    }) : () -> ()
    %mul3A_25 = arith.constant 640 : i32
    %mul3A_26 = arith.muli %arg1, %mul3A_25 : i32
    %add3A_27 = arith.constant 320 : i32
    %add3A_28 = arith.addi %mul3A_26, %add3A_27 : i32
    "tpu.region"() ({
      %run_scoped3A = tpu.sem_alloc : memref<!tpu.dma_semaphore, #tpu.memory_space<semaphore_mem>>
      %dma_start3A_154 = arith.constant 0 : i32
      %dma_start3A_155 = tpu.memref_slice %arg14[%add3A_28, %dma_start3A_154] : memref<10240x128xf32, #tpu.memory_space<vmem_shared>> -> memref<80x128xf32, #tpu.memory_space<vmem_shared>>
      %dma_start3A_156 = arith.constant 0 : i32
      %dma_start3A_157 = tpu.memref_slice %arg14[%add3A_28, %dma_start3A_156] : memref<10240x128xf32, #tpu.memory_space<vmem_shared>> -> memref<80x128xf32, #tpu.memory_space<vmem_shared>>
      tpu.enqueue_dma source(%arg12 : memref<80x128xf32, #tpu.memory_space<vmem>>) target(%dma_start3A_157 : memref<80x128xf32, #tpu.memory_space<vmem_shared>>) target_semaphore(%run_scoped3A : memref<!tpu.dma_semaphore, #tpu.memory_space<semaphore_mem>>)
      %dma_wait3A_158 = arith.constant 0 : i32
      %dma_wait3A_159 = tpu.memref_slice %arg14[%add3A_28, %dma_wait3A_158] : memref<10240x128xf32, #tpu.memory_space<vmem_shared>> -> memref<80x128xf32, #tpu.memory_space<vmem_shared>>
      %dma_wait3A_160 = arith.constant 0 : i32
      %dma_wait3A_161 = tpu.memref_slice %arg14[%add3A_28, %dma_wait3A_160] : memref<10240x128xf32, #tpu.memory_space<vmem_shared>> -> memref<80x128xf32, #tpu.memory_space<vmem_shared>>
      tpu.wait_dma2 semaphore(%run_scoped3A : memref<!tpu.dma_semaphore, #tpu.memory_space<semaphore_mem>>) src(%arg12 : memref<80x128xf32, #tpu.memory_space<vmem>>) dst(%dma_wait3A_161 : memref<80x128xf32, #tpu.memory_space<vmem_shared>>)
      tpu.yield
    }) : () -> ()
    %mul3A_29 = arith.constant 640 : i32
    %mul3A_30 = arith.muli %arg1, %mul3A_29 : i32
    %add3A_31 = arith.constant 400 : i32
    %add3A_32 = arith.addi %mul3A_30, %add3A_31 : i32
    "tpu.region"() ({
      %run_scoped3A = tpu.sem_alloc : memref<!tpu.dma_semaphore, #tpu.memory_space<semaphore_mem>>
      %dma_start3A_154 = arith.constant 0 : i32
      %dma_start3A_155 = tpu.memref_slice %arg14[%add3A_32, %dma_start3A_154] : memref<10240x128xf32, #tpu.memory_space<vmem_shared>> -> memref<80x128xf32, #tpu.memory_space<vmem_shared>>
      %dma_start3A_156 = arith.constant 0 : i32
      %dma_start3A_157 = tpu.memref_slice %arg14[%add3A_32, %dma_start3A_156] : memref<10240x128xf32, #tpu.memory_space<vmem_shared>> -> memref<80x128xf32, #tpu.memory_space<vmem_shared>>
      tpu.enqueue_dma source(%arg12 : memref<80x128xf32, #tpu.memory_space<vmem>>) target(%dma_start3A_157 : memref<80x128xf32, #tpu.memory_space<vmem_shared>>) target_semaphore(%run_scoped3A : memref<!tpu.dma_semaphore, #tpu.memory_space<semaphore_mem>>)
      %dma_wait3A_158 = arith.constant 0 : i32
      %dma_wait3A_159 = tpu.memref_slice %arg14[%add3A_32, %dma_wait3A_158] : memref<10240x128xf32, #tpu.memory_space<vmem_shared>> -> memref<80x128xf32, #tpu.memory_space<vmem_shared>>
      %dma_wait3A_160 = arith.constant 0 : i32
      %dma_wait3A_161 = tpu.memref_slice %arg14[%add3A_32, %dma_wait3A_160] : memref<10240x128xf32, #tpu.memory_space<vmem_shared>> -> memref<80x128xf32, #tpu.memory_space<vmem_shared>>
      tpu.wait_dma2 semaphore(%run_scoped3A : memref<!tpu.dma_semaphore, #tpu.memory_space<semaphore_mem>>) src(%arg12 : memref<80x128xf32, #tpu.memory_space<vmem>>) dst(%dma_wait3A_161 : memref<80x128xf32, #tpu.memory_space<vmem_shared>>)
      tpu.yield
    }) : () -> ()
    %mul3A_33 = arith.constant 640 : i32
    %mul3A_34 = arith.muli %arg1, %mul3A_33 : i32
    %add3A_35 = arith.constant 480 : i32
    %add3A_36 = arith.addi %mul3A_34, %add3A_35 : i32
    "tpu.region"() ({
      %run_scoped3A = tpu.sem_alloc : memref<!tpu.dma_semaphore, #tpu.memory_space<semaphore_mem>>
      %dma_start3A_154 = arith.constant 0 : i32
      %dma_start3A_155 = tpu.memref_slice %arg14[%add3A_36, %dma_start3A_154] : memref<10240x128xf32, #tpu.memory_space<vmem_shared>> -> memref<80x128xf32, #tpu.memory_space<vmem_shared>>
      %dma_start3A_156 = arith.constant 0 : i32
      %dma_start3A_157 = tpu.memref_slice %arg14[%add3A_36, %dma_start3A_156] : memref<10240x128xf32, #tpu.memory_space<vmem_shared>> -> memref<80x128xf32, #tpu.memory_space<vmem_shared>>
      tpu.enqueue_dma source(%arg12 : memref<80x128xf32, #tpu.memory_space<vmem>>) target(%dma_start3A_157 : memref<80x128xf32, #tpu.memory_space<vmem_shared>>) target_semaphore(%run_scoped3A : memref<!tpu.dma_semaphore, #tpu.memory_space<semaphore_mem>>)
      %dma_wait3A_158 = arith.constant 0 : i32
      %dma_wait3A_159 = tpu.memref_slice %arg14[%add3A_36, %dma_wait3A_158] : memref<10240x128xf32, #tpu.memory_space<vmem_shared>> -> memref<80x128xf32, #tpu.memory_space<vmem_shared>>
      %dma_wait3A_160 = arith.constant 0 : i32
      %dma_wait3A_161 = tpu.memref_slice %arg14[%add3A_36, %dma_wait3A_160] : memref<10240x128xf32, #tpu.memory_space<vmem_shared>> -> memref<80x128xf32, #tpu.memory_space<vmem_shared>>
      tpu.wait_dma2 semaphore(%run_scoped3A : memref<!tpu.dma_semaphore, #tpu.memory_space<semaphore_mem>>) src(%arg12 : memref<80x128xf32, #tpu.memory_space<vmem>>) dst(%dma_wait3A_161 : memref<80x128xf32, #tpu.memory_space<vmem_shared>>)
      tpu.yield
    }) : () -> ()
    %mul3A_37 = arith.constant 640 : i32
    %mul3A_38 = arith.muli %arg1, %mul3A_37 : i32
    %add3A_39 = arith.constant 560 : i32
    %add3A_40 = arith.addi %mul3A_38, %add3A_39 : i32
    "tpu.region"() ({
      %run_scoped3A = tpu.sem_alloc : memref<!tpu.dma_semaphore, #tpu.memory_space<semaphore_mem>>
      %dma_start3A_154 = arith.constant 0 : i32
      %dma_start3A_155 = tpu.memref_slice %arg14[%add3A_40, %dma_start3A_154] : memref<10240x128xf32, #tpu.memory_space<vmem_shared>> -> memref<80x128xf32, #tpu.memory_space<vmem_shared>>
      %dma_start3A_156 = arith.constant 0 : i32
      %dma_start3A_157 = tpu.memref_slice %arg14[%add3A_40, %dma_start3A_156] : memref<10240x128xf32, #tpu.memory_space<vmem_shared>> -> memref<80x128xf32, #tpu.memory_space<vmem_shared>>
      tpu.enqueue_dma source(%arg12 : memref<80x128xf32, #tpu.memory_space<vmem>>) target(%dma_start3A_157 : memref<80x128xf32, #tpu.memory_space<vmem_shared>>) target_semaphore(%run_scoped3A : memref<!tpu.dma_semaphore, #tpu.memory_space<semaphore_mem>>)
      %dma_wait3A_158 = arith.constant 0 : i32
      %dma_wait3A_159 = tpu.memref_slice %arg14[%add3A_40, %dma_wait3A_158] : memref<10240x128xf32, #tpu.memory_space<vmem_shared>> -> memref<80x128xf32, #tpu.memory_space<vmem_shared>>
      %dma_wait3A_160 = arith.constant 0 : i32
      %dma_wait3A_161 = tpu.memref_slice %arg14[%add3A_40, %dma_wait3A_160] : memref<10240x128xf32, #tpu.memory_space<vmem_shared>> -> memref<80x128xf32, #tpu.memory_space<vmem_shared>>
      tpu.wait_dma2 semaphore(%run_scoped3A : memref<!tpu.dma_semaphore, #tpu.memory_space<semaphore_mem>>) src(%arg12 : memref<80x128xf32, #tpu.memory_space<vmem>>) dst(%dma_wait3A_161 : memref<80x128xf32, #tpu.memory_space<vmem_shared>>)
      tpu.yield
    }) : () -> ()
    %barrier3A = arith.constant 0 : index
    tpu.barrier barrier_id(%barrier3A)
    "tpu.region"() ({
      %run_scoped3A = tpu.sem_alloc : memref<!tpu.dma_semaphore, #tpu.memory_space<semaphore_mem>>
      %dma_start3A_154 = tpu.memref_slice %arg3[%mul3A_2] : memref<320000xi32, #tpu.memory_space<hbm>> -> memref<10000xi32, #tpu.memory_space<hbm>>
      %dma_start3A_155 = tpu.memref_slice %arg3[%mul3A_2] : memref<320000xi32, #tpu.memory_space<hbm>> -> memref<10000xi32, #tpu.memory_space<hbm>>
      tpu.enqueue_dma source(%dma_start3A_155 : memref<10000xi32, #tpu.memory_space<hbm>>) target(%arg6 : memref<10000xi32, #tpu.memory_space<vmem>>) target_semaphore(%run_scoped3A : memref<!tpu.dma_semaphore, #tpu.memory_space<semaphore_mem>>)
      %dma_wait3A_156 = tpu.memref_slice %arg3[%mul3A_2] : memref<320000xi32, #tpu.memory_space<hbm>> -> memref<10000xi32, #tpu.memory_space<hbm>>
      %dma_wait3A_157 = tpu.memref_slice %arg3[%mul3A_2] : memref<320000xi32, #tpu.memory_space<hbm>> -> memref<10000xi32, #tpu.memory_space<hbm>>
      tpu.wait_dma2 semaphore(%run_scoped3A : memref<!tpu.dma_semaphore, #tpu.memory_space<semaphore_mem>>) src(%dma_wait3A_157 : memref<10000xi32, #tpu.memory_space<hbm>>) dst(%arg6 : memref<10000xi32, #tpu.memory_space<vmem>>)
      tpu.yield
    }) : () -> ()
    "tpu.region"() ({
      %run_scoped3A = tpu.sem_alloc : memref<!tpu.dma_semaphore, #tpu.memory_space<semaphore_mem>>
      %dma_start3A_154 = tpu.memref_slice %arg4[%mul3A_2] : memref<320000xi32, #tpu.memory_space<hbm>> -> memref<10000xi32, #tpu.memory_space<hbm>>
      %dma_start3A_155 = tpu.memref_slice %arg4[%mul3A_2] : memref<320000xi32, #tpu.memory_space<hbm>> -> memref<10000xi32, #tpu.memory_space<hbm>>
      tpu.enqueue_dma source(%dma_start3A_155 : memref<10000xi32, #tpu.memory_space<hbm>>) target(%arg7 : memref<10000xi32, #tpu.memory_space<vmem>>) target_semaphore(%run_scoped3A : memref<!tpu.dma_semaphore, #tpu.memory_space<semaphore_mem>>)
      %dma_wait3A_156 = tpu.memref_slice %arg4[%mul3A_2] : memref<320000xi32, #tpu.memory_space<hbm>> -> memref<10000xi32, #tpu.memory_space<hbm>>
      %dma_wait3A_157 = tpu.memref_slice %arg4[%mul3A_2] : memref<320000xi32, #tpu.memory_space<hbm>> -> memref<10000xi32, #tpu.memory_space<hbm>>
      tpu.wait_dma2 semaphore(%run_scoped3A : memref<!tpu.dma_semaphore, #tpu.memory_space<semaphore_mem>>) src(%dma_wait3A_157 : memref<10000xi32, #tpu.memory_space<hbm>>) dst(%arg7 : memref<10000xi32, #tpu.memory_space<vmem>>)
      tpu.yield
    }) : () -> ()
    %get3A = arith.constant 0 : index
    %get3A_41 = tpu.vector_load %arg6[%get3A] {strides = array<i32>} : memref<10000xi32, #tpu.memory_space<vmem>>, vector<16xi32>,
    %swap3A = arith.constant 0 : index
    %swap3A_42 = tpu.vector_load %arg8[%swap3A] {strides = array<i32>} : memref<80xi32, #tpu.memory_space<vmem>>, vector<16xi32>,
    tpu.vector_store %arg8[%swap3A], %get3A_41 {strides = array<i32>} : memref<80xi32, #tpu.memory_space<vmem>>, vector<16xi32>,
    %get3A_43 = arith.constant 0 : index
    %get3A_44 = tpu.vector_load %arg7[%get3A_43] {strides = array<i32>} : memref<10000xi32, #tpu.memory_space<vmem>>, vector<16xi32>,
    %swap3A_45 = arith.constant 0 : index
    %swap3A_46 = tpu.vector_load %arg9[%swap3A_45] {strides = array<i32>} : memref<80xi32, #tpu.memory_space<vmem>>, vector<16xi32>,
    tpu.vector_store %arg9[%swap3A_45], %get3A_44 {strides = array<i32>} : memref<80xi32, #tpu.memory_space<vmem>>, vector<16xi32>,
    %get3A_47 = arith.constant 16 : index
    %get3A_48 = tpu.vector_load %arg6[%get3A_47] {strides = array<i32>} : memref<10000xi32, #tpu.memory_space<vmem>>, vector<16xi32>,
    %swap3A_49 = arith.constant 16 : index
    %swap3A_50 = tpu.vector_load %arg8[%swap3A_49] {strides = array<i32>} : memref<80xi32, #tpu.memory_space<vmem>>, vector<16xi32>,
    tpu.vector_store %arg8[%swap3A_49], %get3A_48 {strides = array<i32>} : memref<80xi32, #tpu.memory_space<vmem>>, vector<16xi32>,
    %get3A_51 = arith.constant 16 : index
    %get3A_52 = tpu.vector_load %arg7[%get3A_51] {strides = array<i32>} : memref<10000xi32, #tpu.memory_space<vmem>>, vector<16xi32>,
    %swap3A_53 = arith.constant 16 : index
    %swap3A_54 = tpu.vector_load %arg9[%swap3A_53] {strides = array<i32>} : memref<80xi32, #tpu.memory_space<vmem>>, vector<16xi32>,
    tpu.vector_store %arg9[%swap3A_53], %get3A_52 {strides = array<i32>} : memref<80xi32, #tpu.memory_space<vmem>>, vector<16xi32>,
    %get3A_55 = arith.constant 32 : index
    %get3A_56 = tpu.vector_load %arg6[%get3A_55] {strides = array<i32>} : memref<10000xi32, #tpu.memory_space<vmem>>, vector<16xi32>,
    %swap3A_57 = arith.constant 32 : index
    %swap3A_58 = tpu.vector_load %arg8[%swap3A_57] {strides = array<i32>} : memref<80xi32, #tpu.memory_space<vmem>>, vector<16xi32>,
    tpu.vector_store %arg8[%swap3A_57], %get3A_56 {strides = array<i32>} : memref<80xi32, #tpu.memory_space<vmem>>, vector<16xi32>,
    %get3A_59 = arith.constant 32 : index
    %get3A_60 = tpu.vector_load %arg7[%get3A_59] {strides = array<i32>} : memref<10000xi32, #tpu.memory_space<vmem>>, vector<16xi32>,
    %swap3A_61 = arith.constant 32 : index
    %swap3A_62 = tpu.vector_load %arg9[%swap3A_61] {strides = array<i32>} : memref<80xi32, #tpu.memory_space<vmem>>, vector<16xi32>,
    tpu.vector_store %arg9[%swap3A_61], %get3A_60 {strides = array<i32>} : memref<80xi32, #tpu.memory_space<vmem>>, vector<16xi32>,
    %get3A_63 = arith.constant 48 : index
    %get3A_64 = tpu.vector_load %arg6[%get3A_63] {strides = array<i32>} : memref<10000xi32, #tpu.memory_space<vmem>>, vector<16xi32>,
    %swap3A_65 = arith.constant 48 : index
    %swap3A_66 = tpu.vector_load %arg8[%swap3A_65] {strides = array<i32>} : memref<80xi32, #tpu.memory_space<vmem>>, vector<16xi32>,
    tpu.vector_store %arg8[%swap3A_65], %get3A_64 {strides = array<i32>} : memref<80xi32, #tpu.memory_space<vmem>>, vector<16xi32>,
    %get3A_67 = arith.constant 48 : index
    %get3A_68 = tpu.vector_load %arg7[%get3A_67] {strides = array<i32>} : memref<10000xi32, #tpu.memory_space<vmem>>, vector<16xi32>,
    %swap3A_69 = arith.constant 48 : index
    %swap3A_70 = tpu.vector_load %arg9[%swap3A_69] {strides = array<i32>} : memref<80xi32, #tpu.memory_space<vmem>>, vector<16xi32>,
    tpu.vector_store %arg9[%swap3A_69], %get3A_68 {strides = array<i32>} : memref<80xi32, #tpu.memory_space<vmem>>, vector<16xi32>,
    %get3A_71 = arith.constant 64 : index
    %get3A_72 = tpu.vector_load %arg6[%get3A_71] {strides = array<i32>} : memref<10000xi32, #tpu.memory_space<vmem>>, vector<16xi32>,
    %swap3A_73 = arith.constant 64 : index
    %swap3A_74 = tpu.vector_load %arg8[%swap3A_73] {strides = array<i32>} : memref<80xi32, #tpu.memory_space<vmem>>, vector<16xi32>,
    tpu.vector_store %arg8[%swap3A_73], %get3A_72 {strides = array<i32>} : memref<80xi32, #tpu.memory_space<vmem>>, vector<16xi32>,
    %get3A_75 = arith.constant 64 : index
    %get3A_76 = tpu.vector_load %arg7[%get3A_75] {strides = array<i32>} : memref<10000xi32, #tpu.memory_space<vmem>>, vector<16xi32>,
    %swap3A_77 = arith.constant 64 : index
    %swap3A_78 = tpu.vector_load %arg9[%swap3A_77] {strides = array<i32>} : memref<80xi32, #tpu.memory_space<vmem>>, vector<16xi32>,
    tpu.vector_store %arg9[%swap3A_77], %get3A_76 {strides = array<i32>} : memref<80xi32, #tpu.memory_space<vmem>>, vector<16xi32>,
    %dma_start3A = arith.constant 0 : i32
    %dma_start3A_79 = arith.constant 0 : i32
    %dma_start3A_80 = tpu.memref_slice %arg2[%dma_start3A, %dma_start3A_79] : memref<10240x128xf32, #tpu.memory_space<hbm>> -> memref<10240x128xf32, #tpu.memory_space<hbm>>
    tpu.enqueue_indirect_dma source(%dma_start3A_80 : memref<10240x128xf32, #tpu.memory_space<hbm>>) target(%arg12 : memref<80x128xf32, #tpu.memory_space<vmem>>) offsets(%arg8 : memref<80xi32, #tpu.memory_space<vmem>>) semaphore(%arg15 : memref<!tpu.dma_semaphore, #tpu.memory_space<semaphore_mem>>)
    %scan3A_81 = arith.constant 0 : i32
    %scan3A_82 = arith.constant 0 : i32
    %scan3A_83 = arith.constant 62 : i32
    %scan3A_84 = arith.addi %scan3A_82, %scan3A_83 : i32
    %scan3A_85 = arith.constant 1 : i32
    scf.for %scan3A_154 = %scan3A_82 to %scan3A_84 step %scan3A_85  : i32 {
      %mul3A_155 = arith.constant 2 : i32
      %mul3A_156 = arith.muli %mul3A_155, %scan3A_154 : i32
      %add3A_157 = arith.constant 1 : i32
      %add3A_158 = arith.addi %mul3A_156, %add3A_157 : i32
      %mul3A_159 = arith.constant 80 : i32
      %mul3A_160 = arith.muli %add3A_158, %mul3A_159 : i32
      %add3A_161 = arith.constant 0 : i32
      %add3A_162 = arith.addi %mul3A_160, %add3A_161 : i32
      %get3A_163 = arith.index_cast %add3A_162 : i32 to index
      %get3A_164 = tpu.vector_load %arg6[%get3A_163] {strides = array<i32>} : memref<10000xi32, #tpu.memory_space<vmem>>, vector<16xi32>,
      %swap3A_165 = arith.constant 0 : index
      %swap3A_166 = tpu.vector_load %arg10[%swap3A_165] {strides = array<i32>} : memref<80xi32, #tpu.memory_space<vmem>>, vector<16xi32>,
      tpu.vector_store %arg10[%swap3A_165], %get3A_164 {strides = array<i32>} : memref<80xi32, #tpu.memory_space<vmem>>, vector<16xi32>,
      %mul3A_167 = arith.constant 80 : i32
      %mul3A_168 = arith.muli %add3A_158, %mul3A_167 : i32
      %add3A_169 = arith.constant 0 : i32
      %add3A_170 = arith.addi %mul3A_168, %add3A_169 : i32
      %get3A_171 = arith.index_cast %add3A_170 : i32 to index
      %get3A_172 = tpu.vector_load %arg7[%get3A_171] {strides = array<i32>} : memref<10000xi32, #tpu.memory_space<vmem>>, vector<16xi32>,
      %swap3A_173 = arith.constant 0 : index
      %swap3A_174 = tpu.vector_load %arg11[%swap3A_173] {strides = array<i32>} : memref<80xi32, #tpu.memory_space<vmem>>, vector<16xi32>,
      tpu.vector_store %arg11[%swap3A_173], %get3A_172 {strides = array<i32>} : memref<80xi32, #tpu.memory_space<vmem>>, vector<16xi32>,
      %mul3A_175 = arith.constant 80 : i32
      %mul3A_176 = arith.muli %add3A_158, %mul3A_175 : i32
      %add3A_177 = arith.constant 16 : i32
      %add3A_178 = arith.addi %mul3A_176, %add3A_177 : i32
      %get3A_179 = arith.index_cast %add3A_178 : i32 to index
      %get3A_180 = tpu.vector_load %arg6[%get3A_179] {strides = array<i32>} : memref<10000xi32, #tpu.memory_space<vmem>>, vector<16xi32>,
      %swap3A_181 = arith.constant 16 : index
      %swap3A_182 = tpu.vector_load %arg10[%swap3A_181] {strides = array<i32>} : memref<80xi32, #tpu.memory_space<vmem>>, vector<16xi32>,
      tpu.vector_store %arg10[%swap3A_181], %get3A_180 {strides = array<i32>} : memref<80xi32, #tpu.memory_space<vmem>>, vector<16xi32>,
      %mul3A_183 = arith.constant 80 : i32
      %mul3A_184 = arith.muli %add3A_158, %mul3A_183 : i32
      %add3A_185 = arith.constant 16 : i32
      %add3A_186 = arith.addi %mul3A_184, %add3A_185 : i32
      %get3A_187 = arith.index_cast %add3A_186 : i32 to index
      %get3A_188 = tpu.vector_load %arg7[%get3A_187] {strides = array<i32>} : memref<10000xi32, #tpu.memory_space<vmem>>, vector<16xi32>,
      %swap3A_189 = arith.constant 16 : index
      %swap3A_190 = tpu.vector_load %arg11[%swap3A_189] {strides = array<i32>} : memref<80xi32, #tpu.memory_space<vmem>>, vector<16xi32>,
      tpu.vector_store %arg11[%swap3A_189], %get3A_188 {strides = array<i32>} : memref<80xi32, #tpu.memory_space<vmem>>, vector<16xi32>,
      %mul3A_191 = arith.constant 80 : i32
      %mul3A_192 = arith.muli %add3A_158, %mul3A_191 : i32
      %add3A_193 = arith.constant 32 : i32
      %add3A_194 = arith.addi %mul3A_192, %add3A_193 : i32
      %get3A_195 = arith.index_cast %add3A_194 : i32 to index
      %get3A_196 = tpu.vector_load %arg6[%get3A_195] {strides = array<i32>} : memref<10000xi32, #tpu.memory_space<vmem>>, vector<16xi32>,
      %swap3A_197 = arith.constant 32 : index
      %swap3A_198 = tpu.vector_load %arg10[%swap3A_197] {strides = array<i32>} : memref<80xi32, #tpu.memory_space<vmem>>, vector<16xi32>,
      tpu.vector_store %arg10[%swap3A_197], %get3A_196 {strides = array<i32>} : memref<80xi32, #tpu.memory_space<vmem>>, vector<16xi32>,
      %mul3A_199 = arith.constant 80 : i32
      %mul3A_200 = arith.muli %add3A_158, %mul3A_199 : i32
      %add3A_201 = arith.constant 32 : i32
      %add3A_202 = arith.addi %mul3A_200, %add3A_201 : i32
      %get3A_203 = arith.index_cast %add3A_202 : i32 to index
      %get3A_204 = tpu.vector_load %arg7[%get3A_203] {strides = array<i32>} : memref<10000xi32, #tpu.memory_space<vmem>>, vector<16xi32>,
      %swap3A_205 = arith.constant 32 : index
      %swap3A_206 = tpu.vector_load %arg11[%swap3A_205] {strides = array<i32>} : memref<80xi32, #tpu.memory_space<vmem>>, vector<16xi32>,
      tpu.vector_store %arg11[%swap3A_205], %get3A_204 {strides = array<i32>} : memref<80xi32, #tpu.memory_space<vmem>>, vector<16xi32>,
      %mul3A_207 = arith.constant 80 : i32
      %mul3A_208 = arith.muli %add3A_158, %mul3A_207 : i32
      %add3A_209 = arith.constant 48 : i32
      %add3A_210 = arith.addi %mul3A_208, %add3A_209 : i32
      %get3A_211 = arith.index_cast %add3A_210 : i32 to index
      %get3A_212 = tpu.vector_load %arg6[%get3A_211] {strides = array<i32>} : memref<10000xi32, #tpu.memory_space<vmem>>, vector<16xi32>,
      %swap3A_213 = arith.constant 48 : index
      %swap3A_214 = tpu.vector_load %arg10[%swap3A_213] {strides = array<i32>} : memref<80xi32, #tpu.memory_space<vmem>>, vector<16xi32>,
      tpu.vector_store %arg10[%swap3A_213], %get3A_212 {strides = array<i32>} : memref<80xi32, #tpu.memory_space<vmem>>, vector<16xi32>,
      %mul3A_215 = arith.constant 80 : i32
      %mul3A_216 = arith.muli %add3A_158, %mul3A_215 : i32
      %add3A_217 = arith.constant 48 : i32
      %add3A_218 = arith.addi %mul3A_216, %add3A_217 : i32
      %get3A_219 = arith.index_cast %add3A_218 : i32 to index
      %get3A_220 = tpu.vector_load %arg7[%get3A_219] {strides = array<i32>} : memref<10000xi32, #tpu.memory_space<vmem>>, vector<16xi32>,
      %swap3A_221 = arith.constant 48 : index
      %swap3A_222 = tpu.vector_load %arg11[%swap3A_221] {strides = array<i32>} : memref<80xi32, #tpu.memory_space<vmem>>, vector<16xi32>,
      tpu.vector_store %arg11[%swap3A_221], %get3A_220 {strides = array<i32>} : memref<80xi32, #tpu.memory_space<vmem>>, vector<16xi32>,
      %mul3A_223 = arith.constant 80 : i32
      %mul3A_224 = arith.muli %add3A_158, %mul3A_223 : i32
      %add3A_225 = arith.constant 64 : i32
      %add3A_226 = arith.addi %mul3A_224, %add3A_225 : i32
      %get3A_227 = arith.index_cast %add3A_226 : i32 to index
      %get3A_228 = tpu.vector_load %arg6[%get3A_227] {strides = array<i32>} : memref<10000xi32, #tpu.memory_space<vmem>>, vector<16xi32>,
      %swap3A_229 = arith.constant 64 : index
      %swap3A_230 = tpu.vector_load %arg10[%swap3A_229] {strides = array<i32>} : memref<80xi32, #tpu.memory_space<vmem>>, vector<16xi32>,
      tpu.vector_store %arg10[%swap3A_229], %get3A_228 {strides = array<i32>} : memref<80xi32, #tpu.memory_space<vmem>>, vector<16xi32>,
      %mul3A_231 = arith.constant 80 : i32
      %mul3A_232 = arith.muli %add3A_158, %mul3A_231 : i32
      %add3A_233 = arith.constant 64 : i32
      %add3A_234 = arith.addi %mul3A_232, %add3A_233 : i32
      %get3A_235 = arith.index_cast %add3A_234 : i32 to index
      %get3A_236 = tpu.vector_load %arg7[%get3A_235] {strides = array<i32>} : memref<10000xi32, #tpu.memory_space<vmem>>, vector<16xi32>,
      %swap3A_237 = arith.constant 64 : index
      %swap3A_238 = tpu.vector_load %arg11[%swap3A_237] {strides = array<i32>} : memref<80xi32, #tpu.memory_space<vmem>>, vector<16xi32>,
      tpu.vector_store %arg11[%swap3A_237], %get3A_236 {strides = array<i32>} : memref<80xi32, #tpu.memory_space<vmem>>, vector<16xi32>,
      %dma_start3A_239 = arith.constant 0 : i32
      %dma_start3A_240 = arith.constant 0 : i32
      %dma_start3A_241 = tpu.memref_slice %arg2[%dma_start3A_239, %dma_start3A_240] : memref<10240x128xf32, #tpu.memory_space<hbm>> -> memref<10240x128xf32, #tpu.memory_space<hbm>>
      tpu.enqueue_indirect_dma source(%dma_start3A_241 : memref<10240x128xf32, #tpu.memory_space<hbm>>) target(%arg13 : memref<80x128xf32, #tpu.memory_space<vmem>>) offsets(%arg10 : memref<80xi32, #tpu.memory_space<vmem>>) semaphore(%arg16 : memref<!tpu.dma_semaphore, #tpu.memory_space<semaphore_mem>>)
      %dma_wait3A_242 = arith.constant 0 : i32
      %dma_wait3A_243 = arith.constant 0 : i32
      %dma_wait3A_244 = tpu.memref_slice %arg2[%dma_wait3A_242, %dma_wait3A_243] : memref<10240x128xf32, #tpu.memory_space<hbm>> -> memref<10240x128xf32, #tpu.memory_space<hbm>>
      tpu.wait_indirect_dma semaphore(%arg15 : memref<!tpu.dma_semaphore, #tpu.memory_space<semaphore_mem>>) src(%dma_wait3A_244 : memref<10240x128xf32, #tpu.memory_space<hbm>>) dst(%arg12 : memref<80x128xf32, #tpu.memory_space<vmem>>)
      "tpu.region"() ({
        %run_scoped3A = tpu.sem_alloc : memref<!tpu.dma_semaphore, #tpu.memory_space<semaphore_mem>>
        %dma_start3A_333 = arith.constant 0 : i32
        %dma_start3A_334 = arith.constant 0 : i32
        %dma_start3A_335 = tpu.memref_slice %arg14[%dma_start3A_333, %dma_start3A_334] : memref<10240x128xf32, #tpu.memory_space<vmem_shared>> -> memref<10240x128xf32, #tpu.memory_space<vmem_shared>>
        tpu.enqueue_indirect_dma source(%arg12 : memref<80x128xf32, #tpu.memory_space<vmem>>) target(%dma_start3A_335 : memref<10240x128xf32, #tpu.memory_space<vmem_shared>>) offsets(%arg9 : memref<80xi32, #tpu.memory_space<vmem>>) semaphore(%run_scoped3A : memref<!tpu.dma_semaphore, #tpu.memory_space<semaphore_mem>>) {add = true}
        %dma_wait3A_336 = arith.constant 0 : i32
        %dma_wait3A_337 = arith.constant 0 : i32
        %dma_wait3A_338 = tpu.memref_slice %arg14[%dma_wait3A_336, %dma_wait3A_337] : memref<10240x128xf32, #tpu.memory_space<vmem_shared>> -> memref<10240x128xf32, #tpu.memory_space<vmem_shared>>
        tpu.wait_indirect_dma semaphore(%run_scoped3A : memref<!tpu.dma_semaphore, #tpu.memory_space<semaphore_mem>>) src(%arg12 : memref<80x128xf32, #tpu.memory_space<vmem>>) dst(%dma_wait3A_338 : memref<10240x128xf32, #tpu.memory_space<vmem_shared>>)
        tpu.yield
      }) : () -> ()
      %add3A_245 = arith.constant 2 : i32
      %add3A_246 = arith.addi %mul3A_156, %add3A_245 : i32
      %mul3A_247 = arith.constant 80 : i32
      %mul3A_248 = arith.muli %add3A_246, %mul3A_247 : i32
      %add3A_249 = arith.constant 0 : i32
      %add3A_250 = arith.addi %mul3A_248, %add3A_249 : i32
      %get3A_251 = arith.index_cast %add3A_250 : i32 to index
      %get3A_252 = tpu.vector_load %arg6[%get3A_251] {strides = array<i32>} : memref<10000xi32, #tpu.memory_space<vmem>>, vector<16xi32>,
      %swap3A_253 = arith.constant 0 : index
      %swap3A_254 = tpu.vector_load %arg8[%swap3A_253] {strides = array<i32>} : memref<80xi32, #tpu.memory_space<vmem>>, vector<16xi32>,
      tpu.vector_store %arg8[%swap3A_253], %get3A_252 {strides = array<i32>} : memref<80xi32, #tpu.memory_space<vmem>>, vector<16xi32>,
      %mul3A_255 = arith.constant 80 : i32
      %mul3A_256 = arith.muli %add3A_246, %mul3A_255 : i32
      %add3A_257 = arith.constant 0 : i32
      %add3A_258 = arith.addi %mul3A_256, %add3A_257 : i32
      %get3A_259 = arith.index_cast %add3A_258 : i32 to index
      %get3A_260 = tpu.vector_load %arg7[%get3A_259] {strides = array<i32>} : memref<10000xi32, #tpu.memory_space<vmem>>, vector<16xi32>,
      %swap3A_261 = arith.constant 0 : index
      %swap3A_262 = tpu.vector_load %arg9[%swap3A_261] {strides = array<i32>} : memref<80xi32, #tpu.memory_space<vmem>>, vector<16xi32>,
      tpu.vector_store %arg9[%swap3A_261], %get3A_260 {strides = array<i32>} : memref<80xi32, #tpu.memory_space<vmem>>, vector<16xi32>,
      %mul3A_263 = arith.constant 80 : i32
      %mul3A_264 = arith.muli %add3A_246, %mul3A_263 : i32
      %add3A_265 = arith.constant 16 : i32
      %add3A_266 = arith.addi %mul3A_264, %add3A_265 : i32
      %get3A_267 = arith.index_cast %add3A_266 : i32 to index
      %get3A_268 = tpu.vector_load %arg6[%get3A_267] {strides = array<i32>} : memref<10000xi32, #tpu.memory_space<vmem>>, vector<16xi32>,
      %swap3A_269 = arith.constant 16 : index
      %swap3A_270 = tpu.vector_load %arg8[%swap3A_269] {strides = array<i32>} : memref<80xi32, #tpu.memory_space<vmem>>, vector<16xi32>,
      tpu.vector_store %arg8[%swap3A_269], %get3A_268 {strides = array<i32>} : memref<80xi32, #tpu.memory_space<vmem>>, vector<16xi32>,
      %mul3A_271 = arith.constant 80 : i32
      %mul3A_272 = arith.muli %add3A_246, %mul3A_271 : i32
      %add3A_273 = arith.constant 16 : i32
      %add3A_274 = arith.addi %mul3A_272, %add3A_273 : i32
      %get3A_275 = arith.index_cast %add3A_274 : i32 to index
      %get3A_276 = tpu.vector_load %arg7[%get3A_275] {strides = array<i32>} : memref<10000xi32, #tpu.memory_space<vmem>>, vector<16xi32>,
      %swap3A_277 = arith.constant 16 : index
      %swap3A_278 = tpu.vector_load %arg9[%swap3A_277] {strides = array<i32>} : memref<80xi32, #tpu.memory_space<vmem>>, vector<16xi32>,
      tpu.vector_store %arg9[%swap3A_277], %get3A_276 {strides = array<i32>} : memref<80xi32, #tpu.memory_space<vmem>>, vector<16xi32>,
      %mul3A_279 = arith.constant 80 : i32
      %mul3A_280 = arith.muli %add3A_246, %mul3A_279 : i32
      %add3A_281 = arith.constant 32 : i32
      %add3A_282 = arith.addi %mul3A_280, %add3A_281 : i32
      %get3A_283 = arith.index_cast %add3A_282 : i32 to index
      %get3A_284 = tpu.vector_load %arg6[%get3A_283] {strides = array<i32>} : memref<10000xi32, #tpu.memory_space<vmem>>, vector<16xi32>,
      %swap3A_285 = arith.constant 32 : index
      %swap3A_286 = tpu.vector_load %arg8[%swap3A_285] {strides = array<i32>} : memref<80xi32, #tpu.memory_space<vmem>>, vector<16xi32>,
      tpu.vector_store %arg8[%swap3A_285], %get3A_284 {strides = array<i32>} : memref<80xi32, #tpu.memory_space<vmem>>, vector<16xi32>,
      %mul3A_287 = arith.constant 80 : i32
      %mul3A_288 = arith.muli %add3A_246, %mul3A_287 : i32
      %add3A_289 = arith.constant 32 : i32
      %add3A_290 = arith.addi %mul3A_288, %add3A_289 : i32
      %get3A_291 = arith.index_cast %add3A_290 : i32 to index
      %get3A_292 = tpu.vector_load %arg7[%get3A_291] {strides = array<i32>} : memref<10000xi32, #tpu.memory_space<vmem>>, vector<16xi32>,
      %swap3A_293 = arith.constant 32 : index
      %swap3A_294 = tpu.vector_load %arg9[%swap3A_293] {strides = array<i32>} : memref<80xi32, #tpu.memory_space<vmem>>, vector<16xi32>,
      tpu.vector_store %arg9[%swap3A_293], %get3A_292 {strides = array<i32>} : memref<80xi32, #tpu.memory_space<vmem>>, vector<16xi32>,
      %mul3A_295 = arith.constant 80 : i32
      %mul3A_296 = arith.muli %add3A_246, %mul3A_295 : i32
      %add3A_297 = arith.constant 48 : i32
      %add3A_298 = arith.addi %mul3A_296, %add3A_297 : i32
      %get3A_299 = arith.index_cast %add3A_298 : i32 to index
      %get3A_300 = tpu.vector_load %arg6[%get3A_299] {strides = array<i32>} : memref<10000xi32, #tpu.memory_space<vmem>>, vector<16xi32>,
      %swap3A_301 = arith.constant 48 : index
      %swap3A_302 = tpu.vector_load %arg8[%swap3A_301] {strides = array<i32>} : memref<80xi32, #tpu.memory_space<vmem>>, vector<16xi32>,
      tpu.vector_store %arg8[%swap3A_301], %get3A_300 {strides = array<i32>} : memref<80xi32, #tpu.memory_space<vmem>>, vector<16xi32>,
      %mul3A_303 = arith.constant 80 : i32
      %mul3A_304 = arith.muli %add3A_246, %mul3A_303 : i32
      %add3A_305 = arith.constant 48 : i32
      %add3A_306 = arith.addi %mul3A_304, %add3A_305 : i32
      %get3A_307 = arith.index_cast %add3A_306 : i32 to index
      %get3A_308 = tpu.vector_load %arg7[%get3A_307] {strides = array<i32>} : memref<10000xi32, #tpu.memory_space<vmem>>, vector<16xi32>,
      %swap3A_309 = arith.constant 48 : index
      %swap3A_310 = tpu.vector_load %arg9[%swap3A_309] {strides = array<i32>} : memref<80xi32, #tpu.memory_space<vmem>>, vector<16xi32>,
      tpu.vector_store %arg9[%swap3A_309], %get3A_308 {strides = array<i32>} : memref<80xi32, #tpu.memory_space<vmem>>, vector<16xi32>,
      %mul3A_311 = arith.constant 80 : i32
      %mul3A_312 = arith.muli %add3A_246, %mul3A_311 : i32
      %add3A_313 = arith.constant 64 : i32
      %add3A_314 = arith.addi %mul3A_312, %add3A_313 : i32
      %get3A_315 = arith.index_cast %add3A_314 : i32 to index
      %get3A_316 = tpu.vector_load %arg6[%get3A_315] {strides = array<i32>} : memref<10000xi32, #tpu.memory_space<vmem>>, vector<16xi32>,
      %swap3A_317 = arith.constant 64 : index
      %swap3A_318 = tpu.vector_load %arg8[%swap3A_317] {strides = array<i32>} : memref<80xi32, #tpu.memory_space<vmem>>, vector<16xi32>,
      tpu.vector_store %arg8[%swap3A_317], %get3A_316 {strides = array<i32>} : memref<80xi32, #tpu.memory_space<vmem>>, vector<16xi32>,
      %mul3A_319 = arith.constant 80 : i32
      %mul3A_320 = arith.muli %add3A_246, %mul3A_319 : i32
      %add3A_321 = arith.constant 64 : i32
      %add3A_322 = arith.addi %mul3A_320, %add3A_321 : i32
      %get3A_323 = arith.index_cast %add3A_322 : i32 to index
      %get3A_324 = tpu.vector_load %arg7[%get3A_323] {strides = array<i32>} : memref<10000xi32, #tpu.memory_space<vmem>>, vector<16xi32>,
      %swap3A_325 = arith.constant 64 : index
      %swap3A_326 = tpu.vector_load %arg9[%swap3A_325] {strides = array<i32>} : memref<80xi32, #tpu.memory_space<vmem>>, vector<16xi32>,
      tpu.vector_store %arg9[%swap3A_325], %get3A_324 {strides = array<i32>} : memref<80xi32, #tpu.memory_space<vmem>>, vector<16xi32>,
      %dma_start3A_327 = arith.constant 0 : i32
      %dma_start3A_328 = arith.constant 0 : i32
      %dma_start3A_329 = tpu.memref_slice %arg2[%dma_start3A_327, %dma_start3A_328] : memref<10240x128xf32, #tpu.memory_space<hbm>> -> memref<10240x128xf32, #tpu.memory_space<hbm>>
      tpu.enqueue_indirect_dma source(%dma_start3A_329 : memref<10240x128xf32, #tpu.memory_space<hbm>>) target(%arg12 : memref<80x128xf32, #tpu.memory_space<vmem>>) offsets(%arg8 : memref<80xi32, #tpu.memory_space<vmem>>) semaphore(%arg15 : memref<!tpu.dma_semaphore, #tpu.memory_space<semaphore_mem>>)
      %dma_wait3A_330 = arith.constant 0 : i32
      %dma_wait3A_331 = arith.constant 0 : i32
      %dma_wait3A_332 = tpu.memref_slice %arg2[%dma_wait3A_330, %dma_wait3A_331] : memref<10240x128xf32, #tpu.memory_space<hbm>> -> memref<10240x128xf32, #tpu.memory_space<hbm>>
      tpu.wait_indirect_dma semaphore(%arg16 : memref<!tpu.dma_semaphore, #tpu.memory_space<semaphore_mem>>) src(%dma_wait3A_332 : memref<10240x128xf32, #tpu.memory_space<hbm>>) dst(%arg13 : memref<80x128xf32, #tpu.memory_space<vmem>>)
      "tpu.region"() ({
        %run_scoped3A = tpu.sem_alloc : memref<!tpu.dma_semaphore, #tpu.memory_space<semaphore_mem>>
        %dma_start3A_333 = arith.constant 0 : i32
        %dma_start3A_334 = arith.constant 0 : i32
        %dma_start3A_335 = tpu.memref_slice %arg14[%dma_start3A_333, %dma_start3A_334] : memref<10240x128xf32, #tpu.memory_space<vmem_shared>> -> memref<10240x128xf32, #tpu.memory_space<vmem_shared>>
        tpu.enqueue_indirect_dma source(%arg13 : memref<80x128xf32, #tpu.memory_space<vmem>>) target(%dma_start3A_335 : memref<10240x128xf32, #tpu.memory_space<vmem_shared>>) offsets(%arg11 : memref<80xi32, #tpu.memory_space<vmem>>) semaphore(%run_scoped3A : memref<!tpu.dma_semaphore, #tpu.memory_space<semaphore_mem>>) {add = true}
        %dma_wait3A_336 = arith.constant 0 : i32
        %dma_wait3A_337 = arith.constant 0 : i32
        %dma_wait3A_338 = tpu.memref_slice %arg14[%dma_wait3A_336, %dma_wait3A_337] : memref<10240x128xf32, #tpu.memory_space<vmem_shared>> -> memref<10240x128xf32, #tpu.memory_space<vmem_shared>>
        tpu.wait_indirect_dma semaphore(%run_scoped3A : memref<!tpu.dma_semaphore, #tpu.memory_space<semaphore_mem>>) src(%arg13 : memref<80x128xf32, #tpu.memory_space<vmem>>) dst(%dma_wait3A_338 : memref<10240x128xf32, #tpu.memory_space<vmem_shared>>)
        tpu.yield
      }) : () -> ()
    }
    %scan3A_86 = arith.constant 62 : i32
    %dma_wait3A = arith.constant 0 : i32
    %dma_wait3A_87 = arith.constant 0 : i32
    %dma_wait3A_88 = tpu.memref_slice %arg2[%dma_wait3A, %dma_wait3A_87] : memref<10240x128xf32, #tpu.memory_space<hbm>> -> memref<10240x128xf32, #tpu.memory_space<hbm>>
    tpu.wait_indirect_dma semaphore(%arg15 : memref<!tpu.dma_semaphore, #tpu.memory_space<semaphore_mem>>) src(%dma_wait3A_88 : memref<10240x128xf32, #tpu.memory_space<hbm>>) dst(%arg12 : memref<80x128xf32, #tpu.memory_space<vmem>>)
    "tpu.region"() ({
      %run_scoped3A = tpu.sem_alloc : memref<!tpu.dma_semaphore, #tpu.memory_space<semaphore_mem>>
      %dma_start3A_154 = arith.constant 0 : i32
      %dma_start3A_155 = arith.constant 0 : i32
      %dma_start3A_156 = tpu.memref_slice %arg14[%dma_start3A_154, %dma_start3A_155] : memref<10240x128xf32, #tpu.memory_space<vmem_shared>> -> memref<10240x128xf32, #tpu.memory_space<vmem_shared>>
      tpu.enqueue_indirect_dma source(%arg12 : memref<80x128xf32, #tpu.memory_space<vmem>>) target(%dma_start3A_156 : memref<10240x128xf32, #tpu.memory_space<vmem_shared>>) offsets(%arg9 : memref<80xi32, #tpu.memory_space<vmem>>) semaphore(%run_scoped3A : memref<!tpu.dma_semaphore, #tpu.memory_space<semaphore_mem>>) {add = true}
      %dma_wait3A_157 = arith.constant 0 : i32
      %dma_wait3A_158 = arith.constant 0 : i32
      %dma_wait3A_159 = tpu.memref_slice %arg14[%dma_wait3A_157, %dma_wait3A_158] : memref<10240x128xf32, #tpu.memory_space<vmem_shared>> -> memref<10240x128xf32, #tpu.memory_space<vmem_shared>>
      tpu.wait_indirect_dma semaphore(%run_scoped3A : memref<!tpu.dma_semaphore, #tpu.memory_space<semaphore_mem>>) src(%arg12 : memref<80x128xf32, #tpu.memory_space<vmem>>) dst(%dma_wait3A_159 : memref<10240x128xf32, #tpu.memory_space<vmem_shared>>)
      tpu.yield
    }) : () -> ()
    %barrier3A_89 = arith.constant 0 : index
    tpu.barrier barrier_id(%barrier3A_89)
    %mul3A_90 = arith.constant 640 : i32
    %mul3A_91 = arith.muli %arg1, %mul3A_90 : i32
    %add3A_92 = arith.constant 0 : i32
    %add3A_93 = arith.addi %mul3A_91, %add3A_92 : i32
    "tpu.region"() ({
      %run_scoped3A = tpu.sem_alloc : memref<!tpu.dma_semaphore, #tpu.memory_space<semaphore_mem>>
      %dma_start3A_154 = arith.constant 0 : i32
      %dma_start3A_155 = tpu.memref_slice %arg14[%add3A_93, %dma_start3A_154] : memref<10240x128xf32, #tpu.memory_space<vmem_shared>> -> memref<80x128xf32, #tpu.memory_space<vmem_shared>>
      %dma_start3A_156 = arith.constant 0 : i32
      %dma_start3A_157 = tpu.memref_slice %arg14[%add3A_93, %dma_start3A_156] : memref<10240x128xf32, #tpu.memory_space<vmem_shared>> -> memref<80x128xf32, #tpu.memory_space<vmem_shared>>
      tpu.enqueue_dma source(%dma_start3A_157 : memref<80x128xf32, #tpu.memory_space<vmem_shared>>) target(%arg12 : memref<80x128xf32, #tpu.memory_space<vmem>>) target_semaphore(%run_scoped3A : memref<!tpu.dma_semaphore, #tpu.memory_space<semaphore_mem>>)
      %dma_wait3A_158 = arith.constant 0 : i32
      %dma_wait3A_159 = tpu.memref_slice %arg14[%add3A_93, %dma_wait3A_158] : memref<10240x128xf32, #tpu.memory_space<vmem_shared>> -> memref<80x128xf32, #tpu.memory_space<vmem_shared>>
      %dma_wait3A_160 = arith.constant 0 : i32
      %dma_wait3A_161 = tpu.memref_slice %arg14[%add3A_93, %dma_wait3A_160] : memref<10240x128xf32, #tpu.memory_space<vmem_shared>> -> memref<80x128xf32, #tpu.memory_space<vmem_shared>>
      tpu.wait_dma2 semaphore(%run_scoped3A : memref<!tpu.dma_semaphore, #tpu.memory_space<semaphore_mem>>) src(%dma_wait3A_161 : memref<80x128xf32, #tpu.memory_space<vmem_shared>>) dst(%arg12 : memref<80x128xf32, #tpu.memory_space<vmem>>)
      tpu.yield
    }) : () -> ()
    %mul3A_94 = arith.constant 640 : i32
    %mul3A_95 = arith.muli %arg1, %mul3A_94 : i32
    %add3A_96 = arith.constant 0 : i32
    %add3A_97 = arith.addi %mul3A_95, %add3A_96 : i32
    "tpu.region"() ({
      %run_scoped3A = tpu.sem_alloc : memref<!tpu.dma_semaphore, #tpu.memory_space<semaphore_mem>>
      %dma_start3A_154 = arith.constant 0 : i32
      %dma_start3A_155 = tpu.memref_slice %arg5[%arg0, %add3A_97, %dma_start3A_154] : memref<2x10240x128xf32, #tpu.memory_space<hbm>> -> memref<1x80x128xf32, #tpu.memory_space<hbm>>
      %dma_start3A_156 = tpu.memref_squeeze %dma_start3A_155 : memref<1x80x128xf32, #tpu.memory_space<hbm>> -> memref<80x128xf32, #tpu.memory_space<hbm>>
      %dma_start3A_157 = arith.constant 0 : i32
      %dma_start3A_158 = tpu.memref_slice %arg5[%arg0, %add3A_97, %dma_start3A_157] : memref<2x10240x128xf32, #tpu.memory_space<hbm>> -> memref<1x80x128xf32, #tpu.memory_space<hbm>>
      %dma_start3A_159 = tpu.memref_squeeze %dma_start3A_158 : memref<1x80x128xf32, #tpu.memory_space<hbm>> -> memref<80x128xf32, #tpu.memory_space<hbm>>
      tpu.enqueue_dma source(%arg12 : memref<80x128xf32, #tpu.memory_space<vmem>>) target(%dma_start3A_159 : memref<80x128xf32, #tpu.memory_space<hbm>>) target_semaphore(%run_scoped3A : memref<!tpu.dma_semaphore, #tpu.memory_space<semaphore_mem>>)
      %dma_wait3A_160 = arith.constant 0 : i32
      %dma_wait3A_161 = tpu.memref_slice %arg5[%arg0, %add3A_97, %dma_wait3A_160] : memref<2x10240x128xf32, #tpu.memory_space<hbm>> -> memref<1x80x128xf32, #tpu.memory_space<hbm>>
      %dma_wait3A_162 = tpu.memref_squeeze %dma_wait3A_161 : memref<1x80x128xf32, #tpu.memory_space<hbm>> -> memref<80x128xf32, #tpu.memory_space<hbm>>
      %dma_wait3A_163 = arith.constant 0 : i32
      %dma_wait3A_164 = tpu.memref_slice %arg5[%arg0, %add3A_97, %dma_wait3A_163] : memref<2x10240x128xf32, #tpu.memory_space<hbm>> -> memref<1x80x128xf32, #tpu.memory_space<hbm>>
      %dma_wait3A_165 = tpu.memref_squeeze %dma_wait3A_164 : memref<1x80x128xf32, #tpu.memory_space<hbm>> -> memref<80x128xf32, #tpu.memory_space<hbm>>
      tpu.wait_dma2 semaphore(%run_scoped3A : memref<!tpu.dma_semaphore, #tpu.memory_space<semaphore_mem>>) src(%arg12 : memref<80x128xf32, #tpu.memory_space<vmem>>) dst(%dma_wait3A_165 : memref<80x128xf32, #tpu.memory_space<hbm>>)
      tpu.yield
    }) : () -> ()
    %mul3A_98 = arith.constant 640 : i32
    %mul3A_99 = arith.muli %arg1, %mul3A_98 : i32
    %add3A_100 = arith.constant 80 : i32
    %add3A_101 = arith.addi %mul3A_99, %add3A_100 : i32
    "tpu.region"() ({
      %run_scoped3A = tpu.sem_alloc : memref<!tpu.dma_semaphore, #tpu.memory_space<semaphore_mem>>
      %dma_start3A_154 = arith.constant 0 : i32
      %dma_start3A_155 = tpu.memref_slice %arg14[%add3A_101, %dma_start3A_154] : memref<10240x128xf32, #tpu.memory_space<vmem_shared>> -> memref<80x128xf32, #tpu.memory_space<vmem_shared>>
      %dma_start3A_156 = arith.constant 0 : i32
      %dma_start3A_157 = tpu.memref_slice %arg14[%add3A_101, %dma_start3A_156] : memref<10240x128xf32, #tpu.memory_space<vmem_shared>> -> memref<80x128xf32, #tpu.memory_space<vmem_shared>>
      tpu.enqueue_dma source(%dma_start3A_157 : memref<80x128xf32, #tpu.memory_space<vmem_shared>>) target(%arg12 : memref<80x128xf32, #tpu.memory_space<vmem>>) target_semaphore(%run_scoped3A : memref<!tpu.dma_semaphore, #tpu.memory_space<semaphore_mem>>)
      %dma_wait3A_158 = arith.constant 0 : i32
      %dma_wait3A_159 = tpu.memref_slice %arg14[%add3A_101, %dma_wait3A_158] : memref<10240x128xf32, #tpu.memory_space<vmem_shared>> -> memref<80x128xf32, #tpu.memory_space<vmem_shared>>
      %dma_wait3A_160 = arith.constant 0 : i32
      %dma_wait3A_161 = tpu.memref_slice %arg14[%add3A_101, %dma_wait3A_160] : memref<10240x128xf32, #tpu.memory_space<vmem_shared>> -> memref<80x128xf32, #tpu.memory_space<vmem_shared>>
      tpu.wait_dma2 semaphore(%run_scoped3A : memref<!tpu.dma_semaphore, #tpu.memory_space<semaphore_mem>>) src(%dma_wait3A_161 : memref<80x128xf32, #tpu.memory_space<vmem_shared>>) dst(%arg12 : memref<80x128xf32, #tpu.memory_space<vmem>>)
      tpu.yield
    }) : () -> ()
    %mul3A_102 = arith.constant 640 : i32
    %mul3A_103 = arith.muli %arg1, %mul3A_102 : i32
    %add3A_104 = arith.constant 80 : i32
    %add3A_105 = arith.addi %mul3A_103, %add3A_104 : i32
    "tpu.region"() ({
      %run_scoped3A = tpu.sem_alloc : memref<!tpu.dma_semaphore, #tpu.memory_space<semaphore_mem>>
      %dma_start3A_154 = arith.constant 0 : i32
      %dma_start3A_155 = tpu.memref_slice %arg5[%arg0, %add3A_105, %dma_start3A_154] : memref<2x10240x128xf32, #tpu.memory_space<hbm>> -> memref<1x80x128xf32, #tpu.memory_space<hbm>>
      %dma_start3A_156 = tpu.memref_squeeze %dma_start3A_155 : memref<1x80x128xf32, #tpu.memory_space<hbm>> -> memref<80x128xf32, #tpu.memory_space<hbm>>
      %dma_start3A_157 = arith.constant 0 : i32
      %dma_start3A_158 = tpu.memref_slice %arg5[%arg0, %add3A_105, %dma_start3A_157] : memref<2x10240x128xf32, #tpu.memory_space<hbm>> -> memref<1x80x128xf32, #tpu.memory_space<hbm>>
      %dma_start3A_159 = tpu.memref_squeeze %dma_start3A_158 : memref<1x80x128xf32, #tpu.memory_space<hbm>> -> memref<80x128xf32, #tpu.memory_space<hbm>>
      tpu.enqueue_dma source(%arg12 : memref<80x128xf32, #tpu.memory_space<vmem>>) target(%dma_start3A_159 : memref<80x128xf32, #tpu.memory_space<hbm>>) target_semaphore(%run_scoped3A : memref<!tpu.dma_semaphore, #tpu.memory_space<semaphore_mem>>)
      %dma_wait3A_160 = arith.constant 0 : i32
      %dma_wait3A_161 = tpu.memref_slice %arg5[%arg0, %add3A_105, %dma_wait3A_160] : memref<2x10240x128xf32, #tpu.memory_space<hbm>> -> memref<1x80x128xf32, #tpu.memory_space<hbm>>
      %dma_wait3A_162 = tpu.memref_squeeze %dma_wait3A_161 : memref<1x80x128xf32, #tpu.memory_space<hbm>> -> memref<80x128xf32, #tpu.memory_space<hbm>>
      %dma_wait3A_163 = arith.constant 0 : i32
      %dma_wait3A_164 = tpu.memref_slice %arg5[%arg0, %add3A_105, %dma_wait3A_163] : memref<2x10240x128xf32, #tpu.memory_space<hbm>> -> memref<1x80x128xf32, #tpu.memory_space<hbm>>
      %dma_wait3A_165 = tpu.memref_squeeze %dma_wait3A_164 : memref<1x80x128xf32, #tpu.memory_space<hbm>> -> memref<80x128xf32, #tpu.memory_space<hbm>>
      tpu.wait_dma2 semaphore(%run_scoped3A : memref<!tpu.dma_semaphore, #tpu.memory_space<semaphore_mem>>) src(%arg12 : memref<80x128xf32, #tpu.memory_space<vmem>>) dst(%dma_wait3A_165 : memref<80x128xf32, #tpu.memory_space<hbm>>)
      tpu.yield
    }) : () -> ()
    %mul3A_106 = arith.constant 640 : i32
    %mul3A_107 = arith.muli %arg1, %mul3A_106 : i32
    %add3A_108 = arith.constant 160 : i32
    %add3A_109 = arith.addi %mul3A_107, %add3A_108 : i32
    "tpu.region"() ({
      %run_scoped3A = tpu.sem_alloc : memref<!tpu.dma_semaphore, #tpu.memory_space<semaphore_mem>>
      %dma_start3A_154 = arith.constant 0 : i32
      %dma_start3A_155 = tpu.memref_slice %arg14[%add3A_109, %dma_start3A_154] : memref<10240x128xf32, #tpu.memory_space<vmem_shared>> -> memref<80x128xf32, #tpu.memory_space<vmem_shared>>
      %dma_start3A_156 = arith.constant 0 : i32
      %dma_start3A_157 = tpu.memref_slice %arg14[%add3A_109, %dma_start3A_156] : memref<10240x128xf32, #tpu.memory_space<vmem_shared>> -> memref<80x128xf32, #tpu.memory_space<vmem_shared>>
      tpu.enqueue_dma source(%dma_start3A_157 : memref<80x128xf32, #tpu.memory_space<vmem_shared>>) target(%arg12 : memref<80x128xf32, #tpu.memory_space<vmem>>) target_semaphore(%run_scoped3A : memref<!tpu.dma_semaphore, #tpu.memory_space<semaphore_mem>>)
      %dma_wait3A_158 = arith.constant 0 : i32
      %dma_wait3A_159 = tpu.memref_slice %arg14[%add3A_109, %dma_wait3A_158] : memref<10240x128xf32, #tpu.memory_space<vmem_shared>> -> memref<80x128xf32, #tpu.memory_space<vmem_shared>>
      %dma_wait3A_160 = arith.constant 0 : i32
      %dma_wait3A_161 = tpu.memref_slice %arg14[%add3A_109, %dma_wait3A_160] : memref<10240x128xf32, #tpu.memory_space<vmem_shared>> -> memref<80x128xf32, #tpu.memory_space<vmem_shared>>
      tpu.wait_dma2 semaphore(%run_scoped3A : memref<!tpu.dma_semaphore, #tpu.memory_space<semaphore_mem>>) src(%dma_wait3A_161 : memref<80x128xf32, #tpu.memory_space<vmem_shared>>) dst(%arg12 : memref<80x128xf32, #tpu.memory_space<vmem>>)
      tpu.yield
    }) : () -> ()
    %mul3A_110 = arith.constant 640 : i32
    %mul3A_111 = arith.muli %arg1, %mul3A_110 : i32
    %add3A_112 = arith.constant 160 : i32
    %add3A_113 = arith.addi %mul3A_111, %add3A_112 : i32
    "tpu.region"() ({
      %run_scoped3A = tpu.sem_alloc : memref<!tpu.dma_semaphore, #tpu.memory_space<semaphore_mem>>
      %dma_start3A_154 = arith.constant 0 : i32
      %dma_start3A_155 = tpu.memref_slice %arg5[%arg0, %add3A_113, %dma_start3A_154] : memref<2x10240x128xf32, #tpu.memory_space<hbm>> -> memref<1x80x128xf32, #tpu.memory_space<hbm>>
      %dma_start3A_156 = tpu.memref_squeeze %dma_start3A_155 : memref<1x80x128xf32, #tpu.memory_space<hbm>> -> memref<80x128xf32, #tpu.memory_space<hbm>>
      %dma_start3A_157 = arith.constant 0 : i32
      %dma_start3A_158 = tpu.memref_slice %arg5[%arg0, %add3A_113, %dma_start3A_157] : memref<2x10240x128xf32, #tpu.memory_space<hbm>> -> memref<1x80x128xf32, #tpu.memory_space<hbm>>
      %dma_start3A_159 = tpu.memref_squeeze %dma_start3A_158 : memref<1x80x128xf32, #tpu.memory_space<hbm>> -> memref<80x128xf32, #tpu.memory_space<hbm>>
      tpu.enqueue_dma source(%arg12 : memref<80x128xf32, #tpu.memory_space<vmem>>) target(%dma_start3A_159 : memref<80x128xf32, #tpu.memory_space<hbm>>) target_semaphore(%run_scoped3A : memref<!tpu.dma_semaphore, #tpu.memory_space<semaphore_mem>>)
      %dma_wait3A_160 = arith.constant 0 : i32
      %dma_wait3A_161 = tpu.memref_slice %arg5[%arg0, %add3A_113, %dma_wait3A_160] : memref<2x10240x128xf32, #tpu.memory_space<hbm>> -> memref<1x80x128xf32, #tpu.memory_space<hbm>>
      %dma_wait3A_162 = tpu.memref_squeeze %dma_wait3A_161 : memref<1x80x128xf32, #tpu.memory_space<hbm>> -> memref<80x128xf32, #tpu.memory_space<hbm>>
      %dma_wait3A_163 = arith.constant 0 : i32
      %dma_wait3A_164 = tpu.memref_slice %arg5[%arg0, %add3A_113, %dma_wait3A_163] : memref<2x10240x128xf32, #tpu.memory_space<hbm>> -> memref<1x80x128xf32, #tpu.memory_space<hbm>>
      %dma_wait3A_165 = tpu.memref_squeeze %dma_wait3A_164 : memref<1x80x128xf32, #tpu.memory_space<hbm>> -> memref<80x128xf32, #tpu.memory_space<hbm>>
      tpu.wait_dma2 semaphore(%run_scoped3A : memref<!tpu.dma_semaphore, #tpu.memory_space<semaphore_mem>>) src(%arg12 : memref<80x128xf32, #tpu.memory_space<vmem>>) dst(%dma_wait3A_165 : memref<80x128xf32, #tpu.memory_space<hbm>>)
      tpu.yield
    }) : () -> ()
    %mul3A_114 = arith.constant 640 : i32
    %mul3A_115 = arith.muli %arg1, %mul3A_114 : i32
    %add3A_116 = arith.constant 240 : i32
    %add3A_117 = arith.addi %mul3A_115, %add3A_116 : i32
    "tpu.region"() ({
      %run_scoped3A = tpu.sem_alloc : memref<!tpu.dma_semaphore, #tpu.memory_space<semaphore_mem>>
      %dma_start3A_154 = arith.constant 0 : i32
      %dma_start3A_155 = tpu.memref_slice %arg14[%add3A_117, %dma_start3A_154] : memref<10240x128xf32, #tpu.memory_space<vmem_shared>> -> memref<80x128xf32, #tpu.memory_space<vmem_shared>>
      %dma_start3A_156 = arith.constant 0 : i32
      %dma_start3A_157 = tpu.memref_slice %arg14[%add3A_117, %dma_start3A_156] : memref<10240x128xf32, #tpu.memory_space<vmem_shared>> -> memref<80x128xf32, #tpu.memory_space<vmem_shared>>
      tpu.enqueue_dma source(%dma_start3A_157 : memref<80x128xf32, #tpu.memory_space<vmem_shared>>) target(%arg12 : memref<80x128xf32, #tpu.memory_space<vmem>>) target_semaphore(%run_scoped3A : memref<!tpu.dma_semaphore, #tpu.memory_space<semaphore_mem>>)
      %dma_wait3A_158 = arith.constant 0 : i32
      %dma_wait3A_159 = tpu.memref_slice %arg14[%add3A_117, %dma_wait3A_158] : memref<10240x128xf32, #tpu.memory_space<vmem_shared>> -> memref<80x128xf32, #tpu.memory_space<vmem_shared>>
      %dma_wait3A_160 = arith.constant 0 : i32
      %dma_wait3A_161 = tpu.memref_slice %arg14[%add3A_117, %dma_wait3A_160] : memref<10240x128xf32, #tpu.memory_space<vmem_shared>> -> memref<80x128xf32, #tpu.memory_space<vmem_shared>>
      tpu.wait_dma2 semaphore(%run_scoped3A : memref<!tpu.dma_semaphore, #tpu.memory_space<semaphore_mem>>) src(%dma_wait3A_161 : memref<80x128xf32, #tpu.memory_space<vmem_shared>>) dst(%arg12 : memref<80x128xf32, #tpu.memory_space<vmem>>)
      tpu.yield
    }) : () -> ()
    %mul3A_118 = arith.constant 640 : i32
    %mul3A_119 = arith.muli %arg1, %mul3A_118 : i32
    %add3A_120 = arith.constant 240 : i32
    %add3A_121 = arith.addi %mul3A_119, %add3A_120 : i32
    "tpu.region"() ({
      %run_scoped3A = tpu.sem_alloc : memref<!tpu.dma_semaphore, #tpu.memory_space<semaphore_mem>>
      %dma_start3A_154 = arith.constant 0 : i32
      %dma_start3A_155 = tpu.memref_slice %arg5[%arg0, %add3A_121, %dma_start3A_154] : memref<2x10240x128xf32, #tpu.memory_space<hbm>> -> memref<1x80x128xf32, #tpu.memory_space<hbm>>
      %dma_start3A_156 = tpu.memref_squeeze %dma_start3A_155 : memref<1x80x128xf32, #tpu.memory_space<hbm>> -> memref<80x128xf32, #tpu.memory_space<hbm>>
      %dma_start3A_157 = arith.constant 0 : i32
      %dma_start3A_158 = tpu.memref_slice %arg5[%arg0, %add3A_121, %dma_start3A_157] : memref<2x10240x128xf32, #tpu.memory_space<hbm>> -> memref<1x80x128xf32, #tpu.memory_space<hbm>>
      %dma_start3A_159 = tpu.memref_squeeze %dma_start3A_158 : memref<1x80x128xf32, #tpu.memory_space<hbm>> -> memref<80x128xf32, #tpu.memory_space<hbm>>
      tpu.enqueue_dma source(%arg12 : memref<80x128xf32, #tpu.memory_space<vmem>>) target(%dma_start3A_159 : memref<80x128xf32, #tpu.memory_space<hbm>>) target_semaphore(%run_scoped3A : memref<!tpu.dma_semaphore, #tpu.memory_space<semaphore_mem>>)
      %dma_wait3A_160 = arith.constant 0 : i32
      %dma_wait3A_161 = tpu.memref_slice %arg5[%arg0, %add3A_121, %dma_wait3A_160] : memref<2x10240x128xf32, #tpu.memory_space<hbm>> -> memref<1x80x128xf32, #tpu.memory_space<hbm>>
      %dma_wait3A_162 = tpu.memref_squeeze %dma_wait3A_161 : memref<1x80x128xf32, #tpu.memory_space<hbm>> -> memref<80x128xf32, #tpu.memory_space<hbm>>
      %dma_wait3A_163 = arith.constant 0 : i32
      %dma_wait3A_164 = tpu.memref_slice %arg5[%arg0, %add3A_121, %dma_wait3A_163] : memref<2x10240x128xf32, #tpu.memory_space<hbm>> -> memref<1x80x128xf32, #tpu.memory_space<hbm>>
      %dma_wait3A_165 = tpu.memref_squeeze %dma_wait3A_164 : memref<1x80x128xf32, #tpu.memory_space<hbm>> -> memref<80x128xf32, #tpu.memory_space<hbm>>
      tpu.wait_dma2 semaphore(%run_scoped3A : memref<!tpu.dma_semaphore, #tpu.memory_space<semaphore_mem>>) src(%arg12 : memref<80x128xf32, #tpu.memory_space<vmem>>) dst(%dma_wait3A_165 : memref<80x128xf32, #tpu.memory_space<hbm>>)
      tpu.yield
    }) : () -> ()
    %mul3A_122 = arith.constant 640 : i32
    %mul3A_123 = arith.muli %arg1, %mul3A_122 : i32
    %add3A_124 = arith.constant 320 : i32
    %add3A_125 = arith.addi %mul3A_123, %add3A_124 : i32
    "tpu.region"() ({
      %run_scoped3A = tpu.sem_alloc : memref<!tpu.dma_semaphore, #tpu.memory_space<semaphore_mem>>
      %dma_start3A_154 = arith.constant 0 : i32
      %dma_start3A_155 = tpu.memref_slice %arg14[%add3A_125, %dma_start3A_154] : memref<10240x128xf32, #tpu.memory_space<vmem_shared>> -> memref<80x128xf32, #tpu.memory_space<vmem_shared>>
      %dma_start3A_156 = arith.constant 0 : i32
      %dma_start3A_157 = tpu.memref_slice %arg14[%add3A_125, %dma_start3A_156] : memref<10240x128xf32, #tpu.memory_space<vmem_shared>> -> memref<80x128xf32, #tpu.memory_space<vmem_shared>>
      tpu.enqueue_dma source(%dma_start3A_157 : memref<80x128xf32, #tpu.memory_space<vmem_shared>>) target(%arg12 : memref<80x128xf32, #tpu.memory_space<vmem>>) target_semaphore(%run_scoped3A : memref<!tpu.dma_semaphore, #tpu.memory_space<semaphore_mem>>)
      %dma_wait3A_158 = arith.constant 0 : i32
      %dma_wait3A_159 = tpu.memref_slice %arg14[%add3A_125, %dma_wait3A_158] : memref<10240x128xf32, #tpu.memory_space<vmem_shared>> -> memref<80x128xf32, #tpu.memory_space<vmem_shared>>
      %dma_wait3A_160 = arith.constant 0 : i32
      %dma_wait3A_161 = tpu.memref_slice %arg14[%add3A_125, %dma_wait3A_160] : memref<10240x128xf32, #tpu.memory_space<vmem_shared>> -> memref<80x128xf32, #tpu.memory_space<vmem_shared>>
      tpu.wait_dma2 semaphore(%run_scoped3A : memref<!tpu.dma_semaphore, #tpu.memory_space<semaphore_mem>>) src(%dma_wait3A_161 : memref<80x128xf32, #tpu.memory_space<vmem_shared>>) dst(%arg12 : memref<80x128xf32, #tpu.memory_space<vmem>>)
      tpu.yield
    }) : () -> ()
    %mul3A_126 = arith.constant 640 : i32
    %mul3A_127 = arith.muli %arg1, %mul3A_126 : i32
    %add3A_128 = arith.constant 320 : i32
    %add3A_129 = arith.addi %mul3A_127, %add3A_128 : i32
    "tpu.region"() ({
      %run_scoped3A = tpu.sem_alloc : memref<!tpu.dma_semaphore, #tpu.memory_space<semaphore_mem>>
      %dma_start3A_154 = arith.constant 0 : i32
      %dma_start3A_155 = tpu.memref_slice %arg5[%arg0, %add3A_129, %dma_start3A_154] : memref<2x10240x128xf32, #tpu.memory_space<hbm>> -> memref<1x80x128xf32, #tpu.memory_space<hbm>>
      %dma_start3A_156 = tpu.memref_squeeze %dma_start3A_155 : memref<1x80x128xf32, #tpu.memory_space<hbm>> -> memref<80x128xf32, #tpu.memory_space<hbm>>
      %dma_start3A_157 = arith.constant 0 : i32
      %dma_start3A_158 = tpu.memref_slice %arg5[%arg0, %add3A_129, %dma_start3A_157] : memref<2x10240x128xf32, #tpu.memory_space<hbm>> -> memref<1x80x128xf32, #tpu.memory_space<hbm>>
      %dma_start3A_159 = tpu.memref_squeeze %dma_start3A_158 : memref<1x80x128xf32, #tpu.memory_space<hbm>> -> memref<80x128xf32, #tpu.memory_space<hbm>>
      tpu.enqueue_dma source(%arg12 : memref<80x128xf32, #tpu.memory_space<vmem>>) target(%dma_start3A_159 : memref<80x128xf32, #tpu.memory_space<hbm>>) target_semaphore(%run_scoped3A : memref<!tpu.dma_semaphore, #tpu.memory_space<semaphore_mem>>)
      %dma_wait3A_160 = arith.constant 0 : i32
      %dma_wait3A_161 = tpu.memref_slice %arg5[%arg0, %add3A_129, %dma_wait3A_160] : memref<2x10240x128xf32, #tpu.memory_space<hbm>> -> memref<1x80x128xf32, #tpu.memory_space<hbm>>
      %dma_wait3A_162 = tpu.memref_squeeze %dma_wait3A_161 : memref<1x80x128xf32, #tpu.memory_space<hbm>> -> memref<80x128xf32, #tpu.memory_space<hbm>>
      %dma_wait3A_163 = arith.constant 0 : i32
      %dma_wait3A_164 = tpu.memref_slice %arg5[%arg0, %add3A_129, %dma_wait3A_163] : memref<2x10240x128xf32, #tpu.memory_space<hbm>> -> memref<1x80x128xf32, #tpu.memory_space<hbm>>
      %dma_wait3A_165 = tpu.memref_squeeze %dma_wait3A_164 : memref<1x80x128xf32, #tpu.memory_space<hbm>> -> memref<80x128xf32, #tpu.memory_space<hbm>>
      tpu.wait_dma2 semaphore(%run_scoped3A : memref<!tpu.dma_semaphore, #tpu.memory_space<semaphore_mem>>) src(%arg12 : memref<80x128xf32, #tpu.memory_space<vmem>>) dst(%dma_wait3A_165 : memref<80x128xf32, #tpu.memory_space<hbm>>)
      tpu.yield
    }) : () -> ()
    %mul3A_130 = arith.constant 640 : i32
    %mul3A_131 = arith.muli %arg1, %mul3A_130 : i32
    %add3A_132 = arith.constant 400 : i32
    %add3A_133 = arith.addi %mul3A_131, %add3A_132 : i32
    "tpu.region"() ({
      %run_scoped3A = tpu.sem_alloc : memref<!tpu.dma_semaphore, #tpu.memory_space<semaphore_mem>>
      %dma_start3A_154 = arith.constant 0 : i32
      %dma_start3A_155 = tpu.memref_slice %arg14[%add3A_133, %dma_start3A_154] : memref<10240x128xf32, #tpu.memory_space<vmem_shared>> -> memref<80x128xf32, #tpu.memory_space<vmem_shared>>
      %dma_start3A_156 = arith.constant 0 : i32
      %dma_start3A_157 = tpu.memref_slice %arg14[%add3A_133, %dma_start3A_156] : memref<10240x128xf32, #tpu.memory_space<vmem_shared>> -> memref<80x128xf32, #tpu.memory_space<vmem_shared>>
      tpu.enqueue_dma source(%dma_start3A_157 : memref<80x128xf32, #tpu.memory_space<vmem_shared>>) target(%arg12 : memref<80x128xf32, #tpu.memory_space<vmem>>) target_semaphore(%run_scoped3A : memref<!tpu.dma_semaphore, #tpu.memory_space<semaphore_mem>>)
      %dma_wait3A_158 = arith.constant 0 : i32
      %dma_wait3A_159 = tpu.memref_slice %arg14[%add3A_133, %dma_wait3A_158] : memref<10240x128xf32, #tpu.memory_space<vmem_shared>> -> memref<80x128xf32, #tpu.memory_space<vmem_shared>>
      %dma_wait3A_160 = arith.constant 0 : i32
      %dma_wait3A_161 = tpu.memref_slice %arg14[%add3A_133, %dma_wait3A_160] : memref<10240x128xf32, #tpu.memory_space<vmem_shared>> -> memref<80x128xf32, #tpu.memory_space<vmem_shared>>
      tpu.wait_dma2 semaphore(%run_scoped3A : memref<!tpu.dma_semaphore, #tpu.memory_space<semaphore_mem>>) src(%dma_wait3A_161 : memref<80x128xf32, #tpu.memory_space<vmem_shared>>) dst(%arg12 : memref<80x128xf32, #tpu.memory_space<vmem>>)
      tpu.yield
    }) : () -> ()
    %mul3A_134 = arith.constant 640 : i32
    %mul3A_135 = arith.muli %arg1, %mul3A_134 : i32
    %add3A_136 = arith.constant 400 : i32
    %add3A_137 = arith.addi %mul3A_135, %add3A_136 : i32
    "tpu.region"() ({
      %run_scoped3A = tpu.sem_alloc : memref<!tpu.dma_semaphore, #tpu.memory_space<semaphore_mem>>
      %dma_start3A_154 = arith.constant 0 : i32
      %dma_start3A_155 = tpu.memref_slice %arg5[%arg0, %add3A_137, %dma_start3A_154] : memref<2x10240x128xf32, #tpu.memory_space<hbm>> -> memref<1x80x128xf32, #tpu.memory_space<hbm>>
      %dma_start3A_156 = tpu.memref_squeeze %dma_start3A_155 : memref<1x80x128xf32, #tpu.memory_space<hbm>> -> memref<80x128xf32, #tpu.memory_space<hbm>>
      %dma_start3A_157 = arith.constant 0 : i32
      %dma_start3A_158 = tpu.memref_slice %arg5[%arg0, %add3A_137, %dma_start3A_157] : memref<2x10240x128xf32, #tpu.memory_space<hbm>> -> memref<1x80x128xf32, #tpu.memory_space<hbm>>
      %dma_start3A_159 = tpu.memref_squeeze %dma_start3A_158 : memref<1x80x128xf32, #tpu.memory_space<hbm>> -> memref<80x128xf32, #tpu.memory_space<hbm>>
      tpu.enqueue_dma source(%arg12 : memref<80x128xf32, #tpu.memory_space<vmem>>) target(%dma_start3A_159 : memref<80x128xf32, #tpu.memory_space<hbm>>) target_semaphore(%run_scoped3A : memref<!tpu.dma_semaphore, #tpu.memory_space<semaphore_mem>>)
      %dma_wait3A_160 = arith.constant 0 : i32
      %dma_wait3A_161 = tpu.memref_slice %arg5[%arg0, %add3A_137, %dma_wait3A_160] : memref<2x10240x128xf32, #tpu.memory_space<hbm>> -> memref<1x80x128xf32, #tpu.memory_space<hbm>>
      %dma_wait3A_162 = tpu.memref_squeeze %dma_wait3A_161 : memref<1x80x128xf32, #tpu.memory_space<hbm>> -> memref<80x128xf32, #tpu.memory_space<hbm>>
      %dma_wait3A_163 = arith.constant 0 : i32
      %dma_wait3A_164 = tpu.memref_slice %arg5[%arg0, %add3A_137, %dma_wait3A_163] : memref<2x10240x128xf32, #tpu.memory_space<hbm>> -> memref<1x80x128xf32, #tpu.memory_space<hbm>>
      %dma_wait3A_165 = tpu.memref_squeeze %dma_wait3A_164 : memref<1x80x128xf32, #tpu.memory_space<hbm>> -> memref<80x128xf32, #tpu.memory_space<hbm>>
      tpu.wait_dma2 semaphore(%run_scoped3A : memref<!tpu.dma_semaphore, #tpu.memory_space<semaphore_mem>>) src(%arg12 : memref<80x128xf32, #tpu.memory_space<vmem>>) dst(%dma_wait3A_165 : memref<80x128xf32, #tpu.memory_space<hbm>>)
      tpu.yield
    }) : () -> ()
    %mul3A_138 = arith.constant 640 : i32
    %mul3A_139 = arith.muli %arg1, %mul3A_138 : i32
    %add3A_140 = arith.constant 480 : i32
    %add3A_141 = arith.addi %mul3A_139, %add3A_140 : i32
    "tpu.region"() ({
      %run_scoped3A = tpu.sem_alloc : memref<!tpu.dma_semaphore, #tpu.memory_space<semaphore_mem>>
      %dma_start3A_154 = arith.constant 0 : i32
      %dma_start3A_155 = tpu.memref_slice %arg14[%add3A_141, %dma_start3A_154] : memref<10240x128xf32, #tpu.memory_space<vmem_shared>> -> memref<80x128xf32, #tpu.memory_space<vmem_shared>>
      %dma_start3A_156 = arith.constant 0 : i32
      %dma_start3A_157 = tpu.memref_slice %arg14[%add3A_141, %dma_start3A_156] : memref<10240x128xf32, #tpu.memory_space<vmem_shared>> -> memref<80x128xf32, #tpu.memory_space<vmem_shared>>
      tpu.enqueue_dma source(%dma_start3A_157 : memref<80x128xf32, #tpu.memory_space<vmem_shared>>) target(%arg12 : memref<80x128xf32, #tpu.memory_space<vmem>>) target_semaphore(%run_scoped3A : memref<!tpu.dma_semaphore, #tpu.memory_space<semaphore_mem>>)
      %dma_wait3A_158 = arith.constant 0 : i32
      %dma_wait3A_159 = tpu.memref_slice %arg14[%add3A_141, %dma_wait3A_158] : memref<10240x128xf32, #tpu.memory_space<vmem_shared>> -> memref<80x128xf32, #tpu.memory_space<vmem_shared>>
      %dma_wait3A_160 = arith.constant 0 : i32
      %dma_wait3A_161 = tpu.memref_slice %arg14[%add3A_141, %dma_wait3A_160] : memref<10240x128xf32, #tpu.memory_space<vmem_shared>> -> memref<80x128xf32, #tpu.memory_space<vmem_shared>>
      tpu.wait_dma2 semaphore(%run_scoped3A : memref<!tpu.dma_semaphore, #tpu.memory_space<semaphore_mem>>) src(%dma_wait3A_161 : memref<80x128xf32, #tpu.memory_space<vmem_shared>>) dst(%arg12 : memref<80x128xf32, #tpu.memory_space<vmem>>)
      tpu.yield
    }) : () -> ()
    %mul3A_142 = arith.constant 640 : i32
    %mul3A_143 = arith.muli %arg1, %mul3A_142 : i32
    %add3A_144 = arith.constant 480 : i32
    %add3A_145 = arith.addi %mul3A_143, %add3A_144 : i32
    "tpu.region"() ({
      %run_scoped3A = tpu.sem_alloc : memref<!tpu.dma_semaphore, #tpu.memory_space<semaphore_mem>>
      %dma_start3A_154 = arith.constant 0 : i32
      %dma_start3A_155 = tpu.memref_slice %arg5[%arg0, %add3A_145, %dma_start3A_154] : memref<2x10240x128xf32, #tpu.memory_space<hbm>> -> memref<1x80x128xf32, #tpu.memory_space<hbm>>
      %dma_start3A_156 = tpu.memref_squeeze %dma_start3A_155 : memref<1x80x128xf32, #tpu.memory_space<hbm>> -> memref<80x128xf32, #tpu.memory_space<hbm>>
      %dma_start3A_157 = arith.constant 0 : i32
      %dma_start3A_158 = tpu.memref_slice %arg5[%arg0, %add3A_145, %dma_start3A_157] : memref<2x10240x128xf32, #tpu.memory_space<hbm>> -> memref<1x80x128xf32, #tpu.memory_space<hbm>>
      %dma_start3A_159 = tpu.memref_squeeze %dma_start3A_158 : memref<1x80x128xf32, #tpu.memory_space<hbm>> -> memref<80x128xf32, #tpu.memory_space<hbm>>
      tpu.enqueue_dma source(%arg12 : memref<80x128xf32, #tpu.memory_space<vmem>>) target(%dma_start3A_159 : memref<80x128xf32, #tpu.memory_space<hbm>>) target_semaphore(%run_scoped3A : memref<!tpu.dma_semaphore, #tpu.memory_space<semaphore_mem>>)
      %dma_wait3A_160 = arith.constant 0 : i32
      %dma_wait3A_161 = tpu.memref_slice %arg5[%arg0, %add3A_145, %dma_wait3A_160] : memref<2x10240x128xf32, #tpu.memory_space<hbm>> -> memref<1x80x128xf32, #tpu.memory_space<hbm>>
      %dma_wait3A_162 = tpu.memref_squeeze %dma_wait3A_161 : memref<1x80x128xf32, #tpu.memory_space<hbm>> -> memref<80x128xf32, #tpu.memory_space<hbm>>
      %dma_wait3A_163 = arith.constant 0 : i32
      %dma_wait3A_164 = tpu.memref_slice %arg5[%arg0, %add3A_145, %dma_wait3A_163] : memref<2x10240x128xf32, #tpu.memory_space<hbm>> -> memref<1x80x128xf32, #tpu.memory_space<hbm>>
      %dma_wait3A_165 = tpu.memref_squeeze %dma_wait3A_164 : memref<1x80x128xf32, #tpu.memory_space<hbm>> -> memref<80x128xf32, #tpu.memory_space<hbm>>
      tpu.wait_dma2 semaphore(%run_scoped3A : memref<!tpu.dma_semaphore, #tpu.memory_space<semaphore_mem>>) src(%arg12 : memref<80x128xf32, #tpu.memory_space<vmem>>) dst(%dma_wait3A_165 : memref<80x128xf32, #tpu.memory_space<hbm>>)
      tpu.yield
    }) : () -> ()
    %mul3A_146 = arith.constant 640 : i32
    %mul3A_147 = arith.muli %arg1, %mul3A_146 : i32
    %add3A_148 = arith.constant 560 : i32
    %add3A_149 = arith.addi %mul3A_147, %add3A_148 : i32
    "tpu.region"() ({
      %run_scoped3A = tpu.sem_alloc : memref<!tpu.dma_semaphore, #tpu.memory_space<semaphore_mem>>
      %dma_start3A_154 = arith.constant 0 : i32
      %dma_start3A_155 = tpu.memref_slice %arg14[%add3A_149, %dma_start3A_154] : memref<10240x128xf32, #tpu.memory_space<vmem_shared>> -> memref<80x128xf32, #tpu.memory_space<vmem_shared>>
      %dma_start3A_156 = arith.constant 0 : i32
      %dma_start3A_157 = tpu.memref_slice %arg14[%add3A_149, %dma_start3A_156] : memref<10240x128xf32, #tpu.memory_space<vmem_shared>> -> memref<80x128xf32, #tpu.memory_space<vmem_shared>>
      tpu.enqueue_dma source(%dma_start3A_157 : memref<80x128xf32, #tpu.memory_space<vmem_shared>>) target(%arg12 : memref<80x128xf32, #tpu.memory_space<vmem>>) target_semaphore(%run_scoped3A : memref<!tpu.dma_semaphore, #tpu.memory_space<semaphore_mem>>)
      %dma_wait3A_158 = arith.constant 0 : i32
      %dma_wait3A_159 = tpu.memref_slice %arg14[%add3A_149, %dma_wait3A_158] : memref<10240x128xf32, #tpu.memory_space<vmem_shared>> -> memref<80x128xf32, #tpu.memory_space<vmem_shared>>
      %dma_wait3A_160 = arith.constant 0 : i32
      %dma_wait3A_161 = tpu.memref_slice %arg14[%add3A_149, %dma_wait3A_160] : memref<10240x128xf32, #tpu.memory_space<vmem_shared>> -> memref<80x128xf32, #tpu.memory_space<vmem_shared>>
      tpu.wait_dma2 semaphore(%run_scoped3A : memref<!tpu.dma_semaphore, #tpu.memory_space<semaphore_mem>>) src(%dma_wait3A_161 : memref<80x128xf32, #tpu.memory_space<vmem_shared>>) dst(%arg12 : memref<80x128xf32, #tpu.memory_space<vmem>>)
      tpu.yield
    }) : () -> ()
    %mul3A_150 = arith.constant 640 : i32
    %mul3A_151 = arith.muli %arg1, %mul3A_150 : i32
    %add3A_152 = arith.constant 560 : i32
    %add3A_153 = arith.addi %mul3A_151, %add3A_152 : i32
    "tpu.region"() ({
      %run_scoped3A = tpu.sem_alloc : memref<!tpu.dma_semaphore, #tpu.memory_space<semaphore_mem>>
      %dma_start3A_154 = arith.constant 0 : i32
      %dma_start3A_155 = tpu.memref_slice %arg5[%arg0, %add3A_153, %dma_start3A_154] : memref<2x10240x128xf32, #tpu.memory_space<hbm>> -> memref<1x80x128xf32, #tpu.memory_space<hbm>>
      %dma_start3A_156 = tpu.memref_squeeze %dma_start3A_155 : memref<1x80x128xf32, #tpu.memory_space<hbm>> -> memref<80x128xf32, #tpu.memory_space<hbm>>
      %dma_start3A_157 = arith.constant 0 : i32
      %dma_start3A_158 = tpu.memref_slice %arg5[%arg0, %add3A_153, %dma_start3A_157] : memref<2x10240x128xf32, #tpu.memory_space<hbm>> -> memref<1x80x128xf32, #tpu.memory_space<hbm>>
      %dma_start3A_159 = tpu.memref_squeeze %dma_start3A_158 : memref<1x80x128xf32, #tpu.memory_space<hbm>> -> memref<80x128xf32, #tpu.memory_space<hbm>>
      tpu.enqueue_dma source(%arg12 : memref<80x128xf32, #tpu.memory_space<vmem>>) target(%dma_start3A_159 : memref<80x128xf32, #tpu.memory_space<hbm>>) target_semaphore(%run_scoped3A : memref<!tpu.dma_semaphore, #tpu.memory_space<semaphore_mem>>)
      %dma_wait3A_160 = arith.constant 0 : i32
      %dma_wait3A_161 = tpu.memref_slice %arg5[%arg0, %add3A_153, %dma_wait3A_160] : memref<2x10240x128xf32, #tpu.memory_space<hbm>> -> memref<1x80x128xf32, #tpu.memory_space<hbm>>
      %dma_wait3A_162 = tpu.memref_squeeze %dma_wait3A_161 : memref<1x80x128xf32, #tpu.memory_space<hbm>> -> memref<80x128xf32, #tpu.memory_space<hbm>>
      %dma_wait3A_163 = arith.constant 0 : i32
      %dma_wait3A_164 = tpu.memref_slice %arg5[%arg0, %add3A_153, %dma_wait3A_163] : memref<2x10240x128xf32, #tpu.memory_space<hbm>> -> memref<1x80x128xf32, #tpu.memory_space<hbm>>
      %dma_wait3A_165 = tpu.memref_squeeze %dma_wait3A_164 : memref<1x80x128xf32, #tpu.memory_space<hbm>> -> memref<80x128xf32, #tpu.memory_space<hbm>>
      tpu.wait_dma2 semaphore(%run_scoped3A : memref<!tpu.dma_semaphore, #tpu.memory_space<semaphore_mem>>) src(%arg12 : memref<80x128xf32, #tpu.memory_space<vmem>>) dst(%dma_wait3A_165 : memref<80x128xf32, #tpu.memory_space<hbm>>)
      tpu.yield
    }) : () -> ()
    return
  }
}

module attributes {stable_mosaic.version = 14 : i64} {
  func.func @_pre_body(%arg0: i32, %arg1: memref<1024x128xf32, #tpu.memory_space<vmem>>, %arg2: memref<128x128xf32, #tpu.memory_space<vmem>>, %arg3: memref<1024x1xf32, #tpu.memory_space<vmem>>, %arg4: memref<1024x128xf32, #tpu.memory_space<vmem>>) attributes {dimension_semantics = [#tpu.dimension_semantics<arbitrary>], iteration_bounds = array<i64: 10>, scalar_prefetch = 0 : i64, scratch_operands = 0 : i64, tpu.core_type = #tpu.core_type<tc>, window_params = [{transform_indices = @transform_0, window_bounds = array<i64: 1024, 128>}, {pipeline_mode = #tpu.pipeline_mode<synchronous>, transform_indices = @transform_1, window_bounds = array<i64: 128, 128>}, {transform_indices = @transform_2, window_bounds = array<i64: 1024, 1>}, {transform_indices = @transform_3, window_bounds = array<i64: 1024, 128>}]} {
    %get3A = arith.constant 0 : index
    %get3A_0 = arith.constant 0 : index
    %get3A_1 = vector.load %arg1[%get3A, %get3A_0] : memref<1024x128xf32, #tpu.memory_space<vmem>>, vector<1024x128xf32>
    %get3A_2 = arith.constant 0 : index
    %get3A_3 = arith.constant 0 : index
    %get3A_4 = vector.load %arg2[%get3A_2, %get3A_3] : memref<128x128xf32, #tpu.memory_space<vmem>>, vector<128x128xf32>
    %dot_general3A = arith.constant dense<0.000000e+00> : vector<1024x128xf32>
    %dot_general3A_5 = tpu.matmul %get3A_1, %get3A_4, %dot_general3A {dimension_numbers = #tpu.dot_dimension_numbers<[1], [0], [0], [1], [0, 0, 1, 1], [], []>, transpose_lhs_hint = false} : vector<1024x128xf32>, vector<128x128xf32>, vector<1024x128xf32> -> vector<1024x128xf32>
    %get3A_6 = arith.constant 0 : index
    %get3A_7 = arith.constant 0 : index
    %get3A_8 = vector.load %arg3[%get3A_6, %get3A_7] : memref<1024x1xf32, #tpu.memory_space<vmem>>, vector<1024x1xf32>
    %mul3A = vector.broadcast %get3A_8 : vector<1024x1xf32> to vector<1024x128xf32>
    %mul3A_9 = arith.mulf %mul3A, %dot_general3A_5 : vector<1024x128xf32>
    %swap3A = arith.constant 0 : index
    %swap3A_10 = arith.constant 0 : index
    %swap3A_11 = vector.load %arg4[%swap3A, %swap3A_10] : memref<1024x128xf32, #tpu.memory_space<vmem>>, vector<1024x128xf32>
    tpu.vector_store %arg4[%swap3A, %swap3A_10], %mul3A_9 {strides = array<i32>} : memref<1024x128xf32, #tpu.memory_space<vmem>>, vector<1024x128xf32>,
    return
  }
  func.func @transform_0(%arg0: i32) -> (i32, i32) {
    %c0_i32 = arith.constant 0 : i32
    %c0_i32_0 = arith.constant 0 : i32
    return %arg0, %c0_i32 : i32, i32
  }
  func.func @transform_1(%arg0: i32) -> (i32, i32) {
    %c0_i32 = arith.constant 0 : i32
    %c0_i32_0 = arith.constant 0 : i32
    %c0_i32_1 = arith.constant 0 : i32
    return %c0_i32, %c0_i32_0 : i32, i32
  }
  func.func @transform_2(%arg0: i32) -> (i32, i32) {
    %c0_i32 = arith.constant 0 : i32
    %c0_i32_0 = arith.constant 0 : i32
    return %arg0, %c0_i32 : i32, i32
  }
  func.func @transform_3(%arg0: i32) -> (i32, i32) {
    %c0_i32 = arith.constant 0 : i32
    %c0_i32_0 = arith.constant 0 : i32
    return %arg0, %c0_i32 : i32, i32
  }
}

module attributes {stable_mosaic.version = 14 : i64} {
  func.func @_fin_body(%arg0: i32, %arg1: memref<2x1024x128xf32, #tpu.memory_space<vmem>>, %arg2: memref<1024x128xf32, #tpu.memory_space<vmem>>, %arg3: memref<1024x1xf32, #tpu.memory_space<vmem>>, %arg4: memref<1x128xf32, #tpu.memory_space<vmem>>, %arg5: memref<1x128xf32, #tpu.memory_space<vmem>>, %arg6: memref<1x128xf32, #tpu.memory_space<vmem>>, %arg7: memref<128x128xf32, #tpu.memory_space<vmem>>, %arg8: memref<1x128xf32, #tpu.memory_space<vmem>>, %arg9: memref<1x128xf32, #tpu.memory_space<vmem>>, %arg10: memref<1x128xf32, #tpu.memory_space<vmem>>) attributes {dimension_semantics = [#tpu.dimension_semantics<arbitrary>], iteration_bounds = array<i64: 10>, scalar_prefetch = 0 : i64, scratch_operands = 1 : i64, tpu.core_type = #tpu.core_type<tc>, window_params = [{transform_indices = @transform_0, window_bounds = array<i64: 2, 1024, 128>}, {transform_indices = @transform_1, window_bounds = array<i64: 1024, 128>}, {transform_indices = @transform_2, window_bounds = array<i64: 1024, 1>}, {pipeline_mode = #tpu.pipeline_mode<synchronous>, transform_indices = @transform_3, window_bounds = array<i64: 1, 128>}, {pipeline_mode = #tpu.pipeline_mode<synchronous>, transform_indices = @transform_4, window_bounds = array<i64: 1, 128>}, {pipeline_mode = #tpu.pipeline_mode<synchronous>, transform_indices = @transform_5, window_bounds = array<i64: 1, 128>}, {pipeline_mode = #tpu.pipeline_mode<synchronous>, transform_indices = @transform_6, window_bounds = array<i64: 128, 128>}, {pipeline_mode = #tpu.pipeline_mode<synchronous>, transform_indices = @transform_7, window_bounds = array<i64: 1, 128>}, {pipeline_mode = #tpu.pipeline_mode<synchronous>, transform_indices = @transform_8, window_bounds = array<i64: 1, 128>}]} {
    %get3A = arith.constant 0 : index
    %get3A_0 = arith.constant 0 : index
    %get3A_1 = arith.constant 0 : index
    %get3A_2 = vector.load %arg1[%get3A, %get3A_0, %get3A_1] : memref<2x1024x128xf32, #tpu.memory_space<vmem>>, vector<1x1024x128xf32>
    %get3A_3 = vector.shape_cast %get3A_2 : vector<1x1024x128xf32> to vector<1024x128xf32>
    %get3A_4 = arith.constant 1 : index
    %get3A_5 = arith.constant 0 : index
    %get3A_6 = arith.constant 0 : index
    %get3A_7 = vector.load %arg1[%get3A_4, %get3A_5, %get3A_6] : memref<2x1024x128xf32, #tpu.memory_space<vmem>>, vector<1x1024x128xf32>
    %get3A_8 = vector.shape_cast %get3A_7 : vector<1x1024x128xf32> to vector<1024x128xf32>
    %add3A = arith.addf %get3A_3, %get3A_8 : vector<1024x128xf32>
    %get3A_9 = arith.constant 0 : index
    %get3A_10 = arith.constant 0 : index
    %get3A_11 = vector.load %arg2[%get3A_9, %get3A_10] : memref<1024x128xf32, #tpu.memory_space<vmem>>, vector<1024x128xf32>
    %add3A_12 = arith.addf %add3A, %get3A_11 : vector<1024x128xf32>
    %get3A_13 = arith.constant 0 : index
    %get3A_14 = arith.constant 0 : index
    %get3A_15 = vector.load %arg3[%get3A_13, %get3A_14] : memref<1024x1xf32, #tpu.memory_space<vmem>>, vector<1024x1xf32>
    %mul3A = vector.broadcast %get3A_15 : vector<1024x1xf32> to vector<1024x128xf32>
    %mul3A_16 = arith.mulf %mul3A, %add3A_12 : vector<1024x128xf32>
    %get3A_17 = arith.constant 0 : index
    %get3A_18 = arith.constant 0 : index
    %get3A_19 = vector.load %arg4[%get3A_17, %get3A_18] : memref<1x128xf32, #tpu.memory_space<vmem>>, vector<1x128xf32>
    %add3A_20 = vector.broadcast %get3A_19 : vector<1x128xf32> to vector<1024x128xf32>
    %add3A_21 = arith.addf %mul3A_16, %add3A_20 : vector<1024x128xf32>
    %get3A_22 = arith.constant 0 : index
    %get3A_23 = arith.constant 0 : index
    %get3A_24 = vector.load %arg5[%get3A_22, %get3A_23] : memref<1x128xf32, #tpu.memory_space<vmem>>, vector<1x128xf32>
    %mul3A_25 = arith.constant 0.999994993 : f32
    %mul3A_26 = vector.broadcast %mul3A_25 : f32 to vector<1x128xf32>
    %mul3A_27 = arith.mulf %get3A_24, %mul3A_26 : vector<1x128xf32>
    %mul3A_28 = vector.broadcast %mul3A_27 : vector<1x128xf32> to vector<1024x128xf32>
    %mul3A_29 = arith.mulf %add3A_21, %mul3A_28 : vector<1024x128xf32>
    %get3A_30 = arith.constant 0 : index
    %get3A_31 = arith.constant 0 : index
    %get3A_32 = vector.load %arg6[%get3A_30, %get3A_31] : memref<1x128xf32, #tpu.memory_space<vmem>>, vector<1x128xf32>
    %add3A_33 = vector.broadcast %get3A_32 : vector<1x128xf32> to vector<1024x128xf32>
    %add3A_34 = arith.addf %mul3A_29, %add3A_33 : vector<1024x128xf32>
    %max3A = arith.constant 0.000000e+00 : f32
    %max3A_35 = vector.broadcast %max3A : f32 to vector<1024x128xf32>
    %max3A_36 = arith.maximumf %add3A_34, %max3A_35 : vector<1024x128xf32>
    %get3A_37 = arith.constant 0 : index
    %get3A_38 = arith.constant 0 : index
    %get3A_39 = vector.load %arg3[%get3A_37, %get3A_38] : memref<1024x1xf32, #tpu.memory_space<vmem>>, vector<1024x1xf32>
    %gt3A = arith.constant 0.000000e+00 : f32
    %gt3A_40 = vector.broadcast %gt3A : f32 to vector<1024x1xf32>
    %gt3A_41 = arith.cmpf ogt, %get3A_39, %gt3A_40 : vector<1024x1xf32>
    %jit3A = arith.constant 0.000000e+00 : f32
    %broadcast_in_dim3A = vector.shape_cast %gt3A_41 : vector<1024x1xi1> to vector<1024x1xi1>
    %broadcast_in_dim3A_42 = vector.broadcast %broadcast_in_dim3A : vector<1024x1xi1> to vector<1024x128xi1>
    %broadcast_in_dim3A_43 = vector.broadcast %jit3A : f32 to vector<1024x128xf32>
    %select_n3A = arith.select %broadcast_in_dim3A_42, %max3A_36, %broadcast_in_dim3A_43 : vector<1024x128xi1>, vector<1024x128xf32>
    %reduce_sum3A = arith.constant dense<0.000000e+00> : vector<128xf32>
    %reduce_sum3A_44 = vector.multi_reduction <add>, %select_n3A, %reduce_sum3A [0] : vector<1024x128xf32> to vector<128xf32>
    %broadcast_in_dim3A_45 = vector.shape_cast %reduce_sum3A_44 : vector<128xf32> to vector<1x128xf32>
    %eq3A = arith.constant 0 : i32
    %eq3A_46 = arith.cmpi eq, %arg0, %eq3A : i32
    %convert_element_type3A = arith.extui %eq3A_46 : i1 to i32
    %cond3A = arith.constant 0 : i32
    %cond3A_47 = arith.cmpi ne, %convert_element_type3A, %cond3A : i32
    scf.if %cond3A_47 {
      %swap3A = arith.constant 0 : index
      %swap3A_58 = arith.constant 0 : index
      %swap3A_59 = vector.load %arg10[%swap3A, %swap3A_58] : memref<1x128xf32, #tpu.memory_space<vmem>>, vector<1x128xf32>
      tpu.vector_store %arg10[%swap3A, %swap3A_58], %broadcast_in_dim3A_45 {strides = array<i32>} : memref<1x128xf32, #tpu.memory_space<vmem>>, vector<1x128xf32>,
    } else {
    }
    %gt3A_48 = arith.constant 0 : i32
    %gt3A_49 = arith.cmpi sgt, %arg0, %gt3A_48 : i32
    %convert_element_type3A_50 = arith.extui %gt3A_49 : i1 to i32
    %cond3A_51 = arith.constant 0 : i32
    %cond3A_52 = arith.cmpi ne, %convert_element_type3A_50, %cond3A_51 : i32
    scf.if %cond3A_52 {
      %get3A_58 = arith.constant 0 : index
      %get3A_59 = arith.constant 0 : index
      %get3A_60 = vector.load %arg10[%get3A_58, %get3A_59] : memref<1x128xf32, #tpu.memory_space<vmem>>, vector<1x128xf32>
      %add3A_61 = arith.addf %get3A_60, %broadcast_in_dim3A_45 : vector<1x128xf32>
      %swap3A = arith.constant 0 : index
      %swap3A_62 = arith.constant 0 : index
      %swap3A_63 = vector.load %arg10[%swap3A, %swap3A_62] : memref<1x128xf32, #tpu.memory_space<vmem>>, vector<1x128xf32>
      tpu.vector_store %arg10[%swap3A, %swap3A_62], %add3A_61 {strides = array<i32>} : memref<1x128xf32, #tpu.memory_space<vmem>>, vector<1x128xf32>,
    } else {
    }
    %eq3A_53 = arith.constant 9 : i32
    %eq3A_54 = arith.cmpi eq, %arg0, %eq3A_53 : i32
    %convert_element_type3A_55 = arith.extui %eq3A_54 : i1 to i32
    %cond3A_56 = arith.constant 0 : i32
    %cond3A_57 = arith.cmpi ne, %convert_element_type3A_55, %cond3A_56 : i32
    scf.if %cond3A_57 {
      %get3A_58 = arith.constant 0 : index
      %get3A_59 = arith.constant 0 : index
      %get3A_60 = vector.load %arg10[%get3A_58, %get3A_59] : memref<1x128xf32, #tpu.memory_space<vmem>>, vector<1x128xf32>
      %mul3A_61 = arith.constant 9.99999974E-5 : f32
      %mul3A_62 = vector.broadcast %mul3A_61 : f32 to vector<1x128xf32>
      %mul3A_63 = arith.mulf %get3A_60, %mul3A_62 : vector<1x128xf32>
      %get3A_64 = arith.constant 0 : index
      %get3A_65 = arith.constant 0 : index
      %get3A_66 = vector.load %arg7[%get3A_64, %get3A_65] : memref<128x128xf32, #tpu.memory_space<vmem>>, vector<128x128xf32>
      %dot_general3A = arith.constant dense<0.000000e+00> : vector<1x128xf32>
      %dot_general3A_67 = tpu.matmul %mul3A_63, %get3A_66, %dot_general3A {dimension_numbers = #tpu.dot_dimension_numbers<[1], [0], [0], [1], [0, 0, 1, 1], [], []>, transpose_lhs_hint = false} : vector<1x128xf32>, vector<128x128xf32>, vector<1x128xf32> -> vector<1x128xf32>
      %get3A_68 = arith.constant 0 : index
      %get3A_69 = arith.constant 0 : index
      %get3A_70 = vector.load %arg8[%get3A_68, %get3A_69] : memref<1x128xf32, #tpu.memory_space<vmem>>, vector<1x128xf32>
      %add3A_71 = arith.addf %dot_general3A_67, %get3A_70 : vector<1x128xf32>
      %swap3A = arith.constant 0 : index
      %swap3A_72 = arith.constant 0 : index
      %swap3A_73 = vector.load %arg9[%swap3A, %swap3A_72] : memref<1x128xf32, #tpu.memory_space<vmem>>, vector<1x128xf32>
      tpu.vector_store %arg9[%swap3A, %swap3A_72], %add3A_71 {strides = array<i32>} : memref<1x128xf32, #tpu.memory_space<vmem>>, vector<1x128xf32>,
    } else {
    }
    return
  }
  func.func @transform_0(%arg0: i32) -> (i32, i32, i32) {
    %c0_i32 = arith.constant 0 : i32
    %c0_i32_0 = arith.constant 0 : i32
    %c0_i32_1 = arith.constant 0 : i32
    return %c0_i32, %arg0, %c0_i32_0 : i32, i32, i32
  }
  func.func @transform_1(%arg0: i32) -> (i32, i32) {
    %c0_i32 = arith.constant 0 : i32
    %c0_i32_0 = arith.constant 0 : i32
    return %arg0, %c0_i32 : i32, i32
  }
  func.func @transform_2(%arg0: i32) -> (i32, i32) {
    %c0_i32 = arith.constant 0 : i32
    %c0_i32_0 = arith.constant 0 : i32
    return %arg0, %c0_i32 : i32, i32
  }
  func.func @transform_3(%arg0: i32) -> (i32, i32) {
    %c0_i32 = arith.constant 0 : i32
    %c0_i32_0 = arith.constant 0 : i32
    %c0_i32_1 = arith.constant 0 : i32
    return %c0_i32, %c0_i32_0 : i32, i32
  }
  func.func @transform_4(%arg0: i32) -> (i32, i32) {
    %c0_i32 = arith.constant 0 : i32
    %c0_i32_0 = arith.constant 0 : i32
    %c0_i32_1 = arith.constant 0 : i32
    return %c0_i32, %c0_i32_0 : i32, i32
  }
  func.func @transform_5(%arg0: i32) -> (i32, i32) {
    %c0_i32 = arith.constant 0 : i32
    %c0_i32_0 = arith.constant 0 : i32
    %c0_i32_1 = arith.constant 0 : i32
    return %c0_i32, %c0_i32_0 : i32, i32
  }
  func.func @transform_6(%arg0: i32) -> (i32, i32) {
    %c0_i32 = arith.constant 0 : i32
    %c0_i32_0 = arith.constant 0 : i32
    %c0_i32_1 = arith.constant 0 : i32
    return %c0_i32, %c0_i32_0 : i32, i32
  }
  func.func @transform_7(%arg0: i32) -> (i32, i32) {
    %c0_i32 = arith.constant 0 : i32
    %c0_i32_0 = arith.constant 0 : i32
    %c0_i32_1 = arith.constant 0 : i32
    return %c0_i32, %c0_i32_0 : i32, i32
  }
  func.func @transform_8(%arg0: i32) -> (i32, i32) {
    %c0_i32 = arith.constant 0 : i32
    %c0_i32_0 = arith.constant 0 : i32
    %c0_i32_1 = arith.constant 0 : i32
    return %c0_i32, %c0_i32_0 : i32, i32
  }
}

module attributes {stable_mosaic.version = 14 : i64} {
  func.func @_mid_body(%arg0: i32, %arg1: memref<2x1024x128xf32, #tpu.memory_space<vmem>>, %arg2: memref<1024x128xf32, #tpu.memory_space<vmem>>, %arg3: memref<1024x1xf32, #tpu.memory_space<vmem>>, %arg4: memref<1x128xf32, #tpu.memory_space<vmem>>, %arg5: memref<1x128xf32, #tpu.memory_space<vmem>>, %arg6: memref<1x128xf32, #tpu.memory_space<vmem>>, %arg7: memref<128x128xf32, #tpu.memory_space<vmem>>, %arg8: memref<1024x128xf32, #tpu.memory_space<vmem>>) attributes {dimension_semantics = [#tpu.dimension_semantics<arbitrary>], iteration_bounds = array<i64: 10>, scalar_prefetch = 0 : i64, scratch_operands = 0 : i64, tpu.core_type = #tpu.core_type<tc>, window_params = [{transform_indices = @transform_0, window_bounds = array<i64: 2, 1024, 128>}, {transform_indices = @transform_1, window_bounds = array<i64: 1024, 128>}, {transform_indices = @transform_2, window_bounds = array<i64: 1024, 1>}, {pipeline_mode = #tpu.pipeline_mode<synchronous>, transform_indices = @transform_3, window_bounds = array<i64: 1, 128>}, {pipeline_mode = #tpu.pipeline_mode<synchronous>, transform_indices = @transform_4, window_bounds = array<i64: 1, 128>}, {pipeline_mode = #tpu.pipeline_mode<synchronous>, transform_indices = @transform_5, window_bounds = array<i64: 1, 128>}, {pipeline_mode = #tpu.pipeline_mode<synchronous>, transform_indices = @transform_6, window_bounds = array<i64: 128, 128>}, {transform_indices = @transform_7, window_bounds = array<i64: 1024, 128>}]} {
    %get3A = arith.constant 0 : index
    %get3A_0 = arith.constant 0 : index
    %get3A_1 = arith.constant 0 : index
    %get3A_2 = vector.load %arg1[%get3A, %get3A_0, %get3A_1] : memref<2x1024x128xf32, #tpu.memory_space<vmem>>, vector<1x1024x128xf32>
    %get3A_3 = vector.shape_cast %get3A_2 : vector<1x1024x128xf32> to vector<1024x128xf32>
    %get3A_4 = arith.constant 1 : index
    %get3A_5 = arith.constant 0 : index
    %get3A_6 = arith.constant 0 : index
    %get3A_7 = vector.load %arg1[%get3A_4, %get3A_5, %get3A_6] : memref<2x1024x128xf32, #tpu.memory_space<vmem>>, vector<1x1024x128xf32>
    %get3A_8 = vector.shape_cast %get3A_7 : vector<1x1024x128xf32> to vector<1024x128xf32>
    %add3A = arith.addf %get3A_3, %get3A_8 : vector<1024x128xf32>
    %get3A_9 = arith.constant 0 : index
    %get3A_10 = arith.constant 0 : index
    %get3A_11 = vector.load %arg2[%get3A_9, %get3A_10] : memref<1024x128xf32, #tpu.memory_space<vmem>>, vector<1024x128xf32>
    %add3A_12 = arith.addf %add3A, %get3A_11 : vector<1024x128xf32>
    %get3A_13 = arith.constant 0 : index
    %get3A_14 = arith.constant 0 : index
    %get3A_15 = vector.load %arg3[%get3A_13, %get3A_14] : memref<1024x1xf32, #tpu.memory_space<vmem>>, vector<1024x1xf32>
    %mul3A = vector.broadcast %get3A_15 : vector<1024x1xf32> to vector<1024x128xf32>
    %mul3A_16 = arith.mulf %mul3A, %add3A_12 : vector<1024x128xf32>
    %get3A_17 = arith.constant 0 : index
    %get3A_18 = arith.constant 0 : index
    %get3A_19 = vector.load %arg4[%get3A_17, %get3A_18] : memref<1x128xf32, #tpu.memory_space<vmem>>, vector<1x128xf32>
    %add3A_20 = vector.broadcast %get3A_19 : vector<1x128xf32> to vector<1024x128xf32>
    %add3A_21 = arith.addf %mul3A_16, %add3A_20 : vector<1024x128xf32>
    %get3A_22 = arith.constant 0 : index
    %get3A_23 = arith.constant 0 : index
    %get3A_24 = vector.load %arg5[%get3A_22, %get3A_23] : memref<1x128xf32, #tpu.memory_space<vmem>>, vector<1x128xf32>
    %mul3A_25 = arith.constant 0.999994993 : f32
    %mul3A_26 = vector.broadcast %mul3A_25 : f32 to vector<1x128xf32>
    %mul3A_27 = arith.mulf %get3A_24, %mul3A_26 : vector<1x128xf32>
    %mul3A_28 = vector.broadcast %mul3A_27 : vector<1x128xf32> to vector<1024x128xf32>
    %mul3A_29 = arith.mulf %add3A_21, %mul3A_28 : vector<1024x128xf32>
    %get3A_30 = arith.constant 0 : index
    %get3A_31 = arith.constant 0 : index
    %get3A_32 = vector.load %arg6[%get3A_30, %get3A_31] : memref<1x128xf32, #tpu.memory_space<vmem>>, vector<1x128xf32>
    %add3A_33 = vector.broadcast %get3A_32 : vector<1x128xf32> to vector<1024x128xf32>
    %add3A_34 = arith.addf %mul3A_29, %add3A_33 : vector<1024x128xf32>
    %max3A = arith.constant 0.000000e+00 : f32
    %max3A_35 = vector.broadcast %max3A : f32 to vector<1024x128xf32>
    %max3A_36 = arith.maximumf %add3A_34, %max3A_35 : vector<1024x128xf32>
    %get3A_37 = arith.constant 0 : index
    %get3A_38 = arith.constant 0 : index
    %get3A_39 = vector.load %arg3[%get3A_37, %get3A_38] : memref<1024x1xf32, #tpu.memory_space<vmem>>, vector<1024x1xf32>
    %get3A_40 = arith.constant 0 : index
    %get3A_41 = arith.constant 0 : index
    %get3A_42 = vector.load %arg7[%get3A_40, %get3A_41] : memref<128x128xf32, #tpu.memory_space<vmem>>, vector<128x128xf32>
    %dot_general3A = arith.constant dense<0.000000e+00> : vector<1024x128xf32>
    %dot_general3A_43 = tpu.matmul %max3A_36, %get3A_42, %dot_general3A {dimension_numbers = #tpu.dot_dimension_numbers<[1], [0], [0], [1], [0, 0, 1, 1], [], []>, transpose_lhs_hint = false} : vector<1024x128xf32>, vector<128x128xf32>, vector<1024x128xf32> -> vector<1024x128xf32>
    %mul3A_44 = vector.broadcast %get3A_39 : vector<1024x1xf32> to vector<1024x128xf32>
    %mul3A_45 = arith.mulf %mul3A_44, %dot_general3A_43 : vector<1024x128xf32>
    %swap3A = arith.constant 0 : index
    %swap3A_46 = arith.constant 0 : index
    %swap3A_47 = vector.load %arg8[%swap3A, %swap3A_46] : memref<1024x128xf32, #tpu.memory_space<vmem>>, vector<1024x128xf32>
    tpu.vector_store %arg8[%swap3A, %swap3A_46], %mul3A_45 {strides = array<i32>} : memref<1024x128xf32, #tpu.memory_space<vmem>>, vector<1024x128xf32>,
    return
  }
  func.func @transform_0(%arg0: i32) -> (i32, i32, i32) {
    %c0_i32 = arith.constant 0 : i32
    %c0_i32_0 = arith.constant 0 : i32
    %c0_i32_1 = arith.constant 0 : i32
    return %c0_i32, %arg0, %c0_i32_0 : i32, i32, i32
  }
  func.func @transform_1(%arg0: i32) -> (i32, i32) {
    %c0_i32 = arith.constant 0 : i32
    %c0_i32_0 = arith.constant 0 : i32
    return %arg0, %c0_i32 : i32, i32
  }
  func.func @transform_2(%arg0: i32) -> (i32, i32) {
    %c0_i32 = arith.constant 0 : i32
    %c0_i32_0 = arith.constant 0 : i32
    return %arg0, %c0_i32 : i32, i32
  }
  func.func @transform_3(%arg0: i32) -> (i32, i32) {
    %c0_i32 = arith.constant 0 : i32
    %c0_i32_0 = arith.constant 0 : i32
    %c0_i32_1 = arith.constant 0 : i32
    return %c0_i32, %c0_i32_0 : i32, i32
  }
  func.func @transform_4(%arg0: i32) -> (i32, i32) {
    %c0_i32 = arith.constant 0 : i32
    %c0_i32_0 = arith.constant 0 : i32
    %c0_i32_1 = arith.constant 0 : i32
    return %c0_i32, %c0_i32_0 : i32, i32
  }
  func.func @transform_5(%arg0: i32) -> (i32, i32) {
    %c0_i32 = arith.constant 0 : i32
    %c0_i32_0 = arith.constant 0 : i32
    %c0_i32_1 = arith.constant 0 : i32
    return %c0_i32, %c0_i32_0 : i32, i32
  }
  func.func @transform_6(%arg0: i32) -> (i32, i32) {
    %c0_i32 = arith.constant 0 : i32
    %c0_i32_0 = arith.constant 0 : i32
    %c0_i32_1 = arith.constant 0 : i32
    return %c0_i32, %c0_i32_0 : i32, i32
  }
  func.func @transform_7(%arg0: i32) -> (i32, i32) {
    %c0_i32 = arith.constant 0 : i32
    %c0_i32_0 = arith.constant 0 : i32
    return %arg0, %c0_i32 : i32, i32
  }
}

</mosaic_0001>

<sc_bundles>
// kernel: kernel.10.cloned.1.call-start
scs
__scs_entry_jumppad:
0x0: {  	(pc) =	sbr.rel $0x88, $3  }
0x1: {  	(tag) =	ssettag $0x0;
	lr =	simm.s32 $0x1  }
0x2: {  	[smem:$0x3F91] =	sst lr;
	_ =	strace $0xD0000000  }
0x3: {  	_ = 	snop  }
0x4: {  	_ = 	snop  }
0x5: {  	_ = 	snop  }
0x6: {  	_ = 	snop  }
0x7: {  	_ = 	snop  }
__scs_overlays_trampoline_lowered:
0x8: {  	[smem:$0x3FA0] =	sst s0  }
0x9: {  	[smem:$0x3FA1] =	sst s1  }
0xa: {  	[smem:$0x3FA2] =	sst s2  }
0xb: {  	[smem:$0x3FA3] =	sst s3  }
0xc: {  	[smem:$0x3FA4] =	sst s4  }
0xd: {  	[smem:$0x3FA5] =	sst s5  }
0xe: {  	[smem:$0x3FA6] =	sst s6  }
0xf: {  	[smem:$0x3FA7] =	sst s7  }
0x10: {  	[smem:$0x3FA8] =	sst s8  }
0x11: {  	[smem:$0x3FA9] =	sst s9;
	s0 =	simm.s32 @!p0 $0x0  }
0x12: {  	s1 =	sld [smem:$0x3F8F];
	s0 =	simm.s32 @p0 $0x1  }
0x13: {  	[smem:$0x3FAA] =	sst s0;
	s0 =	simm.s32 @!p1 $0x0  }
0x14: {  	s2 =	sld [smem:$0x3F8E];
	s0 =	simm.s32 @p1 $0x1  }
0x15: {  	[smem:$0x3FAB] =	sst s0;
	s0 =	simm.s32 @!p2 $0x0  }
0x16: {  	s3 =	sld [smem:$0x3FDB];
	s0 =	simm.s32 @p2 $0x1  }
0x17: {  	s4 =	simm.s32 $0x1BF5;
	[smem:$0x3FAD] =	sst s0  }
0x18: {  	s0 =	sld [smem:$0x3F90];
	_ =	swait.ge [sflag:s4], $0x0  }
0x19: {  	s7 =	sld [smem:$0x3F91]  }
0x1a: {  	s8 =	sadd.s32 $0xFFFFE003, lr  }
0x1b: {  	s9 =	sadd.s32 $0xFFFFFEF7, lr;
	s5 =	simm.s32 $0xFFFFFFFF;
	p2 =	slt.u32 s8, $0xFFFFF086  }
0x1c: {  	p1 =	slt.u32 s9, $0xF7A;
	s5 =	simm.s32 @!p2 $0x0  }
0x1d: {  	s5 =	simm.s32 @p1 $0x1;
	p0 =	seq.s32 s7, s2  }
0x1e: {  	s7 =	smul.u32 @!p0 $0xF7A, s2;
	p2 =	seq.s32 @!p0 s5, $0x0  }
0x1f: {  	s9 =	smul.u32 $0xF7A, s1;
	s8 =	simm.s32 @!p0 $0x1BF5;
	p2 =	por !p2, p0  }
0x20: {  	[sflag:s8] =	ssyncset.s32 @!p0 $0xFFFFF086;
	s6 =	sadd.s32 @!p0 s3, s7;
	s7 =	simm.s32 @!p0 $0x108  }
0x21: {  	s3 =	sadd.s32 s3, s9;
	s6 =	sadd.s32 @!p0 $0x88, s6;
	s7 =	simm.s32 @p2 $0x1082  }
0x22: {  	[simem:s7], [sflag:s8] =	dma.local @!p0 [hbm:s6], $0xF7A  }
0x23: {  	s9 =	sor.u32 $0xD0000000, s2;
	s6 =	simm.s32 $0x108;
	_ =	swait.ge @!p0 [sflag:s8], $0x0  }
0x24: {  	s3 =	sadd.s32 $0x88, s3;
	s6 =	simm.s32 @!p1 $0x1082;
	[sflag:s4] =	ssyncset.s32 $0xFFFFF086  }
0x25: {  	[simem:s6], [sflag:s4] =	dma.local [hbm:s3], $0xF7A  }
0x26: {  	[smem:$0x3F91] =	sst s1;
	(tag) =	ssettag s2;
	_ =	strace s9  }
0x27: {  	s1 =	sld [smem:$0x3FA1]  }
0x28: {  	s2 =	sld [smem:$0x3FA2]  }
0x29: {  	s4 =	sld [smem:$0x3FA4]  }
0x2a: {  	p0 =	seq.s32 s5, $0x0;
	s5 =	sld [smem:$0x3FA5]  }
0x2b: {  	s6 =	sld [smem:$0x3FA6]  }
0x2c: {  	s7 =	sld [smem:$0x3FA7]  }
0x2d: {  	s3 =	simm.s32 $0x108;
	s8 =	sld [smem:$0x3FA8]  }
0x2e: {  	s3 =	simm.s32 @!p0 $0x1082;
	s9 =	sld [smem:$0x3FA9]  }
0x2f: {  	lr =	sadd.s32 s0, s3;
	s0 =	sld [smem:$0x3FA0]  }
0x30: {  	s3 =	sld [smem:$0x3FA3]  }
0x31: {  	[smem:$0x3FAC] =	sst s10  }
0x32: {  	s10 =	sld [smem:$0x3FAA];
	_ =	sdelay $0x3  }
0x33: {  	p0 =	seq.s32 s10, $0x1;
	s10 =	sld [smem:$0x3FAC];
	_ =	sdelay $0x3  }
0x34: {  	[smem:$0x3FAC] =	sst s10  }
0x35: {  	s10 =	sld [smem:$0x3FAB];
	_ =	sdelay $0x3  }
0x36: {  	p1 =	seq.s32 s10, $0x1;
	s10 =	sld [smem:$0x3FAC];
	_ =	sdelay $0x3  }
0x37: {  	[smem:$0x3FAC] =	sst s10  }
0x38: {  	s10 =	sld [smem:$0x3FAD]  }
0x39: {  	_ = 	snop;
	(pc) =	sbr.ind lr, $3  }
0x3a: {  	_ = 	snop  }
0x3b: {  	_ = 	snop  }
0x3c: {  	p2 =	seq.s32 s10, $0x1;
	s10 =	sld [smem:$0x3FAC]  }
0x3d: {  	_ =	shalt  }
0x3e: {  	_ =	shalt  }
0x3f: {  	_ =	shalt  }
0x40: {  	_ =	shalt  }
0x41: {  	_ =	shalt  }
0x42: {  	_ =	shalt  }
0x43: {  	_ =	shalt  }
0x44: {  	_ =	shalt  }
0x45: {  	_ =	shalt  }
0x46: {  	_ =	shalt  }
0x47: {  	_ =	shalt  }
0x48: {  	_ =	shalt  }
0x49: {  	_ =	shalt  }
0x4a: {  	_ =	shalt  }
0x4b: {  	_ =	shalt  }
0x4c: {  	_ =	shalt  }
0x4d: {  	_ =	shalt  }
0x4e: {  	_ =	shalt  }
0x4f: {  	_ =	shalt  }
0x50: {  	_ =	shalt  }
0x51: {  	_ =	shalt  }
0x52: {  	_ =	shalt  }
0x53: {  	_ =	shalt  }
0x54: {  	_ =	shalt  }
0x55: {  	_ =	shalt  }
0x56: {  	_ =	shalt  }
0x57: {  	_ =	shalt  }
0x58: {  	_ =	shalt  }
0x59: {  	_ =	shalt  }
0x5a: {  	_ =	shalt  }
0x5b: {  	_ =	shalt  }
0x5c: {  	_ =	shalt  }
0x5d: {  	_ =	shalt  }
0x5e: {  	_ =	shalt  }
0x5f: {  	_ =	shalt  }
0x60: {  	_ =	shalt  }
0x61: {  	_ =	shalt  }
0x62: {  	_ =	shalt  }
0x63: {  	_ =	shalt  }
0x64: {  	_ =	shalt  }
0x65: {  	_ =	shalt  }
0x66: {  	_ =	shalt  }
0x67: {  	_ =	shalt  }
0x68: {  	_ =	shalt  }
0x69: {  	_ =	shalt  }
0x6a: {  	_ =	shalt  }
0x6b: {  	_ =	shalt  }
0x6c: {  	_ =	shalt  }
0x6d: {  	_ =	shalt  }
0x6e: {  	_ =	shalt  }
0x6f: {  	_ =	shalt  }
0x70: {  	_ =	shalt  }
0x71: {  	_ =	shalt  }
0x72: {  	_ =	shalt  }
0x73: {  	_ =	shalt  }
0x74: {  	_ =	shalt  }
0x75: {  	_ =	shalt  }
0x76: {  	_ =	shalt  }
0x77: {  	_ =	shalt  }
0x78: {  	_ =	shalt  }
0x79: {  	_ =	shalt  }
0x7a: {  	_ =	shalt  }
0x7b: {  	_ =	shalt  }
0x7c: {  	_ =	shalt  }
0x7d: {  	_ =	shalt  }
0x7e: {  	_ =	shalt  }
0x7f: {  	_ =	shalt  }
0x80: {  	_ =	shalt  }
0x81: {  	_ =	shalt  }
0x82: {  	_ =	shalt  }
0x83: {  	_ =	shalt  }
0x84: {  	_ =	shalt  }
0x85: {  	_ =	shalt  }
0x86: {  	_ =	shalt  }
0x87: {  	_ =	shalt  }
.Lfunc_end0:
.L_simem_size_0:
called_computation_lowered:
.L_overlay_start_0:
0x88: {  	s2 =	sld [smem:$0x3FD9]  }
0x89: {  	s3 =	sld [smem:$0x3FFE];
	_ =	sdelay $0x1  }
0x8a: {  	s1 =	srdreg.scid  }
0x8b: {  	s0 =	sand.u32 $0x1, s1  }
0x8c: {  	s16 =	sshll.u32 s0, $0xA;
	s2 =	sadd.s32 s3, s2  }
0x8d: {  	s2 =	sadd.s32 s2, s16  }
0x8e: {  	[smem:$0x3FB8] =	sst s2  }
0x8f: {  	_ = 	snop  }
0x90: {  	(tm) =	ssettm $0x1  }
0x91: {  	s17 =	sld [smem:$0x3FFB];
	_ =	sdelay $0x3  }
0x92: {  	_ =	strace s17  }
0x93: {  	s2 =	sld [smem:$0x3FFC];
	_ =	sdelay $0x3  }
0x94: {  	_ =	strace s2  }
0x95: {  	s2 =	sld [smem:$0x3FFD];
	_ =	sdelay $0x3  }
0x96: {  	_ =	strace s2  }
0x97: {  	_ =	strace $0x8FFFFFFF  }
0x98: {  	s18 =	sld [smem:$0x3FDB];
	_ =	sdelay $0x1  }
0x99: {  	s19 =	simm.s32 $_scs_section_size  }
0x9a: {  	s4 =	simm.s32 $_size__tile_overlayer_lowered;
	s5 =	simm.s32 $_tile_overlayer_lowered  }
0x9b: {  	s22 =	simm.s32 $0x1BFF;
	s21 =	sshll.u32 s5, $0x1;
	s2 =	sadd.s32 s19, s18  }
0x9c: {  	s6 =	simm.s32 $0x0;
	s20 =	sshll.u32 s4, $0x1;
	s4 =	sadd.s32 s21, s2  }
0x9d: {  	[timem:s6], [sflag:s22] =	dma.local [hbm:s4], s20  }
0x9e: {  	_ =	swait.ge [sflag:s22], s20  }
0x9f: {  	s3 =	ssub.s32 $0x0, s20;
	[sflag:s22] =	ssyncset.done $0x0  }
0xa0: {  	[sflag:s22] =	ssyncadd.s32 s3;
	_ =	sdelay $0x1  }
0xa1: {  	s23 =	simm.s32 $0x1B8B  }
0xa2: {  	_ =	swait.ge [sflag:s23], $0x1  }
0xa3: {  	[sflag:s23] =	ssyncset.done $0x0  }
0xa4: {  	s25 =	simm.s32 $0x1B8E;
	s24 =	sld [smem:$0x3FFE];
	[sflag:s23] =	ssyncadd.s32 $0xFFFFFFFF  }
0xa5: {  	s26 =	simm.s32 $execute0_lowered;
	[smem:$0x3FD2] =	sst s25  }
0xa6: {  	s4 =	sshll.u32 s26, $0x1;
	_ =	strace $0x80000046;
	[dreg:$0x1] =	wrdreg $0xFFFFFFFF  }
0xa7: {  	s28 =	simm.s32 $_size_execute0_lowered;
	s2 =	sadd.s32 s2, s4;
	[dreg:$0x0] =	wrdreg $0x0  }
0xa8: {  	s4 =	sshll.u32 s28, $0x1;
	[dreg:$0x2] =	wrdreg s2  }
0xa9: {  	[dreg:$0x3] =	wrdreg s4  }
0xaa: {  	[dreg:$0x4] =	wrdreg $0xC0  }
0xab: {  	_ =	task [dreg:s6], $0x5FFFF  }
0xac: {  	[dreg:$0x1] =	wrdreg $0xFFFFFFFF  }
0xad: {  	[dreg:$0x0] =	wrdreg $0x60  }
0xae: {  	[dreg:$0x2] =	wrdreg s24  }
0xaf: {  	[dreg:$0x3] =	wrdreg $0x9E800  }
0xb0: {  	[dreg:$0x4] =	wrdreg $0x9  }
0xb1: {  	_ =	task.clear_ibuf [dreg:s6], $0x5FFFF;
	_ =	strace $0x90000046  }
0xb2: {  	s29 =	simm.s32 $0x9;
	_ =	strace $0x80000048  }
0xb3: {  	_ =	swait.ge [sflag:s29], $0x1  }
0xb4: {  	[sflag:s29] =	ssyncadd.s32 $0xFFFFFFFF  }
0xb5: {  	_ =	strace $0x90000048  }
0xb6: {  	_ =	sfence  }
0xb7: {  	s30 =	sld [smem:$0x0];
	_ =	sdelay $0x2  }
0xb8: {  	s31 =	sshll.u32 s1, $0xD;
	s1 =	sshrl.u32 s1, $0x2  }
0xb9: {  	s3 =	sand.u32 $0x4000, s31;
	s1 =	sadd.s32 s1, s30  }
0xba: {  	s0 =	sor.u32 s3, s0;
	s1 =	sshll.u32 s1, $0x11  }
0xbb: {  	s0 =	sor.u32 s1, s0  }
0xbc: {  	s0 =	sadd.s32 $0x8F2B, s0  }
0xbd: {  	[sflag:s0] =	ssyncadd.remote.s32 $0x1  }
0xbe: {  	_ =	sfence.sel $0xFFFF  }
0xbf: {  	[dreg:$0x0] =	wrdreg $0xFFFFFFFF;
	(pc) =	sbr.abs _section_cstart, $3  }
0xc0: {  	[dreg:$0x1] =	wrdreg $0xFFFFFFFF  }
0xc1: {  	_ =	task.clear_ibuf [dreg:s6], $0x2FFFF;
	_ =	strace $0x9FFFFFFF  }
0xc2: {  	(tm) =	ssettm $0x7FFFFFFF  }
0xc3: {  	_ =	shalt  }
tec
execute0_lowered:
.L_overlay_start_1:
0x0: {  	(tag) =	ssettag $0x1  }
0x1: {  	s1 =	srdreg.scid  }
0x2: {  	s1 =	sand.u32 $0x1, s1  }
0x3: {  	p0 =	seq.s32 s1, $0x1  }
.Ltmp0:
0x4: {  	_ = 	snop;
	(pc) =	sbr.rel @p0 .LBB2_8-.Ltmp0, $4  }
0x5: {  	s4 =	rddreg [dreg:$0x0]  }
0x6: {  	s3 =	rddreg [dreg:$0x1];
	s2 =	simm.s32 $0x0  }
0x7: {  	[smem:$0x7FF] =	sst s2  }
0x8: {  	s0 =	rddreg [dreg:$0x2];
	_ =	strace $0x80000047;
	s1 =	stileid.u32  }
0x9: {  	s2 =	smul.u32 $0x280, s1  }
0xa: {  	s5 =	smul.u32 $0xA000, s1  }
0xb: {  	s18 =	sadd.s32 $0xD200, s4;
	s23 =	smul.u32 $0x9C4, s1  }
0xc: {  	s6 =	sshrl.u32 s2, $0x3;
	s31 =	sshrl.u32 s5, $0x2;
	s21 =	sadd.s32 s2, s3  }
0xd: {  	s18 =	sadd.s32 s18, s23;
	s23 =	simm.s32 $0x0;
	s22 =	sadd.s32 s6, s4  }
0xe: {  	s4 =	sadd.s32 s31, s3;
	s20 =	sadd.s32 $0x2800, s21;
	s19 =	sadd.s32 $0x5000, s21  }
0xf: {  	s17 =	sadd.s32 $0x7800, s21;
	s16 =	sadd.s32 $0xA000, s21;
	s15 =	sadd.s32 $0xC800, s21  }
0x10: {  	s14 =	sadd.s32 $0xF000, s21;
	s13 =	sadd.s32 $0x11800, s21;
	s12 =	sadd.s32 $0x14000, s21  }
0x11: {  	s11 =	sadd.s32 $0x16800, s21;
	s10 =	sadd.s32 $0x19000, s21;
	s9 =	sadd.s32 $0x1B800, s21  }
0x12: {  	s8 =	sadd.s32 $0x1E000, s21;
	s7 =	sadd.s32 $0x20800, s21;
	s6 =	sadd.s32 $0x23000, s21  }
0x13: {  	v0 =	vimm.f32 $0.0e+00;
	s5 =	sadd.s32 $0x25800, s21;
	s3 =	sadd.s32 $0x17000, s22;
	s22 =	simm.s32 $0x40  }
.LBB2_2:
0x14: {  	p0 =	sne.s32 s22, $0x9FC0;
	[tilespmem:s23+$0x4E80] =	vst v0;
	s23 =	smov.u32 s22;
	s22 =	sadd.s32 $0x40, s22  }
.Ltmp1:
0x15: {  	(pc) =	sbr.rel @p0 .LBB2_2-.Ltmp1, $2  }
0x16: {  	_ =	sdelay $0x2  }
0x17: {  	s23 =	sshra.s32 s23, $0x2  }
0x18: {  	[tilespmem:s23+$0x4E80] =	vst v0;
	s22 =	simm.s32 $0x0;
	s31 =	simm.s32 $0x1  }
0x19: {  	[tilespmem:s22], [sflag:$0x1] =	stream.linear.gather [hbm4b:s18+s22], $0x4E20, $0x38;
	[tilespmem:$0xC680] =	vst v63  }
0x1a: {  	_ =	swait.ge [sflag:s31], $0x4E20  }
0x1b: {  	s23 =	simm.s32 $0x0;
	[sflag:s31] =	ssyncset.done $0x0  }
0x1c: {  	v0 =	vimm.f32 $1.000000000e+00;
	s18 =	simm.s32 $0x4E80;
	s22 =	simm.s32 $0x40;
	[sflag:s31] =	ssyncadd.s32 $0xFFFFB1E0  }
.LBB2_4:
0x1d: {  	p0 =	sne.s32 s22, $0x13840;
	v1 =	vld [tilespmem:s23+$0x0];
	_ =	sdelay $0x3  }
.Ltmp2:
0x1e: {  	(pc) =	sbr.rel @p0 .LBB2_4-.Ltmp2, $2  }
0x1f: {  	_ =	sdelay $0x2  }
0x20: {  	s23 =	sshra.s32 s22, $0x2;
	s22 =	sadd.s32 $0x40, s22;
	[tilespmem:v1+s18+$0x0] =	vst.idx.add.f32.msk $0xffff, v0  }
0x21: {  	v1 =	vld [tilespmem:s23+$0x0];
	_ =	sdelay $0x7  }
0x22: {  	s28 =	simm.s32 $0x4E80;
	[tilespmem:v1+s18+$0x0] =	vst.idx.add.f32.msk $0xffff, v0;
	s18 =	simm.s32 $0x1  }
0x23: {  	[spmem:s4] =	stream.linear.scatter [tilespmem:s28], [sflag:$0x1], $0x2800, $0x38;
	[tilespmem:$0xC680] =	vst v63  }
0x24: {  	_ =	swait.ge [sflag:s18], $0x2800  }
0x25: {  	[sflag:s18] =	ssyncset.done $0x0  }
0x26: {  	[sflag:s18] =	ssyncadd.s32 $0xFFFFD800  }
0x27: {  	s4 =	simm.s32 $0x7680;
	[bflag:$0x0] =	sbarrier.arrive $0xFFFF  }
0x28: {  	[tilespmem:s4], [sflag:$0x1] =	stream.linear.gather [spmem:s21], $0x280, $0x38;
	[tilespmem:$0xC680] =	vst v63  }
0x29: {  	_ =	swait.ge [sflag:s18], $0x280  }
0x2a: {  	[sflag:s18] =	ssyncset.done $0x0  }
0x2b: {  	s29 =	simm.s32 $0x7900;
	[sflag:s18] =	ssyncadd.s32 $0xFFFFFD80  }
0x2c: {  	[tilespmem:s29], [sflag:$0x1] =	stream.linear.gather [spmem:s20], $0x280, $0x38;
	[tilespmem:$0xC680] =	vst v63  }
0x2d: {  	_ =	swait.ge [sflag:s18], $0x280  }
0x2e: {  	[sflag:s18] =	ssyncset.done $0x0  }
0x2f: {  	s30 =	simm.s32 $0x7B80;
	[sflag:s18] =	ssyncadd.s32 $0xFFFFFD80  }
0x30: {  	[tilespmem:s30], [sflag:$0x1] =	stream.linear.gather [spmem:s19], $0x280, $0x38;
	[tilespmem:$0xC680] =	vst v63  }
0x31: {  	_ =	swait.ge [sflag:s18], $0x280  }
0x32: {  	[sflag:s18] =	ssyncset.done $0x0  }
0x33: {  	s31 =	simm.s32 $0x7E00;
	[sflag:s18] =	ssyncadd.s32 $0xFFFFFD80  }
0x34: {  	[tilespmem:s31], [sflag:$0x1] =	stream.linear.gather [spmem:s17], $0x280, $0x38;
	[tilespmem:$0xC680] =	vst v63  }
0x35: {  	_ =	swait.ge [sflag:s18], $0x280  }
0x36: {  	[sflag:s18] =	ssyncset.done $0x0  }
0x37: {  	s19 =	simm.s32 $0x8080;
	[sflag:s18] =	ssyncadd.s32 $0xFFFFFD80  }
0x38: {  	[tilespmem:s19], [sflag:$0x1] =	stream.linear.gather [spmem:s16], $0x280, $0x38;
	[tilespmem:$0xC680] =	vst v63  }
0x39: {  	_ =	swait.ge [sflag:s18], $0x280  }
0x3a: {  	[sflag:s18] =	ssyncset.done $0x0  }
0x3b: {  	s20 =	simm.s32 $0x8300;
	[sflag:s18] =	ssyncadd.s32 $0xFFFFFD80  }
0x3c: {  	[tilespmem:s20], [sflag:$0x1] =	stream.linear.gather [spmem:s15], $0x280, $0x38;
	[tilespmem:$0xC680] =	vst v63  }
0x3d: {  	_ =	swait.ge [sflag:s18], $0x280  }
0x3e: {  	[sflag:s18] =	ssyncset.done $0x0  }
0x3f: {  	s21 =	simm.s32 $0x8580;
	[sflag:s18] =	ssyncadd.s32 $0xFFFFFD80  }
0x40: {  	[tilespmem:s21], [sflag:$0x1] =	stream.linear.gather [spmem:s14], $0x280, $0x38;
	[tilespmem:$0xC680] =	vst v63  }
0x41: {  	_ =	swait.ge [sflag:s18], $0x280  }
0x42: {  	[sflag:s18] =	ssyncset.done $0x0  }
0x43: {  	s22 =	simm.s32 $0x8800;
	[sflag:s18] =	ssyncadd.s32 $0xFFFFFD80  }
0x44: {  	[tilespmem:s22], [sflag:$0x1] =	stream.linear.gather [spmem:s13], $0x280, $0x38;
	[tilespmem:$0xC680] =	vst v63  }
0x45: {  	_ =	swait.ge [sflag:s18], $0x280  }
0x46: {  	[sflag:s18] =	ssyncset.done $0x0  }
0x47: {  	s23 =	simm.s32 $0x8A80;
	[sflag:s18] =	ssyncadd.s32 $0xFFFFFD80  }
0x48: {  	[tilespmem:s23], [sflag:$0x1] =	stream.linear.gather [spmem:s12], $0x280, $0x38;
	[tilespmem:$0xC680] =	vst v63  }
0x49: {  	_ =	swait.ge [sflag:s18], $0x280  }
0x4a: {  	[sflag:s18] =	ssyncset.done $0x0  }
0x4b: {  	s24 =	simm.s32 $0x8D00;
	[sflag:s18] =	ssyncadd.s32 $0xFFFFFD80  }
0x4c: {  	[tilespmem:s24], [sflag:$0x1] =	stream.linear.gather [spmem:s11], $0x280, $0x38;
	[tilespmem:$0xC680] =	vst v63  }
0x4d: {  	_ =	swait.ge [sflag:s18], $0x280  }
0x4e: {  	[sflag:s18] =	ssyncset.done $0x0  }
0x4f: {  	s25 =	simm.s32 $0x8F80;
	[sflag:s18] =	ssyncadd.s32 $0xFFFFFD80  }
0x50: {  	[tilespmem:s25], [sflag:$0x1] =	stream.linear.gather [spmem:s10], $0x280, $0x38;
	[tilespmem:$0xC680] =	vst v63  }
0x51: {  	_ =	swait.ge [sflag:s18], $0x280  }
0x52: {  	[sflag:s18] =	ssyncset.done $0x0  }
0x53: {  	s26 =	simm.s32 $0x9200;
	[sflag:s18] =	ssyncadd.s32 $0xFFFFFD80  }
0x54: {  	[tilespmem:s26], [sflag:$0x1] =	stream.linear.gather [spmem:s9], $0x280, $0x38;
	[tilespmem:$0xC680] =	vst v63  }
0x55: {  	_ =	swait.ge [sflag:s18], $0x280  }
0x56: {  	[sflag:s18] =	ssyncset.done $0x0  }
0x57: {  	s28 =	simm.s32 $0x9480;
	[sflag:s18] =	ssyncadd.s32 $0xFFFFFD80  }
0x58: {  	[tilespmem:s28], [sflag:$0x1] =	stream.linear.gather [spmem:s8], $0x280, $0x38;
	[tilespmem:$0xC680] =	vst v63  }
0x59: {  	_ =	swait.ge [sflag:s18], $0x280  }
0x5a: {  	[sflag:s18] =	ssyncset.done $0x0  }
0x5b: {  	s29 =	simm.s32 $0x9700;
	[sflag:s18] =	ssyncadd.s32 $0xFFFFFD80  }
0x5c: {  	[tilespmem:s29], [sflag:$0x1] =	stream.linear.gather [spmem:s7], $0x280, $0x38;
	[tilespmem:$0xC680] =	vst v63  }
0x5d: {  	_ =	swait.ge [sflag:s18], $0x280  }
0x5e: {  	[sflag:s18] =	ssyncset.done $0x0  }
0x5f: {  	s30 =	simm.s32 $0x9980;
	[sflag:s18] =	ssyncadd.s32 $0xFFFFFD80  }
0x60: {  	[tilespmem:s30], [sflag:$0x1] =	stream.linear.gather [spmem:s6], $0x280, $0x38;
	[tilespmem:$0xC680] =	vst v63  }
0x61: {  	_ =	swait.ge [sflag:s18], $0x280  }
0x62: {  	[sflag:s18] =	ssyncset.done $0x0  }
0x63: {  	s31 =	simm.s32 $0x9C00;
	[sflag:s18] =	ssyncadd.s32 $0xFFFFFD80  }
0x64: {  	[tilespmem:s31], [sflag:$0x1] =	stream.linear.gather [spmem:s5], $0x280, $0x38;
	[tilespmem:$0xC680] =	vst v63  }
0x65: {  	_ =	swait.ge [sflag:s18], $0x280  }
0x66: {  	s5 =	simm.s32 $0x0;
	[sflag:s18] =	ssyncset.done $0x0  }
0x67: {  	s7 =	sand.u32 $0x3F0, s5;
	[sflag:s18] =	ssyncadd.s32 $0xFFFFFD80  }
0x68: {  	s6 =	simm.s32 $0x10;
	v0 =	vld [tilespmem:s7+$0x7900]  }
.LBB2_6:
0x69: {  	p0 =	sne.s32 s6, $0x270;
	v1 =	vld [tilespmem:s4+$0x0];
	_ =	sdelay $0x1  }
0x6a: {  	v2 =	vld [tilespmem:s7+$0x7B80];
	_ =	sdelay $0x1  }
0x6b: {  	v3 =	vld [tilespmem:s7+$0x7E00]  }
0x6c: {  	v0 =	vadd.f32 v0, v1  }
0x6d: {  	v1 =	vld [tilespmem:s7+$0x8080]  }
0x6e: {  	v0 =	vadd.f32 v2, v0  }
0x6f: {  	v2 =	vld [tilespmem:s7+$0x8300]  }
0x70: {  	v0 =	vadd.f32 v3, v0  }
0x71: {  	v3 =	vld [tilespmem:s7+$0x8580]  }
0x72: {  	v0 =	vadd.f32 v1, v0  }
0x73: {  	v1 =	vld [tilespmem:s7+$0x8800]  }
0x74: {  	v0 =	vadd.f32 v2, v0  }
0x75: {  	v2 =	vld [tilespmem:s7+$0x8A80]  }
0x76: {  	v0 =	vadd.f32 v3, v0  }
0x77: {  	v3 =	vld [tilespmem:s7+$0x8D00]  }
0x78: {  	v0 =	vadd.f32 v1, v0  }
0x79: {  	v1 =	vld [tilespmem:s7+$0x8F80]  }
0x7a: {  	v0 =	vadd.f32 v2, v0  }
0x7b: {  	v2 =	vld [tilespmem:s7+$0x9200]  }
0x7c: {  	v0 =	vadd.f32 v3, v0  }
0x7d: {  	v3 =	vld [tilespmem:s7+$0x9480]  }
0x7e: {  	v0 =	vadd.f32 v1, v0  }
0x7f: {  	v1 =	vld [tilespmem:s7+$0x9700]  }
0x80: {  	v0 =	vadd.f32 v2, v0  }
0x81: {  	v2 =	vld [tilespmem:s7+$0x9980]  }
0x82: {  	v0 =	vadd.f32 v3, v0  }
0x83: {  	v3 =	vld [tilespmem:s7+$0x9C00]  }
0x84: {  	v0 =	vadd.f32 v1, v0;
	_ =	sdelay $0x1  }
0x85: {  	v0 =	vadd.f32 v2, v0;
	_ =	sdelay $0x1  }
0x86: {  	v0 =	vadd.f32 v3, v0;
	_ =	sdelay $0x1  }
0x87: {  	v0 =	vadd.f32 $1.000000000e+00, v0;
	_ =	sdelay $0x1  }
0x88: {  	v1 =	vshra.s32 v0, $0x1;
	v0 =	vmul.f32 $5.000000000e-01, v0  }
0x89: {  	v1 =	vsub.s32 $0x5F3759DF, v1  }
0x8a: {  	v2 =	vmul.f32 v1, v0;
	_ =	sdelay $0x1  }
0x8b: {  	v2 =	vmul.f32 v1, v2;
	_ =	sdelay $0x1  }
0x8c: {  	v2 =	vsub.f32 $1.500000000e+00, v2;
	_ =	sdelay $0x1  }
0x8d: {  	v1 =	vmul.f32 v1, v2;
	_ =	sdelay $0x1  }
0x8e: {  	v2 =	vmul.f32 v1, v0;
	_ =	sdelay $0x1  }
0x8f: {  	v2 =	vmul.f32 v2, v1;
	_ =	sdelay $0x1  }
0x90: {  	v2 =	vsub.f32 $1.500000000e+00, v2;
	_ =	sdelay $0x1  }
0x91: {  	v1 =	vmul.f32 v2, v1;
	_ =	sdelay $0x1  }
0x92: {  	v0 =	vmul.f32 v1, v0;
	_ =	sdelay $0x1  }
0x93: {  	v0 =	vmul.f32 v0, v1;
	_ =	sdelay $0x1  }
0x94: {  	v0 =	vsub.f32 $1.500000000e+00, v0;
	_ =	sdelay $0x1  }
.Ltmp3:
0x95: {  	s7 =	sadd.s32 s5, s2;
	s5 =	smov.u32 s6;
	v0 =	vmul.f32 v0, v1;
	(pc) =	sbr.rel @p0 .LBB2_6-.Ltmp3, $4  }
0x96: {  	p1 =	slt.u32 s7, $0x2710  }
0x97: {  	v0 =	vpsel !p1, $0x0, v0  }
0x98: {  	s7 =	sand.u32 $0x3F0, s6;
	[tilespmem:s4+$0x0] =	vst v0  }
0x99: {  	s6 =	sadd.s32 $0x10, s6;
	s4 =	sadd.s32 $0x10, s4;
	v0 =	vld [tilespmem:s7+$0x7900]  }
0x9a: {  	v1 =	vld [tilespmem:s4+$0x0];
	_ =	sdelay $0x1  }
0x9b: {  	v2 =	vld [tilespmem:s7+$0x7B80];
	_ =	sdelay $0x1  }
0x9c: {  	v3 =	vld [tilespmem:s7+$0x7E00]  }
0x9d: {  	v0 =	vadd.f32 v0, v1  }
0x9e: {  	v50 =	vld [tilespmem:s7+$0x8080]  }
0x9f: {  	v0 =	vadd.f32 v2, v0  }
0xa0: {  	v51 =	vld [tilespmem:s7+$0x8300]  }
0xa1: {  	v0 =	vadd.f32 v3, v0  }
0xa2: {  	v52 =	vld [tilespmem:s7+$0x8580]  }
0xa3: {  	v0 =	vadd.f32 v50, v0  }
0xa4: {  	v53 =	vld [tilespmem:s7+$0x8800]  }
0xa5: {  	v0 =	vadd.f32 v51, v0  }
0xa6: {  	v54 =	vld [tilespmem:s7+$0x8A80]  }
0xa7: {  	v0 =	vadd.f32 v52, v0  }
0xa8: {  	v55 =	vld [tilespmem:s7+$0x8D00]  }
0xa9: {  	v0 =	vadd.f32 v53, v0  }
0xaa: {  	v56 =	vld [tilespmem:s7+$0x8F80]  }
0xab: {  	v0 =	vadd.f32 v54, v0  }
0xac: {  	v57 =	vld [tilespmem:s7+$0x9200]  }
0xad: {  	v0 =	vadd.f32 v55, v0  }
0xae: {  	v58 =	vld [tilespmem:s7+$0x9480]  }
0xaf: {  	v0 =	vadd.f32 v56, v0  }
0xb0: {  	v59 =	vld [tilespmem:s7+$0x9700]  }
0xb1: {  	v0 =	vadd.f32 v57, v0  }
0xb2: {  	v60 =	vld [tilespmem:s7+$0x9980]  }
0xb3: {  	v0 =	vadd.f32 v58, v0  }
0xb4: {  	v61 =	vld [tilespmem:s7+$0x9C00]  }
0xb5: {  	v0 =	vadd.f32 v59, v0;
	_ =	sdelay $0x1  }
0xb6: {  	v0 =	vadd.f32 v60, v0;
	_ =	sdelay $0x1  }
0xb7: {  	v0 =	vadd.f32 v61, v0;
	_ =	sdelay $0x1  }
0xb8: {  	v0 =	vadd.f32 $1.000000000e+00, v0;
	_ =	sdelay $0x1  }
0xb9: {  	v62 =	vshra.s32 v0, $0x1;
	v0 =	vmul.f32 $5.000000000e-01, v0  }
0xba: {  	v1 =	vsub.s32 $0x5F3759DF, v62  }
0xbb: {  	v63 =	vmul.f32 v1, v0;
	_ =	sdelay $0x1  }
0xbc: {  	v2 =	vmul.f32 v1, v63;
	_ =	sdelay $0x1  }
0xbd: {  	v2 =	vsub.f32 $1.500000000e+00, v2;
	_ =	sdelay $0x1  }
0xbe: {  	v1 =	vmul.f32 v1, v2;
	_ =	sdelay $0x1  }
0xbf: {  	v2 =	vmul.f32 v1, v0;
	_ =	sdelay $0x1  }
0xc0: {  	v2 =	vmul.f32 v2, v1;
	_ =	sdelay $0x1  }
0xc1: {  	v2 =	vsub.f32 $1.500000000e+00, v2;
	_ =	sdelay $0x1  }
0xc2: {  	v1 =	vmul.f32 v2, v1;
	_ =	sdelay $0x1  }
0xc3: {  	v0 =	vmul.f32 v1, v0;
	_ =	sdelay $0x1  }
0xc4: {  	v0 =	vmul.f32 v0, v1;
	_ =	sdelay $0x1  }
0xc5: {  	v0 =	vsub.f32 $1.500000000e+00, v0;
	_ =	sdelay $0x1  }
0xc6: {  	s2 =	sadd.s32 s5, s2;
	v0 =	vmul.f32 v0, v1  }
0xc7: {  	p0 =	slt.u32 s2, $0x2710  }
0xc8: {  	v0 =	vpsel !p0, $0x0, v0  }
0xc9: {  	s29 =	simm.s32 $0x0;
	s30 =	simm.s32 $0x7680;
	s31 =	simm.s32 $0x1;
	[tilespmem:s4+$0x0] =	vst v0  }
0xca: {  	[hbm4b:s3+s29] =	stream.linear.scatter [tilespmem:s30], [sflag:$0x1], $0x280, $0x38;
	[tilespmem:$0xC680] =	vst v63  }
0xcb: {  	_ =	swait.ge [sflag:s31], $0x280  }
0xcc: {  	[sflag:s31] =	ssyncset.done $0x0  }
0xcd: {  	[sflag:s31] =	ssyncadd.s32 $0xFFFFFD80  }
.LBB2_8:
0xce: {  	_ =	sfence.sel $0x180000  }
0xcf: {  	[bflag:$0x0] =	sbarrier.arrive $0xFFFF  }
0xd0: {  	p0 =	sne.s32 s1, $0x0;
	_ =	strace $0x90000047  }
0xd1: {  	s0 =	sadd.s32 @!p0 $0x100000, s0;
	[bflag:$0x2] =	sbarrier.arrive $0xFFFF  }
0xd2: {  	[sflag:s0] =	ssyncadd.tile.s32 @!p0 $0x1;
	_ =	shalt  }
.Lfunc_end2:
_tile_overlayer_lowered:
.L_overlay_start_2:
0xd3: {  	(tag) =	ssettag $0x2  }
0xd4: {  	s0 =	rddreg [dreg:$0x0];
	s2 =	stileid.u32  }
0xd5: {  	s1 =	rddreg [dreg:$0x1];
	p0 =	sne.s32 s2, $0x0  }
0xd6: {  	s3 =	rddreg [dreg:$0x2];
	[bflag:$0x3] =	sbarrier.arrive $0xFFFF;
	s2 =	simm.s32 @!p0 $0x1C01  }
0xd7: {  	[timem:s3], [sflag:s2] =	dma.local @!p0 [hbm:s0], s1  }
0xd8: {  	s0 =	simm.s32 @!p0 $0x1  }
0xd9: {  	_ =	swait.ge @!p0 [sflag:s0], s1  }
0xda: {  	s1 =	ssub.s32 @!p0 $0x0, s1;
	[sflag:s0] =	ssyncset.done @!p0 $0x0  }
0xdb: {  	[sflag:s0] =	ssyncadd.s32 @!p0 s1  }
0xdc: {  	[bflag:$0x3] =	sbarrier.arrive $0xFFFF  }
0xdd: {  	_ =	shalt  }

// kernel: kernel.13.cloned.1.call-start
scs
__scs_entry_jumppad:
0x0: {  	(pc) =	sbr.rel $0x88, $3  }
0x1: {  	(tag) =	ssettag $0x0;
	lr =	simm.s32 $0x1  }
0x2: {  	[smem:$0x3F91] =	sst lr;
	_ =	strace $0xD0000000  }
0x3: {  	_ = 	snop  }
0x4: {  	_ = 	snop  }
0x5: {  	_ = 	snop  }
0x6: {  	_ = 	snop  }
0x7: {  	_ = 	snop  }
__scs_overlays_trampoline_lowered:
0x8: {  	[smem:$0x3FA0] =	sst s0  }
0x9: {  	[smem:$0x3FA1] =	sst s1  }
0xa: {  	[smem:$0x3FA2] =	sst s2  }
0xb: {  	[smem:$0x3FA3] =	sst s3  }
0xc: {  	[smem:$0x3FA4] =	sst s4  }
0xd: {  	[smem:$0x3FA5] =	sst s5  }
0xe: {  	[smem:$0x3FA6] =	sst s6  }
0xf: {  	[smem:$0x3FA7] =	sst s7  }
0x10: {  	[smem:$0x3FA8] =	sst s8  }
0x11: {  	[smem:$0x3FA9] =	sst s9;
	s0 =	simm.s32 @!p0 $0x0  }
0x12: {  	s1 =	sld [smem:$0x3F8F];
	s0 =	simm.s32 @p0 $0x1  }
0x13: {  	[smem:$0x3FAA] =	sst s0;
	s0 =	simm.s32 @!p1 $0x0  }
0x14: {  	s2 =	sld [smem:$0x3F8E];
	s0 =	simm.s32 @p1 $0x1  }
0x15: {  	[smem:$0x3FAB] =	sst s0;
	s0 =	simm.s32 @!p2 $0x0  }
0x16: {  	s3 =	sld [smem:$0x3FDB];
	s0 =	simm.s32 @p2 $0x1  }
0x17: {  	s4 =	simm.s32 $0x1BF5;
	[smem:$0x3FAD] =	sst s0  }
0x18: {  	s0 =	sld [smem:$0x3F90];
	_ =	swait.ge [sflag:s4], $0x0  }
0x19: {  	s7 =	sld [smem:$0x3F91]  }
0x1a: {  	s8 =	sadd.s32 $0xFFFFE003, lr  }
0x1b: {  	s9 =	sadd.s32 $0xFFFFFEF7, lr;
	s5 =	simm.s32 $0xFFFFFFFF;
	p2 =	slt.u32 s8, $0xFFFFF086  }
0x1c: {  	p1 =	slt.u32 s9, $0xF7A;
	s5 =	simm.s32 @!p2 $0x0  }
0x1d: {  	s5 =	simm.s32 @p1 $0x1;
	p0 =	seq.s32 s7, s2  }
0x1e: {  	s7 =	smul.u32 @!p0 $0xF7A, s2;
	p2 =	seq.s32 @!p0 s5, $0x0  }
0x1f: {  	s9 =	smul.u32 $0xF7A, s1;
	s8 =	simm.s32 @!p0 $0x1BF5;
	p2 =	por !p2, p0  }
0x20: {  	[sflag:s8] =	ssyncset.s32 @!p0 $0xFFFFF086;
	s6 =	sadd.s32 @!p0 s3, s7;
	s7 =	simm.s32 @!p0 $0x108  }
0x21: {  	s3 =	sadd.s32 s3, s9;
	s6 =	sadd.s32 @!p0 $0x88, s6;
	s7 =	simm.s32 @p2 $0x1082  }
0x22: {  	[simem:s7], [sflag:s8] =	dma.local @!p0 [hbm:s6], $0xF7A  }
0x23: {  	s9 =	sor.u32 $0xD0000000, s2;
	s6 =	simm.s32 $0x108;
	_ =	swait.ge @!p0 [sflag:s8], $0x0  }
0x24: {  	s3 =	sadd.s32 $0x88, s3;
	s6 =	simm.s32 @!p1 $0x1082;
	[sflag:s4] =	ssyncset.s32 $0xFFFFF086  }
0x25: {  	[simem:s6], [sflag:s4] =	dma.local [hbm:s3], $0xF7A  }
0x26: {  	[smem:$0x3F91] =	sst s1;
	(tag) =	ssettag s2;
	_ =	strace s9  }
0x27: {  	s1 =	sld [smem:$0x3FA1]  }
0x28: {  	s2 =	sld [smem:$0x3FA2]  }
0x29: {  	s4 =	sld [smem:$0x3FA4]  }
0x2a: {  	p0 =	seq.s32 s5, $0x0;
	s5 =	sld [smem:$0x3FA5]  }
0x2b: {  	s6 =	sld [smem:$0x3FA6]  }
0x2c: {  	s7 =	sld [smem:$0x3FA7]  }
0x2d: {  	s3 =	simm.s32 $0x108;
	s8 =	sld [smem:$0x3FA8]  }
0x2e: {  	s3 =	simm.s32 @!p0 $0x1082;
	s9 =	sld [smem:$0x3FA9]  }
0x2f: {  	lr =	sadd.s32 s0, s3;
	s0 =	sld [smem:$0x3FA0]  }
0x30: {  	s3 =	sld [smem:$0x3FA3]  }
0x31: {  	[smem:$0x3FAC] =	sst s10  }
0x32: {  	s10 =	sld [smem:$0x3FAA];
	_ =	sdelay $0x3  }
0x33: {  	p0 =	seq.s32 s10, $0x1;
	s10 =	sld [smem:$0x3FAC];
	_ =	sdelay $0x3  }
0x34: {  	[smem:$0x3FAC] =	sst s10  }
0x35: {  	s10 =	sld [smem:$0x3FAB];
	_ =	sdelay $0x3  }
0x36: {  	p1 =	seq.s32 s10, $0x1;
	s10 =	sld [smem:$0x3FAC];
	_ =	sdelay $0x3  }
0x37: {  	[smem:$0x3FAC] =	sst s10  }
0x38: {  	s10 =	sld [smem:$0x3FAD]  }
0x39: {  	_ = 	snop;
	(pc) =	sbr.ind lr, $3  }
0x3a: {  	_ = 	snop  }
0x3b: {  	_ = 	snop  }
0x3c: {  	p2 =	seq.s32 s10, $0x1;
	s10 =	sld [smem:$0x3FAC]  }
0x3d: {  	_ =	shalt  }
0x3e: {  	_ =	shalt  }
0x3f: {  	_ =	shalt  }
0x40: {  	_ =	shalt  }
0x41: {  	_ =	shalt  }
0x42: {  	_ =	shalt  }
0x43: {  	_ =	shalt  }
0x44: {  	_ =	shalt  }
0x45: {  	_ =	shalt  }
0x46: {  	_ =	shalt  }
0x47: {  	_ =	shalt  }
0x48: {  	_ =	shalt  }
0x49: {  	_ =	shalt  }
0x4a: {  	_ =	shalt  }
0x4b: {  	_ =	shalt  }
0x4c: {  	_ =	shalt  }
0x4d: {  	_ =	shalt  }
0x4e: {  	_ =	shalt  }
0x4f: {  	_ =	shalt  }
0x50: {  	_ =	shalt  }
0x51: {  	_ =	shalt  }
0x52: {  	_ =	shalt  }
0x53: {  	_ =	shalt  }
0x54: {  	_ =	shalt  }
0x55: {  	_ =	shalt  }
0x56: {  	_ =	shalt  }
0x57: {  	_ =	shalt  }
0x58: {  	_ =	shalt  }
0x59: {  	_ =	shalt  }
0x5a: {  	_ =	shalt  }
0x5b: {  	_ =	shalt  }
0x5c: {  	_ =	shalt  }
0x5d: {  	_ =	shalt  }
0x5e: {  	_ =	shalt  }
0x5f: {  	_ =	shalt  }
0x60: {  	_ =	shalt  }
0x61: {  	_ =	shalt  }
0x62: {  	_ =	shalt  }
0x63: {  	_ =	shalt  }
0x64: {  	_ =	shalt  }
0x65: {  	_ =	shalt  }
0x66: {  	_ =	shalt  }
0x67: {  	_ =	shalt  }
0x68: {  	_ =	shalt  }
0x69: {  	_ =	shalt  }
0x6a: {  	_ =	shalt  }
0x6b: {  	_ =	shalt  }
0x6c: {  	_ =	shalt  }
0x6d: {  	_ =	shalt  }
0x6e: {  	_ =	shalt  }
0x6f: {  	_ =	shalt  }
0x70: {  	_ =	shalt  }
0x71: {  	_ =	shalt  }
0x72: {  	_ =	shalt  }
0x73: {  	_ =	shalt  }
0x74: {  	_ =	shalt  }
0x75: {  	_ =	shalt  }
0x76: {  	_ =	shalt  }
0x77: {  	_ =	shalt  }
0x78: {  	_ =	shalt  }
0x79: {  	_ =	shalt  }
0x7a: {  	_ =	shalt  }
0x7b: {  	_ =	shalt  }
0x7c: {  	_ =	shalt  }
0x7d: {  	_ =	shalt  }
0x7e: {  	_ =	shalt  }
0x7f: {  	_ =	shalt  }
0x80: {  	_ =	shalt  }
0x81: {  	_ =	shalt  }
0x82: {  	_ =	shalt  }
0x83: {  	_ =	shalt  }
0x84: {  	_ =	shalt  }
0x85: {  	_ =	shalt  }
0x86: {  	_ =	shalt  }
0x87: {  	_ =	shalt  }
.Lfunc_end0:
.L_simem_size_0:
called_computation.1_lowered:
.L_overlay_start_0:
0x88: {  	s2 =	sld [smem:$0x3FD9]  }
0x89: {  	s3 =	sld [smem:$0x3FFE];
	_ =	sdelay $0x1  }
0x8a: {  	s1 =	srdreg.scid  }
0x8b: {  	s0 =	sand.u32 $0x1, s1  }
0x8c: {  	s16 =	sshll.u32 s0, $0xA;
	s2 =	sadd.s32 s3, s2  }
0x8d: {  	s2 =	sadd.s32 s2, s16  }
0x8e: {  	[smem:$0x3FB8] =	sst s2  }
0x8f: {  	_ = 	snop  }
0x90: {  	(tm) =	ssettm $0x1  }
0x91: {  	s17 =	sld [smem:$0x3FFB];
	_ =	sdelay $0x3  }
0x92: {  	_ =	strace s17  }
0x93: {  	s2 =	sld [smem:$0x3FFC];
	_ =	sdelay $0x3  }
0x94: {  	_ =	strace s2  }
0x95: {  	s2 =	sld [smem:$0x3FFD];
	_ =	sdelay $0x3  }
0x96: {  	_ =	strace s2  }
0x97: {  	_ =	strace $0x8FFFFFFF  }
0x98: {  	s18 =	sld [smem:$0x3FDB];
	_ =	sdelay $0x1  }
0x99: {  	s19 =	simm.s32 $_scs_section_size  }
0x9a: {  	s4 =	simm.s32 $_size__tile_overlayer_lowered;
	s5 =	simm.s32 $_tile_overlayer_lowered  }
0x9b: {  	s22 =	simm.s32 $0x1BFF;
	s21 =	sshll.u32 s5, $0x1;
	s2 =	sadd.s32 s19, s18  }
0x9c: {  	s6 =	simm.s32 $0x0;
	s20 =	sshll.u32 s4, $0x1;
	s4 =	sadd.s32 s21, s2  }
0x9d: {  	[timem:s6], [sflag:s22] =	dma.local [hbm:s4], s20  }
0x9e: {  	_ =	swait.ge [sflag:s22], s20  }
0x9f: {  	s3 =	ssub.s32 $0x0, s20;
	[sflag:s22] =	ssyncset.done $0x0  }
0xa0: {  	[sflag:s22] =	ssyncadd.s32 s3;
	_ =	sdelay $0x1  }
0xa1: {  	s23 =	simm.s32 $0x1B8B  }
0xa2: {  	_ =	swait.ge [sflag:s23], $0x1  }
0xa3: {  	[sflag:s23] =	ssyncset.done $0x0  }
0xa4: {  	s25 =	simm.s32 $0x1B8E;
	s24 =	sld [smem:$0x3FFE];
	[sflag:s23] =	ssyncadd.s32 $0xFFFFFFFF  }
0xa5: {  	s26 =	simm.s32 $execute0_lowered;
	[smem:$0x3FD2] =	sst s25  }
0xa6: {  	s4 =	sshll.u32 s26, $0x1;
	_ =	strace $0x80000049;
	[dreg:$0x1] =	wrdreg $0xFFFFFFFF  }
0xa7: {  	s28 =	simm.s32 $_size_execute0_lowered;
	s2 =	sadd.s32 s2, s4;
	[dreg:$0x0] =	wrdreg $0x0  }
0xa8: {  	s4 =	sshll.u32 s28, $0x1;
	[dreg:$0x2] =	wrdreg s2  }
0xa9: {  	[dreg:$0x3] =	wrdreg s4  }
0xaa: {  	[dreg:$0x4] =	wrdreg $0xC0  }
0xab: {  	_ =	task [dreg:s6], $0x5FFFF  }
0xac: {  	[dreg:$0x1] =	wrdreg $0xFFFFFFFF  }
0xad: {  	[dreg:$0x0] =	wrdreg $0x60  }
0xae: {  	[dreg:$0x2] =	wrdreg s24  }
0xaf: {  	[dreg:$0x3] =	wrdreg $0xA1000  }
0xb0: {  	[dreg:$0x4] =	wrdreg $0x9  }
0xb1: {  	_ =	task.clear_ibuf [dreg:s6], $0x5FFFF;
	_ =	strace $0x90000049  }
0xb2: {  	s29 =	simm.s32 $0x9;
	_ =	strace $0x8000004B  }
0xb3: {  	_ =	swait.ge [sflag:s29], $0x1  }
0xb4: {  	[sflag:s29] =	ssyncadd.s32 $0xFFFFFFFF  }
0xb5: {  	_ =	strace $0x9000004B  }
0xb6: {  	_ =	sfence  }
0xb7: {  	s30 =	sld [smem:$0x0];
	_ =	sdelay $0x2  }
0xb8: {  	s31 =	sshll.u32 s1, $0xD;
	s1 =	sshrl.u32 s1, $0x2  }
0xb9: {  	s3 =	sand.u32 $0x4000, s31;
	s1 =	sadd.s32 s1, s30  }
0xba: {  	s0 =	sor.u32 s3, s0;
	s1 =	sshll.u32 s1, $0x11  }
0xbb: {  	s0 =	sor.u32 s1, s0  }
0xbc: {  	s0 =	sadd.s32 $0x8F2B, s0  }
0xbd: {  	[sflag:s0] =	ssyncadd.remote.s32 $0x1  }
0xbe: {  	_ =	sfence.sel $0xFFFF  }
0xbf: {  	[dreg:$0x0] =	wrdreg $0xFFFFFFFF;
	(pc) =	sbr.abs _section_cstart, $3  }
0xc0: {  	[dreg:$0x1] =	wrdreg $0xFFFFFFFF  }
0xc1: {  	_ =	task.clear_ibuf [dreg:s6], $0x2FFFF;
	_ =	strace $0x9FFFFFFF  }
0xc2: {  	(tm) =	ssettm $0x7FFFFFFF  }
0xc3: {  	_ =	shalt  }
tec
execute0_lowered:
.L_overlay_start_1:
0x0: {  	(tag) =	ssettag $0x1  }
0x1: {  	s0 =	srdreg.scid;
	s1 =	rddreg [dreg:$0x0]  }
0x2: {  	s2 =	rddreg [dreg:$0x1];
	s8 =	stileid.u32;
	s3 =	simm.s32 $0x0  }
0x3: {  	s28 =	simm.s32 $0x50;
	s29 =	simm.s32 $0x4F00;
	s30 =	simm.s32 $0x5000  }
0x4: {  	s31 =	simm.s32 $0x7900;
	s0 =	sand.u32 $0x1, s0;
	s6 =	smul.u32 $0x50000, s8  }
0x5: {  	[smem:$0x7FF] =	sst s3;
	s13 =	smul.u32 $0x14000, s8;
	s4 =	sshll.u32 s0, $0x4  }
0x6: {  	_ =	strace $0x8000004A;
	s7 =	ssub.s32 $0x2, s0;
	s0 =	smul.u32 $0x140000, s0  }
0x7: {  	s4 =	sor.u32 s8, s4;
	s24 =	sshrl.u32 s7, $0x1;
	s25 =	sshrl.u32 s6, $0x2  }
0x8: {  	s16 =	sor.u32 $0x2800, s13;
	s17 =	sadd.s32 $0x5000, s13;
	s18 =	sadd.s32 $0x7800, s13  }
0x9: {  	s19 =	sadd.s32 $0xA000, s13;
	s20 =	sadd.s32 $0xC800, s13;
	s21 =	sadd.s32 $0xF000, s13  }
0xa: {  	s22 =	sadd.s32 $0x11800, s13;
	s5 =	smul.u32 $0x4E2, s4;
	s4 =	sadd.s32 $0x17000, s1  }
0xb: {  	s15 =	ssub.s32 s7, s24;
	s6 =	sadd.s32 s16, s2;
	s7 =	sadd.s32 s17, s2  }
0xc: {  	s8 =	sadd.s32 s18, s2;
	s9 =	sadd.s32 s19, s2;
	s10 =	sadd.s32 s20, s2  }
0xd: {  	s11 =	sadd.s32 s21, s2;
	s12 =	sadd.s32 s22, s2;
	s13 =	sadd.s32 s13, s0  }
0xe: {  	s16 =	sadd.s32 s0, s16;
	s24 =	sadd.s32 s0, s20;
	s13 =	sshrl.u32 s13, $0x3  }
0xf: {  	s26 =	sshrl.u32 s16, $0x3;
	s16 =	sadd.s32 s0, s17;
	s17 =	sadd.s32 s0, s18  }
0x10: {  	s18 =	sadd.s32 s0, s19;
	s14 =	sadd.s32 s5, s1;
	s1 =	sadd.s32 $0x3F000, s1  }
0x11: {  	s5 =	sadd.s32 s25, s2;
	s19 =	sshrl.u32 s17, $0x3;
	s23 =	sadd.s32 $0x3400, s14  }
0x12: {  	s25 =	sadd.s32 s0, s21;
	s14 =	sadd.s32 $0xD200, s14;
	[dreg:$0x3] =	wrdreg s23  }
0x13: {  	s0 =	sadd.s32 s0, s22;
	s13 =	sadd.s32 s1, s13;
	[dreg:$0x4] =	wrdreg s14  }
0x14: {  	s0 =	sshrl.u32 s0, $0x3;
	[dreg:$0x5] =	wrdreg s13;
	s14 =	sadd.s32 s1, s26  }
0x15: {  	s13 =	sshrl.u32 s16, $0x3;
	s23 =	sshrl.u32 s18, $0x3;
	s26 =	sshrl.u32 s25, $0x3  }
0x16: {  	s22 =	sadd.s32 s1, s0;
	s25 =	simm.s32 $0x3;
	s0 =	simm.s32 $0x1  }
0x17: {  	[dreg:$0x6] =	wrdreg s14;
	s13 =	sadd.s32 s1, s13;
	s21 =	sadd.s32 s1, s26  }
0x18: {  	s26 =	simm.s32 $0x2;
	s14 =	simm.s32 $0x0;
	[dreg:$0x7] =	wrdreg s13  }
0x19: {  	s13 =	sadd.s32 s1, s19;
	s19 =	sadd.s32 s1, s23;
	s23 =	smax.u32 s15, $0x1  }
0x1a: {  	[dreg:$0x8] =	wrdreg s13;
	s13 =	sshrl.u32 s24, $0x3;
	s24 =	simm.s32 $0x5100  }
0x1b: {  	v0 =	vimm.f32 $0.0e+00;
	s20 =	sadd.s32 s1, s13;
	s1 =	simm.s32 $0x4F80;
	s13 =	simm.s32 $0x5080  }
.LBB2_1:
0x1c: {  	s15 =	sand.u32 $0xFE00, s3  }
0x1d: {  	s16 =	sand.u32 $0x70, s3;
	s17 =	sshrl.u32 s15, $0x2  }
0x1e: {  	s15 =	simm.s32 $0x40;
	s17 =	sor.u32 s16, s17;
	s16 =	simm.s32 $0x0  }
.LBB2_2:
0x1f: {  	p0 =	sne.s32 s15, $0x9FC0  }
0x20: {  	[tilespmem:s17+$0x5100] =	vst v0;
	s16 =	sadd.s32 $0x10, s16;
	s17 =	smov.u32 s15;
	s15 =	sadd.s32 $0x40, s15  }
.Ltmp0:
0x21: {  	(pc) =	sbr.rel @p0 .LBB2_2-.Ltmp0, $4  }
0x22: {  	_ = 	snop  }
0x23: {  	s17 =	sand.u32 $0xFE00, s17  }
0x24: {  	s18 =	sand.u32 $0x70, s16;
	s17 =	sshrl.u32 s17, $0x2  }
0x25: {  	s17 =	sor.u32 s18, s17  }
0x26: {  	[tilespmem:s17+$0x5100] =	vst v0  }
0x27: {  	[spmem:s5] =	stream.linear.scatter [tilespmem:s24], [sflag:$0x3], $0x2800, $0x38;
	[tilespmem:$0x1E100] =	vst v63  }
0x28: {  	_ =	swait.ge [sflag:s25], $0x2800  }
0x29: {  	[sflag:s25] =	ssyncset.done $0x0  }
0x2a: {  	[sflag:s25] =	ssyncadd.s32 $0xFFFFD800  }
0x2b: {  	[spmem:s6] =	stream.linear.scatter [tilespmem:s24], [sflag:$0x3], $0x2800, $0x38;
	[tilespmem:$0x1E100] =	vst v63  }
0x2c: {  	_ =	swait.ge [sflag:s25], $0x2800  }
0x2d: {  	[sflag:s25] =	ssyncset.done $0x0  }
0x2e: {  	[sflag:s25] =	ssyncadd.s32 $0xFFFFD800  }
0x2f: {  	[spmem:s7] =	stream.linear.scatter [tilespmem:s24], [sflag:$0x3], $0x2800, $0x38;
	[tilespmem:$0x1E100] =	vst v63  }
0x30: {  	_ =	swait.ge [sflag:s25], $0x2800  }
0x31: {  	[sflag:s25] =	ssyncset.done $0x0  }
0x32: {  	[sflag:s25] =	ssyncadd.s32 $0xFFFFD800  }
0x33: {  	[spmem:s8] =	stream.linear.scatter [tilespmem:s24], [sflag:$0x3], $0x2800, $0x38;
	[tilespmem:$0x1E100] =	vst v63  }
0x34: {  	_ =	swait.ge [sflag:s25], $0x2800  }
0x35: {  	[sflag:s25] =	ssyncset.done $0x0  }
0x36: {  	[sflag:s25] =	ssyncadd.s32 $0xFFFFD800  }
0x37: {  	[spmem:s9] =	stream.linear.scatter [tilespmem:s24], [sflag:$0x3], $0x2800, $0x38;
	[tilespmem:$0x1E100] =	vst v63  }
0x38: {  	_ =	swait.ge [sflag:s25], $0x2800  }
0x39: {  	[sflag:s25] =	ssyncset.done $0x0  }
0x3a: {  	[sflag:s25] =	ssyncadd.s32 $0xFFFFD800  }
0x3b: {  	[spmem:s10] =	stream.linear.scatter [tilespmem:s24], [sflag:$0x3], $0x2800, $0x38;
	[tilespmem:$0x1E100] =	vst v63  }
0x3c: {  	_ =	swait.ge [sflag:s25], $0x2800  }
0x3d: {  	[sflag:s25] =	ssyncset.done $0x0  }
0x3e: {  	[sflag:s25] =	ssyncadd.s32 $0xFFFFD800  }
0x3f: {  	[spmem:s11] =	stream.linear.scatter [tilespmem:s24], [sflag:$0x3], $0x2800, $0x38;
	[tilespmem:$0x1E100] =	vst v63  }
0x40: {  	_ =	swait.ge [sflag:s25], $0x2800  }
0x41: {  	[sflag:s25] =	ssyncset.done $0x0  }
0x42: {  	[sflag:s25] =	ssyncadd.s32 $0xFFFFD800  }
0x43: {  	[spmem:s12] =	stream.linear.scatter [tilespmem:s24], [sflag:$0x3], $0x2800, $0x38;
	[tilespmem:$0x1E100] =	vst v63  }
0x44: {  	_ =	swait.ge [sflag:s25], $0x2800  }
0x45: {  	[sflag:s25] =	ssyncset.done $0x0  }
0x46: {  	[sflag:s25] =	ssyncadd.s32 $0xFFFFD800  }
0x47: {  	[bflag:$0x0] =	sbarrier.arrive $0xFFFF  }
0x48: {  	s17 =	simm.s32 $0x0;
	s15 =	rddreg [dreg:$0x3]  }
0x49: {  	[tilespmem:s17], [sflag:$0x3] =	stream.linear.gather [hbm4b:s15+s17], $0x2710, $0x38;
	[tilespmem:$0x1E100] =	vst v63  }
0x4a: {  	_ =	swait.ge [sflag:s25], $0x2710  }
0x4b: {  	[sflag:s25] =	ssyncset.done $0x0  }
0x4c: {  	s16 =	simm.s32 $0x2780;
	s18 =	rddreg [dreg:$0x4];
	[sflag:s25] =	ssyncadd.s32 $0xFFFFD8F0  }
0x4d: {  	[tilespmem:s16], [sflag:$0x3] =	stream.linear.gather [hbm4b:s18+s17], $0x2710, $0x38;
	[tilespmem:$0x1E100] =	vst v63  }
0x4e: {  	_ =	swait.ge [sflag:s25], $0x2710  }
0x4f: {  	[sflag:s25] =	ssyncset.done $0x0  }
0x50: {  	[sflag:s25] =	ssyncadd.s32 $0xFFFFD8F0  }
0x51: {  	v1 =	vld [tilespmem:$0x0]  }
0x52: {  	v2 =	vld [tilespmem:$0x2780]  }
0x53: {  	v3 =	vld [tilespmem:$0x10]  }
0x54: {  	v4 =	vld [tilespmem:$0x2790]  }
0x55: {  	v5 =	vld [tilespmem:$0x20]  }
0x56: {  	v62 =	vld [tilespmem:$0x40];
	[tilespmem:$0x4F00] =	vst v1  }
0x57: {  	v63 =	vld [tilespmem:$0x27C0];
	[tilespmem:$0x4F80] =	vst v2  }
0x58: {  	v1 =	vld [tilespmem:$0x27A0];
	[tilespmem:$0x4F10] =	vst v3  }
0x59: {  	v2 =	vld [tilespmem:$0x30];
	[tilespmem:$0x4F90] =	vst v4  }
0x5a: {  	v3 =	vld [tilespmem:$0x27B0];
	[tilespmem:$0x4F20] =	vst v5  }
0x5b: {  	[tilespmem:$0x4F40] =	vst v62  }
0x5c: {  	[tilespmem:$0x4FC0] =	vst v63  }
0x5d: {  	[tilespmem:$0x4FA0] =	vst v1  }
0x5e: {  	[tilespmem:$0x4F30] =	vst v2  }
0x5f: {  	s15 =	simm.s32 $0x70;
	[tilespmem:$0x4FB0] =	vst v3  }
0x60: {  	[tilespmem:s24], [sflag:$0x1] =	stream.indirect.gather [hbm4b:s4+s28], $0x80, s29, s28, $0xb8;
	[tilespmem:$0x1E100] =	vst v63  }
0x61: {  	v1 =	vld [tilespmem:s15+$0xFFFFFFE0];
	_ =	sdelay $0x4  }
0x62: {  	s16 =	simm.s32 $0x27F0;
	[tilespmem:$0x5000] =	vst v1  }
0x63: {  	v1 =	vld [tilespmem:s16+$0xFFFFFFE0];
	_ =	sdelay $0x4  }
0x64: {  	[tilespmem:$0x5080] =	vst v1  }
0x65: {  	v1 =	vld [tilespmem:s15+$0xFFFFFFF0];
	_ =	sdelay $0x4  }
0x66: {  	[tilespmem:$0x5010] =	vst v1  }
0x67: {  	v1 =	vld [tilespmem:s16+$0xFFFFFFF0];
	_ =	sdelay $0x4  }
0x68: {  	[tilespmem:$0x5090] =	vst v1  }
0x69: {  	v1 =	vld [tilespmem:s15+$0x0];
	_ =	sdelay $0x4  }
0x6a: {  	[tilespmem:$0x5020] =	vst v1  }
0x6b: {  	v1 =	vld [tilespmem:s16+$0x0];
	_ =	sdelay $0x4  }
0x6c: {  	s17 =	sand.u32 $0x3FE0, s17;
	[tilespmem:$0x50A0] =	vst v1  }
0x6d: {  	v1 =	vld [tilespmem:s17+$0x80];
	_ =	sdelay $0x4  }
0x6e: {  	[tilespmem:$0x5030] =	vst v1  }
0x6f: {  	v1 =	vld [tilespmem:s17+$0x2800];
	_ =	sdelay $0x4  }
0x70: {  	[tilespmem:$0x50B0] =	vst v1  }
0x71: {  	v1 =	vld [tilespmem:s15+$0x20];
	_ =	sdelay $0x4  }
0x72: {  	[tilespmem:$0x5040] =	vst v1  }
0x73: {  	v1 =	vld [tilespmem:s16+$0x20];
	_ =	sdelay $0x4  }
0x74: {  	[tilespmem:$0x50C0] =	vst v1  }
0x75: {  	[tilespmem:s31], [sflag:$0x2] =	stream.indirect.gather [hbm4b:s4+s28], $0x80, s30, s28, $0xb8;
	[tilespmem:$0x1E100] =	vst v63  }
0x76: {  	_ =	swait.ge [sflag:s0], $0x2800  }
0x77: {  	[sflag:s0] =	ssyncset.done $0x0  }
0x78: {  	[sflag:s0] =	ssyncadd.s32 $0xFFFFD800  }
0x79: {  	[spmem:s2] =	stream.indirect.scatter.add.f32 [tilespmem:s24], [sflag:$0x3], $0x80, s1, s28, $0xb8;
	[tilespmem:$0x1E100] =	vst v63  }
0x7a: {  	_ =	swait.ge [sflag:s25], $0x2800  }
0x7b: {  	[sflag:s25] =	ssyncset.done $0x0  }
0x7c: {  	[sflag:s25] =	ssyncadd.s32 $0xFFFFD800  }
0x7d: {  	v1 =	vld [tilespmem:s15+$0x30];
	_ =	sdelay $0x4  }
0x7e: {  	[tilespmem:$0x4F00] =	vst v1  }
0x7f: {  	v1 =	vld [tilespmem:s16+$0x30];
	_ =	sdelay $0x4  }
0x80: {  	[tilespmem:$0x4F80] =	vst v1  }
0x81: {  	v1 =	vld [tilespmem:s15+$0x40];
	_ =	sdelay $0x4  }
0x82: {  	[tilespmem:$0x4F10] =	vst v1  }
0x83: {  	v1 =	vld [tilespmem:s16+$0x40];
	_ =	sdelay $0x4  }
0x84: {  	[tilespmem:$0x4F90] =	vst v1  }
0x85: {  	v1 =	vld [tilespmem:s15+$0x50];
	_ =	sdelay $0x4  }
0x86: {  	[tilespmem:$0x4F20] =	vst v1  }
0x87: {  	v1 =	vld [tilespmem:s16+$0x50];
	_ =	sdelay $0x4  }
0x88: {  	[tilespmem:$0x4FA0] =	vst v1  }
0x89: {  	v1 =	vld [tilespmem:s15+$0x60];
	_ =	sdelay $0x4  }
0x8a: {  	[tilespmem:$0x4F30] =	vst v1  }
0x8b: {  	v1 =	vld [tilespmem:s16+$0x60];
	_ =	sdelay $0x4  }
0x8c: {  	[tilespmem:$0x4FB0] =	vst v1  }
0x8d: {  	v1 =	vld [tilespmem:s15+$0x70];
	_ =	sdelay $0x4  }
0x8e: {  	[tilespmem:$0x4F40] =	vst v1  }
0x8f: {  	v1 =	vld [tilespmem:s16+$0x70];
	_ =	sdelay $0x4  }
0x90: {  	[tilespmem:$0x4FC0] =	vst v1  }
0x91: {  	[tilespmem:s24], [sflag:$0x1] =	stream.indirect.gather [hbm4b:s4+s28], $0x80, s29, s28, $0xb8;
	[tilespmem:$0x1E100] =	vst v63  }
0x92: {  	_ =	swait.ge [sflag:s26], $0x2800  }
0x93: {  	[sflag:s26] =	ssyncset.done $0x0  }
0x94: {  	[sflag:s26] =	ssyncadd.s32 $0xFFFFD800  }
0x95: {  	[spmem:s2] =	stream.indirect.scatter.add.f32 [tilespmem:s31], [sflag:$0x3], $0x80, s13, s28, $0xb8;
	[tilespmem:$0x1E100] =	vst v63  }
0x96: {  	_ =	swait.ge [sflag:s25], $0x2800  }
0x97: {  	s17 =	simm.s32 $0xA0;
	[sflag:s25] =	ssyncset.done $0x0  }
.LBB2_4:
0x98: {  	[sflag:s25] =	ssyncadd.s32 $0xFFFFD800;
	s16 =	sadd.s32 $0xA0, s16;
	s15 =	sadd.s32 $0xA0, s15  }
0x99: {  	p0 =	sne.s32 s17, $0x2620;
	s18 =	smov.u32 s17;
	s17 =	sadd.s32 $0xA0, s17;
	v1 =	vld [tilespmem:s15+$0xFFFFFFE0]  }
0x9a: {  	_ =	sdelay $0x3  }
0x9b: {  	[tilespmem:$0x5000] =	vst v1  }
0x9c: {  	v1 =	vld [tilespmem:s16+$0xFFFFFFE0];
	_ =	sdelay $0x4  }
0x9d: {  	[tilespmem:$0x5080] =	vst v1  }
0x9e: {  	v1 =	vld [tilespmem:s15+$0xFFFFFFF0];
	_ =	sdelay $0x4  }
0x9f: {  	[tilespmem:$0x5010] =	vst v1  }
0xa0: {  	v1 =	vld [tilespmem:s16+$0xFFFFFFF0];
	_ =	sdelay $0x4  }
0xa1: {  	[tilespmem:$0x5090] =	vst v1  }
0xa2: {  	v1 =	vld [tilespmem:s15+$0x0];
	_ =	sdelay $0x4  }
0xa3: {  	[tilespmem:$0x5020] =	vst v1  }
0xa4: {  	v1 =	vld [tilespmem:s16+$0x0];
	_ =	sdelay $0x4  }
0xa5: {  	s18 =	sand.u32 $0x3FE0, s18;
	[tilespmem:$0x50A0] =	vst v1  }
0xa6: {  	v1 =	vld [tilespmem:s18+$0x80];
	_ =	sdelay $0x4  }
0xa7: {  	[tilespmem:$0x5030] =	vst v1  }
0xa8: {  	v1 =	vld [tilespmem:s18+$0x2800];
	_ =	sdelay $0x4  }
0xa9: {  	[tilespmem:$0x50B0] =	vst v1  }
0xaa: {  	v1 =	vld [tilespmem:s15+$0x20];
	_ =	sdelay $0x4  }
0xab: {  	[tilespmem:$0x5040] =	vst v1  }
0xac: {  	v1 =	vld [tilespmem:s16+$0x20];
	_ =	sdelay $0x4  }
0xad: {  	[tilespmem:$0x50C0] =	vst v1  }
0xae: {  	[tilespmem:s31], [sflag:$0x2] =	stream.indirect.gather [hbm4b:s4+s28], $0x80, s30, s28, $0xb8;
	[tilespmem:$0x1E100] =	vst v63  }
0xaf: {  	_ =	swait.ge [sflag:s0], $0x2800  }
0xb0: {  	[sflag:s0] =	ssyncset.done $0x0  }
0xb1: {  	[sflag:s0] =	ssyncadd.s32 $0xFFFFD800  }
0xb2: {  	[spmem:s2] =	stream.indirect.scatter.add.f32 [tilespmem:s24], [sflag:$0x3], $0x80, s1, s28, $0xb8;
	[tilespmem:$0x1E100] =	vst v63  }
0xb3: {  	_ =	swait.ge [sflag:s25], $0x2800  }
0xb4: {  	[sflag:s25] =	ssyncset.done $0x0  }
0xb5: {  	[sflag:s25] =	ssyncadd.s32 $0xFFFFD800  }
0xb6: {  	v1 =	vld [tilespmem:s15+$0x30];
	_ =	sdelay $0x4  }
0xb7: {  	[tilespmem:$0x4F00] =	vst v1  }
0xb8: {  	v1 =	vld [tilespmem:s16+$0x30];
	_ =	sdelay $0x4  }
0xb9: {  	[tilespmem:$0x4F80] =	vst v1  }
0xba: {  	v1 =	vld [tilespmem:s15+$0x40];
	_ =	sdelay $0x4  }
0xbb: {  	[tilespmem:$0x4F10] =	vst v1  }
0xbc: {  	v1 =	vld [tilespmem:s16+$0x40];
	_ =	sdelay $0x4  }
0xbd: {  	[tilespmem:$0x4F90] =	vst v1  }
0xbe: {  	v1 =	vld [tilespmem:s15+$0x50];
	_ =	sdelay $0x4  }
0xbf: {  	[tilespmem:$0x4F20] =	vst v1  }
0xc0: {  	v1 =	vld [tilespmem:s16+$0x50];
	_ =	sdelay $0x4  }
0xc1: {  	[tilespmem:$0x4FA0] =	vst v1  }
0xc2: {  	v1 =	vld [tilespmem:s15+$0x60];
	_ =	sdelay $0x4  }
0xc3: {  	[tilespmem:$0x4F30] =	vst v1  }
0xc4: {  	v1 =	vld [tilespmem:s16+$0x60];
	_ =	sdelay $0x4  }
0xc5: {  	[tilespmem:$0x4FB0] =	vst v1  }
0xc6: {  	v1 =	vld [tilespmem:s15+$0x70];
	_ =	sdelay $0x4  }
0xc7: {  	[tilespmem:$0x4F40] =	vst v1  }
0xc8: {  	v1 =	vld [tilespmem:s16+$0x70];
	_ =	sdelay $0x4  }
0xc9: {  	[tilespmem:$0x4FC0] =	vst v1  }
0xca: {  	[tilespmem:s24], [sflag:$0x1] =	stream.indirect.gather [hbm4b:s4+s28], $0x80, s29, s28, $0xb8;
	[tilespmem:$0x1E100] =	vst v63  }
0xcb: {  	_ =	swait.ge [sflag:s26], $0x2800  }
.Ltmp1:
0xcc: {  	[sflag:s26] =	ssyncset.done $0x0;
	(pc) =	sbr.rel @p0 .LBB2_4-.Ltmp1, $4  }
0xcd: {  	[sflag:s26] =	ssyncadd.s32 $0xFFFFD800  }
0xce: {  	[spmem:s2] =	stream.indirect.scatter.add.f32 [tilespmem:s31], [sflag:$0x3], $0x80, s13, s28, $0xb8;
	[tilespmem:$0x1E100] =	vst v63  }
0xcf: {  	_ =	swait.ge [sflag:s25], $0x2800  }
0xd0: {  	[sflag:s25] =	ssyncset.done $0x0  }
0xd1: {  	[sflag:s25] =	ssyncadd.s32 $0xFFFFD800  }
0xd2: {  	_ =	swait.ge [sflag:s0], $0x2800  }
0xd3: {  	[sflag:s0] =	ssyncset.done $0x0  }
0xd4: {  	[sflag:s0] =	ssyncadd.s32 $0xFFFFD800  }
0xd5: {  	[spmem:s2] =	stream.indirect.scatter.add.f32 [tilespmem:s24], [sflag:$0x3], $0x80, s1, s28, $0xb8;
	[tilespmem:$0x1E100] =	vst v63  }
0xd6: {  	_ =	swait.ge [sflag:s25], $0x2800  }
0xd7: {  	[sflag:s25] =	ssyncset.done $0x0  }
0xd8: {  	[sflag:s25] =	ssyncadd.s32 $0xFFFFD800  }
0xd9: {  	[bflag:$0x0] =	sbarrier.arrive $0xFFFF  }
0xda: {  	[tilespmem:s24], [sflag:$0x3] =	stream.linear.gather [spmem:s5], $0x2800, $0x38;
	[tilespmem:$0x1E100] =	vst v63  }
0xdb: {  	_ =	swait.ge [sflag:s25], $0x2800  }
0xdc: {  	[sflag:s25] =	ssyncset.done $0x0  }
0xdd: {  	s15 =	rddreg [dreg:$0x5];
	[sflag:s25] =	ssyncadd.s32 $0xFFFFD800  }
0xde: {  	[hbm4b:s15+s3] =	stream.linear.scatter [tilespmem:s24], [sflag:$0x3], $0x2800, $0x38;
	[tilespmem:$0x1E100] =	vst v63  }
0xdf: {  	_ =	swait.ge [sflag:s25], $0x2800  }
0xe0: {  	[sflag:s25] =	ssyncset.done $0x0  }
0xe1: {  	[sflag:s25] =	ssyncadd.s32 $0xFFFFD800  }
0xe2: {  	[tilespmem:s24], [sflag:$0x3] =	stream.linear.gather [spmem:s6], $0x2800, $0x38;
	[tilespmem:$0x1E100] =	vst v63  }
0xe3: {  	_ =	swait.ge [sflag:s25], $0x2800  }
0xe4: {  	[sflag:s25] =	ssyncset.done $0x0  }
0xe5: {  	s16 =	rddreg [dreg:$0x6];
	[sflag:s25] =	ssyncadd.s32 $0xFFFFD800  }
0xe6: {  	[hbm4b:s16+s3] =	stream.linear.scatter [tilespmem:s24], [sflag:$0x3], $0x2800, $0x38;
	[tilespmem:$0x1E100] =	vst v63  }
0xe7: {  	_ =	swait.ge [sflag:s25], $0x2800  }
0xe8: {  	[sflag:s25] =	ssyncset.done $0x0  }
0xe9: {  	[sflag:s25] =	ssyncadd.s32 $0xFFFFD800  }
0xea: {  	[tilespmem:s24], [sflag:$0x3] =	stream.linear.gather [spmem:s7], $0x2800, $0x38;
	[tilespmem:$0x1E100] =	vst v63  }
0xeb: {  	_ =	swait.ge [sflag:s25], $0x2800  }
0xec: {  	[sflag:s25] =	ssyncset.done $0x0  }
0xed: {  	s17 =	rddreg [dreg:$0x7];
	[sflag:s25] =	ssyncadd.s32 $0xFFFFD800  }
0xee: {  	[hbm4b:s17+s3] =	stream.linear.scatter [tilespmem:s24], [sflag:$0x3], $0x2800, $0x38;
	[tilespmem:$0x1E100] =	vst v63  }
0xef: {  	_ =	swait.ge [sflag:s25], $0x2800  }
0xf0: {  	[sflag:s25] =	ssyncset.done $0x0  }
0xf1: {  	[sflag:s25] =	ssyncadd.s32 $0xFFFFD800  }
0xf2: {  	[tilespmem:s24], [sflag:$0x3] =	stream.linear.gather [spmem:s8], $0x2800, $0x38;
	[tilespmem:$0x1E100] =	vst v63  }
0xf3: {  	_ =	swait.ge [sflag:s25], $0x2800  }
0xf4: {  	[sflag:s25] =	ssyncset.done $0x0  }
0xf5: {  	s18 =	rddreg [dreg:$0x8];
	[sflag:s25] =	ssyncadd.s32 $0xFFFFD800  }
0xf6: {  	[hbm4b:s18+s3] =	stream.linear.scatter [tilespmem:s24], [sflag:$0x3], $0x2800, $0x38;
	[tilespmem:$0x1E100] =	vst v63  }
0xf7: {  	_ =	swait.ge [sflag:s25], $0x2800  }
0xf8: {  	[sflag:s25] =	ssyncset.done $0x0  }
0xf9: {  	[sflag:s25] =	ssyncadd.s32 $0xFFFFD800  }
0xfa: {  	[tilespmem:s24], [sflag:$0x3] =	stream.linear.gather [spmem:s9], $0x2800, $0x38;
	[tilespmem:$0x1E100] =	vst v63  }
0xfb: {  	_ =	swait.ge [sflag:s25], $0x2800  }
0xfc: {  	[sflag:s25] =	ssyncset.done $0x0  }
0xfd: {  	[sflag:s25] =	ssyncadd.s32 $0xFFFFD800  }
0xfe: {  	[hbm4b:s19+s3] =	stream.linear.scatter [tilespmem:s24], [sflag:$0x3], $0x2800, $0x38;
	[tilespmem:$0x1E100] =	vst v63  }
0xff: {  	_ =	swait.ge [sflag:s25], $0x2800  }
0x100: {  	[sflag:s25] =	ssyncset.done $0x0  }
0x101: {  	[sflag:s25] =	ssyncadd.s32 $0xFFFFD800  }
0x102: {  	[tilespmem:s24], [sflag:$0x3] =	stream.linear.gather [spmem:s10], $0x2800, $0x38;
	[tilespmem:$0x1E100] =	vst v63  }
0x103: {  	_ =	swait.ge [sflag:s25], $0x2800  }
0x104: {  	[sflag:s25] =	ssyncset.done $0x0  }
0x105: {  	[sflag:s25] =	ssyncadd.s32 $0xFFFFD800  }
0x106: {  	[hbm4b:s20+s3] =	stream.linear.scatter [tilespmem:s24], [sflag:$0x3], $0x2800, $0x38;
	[tilespmem:$0x1E100] =	vst v63  }
0x107: {  	_ =	swait.ge [sflag:s25], $0x2800  }
0x108: {  	[sflag:s25] =	ssyncset.done $0x0  }
0x109: {  	[sflag:s25] =	ssyncadd.s32 $0xFFFFD800  }
0x10a: {  	[tilespmem:s24], [sflag:$0x3] =	stream.linear.gather [spmem:s11], $0x2800, $0x38;
	[tilespmem:$0x1E100] =	vst v63  }
0x10b: {  	_ =	swait.ge [sflag:s25], $0x2800  }
0x10c: {  	[sflag:s25] =	ssyncset.done $0x0  }
0x10d: {  	[sflag:s25] =	ssyncadd.s32 $0xFFFFD800  }
0x10e: {  	[hbm4b:s21+s3] =	stream.linear.scatter [tilespmem:s24], [sflag:$0x3], $0x2800, $0x38;
	[tilespmem:$0x1E100] =	vst v63  }
0x10f: {  	_ =	swait.ge [sflag:s25], $0x2800  }
0x110: {  	[sflag:s25] =	ssyncset.done $0x0  }
0x111: {  	[sflag:s25] =	ssyncadd.s32 $0xFFFFD800  }
0x112: {  	[tilespmem:s24], [sflag:$0x3] =	stream.linear.gather [spmem:s12], $0x2800, $0x38;
	[tilespmem:$0x1E100] =	vst v63  }
0x113: {  	s14 =	sadd.s32 $0x1, s14;
	_ =	swait.ge [sflag:s25], $0x2800  }
0x114: {  	p0 =	sne.s32 s14, s23;
	[sflag:s25] =	ssyncset.done $0x0  }
.Ltmp2:
0x115: {  	[sflag:s25] =	ssyncadd.s32 $0xFFFFD800;
	(pc) =	sbr.rel @p0 .LBB2_1-.Ltmp2, $4  }
0x116: {  	[hbm4b:s22+s3] =	stream.linear.scatter [tilespmem:s24], [sflag:$0x3], $0x2800, $0x38;
	[tilespmem:$0x1E100] =	vst v63  }
0x117: {  	_ =	swait.ge [sflag:s25], $0x2800  }
0x118: {  	[sflag:s25] =	ssyncset.done $0x0  }
0x119: {  	[sflag:s25] =	ssyncadd.s32 $0xFFFFD800  }
0x11a: {  	_ =	sfence.sel $0x180000  }
0x11b: {  	[bflag:$0x0] =	sbarrier.arrive $0xFFFF  }
0x11c: {  	_ =	strace $0x9000004A  }
0x11d: {  	s0 =	stileid.u32;
	[bflag:$0x2] =	sbarrier.arrive $0xFFFF  }
0x11e: {  	p0 =	sne.s32 s0, $0x0;
	s0 =	rddreg [dreg:$0x2]  }
0x11f: {  	s0 =	sadd.s32 @!p0 $0x100000, s0  }
0x120: {  	[sflag:s0] =	ssyncadd.tile.s32 @!p0 $0x1;
	_ =	shalt  }
.Lfunc_end2:
_tile_overlayer_lowered:
.L_overlay_start_2:
0x121: {  	(tag) =	ssettag $0x2  }
0x122: {  	s0 =	rddreg [dreg:$0x0];
	s2 =	stileid.u32  }
0x123: {  	s1 =	rddreg [dreg:$0x1];
	p0 =	sne.s32 s2, $0x0  }
0x124: {  	s3 =	rddreg [dreg:$0x2];
	[bflag:$0x3] =	sbarrier.arrive $0xFFFF;
	s2 =	simm.s32 @!p0 $0x1C03  }
0x125: {  	[timem:s3], [sflag:s2] =	dma.local @!p0 [hbm:s0], s1  }
0x126: {  	s0 =	simm.s32 @!p0 $0x3  }
0x127: {  	_ =	swait.ge @!p0 [sflag:s0], s1  }
0x128: {  	s1 =	ssub.s32 @!p0 $0x0, s1;
	[sflag:s0] =	ssyncset.done @!p0 $0x0  }
0x129: {  	[sflag:s0] =	ssyncadd.s32 @!p0 s1  }
0x12a: {  	[bflag:$0x3] =	sbarrier.arrive $0xFFFF  }
0x12b: {  	_ =	shalt  }

// kernel: kernel.16.cloned.1.call-start
scs
__scs_entry_jumppad:
0x0: {  	(pc) =	sbr.rel $0x88, $3  }
0x1: {  	(tag) =	ssettag $0x0;
	lr =	simm.s32 $0x1  }
0x2: {  	[smem:$0x3F91] =	sst lr;
	_ =	strace $0xD0000000  }
0x3: {  	_ = 	snop  }
0x4: {  	_ = 	snop  }
0x5: {  	_ = 	snop  }
0x6: {  	_ = 	snop  }
0x7: {  	_ = 	snop  }
__scs_overlays_trampoline_lowered:
0x8: {  	[smem:$0x3FA0] =	sst s0  }
0x9: {  	[smem:$0x3FA1] =	sst s1  }
0xa: {  	[smem:$0x3FA2] =	sst s2  }
0xb: {  	[smem:$0x3FA3] =	sst s3  }
0xc: {  	[smem:$0x3FA4] =	sst s4  }
0xd: {  	[smem:$0x3FA5] =	sst s5  }
0xe: {  	[smem:$0x3FA6] =	sst s6  }
0xf: {  	[smem:$0x3FA7] =	sst s7  }
0x10: {  	[smem:$0x3FA8] =	sst s8  }
0x11: {  	[smem:$0x3FA9] =	sst s9;
	s0 =	simm.s32 @!p0 $0x0  }
0x12: {  	s1 =	sld [smem:$0x3F8F];
	s0 =	simm.s32 @p0 $0x1  }
0x13: {  	[smem:$0x3FAA] =	sst s0;
	s0 =	simm.s32 @!p1 $0x0  }
0x14: {  	s2 =	sld [smem:$0x3F8E];
	s0 =	simm.s32 @p1 $0x1  }
0x15: {  	[smem:$0x3FAB] =	sst s0;
	s0 =	simm.s32 @!p2 $0x0  }
0x16: {  	s3 =	sld [smem:$0x3FDB];
	s0 =	simm.s32 @p2 $0x1  }
0x17: {  	s4 =	simm.s32 $0x1BF5;
	[smem:$0x3FAD] =	sst s0  }
0x18: {  	s0 =	sld [smem:$0x3F90];
	_ =	swait.ge [sflag:s4], $0x0  }
0x19: {  	s7 =	sld [smem:$0x3F91]  }
0x1a: {  	s8 =	sadd.s32 $0xFFFFE003, lr  }
0x1b: {  	s9 =	sadd.s32 $0xFFFFFEF7, lr;
	s5 =	simm.s32 $0xFFFFFFFF;
	p2 =	slt.u32 s8, $0xFFFFF086  }
0x1c: {  	p1 =	slt.u32 s9, $0xF7A;
	s5 =	simm.s32 @!p2 $0x0  }
0x1d: {  	s5 =	simm.s32 @p1 $0x1;
	p0 =	seq.s32 s7, s2  }
0x1e: {  	s7 =	smul.u32 @!p0 $0xF7A, s2;
	p2 =	seq.s32 @!p0 s5, $0x0  }
0x1f: {  	s9 =	smul.u32 $0xF7A, s1;
	s8 =	simm.s32 @!p0 $0x1BF5;
	p2 =	por !p2, p0  }
0x20: {  	[sflag:s8] =	ssyncset.s32 @!p0 $0xFFFFF086;
	s6 =	sadd.s32 @!p0 s3, s7;
	s7 =	simm.s32 @!p0 $0x108  }
0x21: {  	s3 =	sadd.s32 s3, s9;
	s6 =	sadd.s32 @!p0 $0x88, s6;
	s7 =	simm.s32 @p2 $0x1082  }
0x22: {  	[simem:s7], [sflag:s8] =	dma.local @!p0 [hbm:s6], $0xF7A  }
0x23: {  	s9 =	sor.u32 $0xD0000000, s2;
	s6 =	simm.s32 $0x108;
	_ =	swait.ge @!p0 [sflag:s8], $0x0  }
0x24: {  	s3 =	sadd.s32 $0x88, s3;
	s6 =	simm.s32 @!p1 $0x1082;
	[sflag:s4] =	ssyncset.s32 $0xFFFFF086  }
0x25: {  	[simem:s6], [sflag:s4] =	dma.local [hbm:s3], $0xF7A  }
0x26: {  	[smem:$0x3F91] =	sst s1;
	(tag) =	ssettag s2;
	_ =	strace s9  }
0x27: {  	s1 =	sld [smem:$0x3FA1]  }
0x28: {  	s2 =	sld [smem:$0x3FA2]  }
0x29: {  	s4 =	sld [smem:$0x3FA4]  }
0x2a: {  	p0 =	seq.s32 s5, $0x0;
	s5 =	sld [smem:$0x3FA5]  }
0x2b: {  	s6 =	sld [smem:$0x3FA6]  }
0x2c: {  	s7 =	sld [smem:$0x3FA7]  }
0x2d: {  	s3 =	simm.s32 $0x108;
	s8 =	sld [smem:$0x3FA8]  }
0x2e: {  	s3 =	simm.s32 @!p0 $0x1082;
	s9 =	sld [smem:$0x3FA9]  }
0x2f: {  	lr =	sadd.s32 s0, s3;
	s0 =	sld [smem:$0x3FA0]  }
0x30: {  	s3 =	sld [smem:$0x3FA3]  }
0x31: {  	[smem:$0x3FAC] =	sst s10  }
0x32: {  	s10 =	sld [smem:$0x3FAA];
	_ =	sdelay $0x3  }
0x33: {  	p0 =	seq.s32 s10, $0x1;
	s10 =	sld [smem:$0x3FAC];
	_ =	sdelay $0x3  }
0x34: {  	[smem:$0x3FAC] =	sst s10  }
0x35: {  	s10 =	sld [smem:$0x3FAB];
	_ =	sdelay $0x3  }
0x36: {  	p1 =	seq.s32 s10, $0x1;
	s10 =	sld [smem:$0x3FAC];
	_ =	sdelay $0x3  }
0x37: {  	[smem:$0x3FAC] =	sst s10  }
0x38: {  	s10 =	sld [smem:$0x3FAD]  }
0x39: {  	_ = 	snop;
	(pc) =	sbr.ind lr, $3  }
0x3a: {  	_ = 	snop  }
0x3b: {  	_ = 	snop  }
0x3c: {  	p2 =	seq.s32 s10, $0x1;
	s10 =	sld [smem:$0x3FAC]  }
0x3d: {  	_ =	shalt  }
0x3e: {  	_ =	shalt  }
0x3f: {  	_ =	shalt  }
0x40: {  	_ =	shalt  }
0x41: {  	_ =	shalt  }
0x42: {  	_ =	shalt  }
0x43: {  	_ =	shalt  }
0x44: {  	_ =	shalt  }
0x45: {  	_ =	shalt  }
0x46: {  	_ =	shalt  }
0x47: {  	_ =	shalt  }
0x48: {  	_ =	shalt  }
0x49: {  	_ =	shalt  }
0x4a: {  	_ =	shalt  }
0x4b: {  	_ =	shalt  }
0x4c: {  	_ =	shalt  }
0x4d: {  	_ =	shalt  }
0x4e: {  	_ =	shalt  }
0x4f: {  	_ =	shalt  }
0x50: {  	_ =	shalt  }
0x51: {  	_ =	shalt  }
0x52: {  	_ =	shalt  }
0x53: {  	_ =	shalt  }
0x54: {  	_ =	shalt  }
0x55: {  	_ =	shalt  }
0x56: {  	_ =	shalt  }
0x57: {  	_ =	shalt  }
0x58: {  	_ =	shalt  }
0x59: {  	_ =	shalt  }
0x5a: {  	_ =	shalt  }
0x5b: {  	_ =	shalt  }
0x5c: {  	_ =	shalt  }
0x5d: {  	_ =	shalt  }
0x5e: {  	_ =	shalt  }
0x5f: {  	_ =	shalt  }
0x60: {  	_ =	shalt  }
0x61: {  	_ =	shalt  }
0x62: {  	_ =	shalt  }
0x63: {  	_ =	shalt  }
0x64: {  	_ =	shalt  }
0x65: {  	_ =	shalt  }
0x66: {  	_ =	shalt  }
0x67: {  	_ =	shalt  }
0x68: {  	_ =	shalt  }
0x69: {  	_ =	shalt  }
0x6a: {  	_ =	shalt  }
0x6b: {  	_ =	shalt  }
0x6c: {  	_ =	shalt  }
0x6d: {  	_ =	shalt  }
0x6e: {  	_ =	shalt  }
0x6f: {  	_ =	shalt  }
0x70: {  	_ =	shalt  }
0x71: {  	_ =	shalt  }
0x72: {  	_ =	shalt  }
0x73: {  	_ =	shalt  }
0x74: {  	_ =	shalt  }
0x75: {  	_ =	shalt  }
0x76: {  	_ =	shalt  }
0x77: {  	_ =	shalt  }
0x78: {  	_ =	shalt  }
0x79: {  	_ =	shalt  }
0x7a: {  	_ =	shalt  }
0x7b: {  	_ =	shalt  }
0x7c: {  	_ =	shalt  }
0x7d: {  	_ =	shalt  }
0x7e: {  	_ =	shalt  }
0x7f: {  	_ =	shalt  }
0x80: {  	_ =	shalt  }
0x81: {  	_ =	shalt  }
0x82: {  	_ =	shalt  }
0x83: {  	_ =	shalt  }
0x84: {  	_ =	shalt  }
0x85: {  	_ =	shalt  }
0x86: {  	_ =	shalt  }
0x87: {  	_ =	shalt  }
.Lfunc_end0:
.L_simem_size_0:
called_computation.2_lowered:
.L_overlay_start_0:
0x88: {  	s2 =	sld [smem:$0x3FD9]  }
0x89: {  	s3 =	sld [smem:$0x3FFE];
	_ =	sdelay $0x1  }
0x8a: {  	s1 =	srdreg.scid  }
0x8b: {  	s0 =	sand.u32 $0x1, s1  }
0x8c: {  	s16 =	sshll.u32 s0, $0xA;
	s2 =	sadd.s32 s3, s2  }
0x8d: {  	s2 =	sadd.s32 s2, s16  }
0x8e: {  	[smem:$0x3FB8] =	sst s2  }
0x8f: {  	_ = 	snop  }
0x90: {  	(tm) =	ssettm $0x1  }
0x91: {  	s17 =	sld [smem:$0x3FFB];
	_ =	sdelay $0x3  }
0x92: {  	_ =	strace s17  }
0x93: {  	s2 =	sld [smem:$0x3FFC];
	_ =	sdelay $0x3  }
0x94: {  	_ =	strace s2  }
0x95: {  	s2 =	sld [smem:$0x3FFD];
	_ =	sdelay $0x3  }
0x96: {  	_ =	strace s2  }
0x97: {  	_ =	strace $0x8FFFFFFF  }
0x98: {  	s18 =	sld [smem:$0x3FDB];
	_ =	sdelay $0x1  }
0x99: {  	s19 =	simm.s32 $_scs_section_size  }
0x9a: {  	s4 =	simm.s32 $_size__tile_overlayer_lowered;
	s5 =	simm.s32 $_tile_overlayer_lowered  }
0x9b: {  	s22 =	simm.s32 $0x1BFF;
	s21 =	sshll.u32 s5, $0x1;
	s2 =	sadd.s32 s19, s18  }
0x9c: {  	s6 =	simm.s32 $0x0;
	s20 =	sshll.u32 s4, $0x1;
	s4 =	sadd.s32 s21, s2  }
0x9d: {  	[timem:s6], [sflag:s22] =	dma.local [hbm:s4], s20  }
0x9e: {  	_ =	swait.ge [sflag:s22], s20  }
0x9f: {  	s3 =	ssub.s32 $0x0, s20;
	[sflag:s22] =	ssyncset.done $0x0  }
0xa0: {  	[sflag:s22] =	ssyncadd.s32 s3;
	_ =	sdelay $0x1  }
0xa1: {  	s23 =	simm.s32 $0x1B8B  }
0xa2: {  	_ =	swait.ge [sflag:s23], $0x1  }
0xa3: {  	[sflag:s23] =	ssyncset.done $0x0  }
0xa4: {  	s25 =	simm.s32 $0x1B8E;
	s24 =	sld [smem:$0x3FFE];
	[sflag:s23] =	ssyncadd.s32 $0xFFFFFFFF  }
0xa5: {  	s26 =	simm.s32 $execute0_lowered;
	[smem:$0x3FD2] =	sst s25  }
0xa6: {  	s4 =	sshll.u32 s26, $0x1;
	_ =	strace $0x8000004C;
	[dreg:$0x1] =	wrdreg $0xFFFFFFFF  }
0xa7: {  	s28 =	simm.s32 $_size_execute0_lowered;
	s2 =	sadd.s32 s2, s4;
	[dreg:$0x0] =	wrdreg $0x0  }
0xa8: {  	s4 =	sshll.u32 s28, $0x1;
	[dreg:$0x2] =	wrdreg s2  }
0xa9: {  	[dreg:$0x3] =	wrdreg s4  }
0xaa: {  	[dreg:$0x4] =	wrdreg $0xC0  }
0xab: {  	_ =	task [dreg:s6], $0x5FFFF  }
0xac: {  	[dreg:$0x1] =	wrdreg $0xFFFFFFFF  }
0xad: {  	[dreg:$0x0] =	wrdreg $0x60  }
0xae: {  	[dreg:$0x2] =	wrdreg s24  }
0xaf: {  	[dreg:$0x3] =	wrdreg $0xA1000  }
0xb0: {  	[dreg:$0x4] =	wrdreg $0x9  }
0xb1: {  	_ =	task.clear_ibuf [dreg:s6], $0x5FFFF;
	_ =	strace $0x9000004C  }
0xb2: {  	s29 =	simm.s32 $0x9;
	_ =	strace $0x8000004E  }
0xb3: {  	_ =	swait.ge [sflag:s29], $0x1  }
0xb4: {  	[sflag:s29] =	ssyncadd.s32 $0xFFFFFFFF  }
0xb5: {  	_ =	strace $0x9000004E  }
0xb6: {  	_ =	sfence  }
0xb7: {  	s30 =	sld [smem:$0x0];
	_ =	sdelay $0x2  }
0xb8: {  	s31 =	sshll.u32 s1, $0xD;
	s1 =	sshrl.u32 s1, $0x2  }
0xb9: {  	s3 =	sand.u32 $0x4000, s31;
	s1 =	sadd.s32 s1, s30  }
0xba: {  	s0 =	sor.u32 s3, s0;
	s1 =	sshll.u32 s1, $0x11  }
0xbb: {  	s0 =	sor.u32 s1, s0  }
0xbc: {  	s0 =	sadd.s32 $0x8F2B, s0  }
0xbd: {  	[sflag:s0] =	ssyncadd.remote.s32 $0x1  }
0xbe: {  	_ =	sfence.sel $0xFFFF  }
0xbf: {  	[dreg:$0x0] =	wrdreg $0xFFFFFFFF;
	(pc) =	sbr.abs _section_cstart, $3  }
0xc0: {  	[dreg:$0x1] =	wrdreg $0xFFFFFFFF  }
0xc1: {  	_ =	task.clear_ibuf [dreg:s6], $0x2FFFF;
	_ =	strace $0x9FFFFFFF  }
0xc2: {  	(tm) =	ssettm $0x7FFFFFFF  }
0xc3: {  	_ =	shalt  }
tec
execute0_lowered:
.L_overlay_start_1:
0x0: {  	(tag) =	ssettag $0x1  }
0x1: {  	s0 =	srdreg.scid;
	s1 =	rddreg [dreg:$0x0]  }
0x2: {  	s2 =	rddreg [dreg:$0x1];
	s8 =	stileid.u32;
	s3 =	simm.s32 $0x0  }
0x3: {  	s28 =	simm.s32 $0x50;
	s29 =	simm.s32 $0x4F00;
	s30 =	simm.s32 $0x5000  }
0x4: {  	s31 =	simm.s32 $0x7900;
	s0 =	sand.u32 $0x1, s0;
	s6 =	smul.u32 $0x50000, s8  }
0x5: {  	[smem:$0x7FF] =	sst s3;
	s13 =	smul.u32 $0x14000, s8;
	s4 =	sshll.u32 s0, $0x4  }
0x6: {  	_ =	strace $0x8000004D;
	s7 =	ssub.s32 $0x2, s0;
	s0 =	smul.u32 $0x140000, s0  }
0x7: {  	s4 =	sor.u32 s8, s4;
	s24 =	sshrl.u32 s7, $0x1;
	s25 =	sshrl.u32 s6, $0x2  }
0x8: {  	s16 =	sor.u32 $0x2800, s13;
	s17 =	sadd.s32 $0x5000, s13;
	s18 =	sadd.s32 $0x7800, s13  }
0x9: {  	s19 =	sadd.s32 $0xA000, s13;
	s20 =	sadd.s32 $0xC800, s13;
	s21 =	sadd.s32 $0xF000, s13  }
0xa: {  	s22 =	sadd.s32 $0x11800, s13;
	s5 =	smul.u32 $0x4E2, s4;
	s4 =	sadd.s32 $0x17000, s1  }
0xb: {  	s15 =	ssub.s32 s7, s24;
	s6 =	sadd.s32 s16, s2;
	s7 =	sadd.s32 s17, s2  }
0xc: {  	s8 =	sadd.s32 s18, s2;
	s9 =	sadd.s32 s19, s2;
	s10 =	sadd.s32 s20, s2  }
0xd: {  	s11 =	sadd.s32 s21, s2;
	s12 =	sadd.s32 s22, s2;
	s13 =	sadd.s32 s13, s0  }
0xe: {  	s16 =	sadd.s32 s0, s16;
	s24 =	sadd.s32 s0, s20;
	s13 =	sshrl.u32 s13, $0x3  }
0xf: {  	s26 =	sshrl.u32 s16, $0x3;
	s16 =	sadd.s32 s0, s17;
	s17 =	sadd.s32 s0, s18  }
0x10: {  	s18 =	sadd.s32 s0, s19;
	s14 =	sadd.s32 s5, s1;
	s1 =	sadd.s32 $0x3F000, s1  }
0x11: {  	s5 =	sadd.s32 s25, s2;
	s19 =	sshrl.u32 s17, $0x3;
	s23 =	sadd.s32 $0x3400, s14  }
0x12: {  	s25 =	sadd.s32 s0, s21;
	s14 =	sadd.s32 $0xD200, s14;
	[dreg:$0x3] =	wrdreg s23  }
0x13: {  	s0 =	sadd.s32 s0, s22;
	s13 =	sadd.s32 s1, s13;
	[dreg:$0x4] =	wrdreg s14  }
0x14: {  	s0 =	sshrl.u32 s0, $0x3;
	[dreg:$0x5] =	wrdreg s13;
	s14 =	sadd.s32 s1, s26  }
0x15: {  	s13 =	sshrl.u32 s16, $0x3;
	s23 =	sshrl.u32 s18, $0x3;
	s26 =	sshrl.u32 s25, $0x3  }
0x16: {  	s22 =	sadd.s32 s1, s0;
	s25 =	simm.s32 $0x3;
	s0 =	simm.s32 $0x1  }
0x17: {  	[dreg:$0x6] =	wrdreg s14;
	s13 =	sadd.s32 s1, s13;
	s21 =	sadd.s32 s1, s26  }
0x18: {  	s26 =	simm.s32 $0x2;
	s14 =	simm.s32 $0x0;
	[dreg:$0x7] =	wrdreg s13  }
0x19: {  	s13 =	sadd.s32 s1, s19;
	s19 =	sadd.s32 s1, s23;
	s23 =	smax.u32 s15, $0x1  }
0x1a: {  	[dreg:$0x8] =	wrdreg s13;
	s13 =	sshrl.u32 s24, $0x3;
	s24 =	simm.s32 $0x5100  }
0x1b: {  	v0 =	vimm.f32 $0.0e+00;
	s20 =	sadd.s32 s1, s13;
	s1 =	simm.s32 $0x4F80;
	s13 =	simm.s32 $0x5080  }
.LBB2_1:
0x1c: {  	s15 =	sand.u32 $0xFE00, s3  }
0x1d: {  	s16 =	sand.u32 $0x70, s3;
	s17 =	sshrl.u32 s15, $0x2  }
0x1e: {  	s15 =	simm.s32 $0x40;
	s17 =	sor.u32 s16, s17;
	s16 =	simm.s32 $0x0  }
.LBB2_2:
0x1f: {  	p0 =	sne.s32 s15, $0x9FC0  }
0x20: {  	[tilespmem:s17+$0x5100] =	vst v0;
	s16 =	sadd.s32 $0x10, s16;
	s17 =	smov.u32 s15;
	s15 =	sadd.s32 $0x40, s15  }
.Ltmp0:
0x21: {  	(pc) =	sbr.rel @p0 .LBB2_2-.Ltmp0, $4  }
0x22: {  	_ = 	snop  }
0x23: {  	s17 =	sand.u32 $0xFE00, s17  }
0x24: {  	s18 =	sand.u32 $0x70, s16;
	s17 =	sshrl.u32 s17, $0x2  }
0x25: {  	s17 =	sor.u32 s18, s17  }
0x26: {  	[tilespmem:s17+$0x5100] =	vst v0  }
0x27: {  	[spmem:s5] =	stream.linear.scatter [tilespmem:s24], [sflag:$0x3], $0x2800, $0x38;
	[tilespmem:$0x1E100] =	vst v63  }
0x28: {  	_ =	swait.ge [sflag:s25], $0x2800  }
0x29: {  	[sflag:s25] =	ssyncset.done $0x0  }
0x2a: {  	[sflag:s25] =	ssyncadd.s32 $0xFFFFD800  }
0x2b: {  	[spmem:s6] =	stream.linear.scatter [tilespmem:s24], [sflag:$0x3], $0x2800, $0x38;
	[tilespmem:$0x1E100] =	vst v63  }
0x2c: {  	_ =	swait.ge [sflag:s25], $0x2800  }
0x2d: {  	[sflag:s25] =	ssyncset.done $0x0  }
0x2e: {  	[sflag:s25] =	ssyncadd.s32 $0xFFFFD800  }
0x2f: {  	[spmem:s7] =	stream.linear.scatter [tilespmem:s24], [sflag:$0x3], $0x2800, $0x38;
	[tilespmem:$0x1E100] =	vst v63  }
0x30: {  	_ =	swait.ge [sflag:s25], $0x2800  }
0x31: {  	[sflag:s25] =	ssyncset.done $0x0  }
0x32: {  	[sflag:s25] =	ssyncadd.s32 $0xFFFFD800  }
0x33: {  	[spmem:s8] =	stream.linear.scatter [tilespmem:s24], [sflag:$0x3], $0x2800, $0x38;
	[tilespmem:$0x1E100] =	vst v63  }
0x34: {  	_ =	swait.ge [sflag:s25], $0x2800  }
0x35: {  	[sflag:s25] =	ssyncset.done $0x0  }
0x36: {  	[sflag:s25] =	ssyncadd.s32 $0xFFFFD800  }
0x37: {  	[spmem:s9] =	stream.linear.scatter [tilespmem:s24], [sflag:$0x3], $0x2800, $0x38;
	[tilespmem:$0x1E100] =	vst v63  }
0x38: {  	_ =	swait.ge [sflag:s25], $0x2800  }
0x39: {  	[sflag:s25] =	ssyncset.done $0x0  }
0x3a: {  	[sflag:s25] =	ssyncadd.s32 $0xFFFFD800  }
0x3b: {  	[spmem:s10] =	stream.linear.scatter [tilespmem:s24], [sflag:$0x3], $0x2800, $0x38;
	[tilespmem:$0x1E100] =	vst v63  }
0x3c: {  	_ =	swait.ge [sflag:s25], $0x2800  }
0x3d: {  	[sflag:s25] =	ssyncset.done $0x0  }
0x3e: {  	[sflag:s25] =	ssyncadd.s32 $0xFFFFD800  }
0x3f: {  	[spmem:s11] =	stream.linear.scatter [tilespmem:s24], [sflag:$0x3], $0x2800, $0x38;
	[tilespmem:$0x1E100] =	vst v63  }
0x40: {  	_ =	swait.ge [sflag:s25], $0x2800  }
0x41: {  	[sflag:s25] =	ssyncset.done $0x0  }
0x42: {  	[sflag:s25] =	ssyncadd.s32 $0xFFFFD800  }
0x43: {  	[spmem:s12] =	stream.linear.scatter [tilespmem:s24], [sflag:$0x3], $0x2800, $0x38;
	[tilespmem:$0x1E100] =	vst v63  }
0x44: {  	_ =	swait.ge [sflag:s25], $0x2800  }
0x45: {  	[sflag:s25] =	ssyncset.done $0x0  }
0x46: {  	[sflag:s25] =	ssyncadd.s32 $0xFFFFD800  }
0x47: {  	[bflag:$0x0] =	sbarrier.arrive $0xFFFF  }
0x48: {  	s17 =	simm.s32 $0x0;
	s15 =	rddreg [dreg:$0x3]  }
0x49: {  	[tilespmem:s17], [sflag:$0x3] =	stream.linear.gather [hbm4b:s15+s17], $0x2710, $0x38;
	[tilespmem:$0x1E100] =	vst v63  }
0x4a: {  	_ =	swait.ge [sflag:s25], $0x2710  }
0x4b: {  	[sflag:s25] =	ssyncset.done $0x0  }
0x4c: {  	s16 =	simm.s32 $0x2780;
	s18 =	rddreg [dreg:$0x4];
	[sflag:s25] =	ssyncadd.s32 $0xFFFFD8F0  }
0x4d: {  	[tilespmem:s16], [sflag:$0x3] =	stream.linear.gather [hbm4b:s18+s17], $0x2710, $0x38;
	[tilespmem:$0x1E100] =	vst v63  }
0x4e: {  	_ =	swait.ge [sflag:s25], $0x2710  }
0x4f: {  	[sflag:s25] =	ssyncset.done $0x0  }
0x50: {  	[sflag:s25] =	ssyncadd.s32 $0xFFFFD8F0  }
0x51: {  	v1 =	vld [tilespmem:$0x0]  }
0x52: {  	v2 =	vld [tilespmem:$0x2780]  }
0x53: {  	v3 =	vld [tilespmem:$0x10]  }
0x54: {  	v4 =	vld [tilespmem:$0x2790]  }
0x55: {  	v5 =	vld [tilespmem:$0x20]  }
0x56: {  	v62 =	vld [tilespmem:$0x40];
	[tilespmem:$0x4F00] =	vst v1  }
0x57: {  	v63 =	vld [tilespmem:$0x27C0];
	[tilespmem:$0x4F80] =	vst v2  }
0x58: {  	v1 =	vld [tilespmem:$0x27A0];
	[tilespmem:$0x4F10] =	vst v3  }
0x59: {  	v2 =	vld [tilespmem:$0x30];
	[tilespmem:$0x4F90] =	vst v4  }
0x5a: {  	v3 =	vld [tilespmem:$0x27B0];
	[tilespmem:$0x4F20] =	vst v5  }
0x5b: {  	[tilespmem:$0x4F40] =	vst v62  }
0x5c: {  	[tilespmem:$0x4FC0] =	vst v63  }
0x5d: {  	[tilespmem:$0x4FA0] =	vst v1  }
0x5e: {  	[tilespmem:$0x4F30] =	vst v2  }
0x5f: {  	s15 =	simm.s32 $0x70;
	[tilespmem:$0x4FB0] =	vst v3  }
0x60: {  	[tilespmem:s24], [sflag:$0x1] =	stream.indirect.gather [hbm4b:s4+s28], $0x80, s29, s28, $0xb8;
	[tilespmem:$0x1E100] =	vst v63  }
0x61: {  	v1 =	vld [tilespmem:s15+$0xFFFFFFE0];
	_ =	sdelay $0x4  }
0x62: {  	s16 =	simm.s32 $0x27F0;
	[tilespmem:$0x5000] =	vst v1  }
0x63: {  	v1 =	vld [tilespmem:s16+$0xFFFFFFE0];
	_ =	sdelay $0x4  }
0x64: {  	[tilespmem:$0x5080] =	vst v1  }
0x65: {  	v1 =	vld [tilespmem:s15+$0xFFFFFFF0];
	_ =	sdelay $0x4  }
0x66: {  	[tilespmem:$0x5010] =	vst v1  }
0x67: {  	v1 =	vld [tilespmem:s16+$0xFFFFFFF0];
	_ =	sdelay $0x4  }
0x68: {  	[tilespmem:$0x5090] =	vst v1  }
0x69: {  	v1 =	vld [tilespmem:s15+$0x0];
	_ =	sdelay $0x4  }
0x6a: {  	[tilespmem:$0x5020] =	vst v1  }
0x6b: {  	v1 =	vld [tilespmem:s16+$0x0];
	_ =	sdelay $0x4  }
0x6c: {  	s17 =	sand.u32 $0x3FE0, s17;
	[tilespmem:$0x50A0] =	vst v1  }
0x6d: {  	v1 =	vld [tilespmem:s17+$0x80];
	_ =	sdelay $0x4  }
0x6e: {  	[tilespmem:$0x5030] =	vst v1  }
0x6f: {  	v1 =	vld [tilespmem:s17+$0x2800];
	_ =	sdelay $0x4  }
0x70: {  	[tilespmem:$0x50B0] =	vst v1  }
0x71: {  	v1 =	vld [tilespmem:s15+$0x20];
	_ =	sdelay $0x4  }
0x72: {  	[tilespmem:$0x5040] =	vst v1  }
0x73: {  	v1 =	vld [tilespmem:s16+$0x20];
	_ =	sdelay $0x4  }
0x74: {  	[tilespmem:$0x50C0] =	vst v1  }
0x75: {  	[tilespmem:s31], [sflag:$0x2] =	stream.indirect.gather [hbm4b:s4+s28], $0x80, s30, s28, $0xb8;
	[tilespmem:$0x1E100] =	vst v63  }
0x76: {  	_ =	swait.ge [sflag:s0], $0x2800  }
0x77: {  	[sflag:s0] =	ssyncset.done $0x0  }
0x78: {  	[sflag:s0] =	ssyncadd.s32 $0xFFFFD800  }
0x79: {  	[spmem:s2] =	stream.indirect.scatter.add.f32 [tilespmem:s24], [sflag:$0x3], $0x80, s1, s28, $0xb8;
	[tilespmem:$0x1E100] =	vst v63  }
0x7a: {  	_ =	swait.ge [sflag:s25], $0x2800  }
0x7b: {  	[sflag:s25] =	ssyncset.done $0x0  }
0x7c: {  	[sflag:s25] =	ssyncadd.s32 $0xFFFFD800  }
0x7d: {  	v1 =	vld [tilespmem:s15+$0x30];
	_ =	sdelay $0x4  }
0x7e: {  	[tilespmem:$0x4F00] =	vst v1  }
0x7f: {  	v1 =	vld [tilespmem:s16+$0x30];
	_ =	sdelay $0x4  }
0x80: {  	[tilespmem:$0x4F80] =	vst v1  }
0x81: {  	v1 =	vld [tilespmem:s15+$0x40];
	_ =	sdelay $0x4  }
0x82: {  	[tilespmem:$0x4F10] =	vst v1  }
0x83: {  	v1 =	vld [tilespmem:s16+$0x40];
	_ =	sdelay $0x4  }
0x84: {  	[tilespmem:$0x4F90] =	vst v1  }
0x85: {  	v1 =	vld [tilespmem:s15+$0x50];
	_ =	sdelay $0x4  }
0x86: {  	[tilespmem:$0x4F20] =	vst v1  }
0x87: {  	v1 =	vld [tilespmem:s16+$0x50];
	_ =	sdelay $0x4  }
0x88: {  	[tilespmem:$0x4FA0] =	vst v1  }
0x89: {  	v1 =	vld [tilespmem:s15+$0x60];
	_ =	sdelay $0x4  }
0x8a: {  	[tilespmem:$0x4F30] =	vst v1  }
0x8b: {  	v1 =	vld [tilespmem:s16+$0x60];
	_ =	sdelay $0x4  }
0x8c: {  	[tilespmem:$0x4FB0] =	vst v1  }
0x8d: {  	v1 =	vld [tilespmem:s15+$0x70];
	_ =	sdelay $0x4  }
0x8e: {  	[tilespmem:$0x4F40] =	vst v1  }
0x8f: {  	v1 =	vld [tilespmem:s16+$0x70];
	_ =	sdelay $0x4  }
0x90: {  	[tilespmem:$0x4FC0] =	vst v1  }
0x91: {  	[tilespmem:s24], [sflag:$0x1] =	stream.indirect.gather [hbm4b:s4+s28], $0x80, s29, s28, $0xb8;
	[tilespmem:$0x1E100] =	vst v63  }
0x92: {  	_ =	swait.ge [sflag:s26], $0x2800  }
0x93: {  	[sflag:s26] =	ssyncset.done $0x0  }
0x94: {  	[sflag:s26] =	ssyncadd.s32 $0xFFFFD800  }
0x95: {  	[spmem:s2] =	stream.indirect.scatter.add.f32 [tilespmem:s31], [sflag:$0x3], $0x80, s13, s28, $0xb8;
	[tilespmem:$0x1E100] =	vst v63  }
0x96: {  	_ =	swait.ge [sflag:s25], $0x2800  }
0x97: {  	s17 =	simm.s32 $0xA0;
	[sflag:s25] =	ssyncset.done $0x0  }
.LBB2_4:
0x98: {  	[sflag:s25] =	ssyncadd.s32 $0xFFFFD800;
	s16 =	sadd.s32 $0xA0, s16;
	s15 =	sadd.s32 $0xA0, s15  }
0x99: {  	p0 =	sne.s32 s17, $0x2620;
	s18 =	smov.u32 s17;
	s17 =	sadd.s32 $0xA0, s17;
	v1 =	vld [tilespmem:s15+$0xFFFFFFE0]  }
0x9a: {  	_ =	sdelay $0x3  }
0x9b: {  	[tilespmem:$0x5000] =	vst v1  }
0x9c: {  	v1 =	vld [tilespmem:s16+$0xFFFFFFE0];
	_ =	sdelay $0x4  }
0x9d: {  	[tilespmem:$0x5080] =	vst v1  }
0x9e: {  	v1 =	vld [tilespmem:s15+$0xFFFFFFF0];
	_ =	sdelay $0x4  }
0x9f: {  	[tilespmem:$0x5010] =	vst v1  }
0xa0: {  	v1 =	vld [tilespmem:s16+$0xFFFFFFF0];
	_ =	sdelay $0x4  }
0xa1: {  	[tilespmem:$0x5090] =	vst v1  }
0xa2: {  	v1 =	vld [tilespmem:s15+$0x0];
	_ =	sdelay $0x4  }
0xa3: {  	[tilespmem:$0x5020] =	vst v1  }
0xa4: {  	v1 =	vld [tilespmem:s16+$0x0];
	_ =	sdelay $0x4  }
0xa5: {  	s18 =	sand.u32 $0x3FE0, s18;
	[tilespmem:$0x50A0] =	vst v1  }
0xa6: {  	v1 =	vld [tilespmem:s18+$0x80];
	_ =	sdelay $0x4  }
0xa7: {  	[tilespmem:$0x5030] =	vst v1  }
0xa8: {  	v1 =	vld [tilespmem:s18+$0x2800];
	_ =	sdelay $0x4  }
0xa9: {  	[tilespmem:$0x50B0] =	vst v1  }
0xaa: {  	v1 =	vld [tilespmem:s15+$0x20];
	_ =	sdelay $0x4  }
0xab: {  	[tilespmem:$0x5040] =	vst v1  }
0xac: {  	v1 =	vld [tilespmem:s16+$0x20];
	_ =	sdelay $0x4  }
0xad: {  	[tilespmem:$0x50C0] =	vst v1  }
0xae: {  	[tilespmem:s31], [sflag:$0x2] =	stream.indirect.gather [hbm4b:s4+s28], $0x80, s30, s28, $0xb8;
	[tilespmem:$0x1E100] =	vst v63  }
0xaf: {  	_ =	swait.ge [sflag:s0], $0x2800  }
0xb0: {  	[sflag:s0] =	ssyncset.done $0x0  }
0xb1: {  	[sflag:s0] =	ssyncadd.s32 $0xFFFFD800  }
0xb2: {  	[spmem:s2] =	stream.indirect.scatter.add.f32 [tilespmem:s24], [sflag:$0x3], $0x80, s1, s28, $0xb8;
	[tilespmem:$0x1E100] =	vst v63  }
0xb3: {  	_ =	swait.ge [sflag:s25], $0x2800  }
0xb4: {  	[sflag:s25] =	ssyncset.done $0x0  }
0xb5: {  	[sflag:s25] =	ssyncadd.s32 $0xFFFFD800  }
0xb6: {  	v1 =	vld [tilespmem:s15+$0x30];
	_ =	sdelay $0x4  }
0xb7: {  	[tilespmem:$0x4F00] =	vst v1  }
0xb8: {  	v1 =	vld [tilespmem:s16+$0x30];
	_ =	sdelay $0x4  }
0xb9: {  	[tilespmem:$0x4F80] =	vst v1  }
0xba: {  	v1 =	vld [tilespmem:s15+$0x40];
	_ =	sdelay $0x4  }
0xbb: {  	[tilespmem:$0x4F10] =	vst v1  }
0xbc: {  	v1 =	vld [tilespmem:s16+$0x40];
	_ =	sdelay $0x4  }
0xbd: {  	[tilespmem:$0x4F90] =	vst v1  }
0xbe: {  	v1 =	vld [tilespmem:s15+$0x50];
	_ =	sdelay $0x4  }
0xbf: {  	[tilespmem:$0x4F20] =	vst v1  }
0xc0: {  	v1 =	vld [tilespmem:s16+$0x50];
	_ =	sdelay $0x4  }
0xc1: {  	[tilespmem:$0x4FA0] =	vst v1  }
0xc2: {  	v1 =	vld [tilespmem:s15+$0x60];
	_ =	sdelay $0x4  }
0xc3: {  	[tilespmem:$0x4F30] =	vst v1  }
0xc4: {  	v1 =	vld [tilespmem:s16+$0x60];
	_ =	sdelay $0x4  }
0xc5: {  	[tilespmem:$0x4FB0] =	vst v1  }
0xc6: {  	v1 =	vld [tilespmem:s15+$0x70];
	_ =	sdelay $0x4  }
0xc7: {  	[tilespmem:$0x4F40] =	vst v1  }
0xc8: {  	v1 =	vld [tilespmem:s16+$0x70];
	_ =	sdelay $0x4  }
0xc9: {  	[tilespmem:$0x4FC0] =	vst v1  }
0xca: {  	[tilespmem:s24], [sflag:$0x1] =	stream.indirect.gather [hbm4b:s4+s28], $0x80, s29, s28, $0xb8;
	[tilespmem:$0x1E100] =	vst v63  }
0xcb: {  	_ =	swait.ge [sflag:s26], $0x2800  }
.Ltmp1:
0xcc: {  	[sflag:s26] =	ssyncset.done $0x0;
	(pc) =	sbr.rel @p0 .LBB2_4-.Ltmp1, $4  }
0xcd: {  	[sflag:s26] =	ssyncadd.s32 $0xFFFFD800  }
0xce: {  	[spmem:s2] =	stream.indirect.scatter.add.f32 [tilespmem:s31], [sflag:$0x3], $0x80, s13, s28, $0xb8;
	[tilespmem:$0x1E100] =	vst v63  }
0xcf: {  	_ =	swait.ge [sflag:s25], $0x2800  }
0xd0: {  	[sflag:s25] =	ssyncset.done $0x0  }
0xd1: {  	[sflag:s25] =	ssyncadd.s32 $0xFFFFD800  }
0xd2: {  	_ =	swait.ge [sflag:s0], $0x2800  }
0xd3: {  	[sflag:s0] =	ssyncset.done $0x0  }
0xd4: {  	[sflag:s0] =	ssyncadd.s32 $0xFFFFD800  }
0xd5: {  	[spmem:s2] =	stream.indirect.scatter.add.f32 [tilespmem:s24], [sflag:$0x3], $0x80, s1, s28, $0xb8;
	[tilespmem:$0x1E100] =	vst v63  }
0xd6: {  	_ =	swait.ge [sflag:s25], $0x2800  }
0xd7: {  	[sflag:s25] =	ssyncset.done $0x0  }
0xd8: {  	[sflag:s25] =	ssyncadd.s32 $0xFFFFD800  }
0xd9: {  	[bflag:$0x0] =	sbarrier.arrive $0xFFFF  }
0xda: {  	[tilespmem:s24], [sflag:$0x3] =	stream.linear.gather [spmem:s5], $0x2800, $0x38;
	[tilespmem:$0x1E100] =	vst v63  }
0xdb: {  	_ =	swait.ge [sflag:s25], $0x2800  }
0xdc: {  	[sflag:s25] =	ssyncset.done $0x0  }
0xdd: {  	s15 =	rddreg [dreg:$0x5];
	[sflag:s25] =	ssyncadd.s32 $0xFFFFD800  }
0xde: {  	[hbm4b:s15+s3] =	stream.linear.scatter [tilespmem:s24], [sflag:$0x3], $0x2800, $0x38;
	[tilespmem:$0x1E100] =	vst v63  }
0xdf: {  	_ =	swait.ge [sflag:s25], $0x2800  }
0xe0: {  	[sflag:s25] =	ssyncset.done $0x0  }
0xe1: {  	[sflag:s25] =	ssyncadd.s32 $0xFFFFD800  }
0xe2: {  	[tilespmem:s24], [sflag:$0x3] =	stream.linear.gather [spmem:s6], $0x2800, $0x38;
	[tilespmem:$0x1E100] =	vst v63  }
0xe3: {  	_ =	swait.ge [sflag:s25], $0x2800  }
0xe4: {  	[sflag:s25] =	ssyncset.done $0x0  }
0xe5: {  	s16 =	rddreg [dreg:$0x6];
	[sflag:s25] =	ssyncadd.s32 $0xFFFFD800  }
0xe6: {  	[hbm4b:s16+s3] =	stream.linear.scatter [tilespmem:s24], [sflag:$0x3], $0x2800, $0x38;
	[tilespmem:$0x1E100] =	vst v63  }
0xe7: {  	_ =	swait.ge [sflag:s25], $0x2800  }
0xe8: {  	[sflag:s25] =	ssyncset.done $0x0  }
0xe9: {  	[sflag:s25] =	ssyncadd.s32 $0xFFFFD800  }
0xea: {  	[tilespmem:s24], [sflag:$0x3] =	stream.linear.gather [spmem:s7], $0x2800, $0x38;
	[tilespmem:$0x1E100] =	vst v63  }
0xeb: {  	_ =	swait.ge [sflag:s25], $0x2800  }
0xec: {  	[sflag:s25] =	ssyncset.done $0x0  }
0xed: {  	s17 =	rddreg [dreg:$0x7];
	[sflag:s25] =	ssyncadd.s32 $0xFFFFD800  }
0xee: {  	[hbm4b:s17+s3] =	stream.linear.scatter [tilespmem:s24], [sflag:$0x3], $0x2800, $0x38;
	[tilespmem:$0x1E100] =	vst v63  }
0xef: {  	_ =	swait.ge [sflag:s25], $0x2800  }
0xf0: {  	[sflag:s25] =	ssyncset.done $0x0  }
0xf1: {  	[sflag:s25] =	ssyncadd.s32 $0xFFFFD800  }
0xf2: {  	[tilespmem:s24], [sflag:$0x3] =	stream.linear.gather [spmem:s8], $0x2800, $0x38;
	[tilespmem:$0x1E100] =	vst v63  }
0xf3: {  	_ =	swait.ge [sflag:s25], $0x2800  }
0xf4: {  	[sflag:s25] =	ssyncset.done $0x0  }
0xf5: {  	s18 =	rddreg [dreg:$0x8];
	[sflag:s25] =	ssyncadd.s32 $0xFFFFD800  }
0xf6: {  	[hbm4b:s18+s3] =	stream.linear.scatter [tilespmem:s24], [sflag:$0x3], $0x2800, $0x38;
	[tilespmem:$0x1E100] =	vst v63  }
0xf7: {  	_ =	swait.ge [sflag:s25], $0x2800  }
0xf8: {  	[sflag:s25] =	ssyncset.done $0x0  }
0xf9: {  	[sflag:s25] =	ssyncadd.s32 $0xFFFFD800  }
0xfa: {  	[tilespmem:s24], [sflag:$0x3] =	stream.linear.gather [spmem:s9], $0x2800, $0x38;
	[tilespmem:$0x1E100] =	vst v63  }
0xfb: {  	_ =	swait.ge [sflag:s25], $0x2800  }
0xfc: {  	[sflag:s25] =	ssyncset.done $0x0  }
0xfd: {  	[sflag:s25] =	ssyncadd.s32 $0xFFFFD800  }
0xfe: {  	[hbm4b:s19+s3] =	stream.linear.scatter [tilespmem:s24], [sflag:$0x3], $0x2800, $0x38;
	[tilespmem:$0x1E100] =	vst v63  }
0xff: {  	_ =	swait.ge [sflag:s25], $0x2800  }
0x100: {  	[sflag:s25] =	ssyncset.done $0x0  }
0x101: {  	[sflag:s25] =	ssyncadd.s32 $0xFFFFD800  }
0x102: {  	[tilespmem:s24], [sflag:$0x3] =	stream.linear.gather [spmem:s10], $0x2800, $0x38;
	[tilespmem:$0x1E100] =	vst v63  }
0x103: {  	_ =	swait.ge [sflag:s25], $0x2800  }
0x104: {  	[sflag:s25] =	ssyncset.done $0x0  }
0x105: {  	[sflag:s25] =	ssyncadd.s32 $0xFFFFD800  }
0x106: {  	[hbm4b:s20+s3] =	stream.linear.scatter [tilespmem:s24], [sflag:$0x3], $0x2800, $0x38;
	[tilespmem:$0x1E100] =	vst v63  }
0x107: {  	_ =	swait.ge [sflag:s25], $0x2800  }
0x108: {  	[sflag:s25] =	ssyncset.done $0x0  }
0x109: {  	[sflag:s25] =	ssyncadd.s32 $0xFFFFD800  }
0x10a: {  	[tilespmem:s24], [sflag:$0x3] =	stream.linear.gather [spmem:s11], $0x2800, $0x38;
	[tilespmem:$0x1E100] =	vst v63  }
0x10b: {  	_ =	swait.ge [sflag:s25], $0x2800  }
0x10c: {  	[sflag:s25] =	ssyncset.done $0x0  }
0x10d: {  	[sflag:s25] =	ssyncadd.s32 $0xFFFFD800  }
0x10e: {  	[hbm4b:s21+s3] =	stream.linear.scatter [tilespmem:s24], [sflag:$0x3], $0x2800, $0x38;
	[tilespmem:$0x1E100] =	vst v63  }
0x10f: {  	_ =	swait.ge [sflag:s25], $0x2800  }
0x110: {  	[sflag:s25] =	ssyncset.done $0x0  }
0x111: {  	[sflag:s25] =	ssyncadd.s32 $0xFFFFD800  }
0x112: {  	[tilespmem:s24], [sflag:$0x3] =	stream.linear.gather [spmem:s12], $0x2800, $0x38;
	[tilespmem:$0x1E100] =	vst v63  }
0x113: {  	s14 =	sadd.s32 $0x1, s14;
	_ =	swait.ge [sflag:s25], $0x2800  }
0x114: {  	p0 =	sne.s32 s14, s23;
	[sflag:s25] =	ssyncset.done $0x0  }
.Ltmp2:
0x115: {  	[sflag:s25] =	ssyncadd.s32 $0xFFFFD800;
	(pc) =	sbr.rel @p0 .LBB2_1-.Ltmp2, $4  }
0x116: {  	[hbm4b:s22+s3] =	stream.linear.scatter [tilespmem:s24], [sflag:$0x3], $0x2800, $0x38;
	[tilespmem:$0x1E100] =	vst v63  }
0x117: {  	_ =	swait.ge [sflag:s25], $0x2800  }
0x118: {  	[sflag:s25] =	ssyncset.done $0x0  }
0x119: {  	[sflag:s25] =	ssyncadd.s32 $0xFFFFD800  }
0x11a: {  	_ =	sfence.sel $0x180000  }
0x11b: {  	[bflag:$0x0] =	sbarrier.arrive $0xFFFF  }
0x11c: {  	_ =	strace $0x9000004D  }
0x11d: {  	s0 =	stileid.u32;
	[bflag:$0x2] =	sbarrier.arrive $0xFFFF  }
0x11e: {  	p0 =	sne.s32 s0, $0x0;
	s0 =	rddreg [dreg:$0x2]  }
0x11f: {  	s0 =	sadd.s32 @!p0 $0x100000, s0  }
0x120: {  	[sflag:s0] =	ssyncadd.tile.s32 @!p0 $0x1;
	_ =	shalt  }
.Lfunc_end2:
_tile_overlayer_lowered:
.L_overlay_start_2:
0x121: {  	(tag) =	ssettag $0x2  }
0x122: {  	s0 =	rddreg [dreg:$0x0];
	s2 =	stileid.u32  }
0x123: {  	s1 =	rddreg [dreg:$0x1];
	p0 =	sne.s32 s2, $0x0  }
0x124: {  	s3 =	rddreg [dreg:$0x2];
	[bflag:$0x3] =	sbarrier.arrive $0xFFFF;
	s2 =	simm.s32 @!p0 $0x1C03  }
0x125: {  	[timem:s3], [sflag:s2] =	dma.local @!p0 [hbm:s0], s1  }
0x126: {  	s0 =	simm.s32 @!p0 $0x3  }
0x127: {  	_ =	swait.ge @!p0 [sflag:s0], s1  }
0x128: {  	s1 =	ssub.s32 @!p0 $0x0, s1;
	[sflag:s0] =	ssyncset.done @!p0 $0x0  }
0x129: {  	[sflag:s0] =	ssyncadd.s32 @!p0 s1  }
0x12a: {  	[bflag:$0x3] =	sbarrier.arrive $0xFFFF  }
0x12b: {  	_ =	shalt  }

// kernel: kernel.19.cloned.1.call-start
scs
__scs_entry_jumppad:
0x0: {  	(pc) =	sbr.rel $0x88, $3  }
0x1: {  	(tag) =	ssettag $0x0;
	lr =	simm.s32 $0x1  }
0x2: {  	[smem:$0x3F91] =	sst lr;
	_ =	strace $0xD0000000  }
0x3: {  	_ = 	snop  }
0x4: {  	_ = 	snop  }
0x5: {  	_ = 	snop  }
0x6: {  	_ = 	snop  }
0x7: {  	_ = 	snop  }
__scs_overlays_trampoline_lowered:
0x8: {  	[smem:$0x3FA0] =	sst s0  }
0x9: {  	[smem:$0x3FA1] =	sst s1  }
0xa: {  	[smem:$0x3FA2] =	sst s2  }
0xb: {  	[smem:$0x3FA3] =	sst s3  }
0xc: {  	[smem:$0x3FA4] =	sst s4  }
0xd: {  	[smem:$0x3FA5] =	sst s5  }
0xe: {  	[smem:$0x3FA6] =	sst s6  }
0xf: {  	[smem:$0x3FA7] =	sst s7  }
0x10: {  	[smem:$0x3FA8] =	sst s8  }
0x11: {  	[smem:$0x3FA9] =	sst s9;
	s0 =	simm.s32 @!p0 $0x0  }
0x12: {  	s1 =	sld [smem:$0x3F8F];
	s0 =	simm.s32 @p0 $0x1  }
0x13: {  	[smem:$0x3FAA] =	sst s0;
	s0 =	simm.s32 @!p1 $0x0  }
0x14: {  	s2 =	sld [smem:$0x3F8E];
	s0 =	simm.s32 @p1 $0x1  }
0x15: {  	[smem:$0x3FAB] =	sst s0;
	s0 =	simm.s32 @!p2 $0x0  }
0x16: {  	s3 =	sld [smem:$0x3FDB];
	s0 =	simm.s32 @p2 $0x1  }
0x17: {  	s4 =	simm.s32 $0x1BF5;
	[smem:$0x3FAD] =	sst s0  }
0x18: {  	s0 =	sld [smem:$0x3F90];
	_ =	swait.ge [sflag:s4], $0x0  }
0x19: {  	s7 =	sld [smem:$0x3F91]  }
0x1a: {  	s8 =	sadd.s32 $0xFFFFE003, lr  }
0x1b: {  	s9 =	sadd.s32 $0xFFFFFEF7, lr;
	s5 =	simm.s32 $0xFFFFFFFF;
	p2 =	slt.u32 s8, $0xFFFFF086  }
0x1c: {  	p1 =	slt.u32 s9, $0xF7A;
	s5 =	simm.s32 @!p2 $0x0  }
0x1d: {  	s5 =	simm.s32 @p1 $0x1;
	p0 =	seq.s32 s7, s2  }
0x1e: {  	s7 =	smul.u32 @!p0 $0xF7A, s2;
	p2 =	seq.s32 @!p0 s5, $0x0  }
0x1f: {  	s9 =	smul.u32 $0xF7A, s1;
	s8 =	simm.s32 @!p0 $0x1BF5;
	p2 =	por !p2, p0  }
0x20: {  	[sflag:s8] =	ssyncset.s32 @!p0 $0xFFFFF086;
	s6 =	sadd.s32 @!p0 s3, s7;
	s7 =	simm.s32 @!p0 $0x108  }
0x21: {  	s3 =	sadd.s32 s3, s9;
	s6 =	sadd.s32 @!p0 $0x88, s6;
	s7 =	simm.s32 @p2 $0x1082  }
0x22: {  	[simem:s7], [sflag:s8] =	dma.local @!p0 [hbm:s6], $0xF7A  }
0x23: {  	s9 =	sor.u32 $0xD0000000, s2;
	s6 =	simm.s32 $0x108;
	_ =	swait.ge @!p0 [sflag:s8], $0x0  }
0x24: {  	s3 =	sadd.s32 $0x88, s3;
	s6 =	simm.s32 @!p1 $0x1082;
	[sflag:s4] =	ssyncset.s32 $0xFFFFF086  }
0x25: {  	[simem:s6], [sflag:s4] =	dma.local [hbm:s3], $0xF7A  }
0x26: {  	[smem:$0x3F91] =	sst s1;
	(tag) =	ssettag s2;
	_ =	strace s9  }
0x27: {  	s1 =	sld [smem:$0x3FA1]  }
0x28: {  	s2 =	sld [smem:$0x3FA2]  }
0x29: {  	s4 =	sld [smem:$0x3FA4]  }
0x2a: {  	p0 =	seq.s32 s5, $0x0;
	s5 =	sld [smem:$0x3FA5]  }
0x2b: {  	s6 =	sld [smem:$0x3FA6]  }
0x2c: {  	s7 =	sld [smem:$0x3FA7]  }
0x2d: {  	s3 =	simm.s32 $0x108;
	s8 =	sld [smem:$0x3FA8]  }
0x2e: {  	s3 =	simm.s32 @!p0 $0x1082;
	s9 =	sld [smem:$0x3FA9]  }
0x2f: {  	lr =	sadd.s32 s0, s3;
	s0 =	sld [smem:$0x3FA0]  }
0x30: {  	s3 =	sld [smem:$0x3FA3]  }
0x31: {  	[smem:$0x3FAC] =	sst s10  }
0x32: {  	s10 =	sld [smem:$0x3FAA];
	_ =	sdelay $0x3  }
0x33: {  	p0 =	seq.s32 s10, $0x1;
	s10 =	sld [smem:$0x3FAC];
	_ =	sdelay $0x3  }
0x34: {  	[smem:$0x3FAC] =	sst s10  }
0x35: {  	s10 =	sld [smem:$0x3FAB];
	_ =	sdelay $0x3  }
0x36: {  	p1 =	seq.s32 s10, $0x1;
	s10 =	sld [smem:$0x3FAC];
	_ =	sdelay $0x3  }
0x37: {  	[smem:$0x3FAC] =	sst s10  }
0x38: {  	s10 =	sld [smem:$0x3FAD]  }
0x39: {  	_ = 	snop;
	(pc) =	sbr.ind lr, $3  }
0x3a: {  	_ = 	snop  }
0x3b: {  	_ = 	snop  }
0x3c: {  	p2 =	seq.s32 s10, $0x1;
	s10 =	sld [smem:$0x3FAC]  }
0x3d: {  	_ =	shalt  }
0x3e: {  	_ =	shalt  }
0x3f: {  	_ =	shalt  }
0x40: {  	_ =	shalt  }
0x41: {  	_ =	shalt  }
0x42: {  	_ =	shalt  }
0x43: {  	_ =	shalt  }
0x44: {  	_ =	shalt  }
0x45: {  	_ =	shalt  }
0x46: {  	_ =	shalt  }
0x47: {  	_ =	shalt  }
0x48: {  	_ =	shalt  }
0x49: {  	_ =	shalt  }
0x4a: {  	_ =	shalt  }
0x4b: {  	_ =	shalt  }
0x4c: {  	_ =	shalt  }
0x4d: {  	_ =	shalt  }
0x4e: {  	_ =	shalt  }
0x4f: {  	_ =	shalt  }
0x50: {  	_ =	shalt  }
0x51: {  	_ =	shalt  }
0x52: {  	_ =	shalt  }
0x53: {  	_ =	shalt  }
0x54: {  	_ =	shalt  }
0x55: {  	_ =	shalt  }
0x56: {  	_ =	shalt  }
0x57: {  	_ =	shalt  }
0x58: {  	_ =	shalt  }
0x59: {  	_ =	shalt  }
0x5a: {  	_ =	shalt  }
0x5b: {  	_ =	shalt  }
0x5c: {  	_ =	shalt  }
0x5d: {  	_ =	shalt  }
0x5e: {  	_ =	shalt  }
0x5f: {  	_ =	shalt  }
0x60: {  	_ =	shalt  }
0x61: {  	_ =	shalt  }
0x62: {  	_ =	shalt  }
0x63: {  	_ =	shalt  }
0x64: {  	_ =	shalt  }
0x65: {  	_ =	shalt  }
0x66: {  	_ =	shalt  }
0x67: {  	_ =	shalt  }
0x68: {  	_ =	shalt  }
0x69: {  	_ =	shalt  }
0x6a: {  	_ =	shalt  }
0x6b: {  	_ =	shalt  }
0x6c: {  	_ =	shalt  }
0x6d: {  	_ =	shalt  }
0x6e: {  	_ =	shalt  }
0x6f: {  	_ =	shalt  }
0x70: {  	_ =	shalt  }
0x71: {  	_ =	shalt  }
0x72: {  	_ =	shalt  }
0x73: {  	_ =	shalt  }
0x74: {  	_ =	shalt  }
0x75: {  	_ =	shalt  }
0x76: {  	_ =	shalt  }
0x77: {  	_ =	shalt  }
0x78: {  	_ =	shalt  }
0x79: {  	_ =	shalt  }
0x7a: {  	_ =	shalt  }
0x7b: {  	_ =	shalt  }
0x7c: {  	_ =	shalt  }
0x7d: {  	_ =	shalt  }
0x7e: {  	_ =	shalt  }
0x7f: {  	_ =	shalt  }
0x80: {  	_ =	shalt  }
0x81: {  	_ =	shalt  }
0x82: {  	_ =	shalt  }
0x83: {  	_ =	shalt  }
0x84: {  	_ =	shalt  }
0x85: {  	_ =	shalt  }
0x86: {  	_ =	shalt  }
0x87: {  	_ =	shalt  }
.Lfunc_end0:
.L_simem_size_0:
called_computation.3_lowered:
.L_overlay_start_0:
0x88: {  	s2 =	sld [smem:$0x3FD9]  }
0x89: {  	s3 =	sld [smem:$0x3FFE];
	_ =	sdelay $0x1  }
0x8a: {  	s1 =	srdreg.scid  }
0x8b: {  	s0 =	sand.u32 $0x1, s1  }
0x8c: {  	s16 =	sshll.u32 s0, $0xA;
	s2 =	sadd.s32 s3, s2  }
0x8d: {  	s2 =	sadd.s32 s2, s16  }
0x8e: {  	[smem:$0x3FB8] =	sst s2  }
0x8f: {  	_ = 	snop  }
0x90: {  	(tm) =	ssettm $0x1  }
0x91: {  	s17 =	sld [smem:$0x3FFB];
	_ =	sdelay $0x3  }
0x92: {  	_ =	strace s17  }
0x93: {  	s2 =	sld [smem:$0x3FFC];
	_ =	sdelay $0x3  }
0x94: {  	_ =	strace s2  }
0x95: {  	s2 =	sld [smem:$0x3FFD];
	_ =	sdelay $0x3  }
0x96: {  	_ =	strace s2  }
0x97: {  	_ =	strace $0x8FFFFFFF  }
0x98: {  	s18 =	sld [smem:$0x3FDB];
	_ =	sdelay $0x1  }
0x99: {  	s19 =	simm.s32 $_scs_section_size  }
0x9a: {  	s4 =	simm.s32 $_size__tile_overlayer_lowered;
	s5 =	simm.s32 $_tile_overlayer_lowered  }
0x9b: {  	s22 =	simm.s32 $0x1BFF;
	s21 =	sshll.u32 s5, $0x1;
	s2 =	sadd.s32 s19, s18  }
0x9c: {  	s6 =	simm.s32 $0x0;
	s20 =	sshll.u32 s4, $0x1;
	s4 =	sadd.s32 s21, s2  }
0x9d: {  	[timem:s6], [sflag:s22] =	dma.local [hbm:s4], s20  }
0x9e: {  	_ =	swait.ge [sflag:s22], s20  }
0x9f: {  	s3 =	ssub.s32 $0x0, s20;
	[sflag:s22] =	ssyncset.done $0x0  }
0xa0: {  	[sflag:s22] =	ssyncadd.s32 s3;
	_ =	sdelay $0x1  }
0xa1: {  	s23 =	simm.s32 $0x1B8B  }
0xa2: {  	_ =	swait.ge [sflag:s23], $0x1  }
0xa3: {  	[sflag:s23] =	ssyncset.done $0x0  }
0xa4: {  	s25 =	simm.s32 $0x1B8E;
	s24 =	sld [smem:$0x3FFE];
	[sflag:s23] =	ssyncadd.s32 $0xFFFFFFFF  }
0xa5: {  	s26 =	simm.s32 $execute0_lowered;
	[smem:$0x3FD2] =	sst s25  }
0xa6: {  	s4 =	sshll.u32 s26, $0x1;
	_ =	strace $0x8000004F;
	[dreg:$0x1] =	wrdreg $0xFFFFFFFF  }
0xa7: {  	s28 =	simm.s32 $_size_execute0_lowered;
	s2 =	sadd.s32 s2, s4;
	[dreg:$0x0] =	wrdreg $0x0  }
0xa8: {  	s4 =	sshll.u32 s28, $0x1;
	[dreg:$0x2] =	wrdreg s2  }
0xa9: {  	[dreg:$0x3] =	wrdreg s4  }
0xaa: {  	[dreg:$0x4] =	wrdreg $0xC0  }
0xab: {  	_ =	task [dreg:s6], $0x5FFFF  }
0xac: {  	[dreg:$0x1] =	wrdreg $0xFFFFFFFF  }
0xad: {  	[dreg:$0x0] =	wrdreg $0x60  }
0xae: {  	[dreg:$0x2] =	wrdreg s24  }
0xaf: {  	[dreg:$0x3] =	wrdreg $0xA1000  }
0xb0: {  	[dreg:$0x4] =	wrdreg $0x9  }
0xb1: {  	_ =	task.clear_ibuf [dreg:s6], $0x5FFFF;
	_ =	strace $0x9000004F  }
0xb2: {  	s29 =	simm.s32 $0x9;
	_ =	strace $0x80000051  }
0xb3: {  	_ =	swait.ge [sflag:s29], $0x1  }
0xb4: {  	[sflag:s29] =	ssyncadd.s32 $0xFFFFFFFF  }
0xb5: {  	_ =	strace $0x90000051  }
0xb6: {  	_ =	sfence  }
0xb7: {  	s30 =	sld [smem:$0x0];
	_ =	sdelay $0x2  }
0xb8: {  	s31 =	sshll.u32 s1, $0xD;
	s1 =	sshrl.u32 s1, $0x2  }
0xb9: {  	s3 =	sand.u32 $0x4000, s31;
	s1 =	sadd.s32 s1, s30  }
0xba: {  	s0 =	sor.u32 s3, s0;
	s1 =	sshll.u32 s1, $0x11  }
0xbb: {  	s0 =	sor.u32 s1, s0  }
0xbc: {  	s0 =	sadd.s32 $0x8F2B, s0  }
0xbd: {  	[sflag:s0] =	ssyncadd.remote.s32 $0x1  }
0xbe: {  	_ =	sfence.sel $0xFFFF  }
0xbf: {  	[dreg:$0x0] =	wrdreg $0xFFFFFFFF;
	(pc) =	sbr.abs _section_cstart, $3  }
0xc0: {  	[dreg:$0x1] =	wrdreg $0xFFFFFFFF  }
0xc1: {  	_ =	task.clear_ibuf [dreg:s6], $0x2FFFF;
	_ =	strace $0x9FFFFFFF  }
0xc2: {  	(tm) =	ssettm $0x7FFFFFFF  }
0xc3: {  	_ =	shalt  }
tec
execute0_lowered:
.L_overlay_start_1:
0x0: {  	(tag) =	ssettag $0x1  }
0x1: {  	s0 =	srdreg.scid;
	s1 =	rddreg [dreg:$0x0]  }
0x2: {  	s2 =	rddreg [dreg:$0x1];
	s8 =	stileid.u32;
	s3 =	simm.s32 $0x0  }
0x3: {  	s28 =	simm.s32 $0x50;
	s29 =	simm.s32 $0x4F00;
	s30 =	simm.s32 $0x5000  }
0x4: {  	s31 =	simm.s32 $0x7900;
	s0 =	sand.u32 $0x1, s0;
	s6 =	smul.u32 $0x50000, s8  }
0x5: {  	[smem:$0x7FF] =	sst s3;
	s13 =	smul.u32 $0x14000, s8;
	s4 =	sshll.u32 s0, $0x4  }
0x6: {  	_ =	strace $0x80000050;
	s7 =	ssub.s32 $0x2, s0;
	s0 =	smul.u32 $0x140000, s0  }
0x7: {  	s4 =	sor.u32 s8, s4;
	s24 =	sshrl.u32 s7, $0x1;
	s25 =	sshrl.u32 s6, $0x2  }
0x8: {  	s16 =	sor.u32 $0x2800, s13;
	s17 =	sadd.s32 $0x5000, s13;
	s18 =	sadd.s32 $0x7800, s13  }
0x9: {  	s19 =	sadd.s32 $0xA000, s13;
	s20 =	sadd.s32 $0xC800, s13;
	s21 =	sadd.s32 $0xF000, s13  }
0xa: {  	s22 =	sadd.s32 $0x11800, s13;
	s5 =	smul.u32 $0x4E2, s4;
	s4 =	sadd.s32 $0x17000, s1  }
0xb: {  	s15 =	ssub.s32 s7, s24;
	s6 =	sadd.s32 s16, s2;
	s7 =	sadd.s32 s17, s2  }
0xc: {  	s8 =	sadd.s32 s18, s2;
	s9 =	sadd.s32 s19, s2;
	s10 =	sadd.s32 s20, s2  }
0xd: {  	s11 =	sadd.s32 s21, s2;
	s12 =	sadd.s32 s22, s2;
	s13 =	sadd.s32 s13, s0  }
0xe: {  	s16 =	sadd.s32 s0, s16;
	s24 =	sadd.s32 s0, s20;
	s13 =	sshrl.u32 s13, $0x3  }
0xf: {  	s26 =	sshrl.u32 s16, $0x3;
	s16 =	sadd.s32 s0, s17;
	s17 =	sadd.s32 s0, s18  }
0x10: {  	s18 =	sadd.s32 s0, s19;
	s14 =	sadd.s32 s5, s1;
	s1 =	sadd.s32 $0x3F000, s1  }
0x11: {  	s5 =	sadd.s32 s25, s2;
	s19 =	sshrl.u32 s17, $0x3;
	s23 =	sadd.s32 $0x3400, s14  }
0x12: {  	s25 =	sadd.s32 s0, s21;
	s14 =	sadd.s32 $0xD200, s14;
	[dreg:$0x3] =	wrdreg s23  }
0x13: {  	s0 =	sadd.s32 s0, s22;
	s13 =	sadd.s32 s1, s13;
	[dreg:$0x4] =	wrdreg s14  }
0x14: {  	s0 =	sshrl.u32 s0, $0x3;
	[dreg:$0x5] =	wrdreg s13;
	s14 =	sadd.s32 s1, s26  }
0x15: {  	s13 =	sshrl.u32 s16, $0x3;
	s23 =	sshrl.u32 s18, $0x3;
	s26 =	sshrl.u32 s25, $0x3  }
0x16: {  	s22 =	sadd.s32 s1, s0;
	s25 =	simm.s32 $0x3;
	s0 =	simm.s32 $0x1  }
0x17: {  	[dreg:$0x6] =	wrdreg s14;
	s13 =	sadd.s32 s1, s13;
	s21 =	sadd.s32 s1, s26  }
0x18: {  	s26 =	simm.s32 $0x2;
	s14 =	simm.s32 $0x0;
	[dreg:$0x7] =	wrdreg s13  }
0x19: {  	s13 =	sadd.s32 s1, s19;
	s19 =	sadd.s32 s1, s23;
	s23 =	smax.u32 s15, $0x1  }
0x1a: {  	[dreg:$0x8] =	wrdreg s13;
	s13 =	sshrl.u32 s24, $0x3;
	s24 =	simm.s32 $0x5100  }
0x1b: {  	v0 =	vimm.f32 $0.0e+00;
	s20 =	sadd.s32 s1, s13;
	s1 =	simm.s32 $0x4F80;
	s13 =	simm.s32 $0x5080  }
.LBB2_1:
0x1c: {  	s15 =	sand.u32 $0xFE00, s3  }
0x1d: {  	s16 =	sand.u32 $0x70, s3;
	s17 =	sshrl.u32 s15, $0x2  }
0x1e: {  	s15 =	simm.s32 $0x40;
	s17 =	sor.u32 s16, s17;
	s16 =	simm.s32 $0x0  }
.LBB2_2:
0x1f: {  	p0 =	sne.s32 s15, $0x9FC0  }
0x20: {  	[tilespmem:s17+$0x5100] =	vst v0;
	s16 =	sadd.s32 $0x10, s16;
	s17 =	smov.u32 s15;
	s15 =	sadd.s32 $0x40, s15  }
.Ltmp0:
0x21: {  	(pc) =	sbr.rel @p0 .LBB2_2-.Ltmp0, $4  }
0x22: {  	_ = 	snop  }
0x23: {  	s17 =	sand.u32 $0xFE00, s17  }
0x24: {  	s18 =	sand.u32 $0x70, s16;
	s17 =	sshrl.u32 s17, $0x2  }
0x25: {  	s17 =	sor.u32 s18, s17  }
0x26: {  	[tilespmem:s17+$0x5100] =	vst v0  }
0x27: {  	[spmem:s5] =	stream.linear.scatter [tilespmem:s24], [sflag:$0x3], $0x2800, $0x38;
	[tilespmem:$0x1E100] =	vst v63  }
0x28: {  	_ =	swait.ge [sflag:s25], $0x2800  }
0x29: {  	[sflag:s25] =	ssyncset.done $0x0  }
0x2a: {  	[sflag:s25] =	ssyncadd.s32 $0xFFFFD800  }
0x2b: {  	[spmem:s6] =	stream.linear.scatter [tilespmem:s24], [sflag:$0x3], $0x2800, $0x38;
	[tilespmem:$0x1E100] =	vst v63  }
0x2c: {  	_ =	swait.ge [sflag:s25], $0x2800  }
0x2d: {  	[sflag:s25] =	ssyncset.done $0x0  }
0x2e: {  	[sflag:s25] =	ssyncadd.s32 $0xFFFFD800  }
0x2f: {  	[spmem:s7] =	stream.linear.scatter [tilespmem:s24], [sflag:$0x3], $0x2800, $0x38;
	[tilespmem:$0x1E100] =	vst v63  }
0x30: {  	_ =	swait.ge [sflag:s25], $0x2800  }
0x31: {  	[sflag:s25] =	ssyncset.done $0x0  }
0x32: {  	[sflag:s25] =	ssyncadd.s32 $0xFFFFD800  }
0x33: {  	[spmem:s8] =	stream.linear.scatter [tilespmem:s24], [sflag:$0x3], $0x2800, $0x38;
	[tilespmem:$0x1E100] =	vst v63  }
0x34: {  	_ =	swait.ge [sflag:s25], $0x2800  }
0x35: {  	[sflag:s25] =	ssyncset.done $0x0  }
0x36: {  	[sflag:s25] =	ssyncadd.s32 $0xFFFFD800  }
0x37: {  	[spmem:s9] =	stream.linear.scatter [tilespmem:s24], [sflag:$0x3], $0x2800, $0x38;
	[tilespmem:$0x1E100] =	vst v63  }
0x38: {  	_ =	swait.ge [sflag:s25], $0x2800  }
0x39: {  	[sflag:s25] =	ssyncset.done $0x0  }
0x3a: {  	[sflag:s25] =	ssyncadd.s32 $0xFFFFD800  }
0x3b: {  	[spmem:s10] =	stream.linear.scatter [tilespmem:s24], [sflag:$0x3], $0x2800, $0x38;
	[tilespmem:$0x1E100] =	vst v63  }
0x3c: {  	_ =	swait.ge [sflag:s25], $0x2800  }
0x3d: {  	[sflag:s25] =	ssyncset.done $0x0  }
0x3e: {  	[sflag:s25] =	ssyncadd.s32 $0xFFFFD800  }
0x3f: {  	[spmem:s11] =	stream.linear.scatter [tilespmem:s24], [sflag:$0x3], $0x2800, $0x38;
	[tilespmem:$0x1E100] =	vst v63  }
0x40: {  	_ =	swait.ge [sflag:s25], $0x2800  }
0x41: {  	[sflag:s25] =	ssyncset.done $0x0  }
0x42: {  	[sflag:s25] =	ssyncadd.s32 $0xFFFFD800  }
0x43: {  	[spmem:s12] =	stream.linear.scatter [tilespmem:s24], [sflag:$0x3], $0x2800, $0x38;
	[tilespmem:$0x1E100] =	vst v63  }
0x44: {  	_ =	swait.ge [sflag:s25], $0x2800  }
0x45: {  	[sflag:s25] =	ssyncset.done $0x0  }
0x46: {  	[sflag:s25] =	ssyncadd.s32 $0xFFFFD800  }
0x47: {  	[bflag:$0x0] =	sbarrier.arrive $0xFFFF  }
0x48: {  	s17 =	simm.s32 $0x0;
	s15 =	rddreg [dreg:$0x3]  }
0x49: {  	[tilespmem:s17], [sflag:$0x3] =	stream.linear.gather [hbm4b:s15+s17], $0x2710, $0x38;
	[tilespmem:$0x1E100] =	vst v63  }
0x4a: {  	_ =	swait.ge [sflag:s25], $0x2710  }
0x4b: {  	[sflag:s25] =	ssyncset.done $0x0  }
0x4c: {  	s16 =	simm.s32 $0x2780;
	s18 =	rddreg [dreg:$0x4];
	[sflag:s25] =	ssyncadd.s32 $0xFFFFD8F0  }
0x4d: {  	[tilespmem:s16], [sflag:$0x3] =	stream.linear.gather [hbm4b:s18+s17], $0x2710, $0x38;
	[tilespmem:$0x1E100] =	vst v63  }
0x4e: {  	_ =	swait.ge [sflag:s25], $0x2710  }
0x4f: {  	[sflag:s25] =	ssyncset.done $0x0  }
0x50: {  	[sflag:s25] =	ssyncadd.s32 $0xFFFFD8F0  }
0x51: {  	v1 =	vld [tilespmem:$0x0]  }
0x52: {  	v2 =	vld [tilespmem:$0x2780]  }
0x53: {  	v3 =	vld [tilespmem:$0x10]  }
0x54: {  	v4 =	vld [tilespmem:$0x2790]  }
0x55: {  	v5 =	vld [tilespmem:$0x20]  }
0x56: {  	v62 =	vld [tilespmem:$0x40];
	[tilespmem:$0x4F00] =	vst v1  }
0x57: {  	v63 =	vld [tilespmem:$0x27C0];
	[tilespmem:$0x4F80] =	vst v2  }
0x58: {  	v1 =	vld [tilespmem:$0x27A0];
	[tilespmem:$0x4F10] =	vst v3  }
0x59: {  	v2 =	vld [tilespmem:$0x30];
	[tilespmem:$0x4F90] =	vst v4  }
0x5a: {  	v3 =	vld [tilespmem:$0x27B0];
	[tilespmem:$0x4F20] =	vst v5  }
0x5b: {  	[tilespmem:$0x4F40] =	vst v62  }
0x5c: {  	[tilespmem:$0x4FC0] =	vst v63  }
0x5d: {  	[tilespmem:$0x4FA0] =	vst v1  }
0x5e: {  	[tilespmem:$0x4F30] =	vst v2  }
0x5f: {  	s15 =	simm.s32 $0x70;
	[tilespmem:$0x4FB0] =	vst v3  }
0x60: {  	[tilespmem:s24], [sflag:$0x1] =	stream.indirect.gather [hbm4b:s4+s28], $0x80, s29, s28, $0xb8;
	[tilespmem:$0x1E100] =	vst v63  }
0x61: {  	v1 =	vld [tilespmem:s15+$0xFFFFFFE0];
	_ =	sdelay $0x4  }
0x62: {  	s16 =	simm.s32 $0x27F0;
	[tilespmem:$0x5000] =	vst v1  }
0x63: {  	v1 =	vld [tilespmem:s16+$0xFFFFFFE0];
	_ =	sdelay $0x4  }
0x64: {  	[tilespmem:$0x5080] =	vst v1  }
0x65: {  	v1 =	vld [tilespmem:s15+$0xFFFFFFF0];
	_ =	sdelay $0x4  }
0x66: {  	[tilespmem:$0x5010] =	vst v1  }
0x67: {  	v1 =	vld [tilespmem:s16+$0xFFFFFFF0];
	_ =	sdelay $0x4  }
0x68: {  	[tilespmem:$0x5090] =	vst v1  }
0x69: {  	v1 =	vld [tilespmem:s15+$0x0];
	_ =	sdelay $0x4  }
0x6a: {  	[tilespmem:$0x5020] =	vst v1  }
0x6b: {  	v1 =	vld [tilespmem:s16+$0x0];
	_ =	sdelay $0x4  }
0x6c: {  	s17 =	sand.u32 $0x3FE0, s17;
	[tilespmem:$0x50A0] =	vst v1  }
0x6d: {  	v1 =	vld [tilespmem:s17+$0x80];
	_ =	sdelay $0x4  }
0x6e: {  	[tilespmem:$0x5030] =	vst v1  }
0x6f: {  	v1 =	vld [tilespmem:s17+$0x2800];
	_ =	sdelay $0x4  }
0x70: {  	[tilespmem:$0x50B0] =	vst v1  }
0x71: {  	v1 =	vld [tilespmem:s15+$0x20];
	_ =	sdelay $0x4  }
0x72: {  	[tilespmem:$0x5040] =	vst v1  }
0x73: {  	v1 =	vld [tilespmem:s16+$0x20];
	_ =	sdelay $0x4  }
0x74: {  	[tilespmem:$0x50C0] =	vst v1  }
0x75: {  	[tilespmem:s31], [sflag:$0x2] =	stream.indirect.gather [hbm4b:s4+s28], $0x80, s30, s28, $0xb8;
	[tilespmem:$0x1E100] =	vst v63  }
0x76: {  	_ =	swait.ge [sflag:s0], $0x2800  }
0x77: {  	[sflag:s0] =	ssyncset.done $0x0  }
0x78: {  	[sflag:s0] =	ssyncadd.s32 $0xFFFFD800  }
0x79: {  	[spmem:s2] =	stream.indirect.scatter.add.f32 [tilespmem:s24], [sflag:$0x3], $0x80, s1, s28, $0xb8;
	[tilespmem:$0x1E100] =	vst v63  }
0x7a: {  	_ =	swait.ge [sflag:s25], $0x2800  }
0x7b: {  	[sflag:s25] =	ssyncset.done $0x0  }
0x7c: {  	[sflag:s25] =	ssyncadd.s32 $0xFFFFD800  }
0x7d: {  	v1 =	vld [tilespmem:s15+$0x30];
	_ =	sdelay $0x4  }
0x7e: {  	[tilespmem:$0x4F00] =	vst v1  }
0x7f: {  	v1 =	vld [tilespmem:s16+$0x30];
	_ =	sdelay $0x4  }
0x80: {  	[tilespmem:$0x4F80] =	vst v1  }
0x81: {  	v1 =	vld [tilespmem:s15+$0x40];
	_ =	sdelay $0x4  }
0x82: {  	[tilespmem:$0x4F10] =	vst v1  }
0x83: {  	v1 =	vld [tilespmem:s16+$0x40];
	_ =	sdelay $0x4  }
0x84: {  	[tilespmem:$0x4F90] =	vst v1  }
0x85: {  	v1 =	vld [tilespmem:s15+$0x50];
	_ =	sdelay $0x4  }
0x86: {  	[tilespmem:$0x4F20] =	vst v1  }
0x87: {  	v1 =	vld [tilespmem:s16+$0x50];
	_ =	sdelay $0x4  }
0x88: {  	[tilespmem:$0x4FA0] =	vst v1  }
0x89: {  	v1 =	vld [tilespmem:s15+$0x60];
	_ =	sdelay $0x4  }
0x8a: {  	[tilespmem:$0x4F30] =	vst v1  }
0x8b: {  	v1 =	vld [tilespmem:s16+$0x60];
	_ =	sdelay $0x4  }
0x8c: {  	[tilespmem:$0x4FB0] =	vst v1  }
0x8d: {  	v1 =	vld [tilespmem:s15+$0x70];
	_ =	sdelay $0x4  }
0x8e: {  	[tilespmem:$0x4F40] =	vst v1  }
0x8f: {  	v1 =	vld [tilespmem:s16+$0x70];
	_ =	sdelay $0x4  }
0x90: {  	[tilespmem:$0x4FC0] =	vst v1  }
0x91: {  	[tilespmem:s24], [sflag:$0x1] =	stream.indirect.gather [hbm4b:s4+s28], $0x80, s29, s28, $0xb8;
	[tilespmem:$0x1E100] =	vst v63  }
0x92: {  	_ =	swait.ge [sflag:s26], $0x2800  }
0x93: {  	[sflag:s26] =	ssyncset.done $0x0  }
0x94: {  	[sflag:s26] =	ssyncadd.s32 $0xFFFFD800  }
0x95: {  	[spmem:s2] =	stream.indirect.scatter.add.f32 [tilespmem:s31], [sflag:$0x3], $0x80, s13, s28, $0xb8;
	[tilespmem:$0x1E100] =	vst v63  }
0x96: {  	_ =	swait.ge [sflag:s25], $0x2800  }
0x97: {  	s17 =	simm.s32 $0xA0;
	[sflag:s25] =	ssyncset.done $0x0  }
.LBB2_4:
0x98: {  	[sflag:s25] =	ssyncadd.s32 $0xFFFFD800;
	s16 =	sadd.s32 $0xA0, s16;
	s15 =	sadd.s32 $0xA0, s15  }
0x99: {  	p0 =	sne.s32 s17, $0x2620;
	s18 =	smov.u32 s17;
	s17 =	sadd.s32 $0xA0, s17;
	v1 =	vld [tilespmem:s15+$0xFFFFFFE0]  }
0x9a: {  	_ =	sdelay $0x3  }
0x9b: {  	[tilespmem:$0x5000] =	vst v1  }
0x9c: {  	v1 =	vld [tilespmem:s16+$0xFFFFFFE0];
	_ =	sdelay $0x4  }
0x9d: {  	[tilespmem:$0x5080] =	vst v1  }
0x9e: {  	v1 =	vld [tilespmem:s15+$0xFFFFFFF0];
	_ =	sdelay $0x4  }
0x9f: {  	[tilespmem:$0x5010] =	vst v1  }
0xa0: {  	v1 =	vld [tilespmem:s16+$0xFFFFFFF0];
	_ =	sdelay $0x4  }
0xa1: {  	[tilespmem:$0x5090] =	vst v1  }
0xa2: {  	v1 =	vld [tilespmem:s15+$0x0];
	_ =	sdelay $0x4  }
0xa3: {  	[tilespmem:$0x5020] =	vst v1  }
0xa4: {  	v1 =	vld [tilespmem:s16+$0x0];
	_ =	sdelay $0x4  }
0xa5: {  	s18 =	sand.u32 $0x3FE0, s18;
	[tilespmem:$0x50A0] =	vst v1  }
0xa6: {  	v1 =	vld [tilespmem:s18+$0x80];
	_ =	sdelay $0x4  }
0xa7: {  	[tilespmem:$0x5030] =	vst v1  }
0xa8: {  	v1 =	vld [tilespmem:s18+$0x2800];
	_ =	sdelay $0x4  }
0xa9: {  	[tilespmem:$0x50B0] =	vst v1  }
0xaa: {  	v1 =	vld [tilespmem:s15+$0x20];
	_ =	sdelay $0x4  }
0xab: {  	[tilespmem:$0x5040] =	vst v1  }
0xac: {  	v1 =	vld [tilespmem:s16+$0x20];
	_ =	sdelay $0x4  }
0xad: {  	[tilespmem:$0x50C0] =	vst v1  }
0xae: {  	[tilespmem:s31], [sflag:$0x2] =	stream.indirect.gather [hbm4b:s4+s28], $0x80, s30, s28, $0xb8;
	[tilespmem:$0x1E100] =	vst v63  }
0xaf: {  	_ =	swait.ge [sflag:s0], $0x2800  }
0xb0: {  	[sflag:s0] =	ssyncset.done $0x0  }
0xb1: {  	[sflag:s0] =	ssyncadd.s32 $0xFFFFD800  }
0xb2: {  	[spmem:s2] =	stream.indirect.scatter.add.f32 [tilespmem:s24], [sflag:$0x3], $0x80, s1, s28, $0xb8;
	[tilespmem:$0x1E100] =	vst v63  }
0xb3: {  	_ =	swait.ge [sflag:s25], $0x2800  }
0xb4: {  	[sflag:s25] =	ssyncset.done $0x0  }
0xb5: {  	[sflag:s25] =	ssyncadd.s32 $0xFFFFD800  }
0xb6: {  	v1 =	vld [tilespmem:s15+$0x30];
	_ =	sdelay $0x4  }
0xb7: {  	[tilespmem:$0x4F00] =	vst v1  }
0xb8: {  	v1 =	vld [tilespmem:s16+$0x30];
	_ =	sdelay $0x4  }
0xb9: {  	[tilespmem:$0x4F80] =	vst v1  }
0xba: {  	v1 =	vld [tilespmem:s15+$0x40];
	_ =	sdelay $0x4  }
0xbb: {  	[tilespmem:$0x4F10] =	vst v1  }
0xbc: {  	v1 =	vld [tilespmem:s16+$0x40];
	_ =	sdelay $0x4  }
0xbd: {  	[tilespmem:$0x4F90] =	vst v1  }
0xbe: {  	v1 =	vld [tilespmem:s15+$0x50];
	_ =	sdelay $0x4  }
0xbf: {  	[tilespmem:$0x4F20] =	vst v1  }
0xc0: {  	v1 =	vld [tilespmem:s16+$0x50];
	_ =	sdelay $0x4  }
0xc1: {  	[tilespmem:$0x4FA0] =	vst v1  }
0xc2: {  	v1 =	vld [tilespmem:s15+$0x60];
	_ =	sdelay $0x4  }
0xc3: {  	[tilespmem:$0x4F30] =	vst v1  }
0xc4: {  	v1 =	vld [tilespmem:s16+$0x60];
	_ =	sdelay $0x4  }
0xc5: {  	[tilespmem:$0x4FB0] =	vst v1  }
0xc6: {  	v1 =	vld [tilespmem:s15+$0x70];
	_ =	sdelay $0x4  }
0xc7: {  	[tilespmem:$0x4F40] =	vst v1  }
0xc8: {  	v1 =	vld [tilespmem:s16+$0x70];
	_ =	sdelay $0x4  }
0xc9: {  	[tilespmem:$0x4FC0] =	vst v1  }
0xca: {  	[tilespmem:s24], [sflag:$0x1] =	stream.indirect.gather [hbm4b:s4+s28], $0x80, s29, s28, $0xb8;
	[tilespmem:$0x1E100] =	vst v63  }
0xcb: {  	_ =	swait.ge [sflag:s26], $0x2800  }
.Ltmp1:
0xcc: {  	[sflag:s26] =	ssyncset.done $0x0;
	(pc) =	sbr.rel @p0 .LBB2_4-.Ltmp1, $4  }
0xcd: {  	[sflag:s26] =	ssyncadd.s32 $0xFFFFD800  }
0xce: {  	[spmem:s2] =	stream.indirect.scatter.add.f32 [tilespmem:s31], [sflag:$0x3], $0x80, s13, s28, $0xb8;
	[tilespmem:$0x1E100] =	vst v63  }
0xcf: {  	_ =	swait.ge [sflag:s25], $0x2800  }
0xd0: {  	[sflag:s25] =	ssyncset.done $0x0  }
0xd1: {  	[sflag:s25] =	ssyncadd.s32 $0xFFFFD800  }
0xd2: {  	_ =	swait.ge [sflag:s0], $0x2800  }
0xd3: {  	[sflag:s0] =	ssyncset.done $0x0  }
0xd4: {  	[sflag:s0] =	ssyncadd.s32 $0xFFFFD800  }
0xd5: {  	[spmem:s2] =	stream.indirect.scatter.add.f32 [tilespmem:s24], [sflag:$0x3], $0x80, s1, s28, $0xb8;
	[tilespmem:$0x1E100] =	vst v63  }
0xd6: {  	_ =	swait.ge [sflag:s25], $0x2800  }
0xd7: {  	[sflag:s25] =	ssyncset.done $0x0  }
0xd8: {  	[sflag:s25] =	ssyncadd.s32 $0xFFFFD800  }
0xd9: {  	[bflag:$0x0] =	sbarrier.arrive $0xFFFF  }
0xda: {  	[tilespmem:s24], [sflag:$0x3] =	stream.linear.gather [spmem:s5], $0x2800, $0x38;
	[tilespmem:$0x1E100] =	vst v63  }
0xdb: {  	_ =	swait.ge [sflag:s25], $0x2800  }
0xdc: {  	[sflag:s25] =	ssyncset.done $0x0  }
0xdd: {  	s15 =	rddreg [dreg:$0x5];
	[sflag:s25] =	ssyncadd.s32 $0xFFFFD800  }
0xde: {  	[hbm4b:s15+s3] =	stream.linear.scatter [tilespmem:s24], [sflag:$0x3], $0x2800, $0x38;
	[tilespmem:$0x1E100] =	vst v63  }
0xdf: {  	_ =	swait.ge [sflag:s25], $0x2800  }
0xe0: {  	[sflag:s25] =	ssyncset.done $0x0  }
0xe1: {  	[sflag:s25] =	ssyncadd.s32 $0xFFFFD800  }
0xe2: {  	[tilespmem:s24], [sflag:$0x3] =	stream.linear.gather [spmem:s6], $0x2800, $0x38;
	[tilespmem:$0x1E100] =	vst v63  }
0xe3: {  	_ =	swait.ge [sflag:s25], $0x2800  }
0xe4: {  	[sflag:s25] =	ssyncset.done $0x0  }
0xe5: {  	s16 =	rddreg [dreg:$0x6];
	[sflag:s25] =	ssyncadd.s32 $0xFFFFD800  }
0xe6: {  	[hbm4b:s16+s3] =	stream.linear.scatter [tilespmem:s24], [sflag:$0x3], $0x2800, $0x38;
	[tilespmem:$0x1E100] =	vst v63  }
0xe7: {  	_ =	swait.ge [sflag:s25], $0x2800  }
0xe8: {  	[sflag:s25] =	ssyncset.done $0x0  }
0xe9: {  	[sflag:s25] =	ssyncadd.s32 $0xFFFFD800  }
0xea: {  	[tilespmem:s24], [sflag:$0x3] =	stream.linear.gather [spmem:s7], $0x2800, $0x38;
	[tilespmem:$0x1E100] =	vst v63  }
0xeb: {  	_ =	swait.ge [sflag:s25], $0x2800  }
0xec: {  	[sflag:s25] =	ssyncset.done $0x0  }
0xed: {  	s17 =	rddreg [dreg:$0x7];
	[sflag:s25] =	ssyncadd.s32 $0xFFFFD800  }
0xee: {  	[hbm4b:s17+s3] =	stream.linear.scatter [tilespmem:s24], [sflag:$0x3], $0x2800, $0x38;
	[tilespmem:$0x1E100] =	vst v63  }
0xef: {  	_ =	swait.ge [sflag:s25], $0x2800  }
0xf0: {  	[sflag:s25] =	ssyncset.done $0x0  }
0xf1: {  	[sflag:s25] =	ssyncadd.s32 $0xFFFFD800  }
0xf2: {  	[tilespmem:s24], [sflag:$0x3] =	stream.linear.gather [spmem:s8], $0x2800, $0x38;
	[tilespmem:$0x1E100] =	vst v63  }
0xf3: {  	_ =	swait.ge [sflag:s25], $0x2800  }
0xf4: {  	[sflag:s25] =	ssyncset.done $0x0  }
0xf5: {  	s18 =	rddreg [dreg:$0x8];
	[sflag:s25] =	ssyncadd.s32 $0xFFFFD800  }
0xf6: {  	[hbm4b:s18+s3] =	stream.linear.scatter [tilespmem:s24], [sflag:$0x3], $0x2800, $0x38;
	[tilespmem:$0x1E100] =	vst v63  }
0xf7: {  	_ =	swait.ge [sflag:s25], $0x2800  }
0xf8: {  	[sflag:s25] =	ssyncset.done $0x0  }
0xf9: {  	[sflag:s25] =	ssyncadd.s32 $0xFFFFD800  }
0xfa: {  	[tilespmem:s24], [sflag:$0x3] =	stream.linear.gather [spmem:s9], $0x2800, $0x38;
	[tilespmem:$0x1E100] =	vst v63  }
0xfb: {  	_ =	swait.ge [sflag:s25], $0x2800  }
0xfc: {  	[sflag:s25] =	ssyncset.done $0x0  }
0xfd: {  	[sflag:s25] =	ssyncadd.s32 $0xFFFFD800  }
0xfe: {  	[hbm4b:s19+s3] =	stream.linear.scatter [tilespmem:s24], [sflag:$0x3], $0x2800, $0x38;
	[tilespmem:$0x1E100] =	vst v63  }
0xff: {  	_ =	swait.ge [sflag:s25], $0x2800  }
0x100: {  	[sflag:s25] =	ssyncset.done $0x0  }
0x101: {  	[sflag:s25] =	ssyncadd.s32 $0xFFFFD800  }
0x102: {  	[tilespmem:s24], [sflag:$0x3] =	stream.linear.gather [spmem:s10], $0x2800, $0x38;
	[tilespmem:$0x1E100] =	vst v63  }
0x103: {  	_ =	swait.ge [sflag:s25], $0x2800  }
0x104: {  	[sflag:s25] =	ssyncset.done $0x0  }
0x105: {  	[sflag:s25] =	ssyncadd.s32 $0xFFFFD800  }
0x106: {  	[hbm4b:s20+s3] =	stream.linear.scatter [tilespmem:s24], [sflag:$0x3], $0x2800, $0x38;
	[tilespmem:$0x1E100] =	vst v63  }
0x107: {  	_ =	swait.ge [sflag:s25], $0x2800  }
0x108: {  	[sflag:s25] =	ssyncset.done $0x0  }
0x109: {  	[sflag:s25] =	ssyncadd.s32 $0xFFFFD800  }
0x10a: {  	[tilespmem:s24], [sflag:$0x3] =	stream.linear.gather [spmem:s11], $0x2800, $0x38;
	[tilespmem:$0x1E100] =	vst v63  }
0x10b: {  	_ =	swait.ge [sflag:s25], $0x2800  }
0x10c: {  	[sflag:s25] =	ssyncset.done $0x0  }
0x10d: {  	[sflag:s25] =	ssyncadd.s32 $0xFFFFD800  }
0x10e: {  	[hbm4b:s21+s3] =	stream.linear.scatter [tilespmem:s24], [sflag:$0x3], $0x2800, $0x38;
	[tilespmem:$0x1E100] =	vst v63  }
0x10f: {  	_ =	swait.ge [sflag:s25], $0x2800  }
0x110: {  	[sflag:s25] =	ssyncset.done $0x0  }
0x111: {  	[sflag:s25] =	ssyncadd.s32 $0xFFFFD800  }
0x112: {  	[tilespmem:s24], [sflag:$0x3] =	stream.linear.gather [spmem:s12], $0x2800, $0x38;
	[tilespmem:$0x1E100] =	vst v63  }
0x113: {  	s14 =	sadd.s32 $0x1, s14;
	_ =	swait.ge [sflag:s25], $0x2800  }
0x114: {  	p0 =	sne.s32 s14, s23;
	[sflag:s25] =	ssyncset.done $0x0  }
.Ltmp2:
0x115: {  	[sflag:s25] =	ssyncadd.s32 $0xFFFFD800;
	(pc) =	sbr.rel @p0 .LBB2_1-.Ltmp2, $4  }
0x116: {  	[hbm4b:s22+s3] =	stream.linear.scatter [tilespmem:s24], [sflag:$0x3], $0x2800, $0x38;
	[tilespmem:$0x1E100] =	vst v63  }
0x117: {  	_ =	swait.ge [sflag:s25], $0x2800  }
0x118: {  	[sflag:s25] =	ssyncset.done $0x0  }
0x119: {  	[sflag:s25] =	ssyncadd.s32 $0xFFFFD800  }
0x11a: {  	_ =	sfence.sel $0x180000  }
0x11b: {  	[bflag:$0x0] =	sbarrier.arrive $0xFFFF  }
0x11c: {  	_ =	strace $0x90000050  }
0x11d: {  	s0 =	stileid.u32;
	[bflag:$0x2] =	sbarrier.arrive $0xFFFF  }
0x11e: {  	p0 =	sne.s32 s0, $0x0;
	s0 =	rddreg [dreg:$0x2]  }
0x11f: {  	s0 =	sadd.s32 @!p0 $0x100000, s0  }
0x120: {  	[sflag:s0] =	ssyncadd.tile.s32 @!p0 $0x1;
	_ =	shalt  }
.Lfunc_end2:
_tile_overlayer_lowered:
.L_overlay_start_2:
0x121: {  	(tag) =	ssettag $0x2  }
0x122: {  	s0 =	rddreg [dreg:$0x0];
	s2 =	stileid.u32  }
0x123: {  	s1 =	rddreg [dreg:$0x1];
	p0 =	sne.s32 s2, $0x0  }
0x124: {  	s3 =	rddreg [dreg:$0x2];
	[bflag:$0x3] =	sbarrier.arrive $0xFFFF;
	s2 =	simm.s32 @!p0 $0x1C03  }
0x125: {  	[timem:s3], [sflag:s2] =	dma.local @!p0 [hbm:s0], s1  }
0x126: {  	s0 =	simm.s32 @!p0 $0x3  }
0x127: {  	_ =	swait.ge @!p0 [sflag:s0], s1  }
0x128: {  	s1 =	ssub.s32 @!p0 $0x0, s1;
	[sflag:s0] =	ssyncset.done @!p0 $0x0  }
0x129: {  	[sflag:s0] =	ssyncadd.s32 @!p0 s1  }
0x12a: {  	[bflag:$0x3] =	sbarrier.arrive $0xFFFF  }
0x12b: {  	_ =	shalt  }

</sc_bundles>
